<compile_context>
chip_gen: v7x
topology: tpu7x:2x2x1
jax: 0.10.2.dev20260603
libtpu: 0.0.44.dev20260713+nightly
codegen_flags: <defaults>
</compile_context>

<pallas_src>
import functools

import jax
import jax.numpy as jnp
from jax import lax
import jax.experimental.pallas as pl
from jax.experimental.pallas import tpu as pltpu
from jax.experimental.pallas import tpu_sc as plsc

DEG = 30.0
B, H, W, C = 4, 384, 384, 96
N = B * H * W

NC, NS, L = 2, 16, 16
NW = NC * NS
ROWS_PER_W = N // NW
CP = 128
G = 128
NG = 1
CHUNK = G * NG
NCHUNK = ROWS_PER_W // CHUNK


def _index_kernel(cos_ref, sin_ref, idx_ref, mask_ref):
    b = pl.program_id(0)
    off_y = (H - 1) / 2.0
    off_x = (W - 1) / 2.0

    def bf(v):
        return v.astype(jnp.bfloat16).astype(jnp.float32)

    c = bf(jnp.full((H, W), cos_ref[b], jnp.float32))
    s = bf(jnp.full((H, W), sin_ref[b], jnp.float32))
    i = bf(lax.broadcasted_iota(jnp.int32, (H, W), 0).astype(jnp.float32) - off_y)
    j = bf(lax.broadcasted_iota(jnp.int32, (H, W), 1).astype(jnp.float32) - off_x)
    y = jnp.round(c * i - s * j + off_y)
    x = jnp.round(s * i + c * j + off_x)
    oor = (y < 0) | (y >= H) | (x < 0) | (x >= W)
    yc = jnp.clip(y, 0.0, float(H - 1)).astype(jnp.int32)
    xc = jnp.clip(x, 0.0, float(W - 1)).astype(jnp.int32)
    idx = b * (H * W) + yc * W + xc
    idx_ref[0] = idx
    mask_ref[0] = jnp.where(oor, 0.0, 1.0).astype(jnp.float32)


def _compute_indices(cos_v, sin_v):
    return pl.pallas_call(
        _index_kernel,
        grid=(B,),
        in_specs=[
            pl.BlockSpec(memory_space=pltpu.SMEM),
            pl.BlockSpec(memory_space=pltpu.SMEM),
        ],
        out_specs=[
            pl.BlockSpec((1, H, W), lambda b: (b, 0, 0)),
            pl.BlockSpec((1, H, W), lambda b: (b, 0, 0)),
        ],
        out_shape=[
            jax.ShapeDtypeStruct((B, H, W), jnp.int32),
            jax.ShapeDtypeStruct((B, H, W), jnp.float32),
        ],
    )(cos_v, sin_v)


def _sc_gather(table, idx, mask):
    mesh = plsc.VectorSubcoreMesh(
        core_axis_name="c", subcore_axis_name="s", num_cores=NC, num_subcores=NS
    )

    @functools.partial(
        pl.kernel,
        mesh=mesh,
        out_type=jax.ShapeDtypeStruct((N, C), jnp.float32),
        compiler_params=pltpu.CompilerParams(use_tc_tiling_on_sc=True),
        scratch_types=[
            pltpu.VMEM((CHUNK,), jnp.int32),
            pltpu.VMEM((CHUNK,), jnp.int32),
            pltpu.VMEM((CHUNK,), jnp.float32),
            pltpu.VMEM((CHUNK,), jnp.float32),
            pltpu.VMEM((2 * CHUNK, CP), jnp.float32),
            pltpu.VMEM((2 * CHUNK, C), jnp.float32),
            pltpu.SemaphoreType.DMA,
            pltpu.SemaphoreType.DMA,
            pltpu.SemaphoreType.DMA,
            pltpu.SemaphoreType.DMA,
        ],
    )
    def k(table_hbm, idx_hbm, mask_hbm, out_hbm, idx_v0, idx_v1, mask_v0,
          mask_v1, rows_v, out_v, sem_i0, sem_i1, sem_g, sem_o):
        wid = lax.axis_index("s") * NC + lax.axis_index("c")
        base = wid * ROWS_PER_W
        sem_i = (sem_i0, sem_i1)
        idx_v = (idx_v0, idx_v1)
        mask_v = (mask_v0, mask_v1)

        def start_in(kk, buf):
            off = base + kk * CHUNK
            pltpu.async_copy(idx_hbm.at[pl.ds(off, CHUNK)], idx_v[buf], sem_i[buf])
            pltpu.async_copy(mask_hbm.at[pl.ds(off, CHUNK)], mask_v[buf], sem_i[buf])

        def wait_in(kk, buf):
            off = base + kk * CHUNK
            pltpu.make_async_copy(idx_hbm.at[pl.ds(off, CHUNK)], idx_v[buf], sem_i[buf]).wait()
            pltpu.make_async_copy(mask_hbm.at[pl.ds(off, CHUNK)], mask_v[buf], sem_i[buf]).wait()

        def start_gather(kk, buf):
            for g in range(NG):
                pltpu.async_copy(
                    table_hbm.at[idx_v[buf].at[pl.ds(g * G, G)]],
                    rows_v.at[pl.ds(buf * CHUNK + g * G, G)],
                    sem_g,
                )

        def wait_gather(kk, buf):
            for g in range(NG):
                pltpu.make_async_copy(
                    table_hbm.at[idx_v[buf].at[pl.ds(g * G, G)]],
                    rows_v.at[pl.ds(buf * CHUNK + g * G, G)],
                    sem_g,
                ).wait()

        def mask_mul(buf):
            def group_body(gr, c2):
                m16 = mask_v[buf][pl.ds(gr * L, L)]
                for l in range(L):
                    r = buf * CHUNK + gr * L + l
                    mv = jnp.broadcast_to(m16[l], (L,))
                    for cc in range(C // L):
                        sl = pl.ds(cc * L, L)
                        out_v[r, sl] = rows_v[r, sl] * mv
                return c2

            lax.fori_loop(0, CHUNK // L, group_body, 0)

        def start_out(kk, buf):
            off = base + kk * CHUNK
            pltpu.async_copy(
                out_v.at[pl.ds(buf * CHUNK, CHUNK)],
                out_hbm.at[pl.ds(off, CHUNK)],
                sem_o,
            )

        def wait_out(kk, buf):
            off = base + kk * CHUNK
            pltpu.make_async_copy(
                out_v.at[pl.ds(buf * CHUNK, CHUNK)],
                out_hbm.at[pl.ds(off, CHUNK)],
                sem_o,
            ).wait()

        start_in(0, 0)
        wait_in(0, 0)
        start_gather(0, 0)
        start_in(1, 1)
        NSTEP = NCHUNK // 2

        def step_body(t, carry):
            k0 = 2 * t
            k1 = k0 + 1
            wait_gather(k0, 0)
            mask_mul(0)
            start_out(k0, 0)
            wait_in(k1, 1)

            @pl.when(t >= 1)
            def _():
                wait_out(k0 - 1, 1)

            start_gather(k1, 1)

            @pl.when(t < NSTEP - 1)
            def _():
                start_in(k0 + 2, 0)

            wait_gather(k1, 1)
            mask_mul(1)
            start_out(k1, 1)

            @pl.when(t < NSTEP - 1)
            def _():
                wait_in(k0 + 2, 0)
                wait_out(k0, 0)
                start_gather(k0 + 2, 0)
                start_in(k0 + 3, 1)

            return carry

        lax.fori_loop(0, NSTEP, step_body, 0)
        wait_out(NCHUNK - 2, 0)
        wait_out(NCHUNK - 1, 1)

    return k(table, idx, mask)


def kernel(data, angle_u):
    angle = jnp.deg2rad(angle_u * (2 * DEG) - DEG)
    cos_v = jnp.cos(angle)
    sin_v = jnp.sin(angle)
    idx, mask = _compute_indices(cos_v, sin_v)
    table = jnp.pad(data.reshape(N, C), ((0, 0), (0, CP - C)))
    out = _sc_gather(table, idx.reshape(N), mask.reshape(N))
    return out.reshape(B, H, W, C)

# --- scband reference (transcript-rebuilt; emitter-appended) ---
"""Pipeline reference for scband-random-rotation-63127429316811 (READ-ONLY COPY).

The authoritative reference and input builder live on the scoring server;
editing this copy changes nothing except your own understanding.
"""

import jax, jax.numpy as jnp
import numpy as np
from functools import partial

DEGREES = 30.0
FILL = 0.0


def _rotate_indices(h, w, angle):
    positions = jnp.indices((h, w)).astype(jnp.float32)
    offset = jnp.array([h - 1, w - 1]) / 2
    rot_mat = jnp.array([[jnp.cos(angle), -jnp.sin(angle)], [jnp.sin(angle), jnp.cos(angle)]])
    new_positions = jnp.einsum('ij,jhw->ihw', rot_mat, positions - offset[:, None, None]) + offset[:, None, None]
    return new_positions.round().astype(jnp.int32)

rotate_indices = jax.vmap(_rotate_indices, in_axes=(None, None, 0))


def _get_pixels(b, xy, img):
    return jax.lax.dynamic_slice(img, (b, xy[0], xy[1], 0), (1, 1, 1, img.shape[-1])).squeeze()

get_pixels = jax.vmap(_get_pixels, in_axes=(0, 0, None))


def out_range(xy, h, w):
    return jnp.logical_or(
        jnp.logical_or(xy[..., 0] < 0, xy[..., 0] >= h),
        jnp.logical_or(xy[..., 1] < 0, xy[..., 1] >= w),
    )


def setup_inputs(seed: int = 0) -> dict:
    key = jax.random.key(seed)
    k1, k2 = jax.random.split(key)
    data = jax.random.normal(k1, (4, 384, 384, 96), dtype=jnp.float32)
    angle_u = jax.random.uniform(k2, (4,), dtype=jnp.float32)
    return {"data": data, "angle_u": angle_u}


def reference(data, angle_u):
    B, H, W, C = data.shape
    angle = angle_u * (2 * DEGREES) - DEGREES
    angle = jnp.deg2rad(angle)
    new_positions = rotate_indices(H, W, angle)
    new_positions = new_positions.transpose(0, 2, 3, 1).reshape(-1, 2)
    b_vec = jnp.arange(B).reshape(-1, 1, 1).repeat(H, axis=1).repeat(W, axis=2).reshape(-1)
    pixels = get_pixels(b_vec, new_positions, data)
    oor = out_range(new_positions, H, W).reshape(-1, 1)
    return jnp.where(oor, FILL, pixels).reshape(B, H, W, C)

if __name__ == "__main__":
    import jax
    _d = setup_inputs()
    print(jax.jit(kernel)(*tuple(_d.values())))

</pallas_src>

<mosaic_0001>
#map = affine_map<(d0, d1) -> (0, 0)>
#map1 = affine_map<(d0, d1) -> (0)>
module attributes {stable_mosaic.version = 14 : i64} {
  func.func @k(%arg0: i32, %arg1: i32, %arg2: memref<589824x128xf32, #tpu.memory_space<hbm>>, %arg3: memref<589824xi32, #tpu.memory_space<hbm>>, %arg4: memref<589824xf32, #tpu.memory_space<hbm>>, %arg5: memref<589824x96xf32, #tpu.memory_space<hbm>>, %arg6: memref<128xi32, #tpu.memory_space<vmem>>, %arg7: memref<128xi32, #tpu.memory_space<vmem>>, %arg8: memref<128xf32, #tpu.memory_space<vmem>>, %arg9: memref<128xf32, #tpu.memory_space<vmem>>, %arg10: memref<256x128xf32, #tpu.memory_space<vmem>>, %arg11: memref<256x96xf32, #tpu.memory_space<vmem>>, %arg12: memref<!tpu.dma_semaphore, #tpu.memory_space<semaphore_mem>>, %arg13: memref<!tpu.dma_semaphore, #tpu.memory_space<semaphore_mem>>, %arg14: memref<!tpu.dma_semaphore, #tpu.memory_space<semaphore_mem>>, %arg15: memref<!tpu.dma_semaphore, #tpu.memory_space<semaphore_mem>>) attributes {dimension_semantics = [#tpu.dimension_semantics<core_parallel>, #tpu.dimension_semantics<subcore_parallel>], iteration_bounds = array<i64: 2, 16>, scalar_prefetch = 0 : i64, scratch_operands = 10 : i64, tpu.core_type = #tpu.core_type<sc_vector_subcore>, window_params = [{transform_indices = #map}, {transform_indices = #map1}, {transform_indices = #map1}, {transform_indices = #map}]} {
    %mul3A = arith.constant 2 : i32
    %mul3A_0 = arith.muli %arg1, %mul3A : i32
    %add3A = arith.addi %mul3A_0, %arg0 : i32
    %mul3A_1 = arith.constant 18432 : i32
    %mul3A_2 = arith.muli %add3A, %mul3A_1 : i32
    %add3A_3 = arith.constant 0 : i32
    %add3A_4 = arith.addi %mul3A_2, %add3A_3 : i32
    %dma_start3A = tpu.memref_slice %arg3[%add3A_4] : memref<589824xi32, #tpu.memory_space<hbm>> -> memref<128xi32, #tpu.memory_space<hbm>>
    %dma_start3A_5 = tpu.memref_slice %arg3[%add3A_4] : memref<589824xi32, #tpu.memory_space<hbm>> -> memref<128xi32, #tpu.memory_space<hbm>>
    tpu.enqueue_dma source(%dma_start3A_5 : memref<128xi32, #tpu.memory_space<hbm>>) target(%arg6 : memref<128xi32, #tpu.memory_space<vmem>>) target_semaphore(%arg12 : memref<!tpu.dma_semaphore, #tpu.memory_space<semaphore_mem>>)
    %dma_start3A_6 = tpu.memref_slice %arg4[%add3A_4] : memref<589824xf32, #tpu.memory_space<hbm>> -> memref<128xf32, #tpu.memory_space<hbm>>
    %dma_start3A_7 = tpu.memref_slice %arg4[%add3A_4] : memref<589824xf32, #tpu.memory_space<hbm>> -> memref<128xf32, #tpu.memory_space<hbm>>
    tpu.enqueue_dma source(%dma_start3A_7 : memref<128xf32, #tpu.memory_space<hbm>>) target(%arg8 : memref<128xf32, #tpu.memory_space<vmem>>) target_semaphore(%arg12 : memref<!tpu.dma_semaphore, #tpu.memory_space<semaphore_mem>>)
    %add3A_8 = arith.constant 0 : i32
    %add3A_9 = arith.addi %mul3A_2, %add3A_8 : i32
    %dma_wait3A = tpu.memref_slice %arg3[%add3A_9] : memref<589824xi32, #tpu.memory_space<hbm>> -> memref<128xi32, #tpu.memory_space<hbm>>
    %dma_wait3A_10 = tpu.memref_slice %arg3[%add3A_9] : memref<589824xi32, #tpu.memory_space<hbm>> -> memref<128xi32, #tpu.memory_space<hbm>>
    tpu.wait_dma2 semaphore(%arg12 : memref<!tpu.dma_semaphore, #tpu.memory_space<semaphore_mem>>) src(%dma_wait3A_10 : memref<128xi32, #tpu.memory_space<hbm>>) dst(%arg6 : memref<128xi32, #tpu.memory_space<vmem>>)
    %dma_wait3A_11 = tpu.memref_slice %arg4[%add3A_9] : memref<589824xf32, #tpu.memory_space<hbm>> -> memref<128xf32, #tpu.memory_space<hbm>>
    %dma_wait3A_12 = tpu.memref_slice %arg4[%add3A_9] : memref<589824xf32, #tpu.memory_space<hbm>> -> memref<128xf32, #tpu.memory_space<hbm>>
    tpu.wait_dma2 semaphore(%arg12 : memref<!tpu.dma_semaphore, #tpu.memory_space<semaphore_mem>>) src(%dma_wait3A_12 : memref<128xf32, #tpu.memory_space<hbm>>) dst(%arg8 : memref<128xf32, #tpu.memory_space<vmem>>)
    %dma_start3A_13 = arith.constant 0 : i32
    %dma_start3A_14 = arith.constant 0 : i32
    %dma_start3A_15 = tpu.memref_slice %arg10[%dma_start3A_13, %dma_start3A_14] : memref<256x128xf32, #tpu.memory_space<vmem>> -> memref<128x128xf32, #tpu.memory_space<vmem>>
    %dma_start3A_16 = arith.constant 0 : i32
    %dma_start3A_17 = tpu.memref_slice %arg6[%dma_start3A_16] : memref<128xi32, #tpu.memory_space<vmem>> -> memref<128xi32, #tpu.memory_space<vmem>>
    %dma_start3A_18 = arith.constant 0 : i32
    %dma_start3A_19 = arith.constant 0 : i32
    %dma_start3A_20 = tpu.memref_slice %arg2[%dma_start3A_18, %dma_start3A_19] : memref<589824x128xf32, #tpu.memory_space<hbm>> -> memref<589824x128xf32, #tpu.memory_space<hbm>>
    tpu.enqueue_indirect_dma source(%dma_start3A_20 : memref<589824x128xf32, #tpu.memory_space<hbm>>) target(%dma_start3A_15 : memref<128x128xf32, #tpu.memory_space<vmem>>) offsets(%dma_start3A_17 : memref<128xi32, #tpu.memory_space<vmem>>) semaphore(%arg14 : memref<!tpu.dma_semaphore, #tpu.memory_space<semaphore_mem>>)
    %add3A_21 = arith.constant 128 : i32
    %add3A_22 = arith.addi %mul3A_2, %add3A_21 : i32
    %dma_start3A_23 = tpu.memref_slice %arg3[%add3A_22] : memref<589824xi32, #tpu.memory_space<hbm>> -> memref<128xi32, #tpu.memory_space<hbm>>
    %dma_start3A_24 = tpu.memref_slice %arg3[%add3A_22] : memref<589824xi32, #tpu.memory_space<hbm>> -> memref<128xi32, #tpu.memory_space<hbm>>
    tpu.enqueue_dma source(%dma_start3A_24 : memref<128xi32, #tpu.memory_space<hbm>>) target(%arg7 : memref<128xi32, #tpu.memory_space<vmem>>) target_semaphore(%arg13 : memref<!tpu.dma_semaphore, #tpu.memory_space<semaphore_mem>>)
    %dma_start3A_25 = tpu.memref_slice %arg4[%add3A_22] : memref<589824xf32, #tpu.memory_space<hbm>> -> memref<128xf32, #tpu.memory_space<hbm>>
    %dma_start3A_26 = tpu.memref_slice %arg4[%add3A_22] : memref<589824xf32, #tpu.memory_space<hbm>> -> memref<128xf32, #tpu.memory_space<hbm>>
    tpu.enqueue_dma source(%dma_start3A_26 : memref<128xf32, #tpu.memory_space<hbm>>) target(%arg9 : memref<128xf32, #tpu.memory_space<vmem>>) target_semaphore(%arg13 : memref<!tpu.dma_semaphore, #tpu.memory_space<semaphore_mem>>)
    %scan3A = arith.constant 0 : i32
    %scan3A_27 = arith.constant 0 : i32
    %scan3A_28 = arith.constant 72 : i32
    %scan3A_29 = arith.addi %scan3A_27, %scan3A_28 : i32
    %scan3A_30 = arith.constant 1 : i32
    scf.for %scan3A_56 = %scan3A_27 to %scan3A_29 step %scan3A_30  : i32 {
      %mul3A_57 = arith.constant 2 : i32
      %mul3A_58 = arith.muli %mul3A_57, %scan3A_56 : i32
      %add3A_59 = arith.constant 1 : i32
      %add3A_60 = arith.addi %mul3A_58, %add3A_59 : i32
      %dma_wait3A_61 = arith.constant 0 : i32
      %dma_wait3A_62 = arith.constant 0 : i32
      %dma_wait3A_63 = tpu.memref_slice %arg10[%dma_wait3A_61, %dma_wait3A_62] : memref<256x128xf32, #tpu.memory_space<vmem>> -> memref<128x128xf32, #tpu.memory_space<vmem>>
      %dma_wait3A_64 = arith.constant 0 : i32
      %dma_wait3A_65 = tpu.memref_slice %arg6[%dma_wait3A_64] : memref<128xi32, #tpu.memory_space<vmem>> -> memref<128xi32, #tpu.memory_space<vmem>>
      %dma_wait3A_66 = arith.constant 0 : i32
      %dma_wait3A_67 = arith.constant 0 : i32
      %dma_wait3A_68 = tpu.memref_slice %arg2[%dma_wait3A_66, %dma_wait3A_67] : memref<589824x128xf32, #tpu.memory_space<hbm>> -> memref<589824x128xf32, #tpu.memory_space<hbm>>
      tpu.wait_indirect_dma semaphore(%arg14 : memref<!tpu.dma_semaphore, #tpu.memory_space<semaphore_mem>>) src(%dma_wait3A_68 : memref<589824x128xf32, #tpu.memory_space<hbm>>) dst(%dma_wait3A_63 : memref<128x128xf32, #tpu.memory_space<vmem>>)
      %scan3A_69 = arith.constant 0 : i32
      %scan3A_70 = arith.constant 0 : i32
      %scan3A_71 = arith.constant 8 : i32
      %scan3A_72 = arith.addi %scan3A_70, %scan3A_71 : i32
      %scan3A_73 = arith.constant 1 : i32
      scf.for %scan3A_141 = %scan3A_70 to %scan3A_72 step %scan3A_73  : i32 {
        %mul3A_142 = arith.constant 16 : i32
        %mul3A_143 = arith.muli %scan3A_141, %mul3A_142 : i32
        %get3A = arith.index_cast %mul3A_143 : i32 to index
        %get3A_144 = tpu.vector_load %arg8[%get3A] {strides = array<i32>} : memref<128xf32, #tpu.memory_space<vmem>>, vector<16xf32>,
        %get3A_145 = vector.shape_cast %get3A_144 : vector<16xf32> to vector<16xf32>
        %mul3A_146 = arith.constant 16 : i32
        %mul3A_147 = arith.muli %scan3A_141, %mul3A_146 : i32
        %add3A_148 = arith.constant 0 : i32
        %add3A_149 = arith.addi %add3A_148, %mul3A_147 : i32
        %add3A_150 = arith.constant 0 : i32
        %add3A_151 = arith.addi %add3A_149, %add3A_150 : i32
        %slice3A = vector.extract_strided_slice %get3A_145 {offsets = [0], sizes = [1], strides = [1]} : vector<16xf32> to vector<1xf32>
        %squeeze3A = vector.extract %slice3A[0] : f32 from vector<1xf32>
        %broadcast_in_dim3A = vector.broadcast %squeeze3A : f32 to vector<16xf32>
        %get3A_152 = arith.index_cast %add3A_151 : i32 to index
        %get3A_153 = arith.constant 0 : index
        %get3A_154 = tpu.vector_load %arg10[%get3A_152, %get3A_153] {strides = array<i32>} : memref<256x128xf32, #tpu.memory_space<vmem>>, vector<1x16xf32>,
        %get3A_155 = vector.shape_cast %get3A_154 : vector<1x16xf32> to vector<16xf32>
        %mul3A_156 = arith.mulf %get3A_155, %broadcast_in_dim3A : vector<16xf32>
        %swap3A = arith.index_cast %add3A_151 : i32 to index
        %swap3A_157 = arith.constant 0 : index
        %swap3A_158 = tpu.vector_load %arg11[%swap3A, %swap3A_157] {strides = array<i32>} : memref<256x96xf32, #tpu.memory_space<vmem>>, vector<1x16xf32>,
        %swap3A_159 = vector.shape_cast %swap3A_158 : vector<1x16xf32> to vector<16xf32>
        %swap3A_160 = vector.shape_cast %mul3A_156 : vector<16xf32> to vector<1x16xf32>
        tpu.vector_store %arg11[%swap3A, %swap3A_157], %swap3A_160 {strides = array<i32>} : memref<256x96xf32, #tpu.memory_space<vmem>>, vector<1x16xf32>,
        %get3A_161 = arith.index_cast %add3A_151 : i32 to index
        %get3A_162 = arith.constant 16 : index
        %get3A_163 = tpu.vector_load %arg10[%get3A_161, %get3A_162] {strides = array<i32>} : memref<256x128xf32, #tpu.memory_space<vmem>>, vector<1x16xf32>,
        %get3A_164 = vector.shape_cast %get3A_163 : vector<1x16xf32> to vector<16xf32>
        %mul3A_165 = arith.mulf %get3A_164, %broadcast_in_dim3A : vector<16xf32>
        %swap3A_166 = arith.index_cast %add3A_151 : i32 to index
        %swap3A_167 = arith.constant 16 : index
        %swap3A_168 = tpu.vector_load %arg11[%swap3A_166, %swap3A_167] {strides = array<i32>} : memref<256x96xf32, #tpu.memory_space<vmem>>, vector<1x16xf32>,
        %swap3A_169 = vector.shape_cast %swap3A_168 : vector<1x16xf32> to vector<16xf32>
        %swap3A_170 = vector.shape_cast %mul3A_165 : vector<16xf32> to vector<1x16xf32>
        tpu.vector_store %arg11[%swap3A_166, %swap3A_167], %swap3A_170 {strides = array<i32>} : memref<256x96xf32, #tpu.memory_space<vmem>>, vector<1x16xf32>,
        %get3A_171 = arith.index_cast %add3A_151 : i32 to index
        %get3A_172 = arith.constant 32 : index
        %get3A_173 = tpu.vector_load %arg10[%get3A_171, %get3A_172] {strides = array<i32>} : memref<256x128xf32, #tpu.memory_space<vmem>>, vector<1x16xf32>,
        %get3A_174 = vector.shape_cast %get3A_173 : vector<1x16xf32> to vector<16xf32>
        %mul3A_175 = arith.mulf %get3A_174, %broadcast_in_dim3A : vector<16xf32>
        %swap3A_176 = arith.index_cast %add3A_151 : i32 to index
        %swap3A_177 = arith.constant 32 : index
        %swap3A_178 = tpu.vector_load %arg11[%swap3A_176, %swap3A_177] {strides = array<i32>} : memref<256x96xf32, #tpu.memory_space<vmem>>, vector<1x16xf32>,
        %swap3A_179 = vector.shape_cast %swap3A_178 : vector<1x16xf32> to vector<16xf32>
        %swap3A_180 = vector.shape_cast %mul3A_175 : vector<16xf32> to vector<1x16xf32>
        tpu.vector_store %arg11[%swap3A_176, %swap3A_177], %swap3A_180 {strides = array<i32>} : memref<256x96xf32, #tpu.memory_space<vmem>>, vector<1x16xf32>,
        %get3A_181 = arith.index_cast %add3A_151 : i32 to index
        %get3A_182 = arith.constant 48 : index
        %get3A_183 = tpu.vector_load %arg10[%get3A_181, %get3A_182] {strides = array<i32>} : memref<256x128xf32, #tpu.memory_space<vmem>>, vector<1x16xf32>,
        %get3A_184 = vector.shape_cast %get3A_183 : vector<1x16xf32> to vector<16xf32>
        %mul3A_185 = arith.mulf %get3A_184, %broadcast_in_dim3A : vector<16xf32>
        %swap3A_186 = arith.index_cast %add3A_151 : i32 to index
        %swap3A_187 = arith.constant 48 : index
        %swap3A_188 = tpu.vector_load %arg11[%swap3A_186, %swap3A_187] {strides = array<i32>} : memref<256x96xf32, #tpu.memory_space<vmem>>, vector<1x16xf32>,
        %swap3A_189 = vector.shape_cast %swap3A_188 : vector<1x16xf32> to vector<16xf32>
        %swap3A_190 = vector.shape_cast %mul3A_185 : vector<16xf32> to vector<1x16xf32>
        tpu.vector_store %arg11[%swap3A_186, %swap3A_187], %swap3A_190 {strides = array<i32>} : memref<256x96xf32, #tpu.memory_space<vmem>>, vector<1x16xf32>,
        %get3A_191 = arith.index_cast %add3A_151 : i32 to index
        %get3A_192 = arith.constant 64 : index
        %get3A_193 = tpu.vector_load %arg10[%get3A_191, %get3A_192] {strides = array<i32>} : memref<256x128xf32, #tpu.memory_space<vmem>>, vector<1x16xf32>,
        %get3A_194 = vector.shape_cast %get3A_193 : vector<1x16xf32> to vector<16xf32>
        %mul3A_195 = arith.mulf %get3A_194, %broadcast_in_dim3A : vector<16xf32>
        %swap3A_196 = arith.index_cast %add3A_151 : i32 to index
        %swap3A_197 = arith.constant 64 : index
        %swap3A_198 = tpu.vector_load %arg11[%swap3A_196, %swap3A_197] {strides = array<i32>} : memref<256x96xf32, #tpu.memory_space<vmem>>, vector<1x16xf32>,
        %swap3A_199 = vector.shape_cast %swap3A_198 : vector<1x16xf32> to vector<16xf32>
        %swap3A_200 = vector.shape_cast %mul3A_195 : vector<16xf32> to vector<1x16xf32>
        tpu.vector_store %arg11[%swap3A_196, %swap3A_197], %swap3A_200 {strides = array<i32>} : memref<256x96xf32, #tpu.memory_space<vmem>>, vector<1x16xf32>,
        %get3A_201 = arith.index_cast %add3A_151 : i32 to index
        %get3A_202 = arith.constant 80 : index
        %get3A_203 = tpu.vector_load %arg10[%get3A_201, %get3A_202] {strides = array<i32>} : memref<256x128xf32, #tpu.memory_space<vmem>>, vector<1x16xf32>,
        %get3A_204 = vector.shape_cast %get3A_203 : vector<1x16xf32> to vector<16xf32>
        %mul3A_205 = arith.mulf %get3A_204, %broadcast_in_dim3A : vector<16xf32>
        %swap3A_206 = arith.index_cast %add3A_151 : i32 to index
        %swap3A_207 = arith.constant 80 : index
        %swap3A_208 = tpu.vector_load %arg11[%swap3A_206, %swap3A_207] {strides = array<i32>} : memref<256x96xf32, #tpu.memory_space<vmem>>, vector<1x16xf32>,
        %swap3A_209 = vector.shape_cast %swap3A_208 : vector<1x16xf32> to vector<16xf32>
        %swap3A_210 = vector.shape_cast %mul3A_205 : vector<16xf32> to vector<1x16xf32>
        tpu.vector_store %arg11[%swap3A_206, %swap3A_207], %swap3A_210 {strides = array<i32>} : memref<256x96xf32, #tpu.memory_space<vmem>>, vector<1x16xf32>,
        %mul3A_211 = arith.constant 16 : i32
        %mul3A_212 = arith.muli %scan3A_141, %mul3A_211 : i32
        %add3A_213 = arith.constant 0 : i32
        %add3A_214 = arith.addi %add3A_213, %mul3A_212 : i32
        %add3A_215 = arith.constant 1 : i32
        %add3A_216 = arith.addi %add3A_214, %add3A_215 : i32
        %slice3A_217 = vector.extract_strided_slice %get3A_145 {offsets = [1], sizes = [1], strides = [1]} : vector<16xf32> to vector<1xf32>
        %squeeze3A_218 = vector.extract %slice3A_217[0] : f32 from vector<1xf32>
        %broadcast_in_dim3A_219 = vector.broadcast %squeeze3A_218 : f32 to vector<16xf32>
        %get3A_220 = arith.index_cast %add3A_216 : i32 to index
        %get3A_221 = arith.constant 0 : index
        %get3A_222 = tpu.vector_load %arg10[%get3A_220, %get3A_221] {strides = array<i32>} : memref<256x128xf32, #tpu.memory_space<vmem>>, vector<1x16xf32>,
        %get3A_223 = vector.shape_cast %get3A_222 : vector<1x16xf32> to vector<16xf32>
        %mul3A_224 = arith.mulf %get3A_223, %broadcast_in_dim3A_219 : vector<16xf32>
        %swap3A_225 = arith.index_cast %add3A_216 : i32 to index
        %swap3A_226 = arith.constant 0 : index
        %swap3A_227 = tpu.vector_load %arg11[%swap3A_225, %swap3A_226] {strides = array<i32>} : memref<256x96xf32, #tpu.memory_space<vmem>>, vector<1x16xf32>,
        %swap3A_228 = vector.shape_cast %swap3A_227 : vector<1x16xf32> to vector<16xf32>
        %swap3A_229 = vector.shape_cast %mul3A_224 : vector<16xf32> to vector<1x16xf32>
        tpu.vector_store %arg11[%swap3A_225, %swap3A_226], %swap3A_229 {strides = array<i32>} : memref<256x96xf32, #tpu.memory_space<vmem>>, vector<1x16xf32>,
        %get3A_230 = arith.index_cast %add3A_216 : i32 to index
        %get3A_231 = arith.constant 16 : index
        %get3A_232 = tpu.vector_load %arg10[%get3A_230, %get3A_231] {strides = array<i32>} : memref<256x128xf32, #tpu.memory_space<vmem>>, vector<1x16xf32>,
        %get3A_233 = vector.shape_cast %get3A_232 : vector<1x16xf32> to vector<16xf32>
        %mul3A_234 = arith.mulf %get3A_233, %broadcast_in_dim3A_219 : vector<16xf32>
        %swap3A_235 = arith.index_cast %add3A_216 : i32 to index
        %swap3A_236 = arith.constant 16 : index
        %swap3A_237 = tpu.vector_load %arg11[%swap3A_235, %swap3A_236] {strides = array<i32>} : memref<256x96xf32, #tpu.memory_space<vmem>>, vector<1x16xf32>,
        %swap3A_238 = vector.shape_cast %swap3A_237 : vector<1x16xf32> to vector<16xf32>
        %swap3A_239 = vector.shape_cast %mul3A_234 : vector<16xf32> to vector<1x16xf32>
        tpu.vector_store %arg11[%swap3A_235, %swap3A_236], %swap3A_239 {strides = array<i32>} : memref<256x96xf32, #tpu.memory_space<vmem>>, vector<1x16xf32>,
        %get3A_240 = arith.index_cast %add3A_216 : i32 to index
        %get3A_241 = arith.constant 32 : index
        %get3A_242 = tpu.vector_load %arg10[%get3A_240, %get3A_241] {strides = array<i32>} : memref<256x128xf32, #tpu.memory_space<vmem>>, vector<1x16xf32>,
        %get3A_243 = vector.shape_cast %get3A_242 : vector<1x16xf32> to vector<16xf32>
        %mul3A_244 = arith.mulf %get3A_243, %broadcast_in_dim3A_219 : vector<16xf32>
        %swap3A_245 = arith.index_cast %add3A_216 : i32 to index
        %swap3A_246 = arith.constant 32 : index
        %swap3A_247 = tpu.vector_load %arg11[%swap3A_245, %swap3A_246] {strides = array<i32>} : memref<256x96xf32, #tpu.memory_space<vmem>>, vector<1x16xf32>,
        %swap3A_248 = vector.shape_cast %swap3A_247 : vector<1x16xf32> to vector<16xf32>
        %swap3A_249 = vector.shape_cast %mul3A_244 : vector<16xf32> to vector<1x16xf32>
        tpu.vector_store %arg11[%swap3A_245, %swap3A_246], %swap3A_249 {strides = array<i32>} : memref<256x96xf32, #tpu.memory_space<vmem>>, vector<1x16xf32>,
        %get3A_250 = arith.index_cast %add3A_216 : i32 to index
        %get3A_251 = arith.constant 48 : index
        %get3A_252 = tpu.vector_load %arg10[%get3A_250, %get3A_251] {strides = array<i32>} : memref<256x128xf32, #tpu.memory_space<vmem>>, vector<1x16xf32>,
        %get3A_253 = vector.shape_cast %get3A_252 : vector<1x16xf32> to vector<16xf32>
        %mul3A_254 = arith.mulf %get3A_253, %broadcast_in_dim3A_219 : vector<16xf32>
        %swap3A_255 = arith.index_cast %add3A_216 : i32 to index
        %swap3A_256 = arith.constant 48 : index
        %swap3A_257 = tpu.vector_load %arg11[%swap3A_255, %swap3A_256] {strides = array<i32>} : memref<256x96xf32, #tpu.memory_space<vmem>>, vector<1x16xf32>,
        %swap3A_258 = vector.shape_cast %swap3A_257 : vector<1x16xf32> to vector<16xf32>
        %swap3A_259 = vector.shape_cast %mul3A_254 : vector<16xf32> to vector<1x16xf32>
        tpu.vector_store %arg11[%swap3A_255, %swap3A_256], %swap3A_259 {strides = array<i32>} : memref<256x96xf32, #tpu.memory_space<vmem>>, vector<1x16xf32>,
        %get3A_260 = arith.index_cast %add3A_216 : i32 to index
        %get3A_261 = arith.constant 64 : index
        %get3A_262 = tpu.vector_load %arg10[%get3A_260, %get3A_261] {strides = array<i32>} : memref<256x128xf32, #tpu.memory_space<vmem>>, vector<1x16xf32>,
        %get3A_263 = vector.shape_cast %get3A_262 : vector<1x16xf32> to vector<16xf32>
        %mul3A_264 = arith.mulf %get3A_263, %broadcast_in_dim3A_219 : vector<16xf32>
        %swap3A_265 = arith.index_cast %add3A_216 : i32 to index
        %swap3A_266 = arith.constant 64 : index
        %swap3A_267 = tpu.vector_load %arg11[%swap3A_265, %swap3A_266] {strides = array<i32>} : memref<256x96xf32, #tpu.memory_space<vmem>>, vector<1x16xf32>,
        %swap3A_268 = vector.shape_cast %swap3A_267 : vector<1x16xf32> to vector<16xf32>
        %swap3A_269 = vector.shape_cast %mul3A_264 : vector<16xf32> to vector<1x16xf32>
        tpu.vector_store %arg11[%swap3A_265, %swap3A_266], %swap3A_269 {strides = array<i32>} : memref<256x96xf32, #tpu.memory_space<vmem>>, vector<1x16xf32>,
        %get3A_270 = arith.index_cast %add3A_216 : i32 to index
        %get3A_271 = arith.constant 80 : index
        %get3A_272 = tpu.vector_load %arg10[%get3A_270, %get3A_271] {strides = array<i32>} : memref<256x128xf32, #tpu.memory_space<vmem>>, vector<1x16xf32>,
        %get3A_273 = vector.shape_cast %get3A_272 : vector<1x16xf32> to vector<16xf32>
        %mul3A_274 = arith.mulf %get3A_273, %broadcast_in_dim3A_219 : vector<16xf32>
        %swap3A_275 = arith.index_cast %add3A_216 : i32 to index
        %swap3A_276 = arith.constant 80 : index
        %swap3A_277 = tpu.vector_load %arg11[%swap3A_275, %swap3A_276] {strides = array<i32>} : memref<256x96xf32, #tpu.memory_space<vmem>>, vector<1x16xf32>,
        %swap3A_278 = vector.shape_cast %swap3A_277 : vector<1x16xf32> to vector<16xf32>
        %swap3A_279 = vector.shape_cast %mul3A_274 : vector<16xf32> to vector<1x16xf32>
        tpu.vector_store %arg11[%swap3A_275, %swap3A_276], %swap3A_279 {strides = array<i32>} : memref<256x96xf32, #tpu.memory_space<vmem>>, vector<1x16xf32>,
        %mul3A_280 = arith.constant 16 : i32
        %mul3A_281 = arith.muli %scan3A_141, %mul3A_280 : i32
        %add3A_282 = arith.constant 0 : i32
        %add3A_283 = arith.addi %add3A_282, %mul3A_281 : i32
        %add3A_284 = arith.constant 2 : i32
        %add3A_285 = arith.addi %add3A_283, %add3A_284 : i32
        %slice3A_286 = vector.extract_strided_slice %get3A_145 {offsets = [2], sizes = [1], strides = [1]} : vector<16xf32> to vector<1xf32>
        %squeeze3A_287 = vector.extract %slice3A_286[0] : f32 from vector<1xf32>
        %broadcast_in_dim3A_288 = vector.broadcast %squeeze3A_287 : f32 to vector<16xf32>
        %get3A_289 = arith.index_cast %add3A_285 : i32 to index
        %get3A_290 = arith.constant 0 : index
        %get3A_291 = tpu.vector_load %arg10[%get3A_289, %get3A_290] {strides = array<i32>} : memref<256x128xf32, #tpu.memory_space<vmem>>, vector<1x16xf32>,
        %get3A_292 = vector.shape_cast %get3A_291 : vector<1x16xf32> to vector<16xf32>
        %mul3A_293 = arith.mulf %get3A_292, %broadcast_in_dim3A_288 : vector<16xf32>
        %swap3A_294 = arith.index_cast %add3A_285 : i32 to index
        %swap3A_295 = arith.constant 0 : index
        %swap3A_296 = tpu.vector_load %arg11[%swap3A_294, %swap3A_295] {strides = array<i32>} : memref<256x96xf32, #tpu.memory_space<vmem>>, vector<1x16xf32>,
        %swap3A_297 = vector.shape_cast %swap3A_296 : vector<1x16xf32> to vector<16xf32>
        %swap3A_298 = vector.shape_cast %mul3A_293 : vector<16xf32> to vector<1x16xf32>
        tpu.vector_store %arg11[%swap3A_294, %swap3A_295], %swap3A_298 {strides = array<i32>} : memref<256x96xf32, #tpu.memory_space<vmem>>, vector<1x16xf32>,
        %get3A_299 = arith.index_cast %add3A_285 : i32 to index
        %get3A_300 = arith.constant 16 : index
        %get3A_301 = tpu.vector_load %arg10[%get3A_299, %get3A_300] {strides = array<i32>} : memref<256x128xf32, #tpu.memory_space<vmem>>, vector<1x16xf32>,
        %get3A_302 = vector.shape_cast %get3A_301 : vector<1x16xf32> to vector<16xf32>
        %mul3A_303 = arith.mulf %get3A_302, %broadcast_in_dim3A_288 : vector<16xf32>
        %swap3A_304 = arith.index_cast %add3A_285 : i32 to index
        %swap3A_305 = arith.constant 16 : index
        %swap3A_306 = tpu.vector_load %arg11[%swap3A_304, %swap3A_305] {strides = array<i32>} : memref<256x96xf32, #tpu.memory_space<vmem>>, vector<1x16xf32>,
        %swap3A_307 = vector.shape_cast %swap3A_306 : vector<1x16xf32> to vector<16xf32>
        %swap3A_308 = vector.shape_cast %mul3A_303 : vector<16xf32> to vector<1x16xf32>
        tpu.vector_store %arg11[%swap3A_304, %swap3A_305], %swap3A_308 {strides = array<i32>} : memref<256x96xf32, #tpu.memory_space<vmem>>, vector<1x16xf32>,
        %get3A_309 = arith.index_cast %add3A_285 : i32 to index
        %get3A_310 = arith.constant 32 : index
        %get3A_311 = tpu.vector_load %arg10[%get3A_309, %get3A_310] {strides = array<i32>} : memref<256x128xf32, #tpu.memory_space<vmem>>, vector<1x16xf32>,
        %get3A_312 = vector.shape_cast %get3A_311 : vector<1x16xf32> to vector<16xf32>
        %mul3A_313 = arith.mulf %get3A_312, %broadcast_in_dim3A_288 : vector<16xf32>
        %swap3A_314 = arith.index_cast %add3A_285 : i32 to index
        %swap3A_315 = arith.constant 32 : index
        %swap3A_316 = tpu.vector_load %arg11[%swap3A_314, %swap3A_315] {strides = array<i32>} : memref<256x96xf32, #tpu.memory_space<vmem>>, vector<1x16xf32>,
        %swap3A_317 = vector.shape_cast %swap3A_316 : vector<1x16xf32> to vector<16xf32>
        %swap3A_318 = vector.shape_cast %mul3A_313 : vector<16xf32> to vector<1x16xf32>
        tpu.vector_store %arg11[%swap3A_314, %swap3A_315], %swap3A_318 {strides = array<i32>} : memref<256x96xf32, #tpu.memory_space<vmem>>, vector<1x16xf32>,
        %get3A_319 = arith.index_cast %add3A_285 : i32 to index
        %get3A_320 = arith.constant 48 : index
        %get3A_321 = tpu.vector_load %arg10[%get3A_319, %get3A_320] {strides = array<i32>} : memref<256x128xf32, #tpu.memory_space<vmem>>, vector<1x16xf32>,
        %get3A_322 = vector.shape_cast %get3A_321 : vector<1x16xf32> to vector<16xf32>
        %mul3A_323 = arith.mulf %get3A_322, %broadcast_in_dim3A_288 : vector<16xf32>
        %swap3A_324 = arith.index_cast %add3A_285 : i32 to index
        %swap3A_325 = arith.constant 48 : index
        %swap3A_326 = tpu.vector_load %arg11[%swap3A_324, %swap3A_325] {strides = array<i32>} : memref<256x96xf32, #tpu.memory_space<vmem>>, vector<1x16xf32>,
        %swap3A_327 = vector.shape_cast %swap3A_326 : vector<1x16xf32> to vector<16xf32>
        %swap3A_328 = vector.shape_cast %mul3A_323 : vector<16xf32> to vector<1x16xf32>
        tpu.vector_store %arg11[%swap3A_324, %swap3A_325], %swap3A_328 {strides = array<i32>} : memref<256x96xf32, #tpu.memory_space<vmem>>, vector<1x16xf32>,
        %get3A_329 = arith.index_cast %add3A_285 : i32 to index
        %get3A_330 = arith.constant 64 : index
        %get3A_331 = tpu.vector_load %arg10[%get3A_329, %get3A_330] {strides = array<i32>} : memref<256x128xf32, #tpu.memory_space<vmem>>, vector<1x16xf32>,
        %get3A_332 = vector.shape_cast %get3A_331 : vector<1x16xf32> to vector<16xf32>
        %mul3A_333 = arith.mulf %get3A_332, %broadcast_in_dim3A_288 : vector<16xf32>
        %swap3A_334 = arith.index_cast %add3A_285 : i32 to index
        %swap3A_335 = arith.constant 64 : index
        %swap3A_336 = tpu.vector_load %arg11[%swap3A_334, %swap3A_335] {strides = array<i32>} : memref<256x96xf32, #tpu.memory_space<vmem>>, vector<1x16xf32>,
        %swap3A_337 = vector.shape_cast %swap3A_336 : vector<1x16xf32> to vector<16xf32>
        %swap3A_338 = vector.shape_cast %mul3A_333 : vector<16xf32> to vector<1x16xf32>
        tpu.vector_store %arg11[%swap3A_334, %swap3A_335], %swap3A_338 {strides = array<i32>} : memref<256x96xf32, #tpu.memory_space<vmem>>, vector<1x16xf32>,
        %get3A_339 = arith.index_cast %add3A_285 : i32 to index
        %get3A_340 = arith.constant 80 : index
        %get3A_341 = tpu.vector_load %arg10[%get3A_339, %get3A_340] {strides = array<i32>} : memref<256x128xf32, #tpu.memory_space<vmem>>, vector<1x16xf32>,
        %get3A_342 = vector.shape_cast %get3A_341 : vector<1x16xf32> to vector<16xf32>
        %mul3A_343 = arith.mulf %get3A_342, %broadcast_in_dim3A_288 : vector<16xf32>
        %swap3A_344 = arith.index_cast %add3A_285 : i32 to index
        %swap3A_345 = arith.constant 80 : index
        %swap3A_346 = tpu.vector_load %arg11[%swap3A_344, %swap3A_345] {strides = array<i32>} : memref<256x96xf32, #tpu.memory_space<vmem>>, vector<1x16xf32>,
        %swap3A_347 = vector.shape_cast %swap3A_346 : vector<1x16xf32> to vector<16xf32>
        %swap3A_348 = vector.shape_cast %mul3A_343 : vector<16xf32> to vector<1x16xf32>
        tpu.vector_store %arg11[%swap3A_344, %swap3A_345], %swap3A_348 {strides = array<i32>} : memref<256x96xf32, #tpu.memory_space<vmem>>, vector<1x16xf32>,
        %mul3A_349 = arith.constant 16 : i32
        %mul3A_350 = arith.muli %scan3A_141, %mul3A_349 : i32
        %add3A_351 = arith.constant 0 : i32
        %add3A_352 = arith.addi %add3A_351, %mul3A_350 : i32
        %add3A_353 = arith.constant 3 : i32
        %add3A_354 = arith.addi %add3A_352, %add3A_353 : i32
        %slice3A_355 = vector.extract_strided_slice %get3A_145 {offsets = [3], sizes = [1], strides = [1]} : vector<16xf32> to vector<1xf32>
        %squeeze3A_356 = vector.extract %slice3A_355[0] : f32 from vector<1xf32>
        %broadcast_in_dim3A_357 = vector.broadcast %squeeze3A_356 : f32 to vector<16xf32>
        %get3A_358 = arith.index_cast %add3A_354 : i32 to index
        %get3A_359 = arith.constant 0 : index
        %get3A_360 = tpu.vector_load %arg10[%get3A_358, %get3A_359] {strides = array<i32>} : memref<256x128xf32, #tpu.memory_space<vmem>>, vector<1x16xf32>,
        %get3A_361 = vector.shape_cast %get3A_360 : vector<1x16xf32> to vector<16xf32>
        %mul3A_362 = arith.mulf %get3A_361, %broadcast_in_dim3A_357 : vector<16xf32>
        %swap3A_363 = arith.index_cast %add3A_354 : i32 to index
        %swap3A_364 = arith.constant 0 : index
        %swap3A_365 = tpu.vector_load %arg11[%swap3A_363, %swap3A_364] {strides = array<i32>} : memref<256x96xf32, #tpu.memory_space<vmem>>, vector<1x16xf32>,
        %swap3A_366 = vector.shape_cast %swap3A_365 : vector<1x16xf32> to vector<16xf32>
        %swap3A_367 = vector.shape_cast %mul3A_362 : vector<16xf32> to vector<1x16xf32>
        tpu.vector_store %arg11[%swap3A_363, %swap3A_364], %swap3A_367 {strides = array<i32>} : memref<256x96xf32, #tpu.memory_space<vmem>>, vector<1x16xf32>,
        %get3A_368 = arith.index_cast %add3A_354 : i32 to index
        %get3A_369 = arith.constant 16 : index
        %get3A_370 = tpu.vector_load %arg10[%get3A_368, %get3A_369] {strides = array<i32>} : memref<256x128xf32, #tpu.memory_space<vmem>>, vector<1x16xf32>,
        %get3A_371 = vector.shape_cast %get3A_370 : vector<1x16xf32> to vector<16xf32>
        %mul3A_372 = arith.mulf %get3A_371, %broadcast_in_dim3A_357 : vector<16xf32>
        %swap3A_373 = arith.index_cast %add3A_354 : i32 to index
        %swap3A_374 = arith.constant 16 : index
        %swap3A_375 = tpu.vector_load %arg11[%swap3A_373, %swap3A_374] {strides = array<i32>} : memref<256x96xf32, #tpu.memory_space<vmem>>, vector<1x16xf32>,
        %swap3A_376 = vector.shape_cast %swap3A_375 : vector<1x16xf32> to vector<16xf32>
        %swap3A_377 = vector.shape_cast %mul3A_372 : vector<16xf32> to vector<1x16xf32>
        tpu.vector_store %arg11[%swap3A_373, %swap3A_374], %swap3A_377 {strides = array<i32>} : memref<256x96xf32, #tpu.memory_space<vmem>>, vector<1x16xf32>,
        %get3A_378 = arith.index_cast %add3A_354 : i32 to index
        %get3A_379 = arith.constant 32 : index
        %get3A_380 = tpu.vector_load %arg10[%get3A_378, %get3A_379] {strides = array<i32>} : memref<256x128xf32, #tpu.memory_space<vmem>>, vector<1x16xf32>,
        %get3A_381 = vector.shape_cast %get3A_380 : vector<1x16xf32> to vector<16xf32>
        %mul3A_382 = arith.mulf %get3A_381, %broadcast_in_dim3A_357 : vector<16xf32>
        %swap3A_383 = arith.index_cast %add3A_354 : i32 to index
        %swap3A_384 = arith.constant 32 : index
        %swap3A_385 = tpu.vector_load %arg11[%swap3A_383, %swap3A_384] {strides = array<i32>} : memref<256x96xf32, #tpu.memory_space<vmem>>, vector<1x16xf32>,
        %swap3A_386 = vector.shape_cast %swap3A_385 : vector<1x16xf32> to vector<16xf32>
        %swap3A_387 = vector.shape_cast %mul3A_382 : vector<16xf32> to vector<1x16xf32>
        tpu.vector_store %arg11[%swap3A_383, %swap3A_384], %swap3A_387 {strides = array<i32>} : memref<256x96xf32, #tpu.memory_space<vmem>>, vector<1x16xf32>,
        %get3A_388 = arith.index_cast %add3A_354 : i32 to index
        %get3A_389 = arith.constant 48 : index
        %get3A_390 = tpu.vector_load %arg10[%get3A_388, %get3A_389] {strides = array<i32>} : memref<256x128xf32, #tpu.memory_space<vmem>>, vector<1x16xf32>,
        %get3A_391 = vector.shape_cast %get3A_390 : vector<1x16xf32> to vector<16xf32>
        %mul3A_392 = arith.mulf %get3A_391, %broadcast_in_dim3A_357 : vector<16xf32>
        %swap3A_393 = arith.index_cast %add3A_354 : i32 to index
        %swap3A_394 = arith.constant 48 : index
        %swap3A_395 = tpu.vector_load %arg11[%swap3A_393, %swap3A_394] {strides = array<i32>} : memref<256x96xf32, #tpu.memory_space<vmem>>, vector<1x16xf32>,
        %swap3A_396 = vector.shape_cast %swap3A_395 : vector<1x16xf32> to vector<16xf32>
        %swap3A_397 = vector.shape_cast %mul3A_392 : vector<16xf32> to vector<1x16xf32>
        tpu.vector_store %arg11[%swap3A_393, %swap3A_394], %swap3A_397 {strides = array<i32>} : memref<256x96xf32, #tpu.memory_space<vmem>>, vector<1x16xf32>,
        %get3A_398 = arith.index_cast %add3A_354 : i32 to index
        %get3A_399 = arith.constant 64 : index
        %get3A_400 = tpu.vector_load %arg10[%get3A_398, %get3A_399] {strides = array<i32>} : memref<256x128xf32, #tpu.memory_space<vmem>>, vector<1x16xf32>,
        %get3A_401 = vector.shape_cast %get3A_400 : vector<1x16xf32> to vector<16xf32>
        %mul3A_402 = arith.mulf %get3A_401, %broadcast_in_dim3A_357 : vector<16xf32>
        %swap3A_403 = arith.index_cast %add3A_354 : i32 to index
        %swap3A_404 = arith.constant 64 : index
        %swap3A_405 = tpu.vector_load %arg11[%swap3A_403, %swap3A_404] {strides = array<i32>} : memref<256x96xf32, #tpu.memory_space<vmem>>, vector<1x16xf32>,
        %swap3A_406 = vector.shape_cast %swap3A_405 : vector<1x16xf32> to vector<16xf32>
        %swap3A_407 = vector.shape_cast %mul3A_402 : vector<16xf32> to vector<1x16xf32>
        tpu.vector_store %arg11[%swap3A_403, %swap3A_404], %swap3A_407 {strides = array<i32>} : memref<256x96xf32, #tpu.memory_space<vmem>>, vector<1x16xf32>,
        %get3A_408 = arith.index_cast %add3A_354 : i32 to index
        %get3A_409 = arith.constant 80 : index
        %get3A_410 = tpu.vector_load %arg10[%get3A_408, %get3A_409] {strides = array<i32>} : memref<256x128xf32, #tpu.memory_space<vmem>>, vector<1x16xf32>,
        %get3A_411 = vector.shape_cast %get3A_410 : vector<1x16xf32> to vector<16xf32>
        %mul3A_412 = arith.mulf %get3A_411, %broadcast_in_dim3A_357 : vector<16xf32>
        %swap3A_413 = arith.index_cast %add3A_354 : i32 to index
        %swap3A_414 = arith.constant 80 : index
        %swap3A_415 = tpu.vector_load %arg11[%swap3A_413, %swap3A_414] {strides = array<i32>} : memref<256x96xf32, #tpu.memory_space<vmem>>, vector<1x16xf32>,
        %swap3A_416 = vector.shape_cast %swap3A_415 : vector<1x16xf32> to vector<16xf32>
        %swap3A_417 = vector.shape_cast %mul3A_412 : vector<16xf32> to vector<1x16xf32>
        tpu.vector_store %arg11[%swap3A_413, %swap3A_414], %swap3A_417 {strides = array<i32>} : memref<256x96xf32, #tpu.memory_space<vmem>>, vector<1x16xf32>,
        %mul3A_418 = arith.constant 16 : i32
        %mul3A_419 = arith.muli %scan3A_141, %mul3A_418 : i32
        %add3A_420 = arith.constant 0 : i32
        %add3A_421 = arith.addi %add3A_420, %mul3A_419 : i32
        %add3A_422 = arith.constant 4 : i32
        %add3A_423 = arith.addi %add3A_421, %add3A_422 : i32
        %slice3A_424 = vector.extract_strided_slice %get3A_145 {offsets = [4], sizes = [1], strides = [1]} : vector<16xf32> to vector<1xf32>
        %squeeze3A_425 = vector.extract %slice3A_424[0] : f32 from vector<1xf32>
        %broadcast_in_dim3A_426 = vector.broadcast %squeeze3A_425 : f32 to vector<16xf32>
        %get3A_427 = arith.index_cast %add3A_423 : i32 to index
        %get3A_428 = arith.constant 0 : index
        %get3A_429 = tpu.vector_load %arg10[%get3A_427, %get3A_428] {strides = array<i32>} : memref<256x128xf32, #tpu.memory_space<vmem>>, vector<1x16xf32>,
        %get3A_430 = vector.shape_cast %get3A_429 : vector<1x16xf32> to vector<16xf32>
        %mul3A_431 = arith.mulf %get3A_430, %broadcast_in_dim3A_426 : vector<16xf32>
        %swap3A_432 = arith.index_cast %add3A_423 : i32 to index
        %swap3A_433 = arith.constant 0 : index
        %swap3A_434 = tpu.vector_load %arg11[%swap3A_432, %swap3A_433] {strides = array<i32>} : memref<256x96xf32, #tpu.memory_space<vmem>>, vector<1x16xf32>,
        %swap3A_435 = vector.shape_cast %swap3A_434 : vector<1x16xf32> to vector<16xf32>
        %swap3A_436 = vector.shape_cast %mul3A_431 : vector<16xf32> to vector<1x16xf32>
        tpu.vector_store %arg11[%swap3A_432, %swap3A_433], %swap3A_436 {strides = array<i32>} : memref<256x96xf32, #tpu.memory_space<vmem>>, vector<1x16xf32>,
        %get3A_437 = arith.index_cast %add3A_423 : i32 to index
        %get3A_438 = arith.constant 16 : index
        %get3A_439 = tpu.vector_load %arg10[%get3A_437, %get3A_438] {strides = array<i32>} : memref<256x128xf32, #tpu.memory_space<vmem>>, vector<1x16xf32>,
        %get3A_440 = vector.shape_cast %get3A_439 : vector<1x16xf32> to vector<16xf32>
        %mul3A_441 = arith.mulf %get3A_440, %broadcast_in_dim3A_426 : vector<16xf32>
        %swap3A_442 = arith.index_cast %add3A_423 : i32 to index
        %swap3A_443 = arith.constant 16 : index
        %swap3A_444 = tpu.vector_load %arg11[%swap3A_442, %swap3A_443] {strides = array<i32>} : memref<256x96xf32, #tpu.memory_space<vmem>>, vector<1x16xf32>,
        %swap3A_445 = vector.shape_cast %swap3A_444 : vector<1x16xf32> to vector<16xf32>
        %swap3A_446 = vector.shape_cast %mul3A_441 : vector<16xf32> to vector<1x16xf32>
        tpu.vector_store %arg11[%swap3A_442, %swap3A_443], %swap3A_446 {strides = array<i32>} : memref<256x96xf32, #tpu.memory_space<vmem>>, vector<1x16xf32>,
        %get3A_447 = arith.index_cast %add3A_423 : i32 to index
        %get3A_448 = arith.constant 32 : index
        %get3A_449 = tpu.vector_load %arg10[%get3A_447, %get3A_448] {strides = array<i32>} : memref<256x128xf32, #tpu.memory_space<vmem>>, vector<1x16xf32>,
        %get3A_450 = vector.shape_cast %get3A_449 : vector<1x16xf32> to vector<16xf32>
        %mul3A_451 = arith.mulf %get3A_450, %broadcast_in_dim3A_426 : vector<16xf32>
        %swap3A_452 = arith.index_cast %add3A_423 : i32 to index
        %swap3A_453 = arith.constant 32 : index
        %swap3A_454 = tpu.vector_load %arg11[%swap3A_452, %swap3A_453] {strides = array<i32>} : memref<256x96xf32, #tpu.memory_space<vmem>>, vector<1x16xf32>,
        %swap3A_455 = vector.shape_cast %swap3A_454 : vector<1x16xf32> to vector<16xf32>
        %swap3A_456 = vector.shape_cast %mul3A_451 : vector<16xf32> to vector<1x16xf32>
        tpu.vector_store %arg11[%swap3A_452, %swap3A_453], %swap3A_456 {strides = array<i32>} : memref<256x96xf32, #tpu.memory_space<vmem>>, vector<1x16xf32>,
        %get3A_457 = arith.index_cast %add3A_423 : i32 to index
        %get3A_458 = arith.constant 48 : index
        %get3A_459 = tpu.vector_load %arg10[%get3A_457, %get3A_458] {strides = array<i32>} : memref<256x128xf32, #tpu.memory_space<vmem>>, vector<1x16xf32>,
        %get3A_460 = vector.shape_cast %get3A_459 : vector<1x16xf32> to vector<16xf32>
        %mul3A_461 = arith.mulf %get3A_460, %broadcast_in_dim3A_426 : vector<16xf32>
        %swap3A_462 = arith.index_cast %add3A_423 : i32 to index
        %swap3A_463 = arith.constant 48 : index
        %swap3A_464 = tpu.vector_load %arg11[%swap3A_462, %swap3A_463] {strides = array<i32>} : memref<256x96xf32, #tpu.memory_space<vmem>>, vector<1x16xf32>,
        %swap3A_465 = vector.shape_cast %swap3A_464 : vector<1x16xf32> to vector<16xf32>
        %swap3A_466 = vector.shape_cast %mul3A_461 : vector<16xf32> to vector<1x16xf32>
        tpu.vector_store %arg11[%swap3A_462, %swap3A_463], %swap3A_466 {strides = array<i32>} : memref<256x96xf32, #tpu.memory_space<vmem>>, vector<1x16xf32>,
        %get3A_467 = arith.index_cast %add3A_423 : i32 to index
        %get3A_468 = arith.constant 64 : index
        %get3A_469 = tpu.vector_load %arg10[%get3A_467, %get3A_468] {strides = array<i32>} : memref<256x128xf32, #tpu.memory_space<vmem>>, vector<1x16xf32>,
        %get3A_470 = vector.shape_cast %get3A_469 : vector<1x16xf32> to vector<16xf32>
        %mul3A_471 = arith.mulf %get3A_470, %broadcast_in_dim3A_426 : vector<16xf32>
        %swap3A_472 = arith.index_cast %add3A_423 : i32 to index
        %swap3A_473 = arith.constant 64 : index
        %swap3A_474 = tpu.vector_load %arg11[%swap3A_472, %swap3A_473] {strides = array<i32>} : memref<256x96xf32, #tpu.memory_space<vmem>>, vector<1x16xf32>,
        %swap3A_475 = vector.shape_cast %swap3A_474 : vector<1x16xf32> to vector<16xf32>
        %swap3A_476 = vector.shape_cast %mul3A_471 : vector<16xf32> to vector<1x16xf32>
        tpu.vector_store %arg11[%swap3A_472, %swap3A_473], %swap3A_476 {strides = array<i32>} : memref<256x96xf32, #tpu.memory_space<vmem>>, vector<1x16xf32>,
        %get3A_477 = arith.index_cast %add3A_423 : i32 to index
        %get3A_478 = arith.constant 80 : index
        %get3A_479 = tpu.vector_load %arg10[%get3A_477, %get3A_478] {strides = array<i32>} : memref<256x128xf32, #tpu.memory_space<vmem>>, vector<1x16xf32>,
        %get3A_480 = vector.shape_cast %get3A_479 : vector<1x16xf32> to vector<16xf32>
        %mul3A_481 = arith.mulf %get3A_480, %broadcast_in_dim3A_426 : vector<16xf32>
        %swap3A_482 = arith.index_cast %add3A_423 : i32 to index
        %swap3A_483 = arith.constant 80 : index
        %swap3A_484 = tpu.vector_load %arg11[%swap3A_482, %swap3A_483] {strides = array<i32>} : memref<256x96xf32, #tpu.memory_space<vmem>>, vector<1x16xf32>,
        %swap3A_485 = vector.shape_cast %swap3A_484 : vector<1x16xf32> to vector<16xf32>
        %swap3A_486 = vector.shape_cast %mul3A_481 : vector<16xf32> to vector<1x16xf32>
        tpu.vector_store %arg11[%swap3A_482, %swap3A_483], %swap3A_486 {strides = array<i32>} : memref<256x96xf32, #tpu.memory_space<vmem>>, vector<1x16xf32>,
        %mul3A_487 = arith.constant 16 : i32
        %mul3A_488 = arith.muli %scan3A_141, %mul3A_487 : i32
        %add3A_489 = arith.constant 0 : i32
        %add3A_490 = arith.addi %add3A_489, %mul3A_488 : i32
        %add3A_491 = arith.constant 5 : i32
        %add3A_492 = arith.addi %add3A_490, %add3A_491 : i32
        %slice3A_493 = vector.extract_strided_slice %get3A_145 {offsets = [5], sizes = [1], strides = [1]} : vector<16xf32> to vector<1xf32>
        %squeeze3A_494 = vector.extract %slice3A_493[0] : f32 from vector<1xf32>
        %broadcast_in_dim3A_495 = vector.broadcast %squeeze3A_494 : f32 to vector<16xf32>
        %get3A_496 = arith.index_cast %add3A_492 : i32 to index
        %get3A_497 = arith.constant 0 : index
        %get3A_498 = tpu.vector_load %arg10[%get3A_496, %get3A_497] {strides = array<i32>} : memref<256x128xf32, #tpu.memory_space<vmem>>, vector<1x16xf32>,
        %get3A_499 = vector.shape_cast %get3A_498 : vector<1x16xf32> to vector<16xf32>
        %mul3A_500 = arith.mulf %get3A_499, %broadcast_in_dim3A_495 : vector<16xf32>
        %swap3A_501 = arith.index_cast %add3A_492 : i32 to index
        %swap3A_502 = arith.constant 0 : index
        %swap3A_503 = tpu.vector_load %arg11[%swap3A_501, %swap3A_502] {strides = array<i32>} : memref<256x96xf32, #tpu.memory_space<vmem>>, vector<1x16xf32>,
        %swap3A_504 = vector.shape_cast %swap3A_503 : vector<1x16xf32> to vector<16xf32>
        %swap3A_505 = vector.shape_cast %mul3A_500 : vector<16xf32> to vector<1x16xf32>
        tpu.vector_store %arg11[%swap3A_501, %swap3A_502], %swap3A_505 {strides = array<i32>} : memref<256x96xf32, #tpu.memory_space<vmem>>, vector<1x16xf32>,
        %get3A_506 = arith.index_cast %add3A_492 : i32 to index
        %get3A_507 = arith.constant 16 : index
        %get3A_508 = tpu.vector_load %arg10[%get3A_506, %get3A_507] {strides = array<i32>} : memref<256x128xf32, #tpu.memory_space<vmem>>, vector<1x16xf32>,
        %get3A_509 = vector.shape_cast %get3A_508 : vector<1x16xf32> to vector<16xf32>
        %mul3A_510 = arith.mulf %get3A_509, %broadcast_in_dim3A_495 : vector<16xf32>
        %swap3A_511 = arith.index_cast %add3A_492 : i32 to index
        %swap3A_512 = arith.constant 16 : index
        %swap3A_513 = tpu.vector_load %arg11[%swap3A_511, %swap3A_512] {strides = array<i32>} : memref<256x96xf32, #tpu.memory_space<vmem>>, vector<1x16xf32>,
        %swap3A_514 = vector.shape_cast %swap3A_513 : vector<1x16xf32> to vector<16xf32>
        %swap3A_515 = vector.shape_cast %mul3A_510 : vector<16xf32> to vector<1x16xf32>
        tpu.vector_store %arg11[%swap3A_511, %swap3A_512], %swap3A_515 {strides = array<i32>} : memref<256x96xf32, #tpu.memory_space<vmem>>, vector<1x16xf32>,
        %get3A_516 = arith.index_cast %add3A_492 : i32 to index
        %get3A_517 = arith.constant 32 : index
        %get3A_518 = tpu.vector_load %arg10[%get3A_516, %get3A_517] {strides = array<i32>} : memref<256x128xf32, #tpu.memory_space<vmem>>, vector<1x16xf32>,
        %get3A_519 = vector.shape_cast %get3A_518 : vector<1x16xf32> to vector<16xf32>
        %mul3A_520 = arith.mulf %get3A_519, %broadcast_in_dim3A_495 : vector<16xf32>
        %swap3A_521 = arith.index_cast %add3A_492 : i32 to index
        %swap3A_522 = arith.constant 32 : index
        %swap3A_523 = tpu.vector_load %arg11[%swap3A_521, %swap3A_522] {strides = array<i32>} : memref<256x96xf32, #tpu.memory_space<vmem>>, vector<1x16xf32>,
        %swap3A_524 = vector.shape_cast %swap3A_523 : vector<1x16xf32> to vector<16xf32>
        %swap3A_525 = vector.shape_cast %mul3A_520 : vector<16xf32> to vector<1x16xf32>
        tpu.vector_store %arg11[%swap3A_521, %swap3A_522], %swap3A_525 {strides = array<i32>} : memref<256x96xf32, #tpu.memory_space<vmem>>, vector<1x16xf32>,
        %get3A_526 = arith.index_cast %add3A_492 : i32 to index
        %get3A_527 = arith.constant 48 : index
        %get3A_528 = tpu.vector_load %arg10[%get3A_526, %get3A_527] {strides = array<i32>} : memref<256x128xf32, #tpu.memory_space<vmem>>, vector<1x16xf32>,
        %get3A_529 = vector.shape_cast %get3A_528 : vector<1x16xf32> to vector<16xf32>
        %mul3A_530 = arith.mulf %get3A_529, %broadcast_in_dim3A_495 : vector<16xf32>
        %swap3A_531 = arith.index_cast %add3A_492 : i32 to index
        %swap3A_532 = arith.constant 48 : index
        %swap3A_533 = tpu.vector_load %arg11[%swap3A_531, %swap3A_532] {strides = array<i32>} : memref<256x96xf32, #tpu.memory_space<vmem>>, vector<1x16xf32>,
        %swap3A_534 = vector.shape_cast %swap3A_533 : vector<1x16xf32> to vector<16xf32>
        %swap3A_535 = vector.shape_cast %mul3A_530 : vector<16xf32> to vector<1x16xf32>
        tpu.vector_store %arg11[%swap3A_531, %swap3A_532], %swap3A_535 {strides = array<i32>} : memref<256x96xf32, #tpu.memory_space<vmem>>, vector<1x16xf32>,
        %get3A_536 = arith.index_cast %add3A_492 : i32 to index
        %get3A_537 = arith.constant 64 : index
        %get3A_538 = tpu.vector_load %arg10[%get3A_536, %get3A_537] {strides = array<i32>} : memref<256x128xf32, #tpu.memory_space<vmem>>, vector<1x16xf32>,
        %get3A_539 = vector.shape_cast %get3A_538 : vector<1x16xf32> to vector<16xf32>
        %mul3A_540 = arith.mulf %get3A_539, %broadcast_in_dim3A_495 : vector<16xf32>
        %swap3A_541 = arith.index_cast %add3A_492 : i32 to index
        %swap3A_542 = arith.constant 64 : index
        %swap3A_543 = tpu.vector_load %arg11[%swap3A_541, %swap3A_542] {strides = array<i32>} : memref<256x96xf32, #tpu.memory_space<vmem>>, vector<1x16xf32>,
        %swap3A_544 = vector.shape_cast %swap3A_543 : vector<1x16xf32> to vector<16xf32>
        %swap3A_545 = vector.shape_cast %mul3A_540 : vector<16xf32> to vector<1x16xf32>
        tpu.vector_store %arg11[%swap3A_541, %swap3A_542], %swap3A_545 {strides = array<i32>} : memref<256x96xf32, #tpu.memory_space<vmem>>, vector<1x16xf32>,
        %get3A_546 = arith.index_cast %add3A_492 : i32 to index
        %get3A_547 = arith.constant 80 : index
        %get3A_548 = tpu.vector_load %arg10[%get3A_546, %get3A_547] {strides = array<i32>} : memref<256x128xf32, #tpu.memory_space<vmem>>, vector<1x16xf32>,
        %get3A_549 = vector.shape_cast %get3A_548 : vector<1x16xf32> to vector<16xf32>
        %mul3A_550 = arith.mulf %get3A_549, %broadcast_in_dim3A_495 : vector<16xf32>
        %swap3A_551 = arith.index_cast %add3A_492 : i32 to index
        %swap3A_552 = arith.constant 80 : index
        %swap3A_553 = tpu.vector_load %arg11[%swap3A_551, %swap3A_552] {strides = array<i32>} : memref<256x96xf32, #tpu.memory_space<vmem>>, vector<1x16xf32>,
        %swap3A_554 = vector.shape_cast %swap3A_553 : vector<1x16xf32> to vector<16xf32>
        %swap3A_555 = vector.shape_cast %mul3A_550 : vector<16xf32> to vector<1x16xf32>
        tpu.vector_store %arg11[%swap3A_551, %swap3A_552], %swap3A_555 {strides = array<i32>} : memref<256x96xf32, #tpu.memory_space<vmem>>, vector<1x16xf32>,
        %mul3A_556 = arith.constant 16 : i32
        %mul3A_557 = arith.muli %scan3A_141, %mul3A_556 : i32
        %add3A_558 = arith.constant 0 : i32
        %add3A_559 = arith.addi %add3A_558, %mul3A_557 : i32
        %add3A_560 = arith.constant 6 : i32
        %add3A_561 = arith.addi %add3A_559, %add3A_560 : i32
        %slice3A_562 = vector.extract_strided_slice %get3A_145 {offsets = [6], sizes = [1], strides = [1]} : vector<16xf32> to vector<1xf32>
        %squeeze3A_563 = vector.extract %slice3A_562[0] : f32 from vector<1xf32>
        %broadcast_in_dim3A_564 = vector.broadcast %squeeze3A_563 : f32 to vector<16xf32>
        %get3A_565 = arith.index_cast %add3A_561 : i32 to index
        %get3A_566 = arith.constant 0 : index
        %get3A_567 = tpu.vector_load %arg10[%get3A_565, %get3A_566] {strides = array<i32>} : memref<256x128xf32, #tpu.memory_space<vmem>>, vector<1x16xf32>,
        %get3A_568 = vector.shape_cast %get3A_567 : vector<1x16xf32> to vector<16xf32>
        %mul3A_569 = arith.mulf %get3A_568, %broadcast_in_dim3A_564 : vector<16xf32>
        %swap3A_570 = arith.index_cast %add3A_561 : i32 to index
        %swap3A_571 = arith.constant 0 : index
        %swap3A_572 = tpu.vector_load %arg11[%swap3A_570, %swap3A_571] {strides = array<i32>} : memref<256x96xf32, #tpu.memory_space<vmem>>, vector<1x16xf32>,
        %swap3A_573 = vector.shape_cast %swap3A_572 : vector<1x16xf32> to vector<16xf32>
        %swap3A_574 = vector.shape_cast %mul3A_569 : vector<16xf32> to vector<1x16xf32>
        tpu.vector_store %arg11[%swap3A_570, %swap3A_571], %swap3A_574 {strides = array<i32>} : memref<256x96xf32, #tpu.memory_space<vmem>>, vector<1x16xf32>,
        %get3A_575 = arith.index_cast %add3A_561 : i32 to index
        %get3A_576 = arith.constant 16 : index
        %get3A_577 = tpu.vector_load %arg10[%get3A_575, %get3A_576] {strides = array<i32>} : memref<256x128xf32, #tpu.memory_space<vmem>>, vector<1x16xf32>,
        %get3A_578 = vector.shape_cast %get3A_577 : vector<1x16xf32> to vector<16xf32>
        %mul3A_579 = arith.mulf %get3A_578, %broadcast_in_dim3A_564 : vector<16xf32>
        %swap3A_580 = arith.index_cast %add3A_561 : i32 to index
        %swap3A_581 = arith.constant 16 : index
        %swap3A_582 = tpu.vector_load %arg11[%swap3A_580, %swap3A_581] {strides = array<i32>} : memref<256x96xf32, #tpu.memory_space<vmem>>, vector<1x16xf32>,
        %swap3A_583 = vector.shape_cast %swap3A_582 : vector<1x16xf32> to vector<16xf32>
        %swap3A_584 = vector.shape_cast %mul3A_579 : vector<16xf32> to vector<1x16xf32>
        tpu.vector_store %arg11[%swap3A_580, %swap3A_581], %swap3A_584 {strides = array<i32>} : memref<256x96xf32, #tpu.memory_space<vmem>>, vector<1x16xf32>,
        %get3A_585 = arith.index_cast %add3A_561 : i32 to index
        %get3A_586 = arith.constant 32 : index
        %get3A_587 = tpu.vector_load %arg10[%get3A_585, %get3A_586] {strides = array<i32>} : memref<256x128xf32, #tpu.memory_space<vmem>>, vector<1x16xf32>,
        %get3A_588 = vector.shape_cast %get3A_587 : vector<1x16xf32> to vector<16xf32>
        %mul3A_589 = arith.mulf %get3A_588, %broadcast_in_dim3A_564 : vector<16xf32>
        %swap3A_590 = arith.index_cast %add3A_561 : i32 to index
        %swap3A_591 = arith.constant 32 : index
        %swap3A_592 = tpu.vector_load %arg11[%swap3A_590, %swap3A_591] {strides = array<i32>} : memref<256x96xf32, #tpu.memory_space<vmem>>, vector<1x16xf32>,
        %swap3A_593 = vector.shape_cast %swap3A_592 : vector<1x16xf32> to vector<16xf32>
        %swap3A_594 = vector.shape_cast %mul3A_589 : vector<16xf32> to vector<1x16xf32>
        tpu.vector_store %arg11[%swap3A_590, %swap3A_591], %swap3A_594 {strides = array<i32>} : memref<256x96xf32, #tpu.memory_space<vmem>>, vector<1x16xf32>,
        %get3A_595 = arith.index_cast %add3A_561 : i32 to index
        %get3A_596 = arith.constant 48 : index
        %get3A_597 = tpu.vector_load %arg10[%get3A_595, %get3A_596] {strides = array<i32>} : memref<256x128xf32, #tpu.memory_space<vmem>>, vector<1x16xf32>,
        %get3A_598 = vector.shape_cast %get3A_597 : vector<1x16xf32> to vector<16xf32>
        %mul3A_599 = arith.mulf %get3A_598, %broadcast_in_dim3A_564 : vector<16xf32>
        %swap3A_600 = arith.index_cast %add3A_561 : i32 to index
        %swap3A_601 = arith.constant 48 : index
        %swap3A_602 = tpu.vector_load %arg11[%swap3A_600, %swap3A_601] {strides = array<i32>} : memref<256x96xf32, #tpu.memory_space<vmem>>, vector<1x16xf32>,
        %swap3A_603 = vector.shape_cast %swap3A_602 : vector<1x16xf32> to vector<16xf32>
        %swap3A_604 = vector.shape_cast %mul3A_599 : vector<16xf32> to vector<1x16xf32>
        tpu.vector_store %arg11[%swap3A_600, %swap3A_601], %swap3A_604 {strides = array<i32>} : memref<256x96xf32, #tpu.memory_space<vmem>>, vector<1x16xf32>,
        %get3A_605 = arith.index_cast %add3A_561 : i32 to index
        %get3A_606 = arith.constant 64 : index
        %get3A_607 = tpu.vector_load %arg10[%get3A_605, %get3A_606] {strides = array<i32>} : memref<256x128xf32, #tpu.memory_space<vmem>>, vector<1x16xf32>,
        %get3A_608 = vector.shape_cast %get3A_607 : vector<1x16xf32> to vector<16xf32>
        %mul3A_609 = arith.mulf %get3A_608, %broadcast_in_dim3A_564 : vector<16xf32>
        %swap3A_610 = arith.index_cast %add3A_561 : i32 to index
        %swap3A_611 = arith.constant 64 : index
        %swap3A_612 = tpu.vector_load %arg11[%swap3A_610, %swap3A_611] {strides = array<i32>} : memref<256x96xf32, #tpu.memory_space<vmem>>, vector<1x16xf32>,
        %swap3A_613 = vector.shape_cast %swap3A_612 : vector<1x16xf32> to vector<16xf32>
        %swap3A_614 = vector.shape_cast %mul3A_609 : vector<16xf32> to vector<1x16xf32>
        tpu.vector_store %arg11[%swap3A_610, %swap3A_611], %swap3A_614 {strides = array<i32>} : memref<256x96xf32, #tpu.memory_space<vmem>>, vector<1x16xf32>,
        %get3A_615 = arith.index_cast %add3A_561 : i32 to index
        %get3A_616 = arith.constant 80 : index
        %get3A_617 = tpu.vector_load %arg10[%get3A_615, %get3A_616] {strides = array<i32>} : memref<256x128xf32, #tpu.memory_space<vmem>>, vector<1x16xf32>,
        %get3A_618 = vector.shape_cast %get3A_617 : vector<1x16xf32> to vector<16xf32>
        %mul3A_619 = arith.mulf %get3A_618, %broadcast_in_dim3A_564 : vector<16xf32>
        %swap3A_620 = arith.index_cast %add3A_561 : i32 to index
        %swap3A_621 = arith.constant 80 : index
        %swap3A_622 = tpu.vector_load %arg11[%swap3A_620, %swap3A_621] {strides = array<i32>} : memref<256x96xf32, #tpu.memory_space<vmem>>, vector<1x16xf32>,
        %swap3A_623 = vector.shape_cast %swap3A_622 : vector<1x16xf32> to vector<16xf32>
        %swap3A_624 = vector.shape_cast %mul3A_619 : vector<16xf32> to vector<1x16xf32>
        tpu.vector_store %arg11[%swap3A_620, %swap3A_621], %swap3A_624 {strides = array<i32>} : memref<256x96xf32, #tpu.memory_space<vmem>>, vector<1x16xf32>,
        %mul3A_625 = arith.constant 16 : i32
        %mul3A_626 = arith.muli %scan3A_141, %mul3A_625 : i32
        %add3A_627 = arith.constant 0 : i32
        %add3A_628 = arith.addi %add3A_627, %mul3A_626 : i32
        %add3A_629 = arith.constant 7 : i32
        %add3A_630 = arith.addi %add3A_628, %add3A_629 : i32
        %slice3A_631 = vector.extract_strided_slice %get3A_145 {offsets = [7], sizes = [1], strides = [1]} : vector<16xf32> to vector<1xf32>
        %squeeze3A_632 = vector.extract %slice3A_631[0] : f32 from vector<1xf32>
        %broadcast_in_dim3A_633 = vector.broadcast %squeeze3A_632 : f32 to vector<16xf32>
        %get3A_634 = arith.index_cast %add3A_630 : i32 to index
        %get3A_635 = arith.constant 0 : index
        %get3A_636 = tpu.vector_load %arg10[%get3A_634, %get3A_635] {strides = array<i32>} : memref<256x128xf32, #tpu.memory_space<vmem>>, vector<1x16xf32>,
        %get3A_637 = vector.shape_cast %get3A_636 : vector<1x16xf32> to vector<16xf32>
        %mul3A_638 = arith.mulf %get3A_637, %broadcast_in_dim3A_633 : vector<16xf32>
        %swap3A_639 = arith.index_cast %add3A_630 : i32 to index
        %swap3A_640 = arith.constant 0 : index
        %swap3A_641 = tpu.vector_load %arg11[%swap3A_639, %swap3A_640] {strides = array<i32>} : memref<256x96xf32, #tpu.memory_space<vmem>>, vector<1x16xf32>,
        %swap3A_642 = vector.shape_cast %swap3A_641 : vector<1x16xf32> to vector<16xf32>
        %swap3A_643 = vector.shape_cast %mul3A_638 : vector<16xf32> to vector<1x16xf32>
        tpu.vector_store %arg11[%swap3A_639, %swap3A_640], %swap3A_643 {strides = array<i32>} : memref<256x96xf32, #tpu.memory_space<vmem>>, vector<1x16xf32>,
        %get3A_644 = arith.index_cast %add3A_630 : i32 to index
        %get3A_645 = arith.constant 16 : index
        %get3A_646 = tpu.vector_load %arg10[%get3A_644, %get3A_645] {strides = array<i32>} : memref<256x128xf32, #tpu.memory_space<vmem>>, vector<1x16xf32>,
        %get3A_647 = vector.shape_cast %get3A_646 : vector<1x16xf32> to vector<16xf32>
        %mul3A_648 = arith.mulf %get3A_647, %broadcast_in_dim3A_633 : vector<16xf32>
        %swap3A_649 = arith.index_cast %add3A_630 : i32 to index
        %swap3A_650 = arith.constant 16 : index
        %swap3A_651 = tpu.vector_load %arg11[%swap3A_649, %swap3A_650] {strides = array<i32>} : memref<256x96xf32, #tpu.memory_space<vmem>>, vector<1x16xf32>,
        %swap3A_652 = vector.shape_cast %swap3A_651 : vector<1x16xf32> to vector<16xf32>
        %swap3A_653 = vector.shape_cast %mul3A_648 : vector<16xf32> to vector<1x16xf32>
        tpu.vector_store %arg11[%swap3A_649, %swap3A_650], %swap3A_653 {strides = array<i32>} : memref<256x96xf32, #tpu.memory_space<vmem>>, vector<1x16xf32>,
        %get3A_654 = arith.index_cast %add3A_630 : i32 to index
        %get3A_655 = arith.constant 32 : index
        %get3A_656 = tpu.vector_load %arg10[%get3A_654, %get3A_655] {strides = array<i32>} : memref<256x128xf32, #tpu.memory_space<vmem>>, vector<1x16xf32>,
        %get3A_657 = vector.shape_cast %get3A_656 : vector<1x16xf32> to vector<16xf32>
        %mul3A_658 = arith.mulf %get3A_657, %broadcast_in_dim3A_633 : vector<16xf32>
        %swap3A_659 = arith.index_cast %add3A_630 : i32 to index
        %swap3A_660 = arith.constant 32 : index
        %swap3A_661 = tpu.vector_load %arg11[%swap3A_659, %swap3A_660] {strides = array<i32>} : memref<256x96xf32, #tpu.memory_space<vmem>>, vector<1x16xf32>,
        %swap3A_662 = vector.shape_cast %swap3A_661 : vector<1x16xf32> to vector<16xf32>
        %swap3A_663 = vector.shape_cast %mul3A_658 : vector<16xf32> to vector<1x16xf32>
        tpu.vector_store %arg11[%swap3A_659, %swap3A_660], %swap3A_663 {strides = array<i32>} : memref<256x96xf32, #tpu.memory_space<vmem>>, vector<1x16xf32>,
        %get3A_664 = arith.index_cast %add3A_630 : i32 to index
        %get3A_665 = arith.constant 48 : index
        %get3A_666 = tpu.vector_load %arg10[%get3A_664, %get3A_665] {strides = array<i32>} : memref<256x128xf32, #tpu.memory_space<vmem>>, vector<1x16xf32>,
        %get3A_667 = vector.shape_cast %get3A_666 : vector<1x16xf32> to vector<16xf32>
        %mul3A_668 = arith.mulf %get3A_667, %broadcast_in_dim3A_633 : vector<16xf32>
        %swap3A_669 = arith.index_cast %add3A_630 : i32 to index
        %swap3A_670 = arith.constant 48 : index
        %swap3A_671 = tpu.vector_load %arg11[%swap3A_669, %swap3A_670] {strides = array<i32>} : memref<256x96xf32, #tpu.memory_space<vmem>>, vector<1x16xf32>,
        %swap3A_672 = vector.shape_cast %swap3A_671 : vector<1x16xf32> to vector<16xf32>
        %swap3A_673 = vector.shape_cast %mul3A_668 : vector<16xf32> to vector<1x16xf32>
        tpu.vector_store %arg11[%swap3A_669, %swap3A_670], %swap3A_673 {strides = array<i32>} : memref<256x96xf32, #tpu.memory_space<vmem>>, vector<1x16xf32>,
        %get3A_674 = arith.index_cast %add3A_630 : i32 to index
        %get3A_675 = arith.constant 64 : index
        %get3A_676 = tpu.vector_load %arg10[%get3A_674, %get3A_675] {strides = array<i32>} : memref<256x128xf32, #tpu.memory_space<vmem>>, vector<1x16xf32>,
        %get3A_677 = vector.shape_cast %get3A_676 : vector<1x16xf32> to vector<16xf32>
        %mul3A_678 = arith.mulf %get3A_677, %broadcast_in_dim3A_633 : vector<16xf32>
        %swap3A_679 = arith.index_cast %add3A_630 : i32 to index
        %swap3A_680 = arith.constant 64 : index
        %swap3A_681 = tpu.vector_load %arg11[%swap3A_679, %swap3A_680] {strides = array<i32>} : memref<256x96xf32, #tpu.memory_space<vmem>>, vector<1x16xf32>,
        %swap3A_682 = vector.shape_cast %swap3A_681 : vector<1x16xf32> to vector<16xf32>
        %swap3A_683 = vector.shape_cast %mul3A_678 : vector<16xf32> to vector<1x16xf32>
        tpu.vector_store %arg11[%swap3A_679, %swap3A_680], %swap3A_683 {strides = array<i32>} : memref<256x96xf32, #tpu.memory_space<vmem>>, vector<1x16xf32>,
        %get3A_684 = arith.index_cast %add3A_630 : i32 to index
        %get3A_685 = arith.constant 80 : index
        %get3A_686 = tpu.vector_load %arg10[%get3A_684, %get3A_685] {strides = array<i32>} : memref<256x128xf32, #tpu.memory_space<vmem>>, vector<1x16xf32>,
        %get3A_687 = vector.shape_cast %get3A_686 : vector<1x16xf32> to vector<16xf32>
        %mul3A_688 = arith.mulf %get3A_687, %broadcast_in_dim3A_633 : vector<16xf32>
        %swap3A_689 = arith.index_cast %add3A_630 : i32 to index
        %swap3A_690 = arith.constant 80 : index
        %swap3A_691 = tpu.vector_load %arg11[%swap3A_689, %swap3A_690] {strides = array<i32>} : memref<256x96xf32, #tpu.memory_space<vmem>>, vector<1x16xf32>,
        %swap3A_692 = vector.shape_cast %swap3A_691 : vector<1x16xf32> to vector<16xf32>
        %swap3A_693 = vector.shape_cast %mul3A_688 : vector<16xf32> to vector<1x16xf32>
        tpu.vector_store %arg11[%swap3A_689, %swap3A_690], %swap3A_693 {strides = array<i32>} : memref<256x96xf32, #tpu.memory_space<vmem>>, vector<1x16xf32>,
        %mul3A_694 = arith.constant 16 : i32
        %mul3A_695 = arith.muli %scan3A_141, %mul3A_694 : i32
        %add3A_696 = arith.constant 0 : i32
        %add3A_697 = arith.addi %add3A_696, %mul3A_695 : i32
        %add3A_698 = arith.constant 8 : i32
        %add3A_699 = arith.addi %add3A_697, %add3A_698 : i32
        %slice3A_700 = vector.extract_strided_slice %get3A_145 {offsets = [8], sizes = [1], strides = [1]} : vector<16xf32> to vector<1xf32>
        %squeeze3A_701 = vector.extract %slice3A_700[0] : f32 from vector<1xf32>
        %broadcast_in_dim3A_702 = vector.broadcast %squeeze3A_701 : f32 to vector<16xf32>
        %get3A_703 = arith.index_cast %add3A_699 : i32 to index
        %get3A_704 = arith.constant 0 : index
        %get3A_705 = tpu.vector_load %arg10[%get3A_703, %get3A_704] {strides = array<i32>} : memref<256x128xf32, #tpu.memory_space<vmem>>, vector<1x16xf32>,
        %get3A_706 = vector.shape_cast %get3A_705 : vector<1x16xf32> to vector<16xf32>
        %mul3A_707 = arith.mulf %get3A_706, %broadcast_in_dim3A_702 : vector<16xf32>
        %swap3A_708 = arith.index_cast %add3A_699 : i32 to index
        %swap3A_709 = arith.constant 0 : index
        %swap3A_710 = tpu.vector_load %arg11[%swap3A_708, %swap3A_709] {strides = array<i32>} : memref<256x96xf32, #tpu.memory_space<vmem>>, vector<1x16xf32>,
        %swap3A_711 = vector.shape_cast %swap3A_710 : vector<1x16xf32> to vector<16xf32>
        %swap3A_712 = vector.shape_cast %mul3A_707 : vector<16xf32> to vector<1x16xf32>
        tpu.vector_store %arg11[%swap3A_708, %swap3A_709], %swap3A_712 {strides = array<i32>} : memref<256x96xf32, #tpu.memory_space<vmem>>, vector<1x16xf32>,
        %get3A_713 = arith.index_cast %add3A_699 : i32 to index
        %get3A_714 = arith.constant 16 : index
        %get3A_715 = tpu.vector_load %arg10[%get3A_713, %get3A_714] {strides = array<i32>} : memref<256x128xf32, #tpu.memory_space<vmem>>, vector<1x16xf32>,
        %get3A_716 = vector.shape_cast %get3A_715 : vector<1x16xf32> to vector<16xf32>
        %mul3A_717 = arith.mulf %get3A_716, %broadcast_in_dim3A_702 : vector<16xf32>
        %swap3A_718 = arith.index_cast %add3A_699 : i32 to index
        %swap3A_719 = arith.constant 16 : index
        %swap3A_720 = tpu.vector_load %arg11[%swap3A_718, %swap3A_719] {strides = array<i32>} : memref<256x96xf32, #tpu.memory_space<vmem>>, vector<1x16xf32>,
        %swap3A_721 = vector.shape_cast %swap3A_720 : vector<1x16xf32> to vector<16xf32>
        %swap3A_722 = vector.shape_cast %mul3A_717 : vector<16xf32> to vector<1x16xf32>
        tpu.vector_store %arg11[%swap3A_718, %swap3A_719], %swap3A_722 {strides = array<i32>} : memref<256x96xf32, #tpu.memory_space<vmem>>, vector<1x16xf32>,
        %get3A_723 = arith.index_cast %add3A_699 : i32 to index
        %get3A_724 = arith.constant 32 : index
        %get3A_725 = tpu.vector_load %arg10[%get3A_723, %get3A_724] {strides = array<i32>} : memref<256x128xf32, #tpu.memory_space<vmem>>, vector<1x16xf32>,
        %get3A_726 = vector.shape_cast %get3A_725 : vector<1x16xf32> to vector<16xf32>
        %mul3A_727 = arith.mulf %get3A_726, %broadcast_in_dim3A_702 : vector<16xf32>
        %swap3A_728 = arith.index_cast %add3A_699 : i32 to index
        %swap3A_729 = arith.constant 32 : index
        %swap3A_730 = tpu.vector_load %arg11[%swap3A_728, %swap3A_729] {strides = array<i32>} : memref<256x96xf32, #tpu.memory_space<vmem>>, vector<1x16xf32>,
        %swap3A_731 = vector.shape_cast %swap3A_730 : vector<1x16xf32> to vector<16xf32>
        %swap3A_732 = vector.shape_cast %mul3A_727 : vector<16xf32> to vector<1x16xf32>
        tpu.vector_store %arg11[%swap3A_728, %swap3A_729], %swap3A_732 {strides = array<i32>} : memref<256x96xf32, #tpu.memory_space<vmem>>, vector<1x16xf32>,
        %get3A_733 = arith.index_cast %add3A_699 : i32 to index
        %get3A_734 = arith.constant 48 : index
        %get3A_735 = tpu.vector_load %arg10[%get3A_733, %get3A_734] {strides = array<i32>} : memref<256x128xf32, #tpu.memory_space<vmem>>, vector<1x16xf32>,
        %get3A_736 = vector.shape_cast %get3A_735 : vector<1x16xf32> to vector<16xf32>
        %mul3A_737 = arith.mulf %get3A_736, %broadcast_in_dim3A_702 : vector<16xf32>
        %swap3A_738 = arith.index_cast %add3A_699 : i32 to index
        %swap3A_739 = arith.constant 48 : index
        %swap3A_740 = tpu.vector_load %arg11[%swap3A_738, %swap3A_739] {strides = array<i32>} : memref<256x96xf32, #tpu.memory_space<vmem>>, vector<1x16xf32>,
        %swap3A_741 = vector.shape_cast %swap3A_740 : vector<1x16xf32> to vector<16xf32>
        %swap3A_742 = vector.shape_cast %mul3A_737 : vector<16xf32> to vector<1x16xf32>
        tpu.vector_store %arg11[%swap3A_738, %swap3A_739], %swap3A_742 {strides = array<i32>} : memref<256x96xf32, #tpu.memory_space<vmem>>, vector<1x16xf32>,
        %get3A_743 = arith.index_cast %add3A_699 : i32 to index
        %get3A_744 = arith.constant 64 : index
        %get3A_745 = tpu.vector_load %arg10[%get3A_743, %get3A_744] {strides = array<i32>} : memref<256x128xf32, #tpu.memory_space<vmem>>, vector<1x16xf32>,
        %get3A_746 = vector.shape_cast %get3A_745 : vector<1x16xf32> to vector<16xf32>
        %mul3A_747 = arith.mulf %get3A_746, %broadcast_in_dim3A_702 : vector<16xf32>
        %swap3A_748 = arith.index_cast %add3A_699 : i32 to index
        %swap3A_749 = arith.constant 64 : index
        %swap3A_750 = tpu.vector_load %arg11[%swap3A_748, %swap3A_749] {strides = array<i32>} : memref<256x96xf32, #tpu.memory_space<vmem>>, vector<1x16xf32>,
        %swap3A_751 = vector.shape_cast %swap3A_750 : vector<1x16xf32> to vector<16xf32>
        %swap3A_752 = vector.shape_cast %mul3A_747 : vector<16xf32> to vector<1x16xf32>
        tpu.vector_store %arg11[%swap3A_748, %swap3A_749], %swap3A_752 {strides = array<i32>} : memref<256x96xf32, #tpu.memory_space<vmem>>, vector<1x16xf32>,
        %get3A_753 = arith.index_cast %add3A_699 : i32 to index
        %get3A_754 = arith.constant 80 : index
        %get3A_755 = tpu.vector_load %arg10[%get3A_753, %get3A_754] {strides = array<i32>} : memref<256x128xf32, #tpu.memory_space<vmem>>, vector<1x16xf32>,
        %get3A_756 = vector.shape_cast %get3A_755 : vector<1x16xf32> to vector<16xf32>
        %mul3A_757 = arith.mulf %get3A_756, %broadcast_in_dim3A_702 : vector<16xf32>
        %swap3A_758 = arith.index_cast %add3A_699 : i32 to index
        %swap3A_759 = arith.constant 80 : index
        %swap3A_760 = tpu.vector_load %arg11[%swap3A_758, %swap3A_759] {strides = array<i32>} : memref<256x96xf32, #tpu.memory_space<vmem>>, vector<1x16xf32>,
        %swap3A_761 = vector.shape_cast %swap3A_760 : vector<1x16xf32> to vector<16xf32>
        %swap3A_762 = vector.shape_cast %mul3A_757 : vector<16xf32> to vector<1x16xf32>
        tpu.vector_store %arg11[%swap3A_758, %swap3A_759], %swap3A_762 {strides = array<i32>} : memref<256x96xf32, #tpu.memory_space<vmem>>, vector<1x16xf32>,
        %mul3A_763 = arith.constant 16 : i32
        %mul3A_764 = arith.muli %scan3A_141, %mul3A_763 : i32
        %add3A_765 = arith.constant 0 : i32
        %add3A_766 = arith.addi %add3A_765, %mul3A_764 : i32
        %add3A_767 = arith.constant 9 : i32
        %add3A_768 = arith.addi %add3A_766, %add3A_767 : i32
        %slice3A_769 = vector.extract_strided_slice %get3A_145 {offsets = [9], sizes = [1], strides = [1]} : vector<16xf32> to vector<1xf32>
        %squeeze3A_770 = vector.extract %slice3A_769[0] : f32 from vector<1xf32>
        %broadcast_in_dim3A_771 = vector.broadcast %squeeze3A_770 : f32 to vector<16xf32>
        %get3A_772 = arith.index_cast %add3A_768 : i32 to index
        %get3A_773 = arith.constant 0 : index
        %get3A_774 = tpu.vector_load %arg10[%get3A_772, %get3A_773] {strides = array<i32>} : memref<256x128xf32, #tpu.memory_space<vmem>>, vector<1x16xf32>,
        %get3A_775 = vector.shape_cast %get3A_774 : vector<1x16xf32> to vector<16xf32>
        %mul3A_776 = arith.mulf %get3A_775, %broadcast_in_dim3A_771 : vector<16xf32>
        %swap3A_777 = arith.index_cast %add3A_768 : i32 to index
        %swap3A_778 = arith.constant 0 : index
        %swap3A_779 = tpu.vector_load %arg11[%swap3A_777, %swap3A_778] {strides = array<i32>} : memref<256x96xf32, #tpu.memory_space<vmem>>, vector<1x16xf32>,
        %swap3A_780 = vector.shape_cast %swap3A_779 : vector<1x16xf32> to vector<16xf32>
        %swap3A_781 = vector.shape_cast %mul3A_776 : vector<16xf32> to vector<1x16xf32>
        tpu.vector_store %arg11[%swap3A_777, %swap3A_778], %swap3A_781 {strides = array<i32>} : memref<256x96xf32, #tpu.memory_space<vmem>>, vector<1x16xf32>,
        %get3A_782 = arith.index_cast %add3A_768 : i32 to index
        %get3A_783 = arith.constant 16 : index
        %get3A_784 = tpu.vector_load %arg10[%get3A_782, %get3A_783] {strides = array<i32>} : memref<256x128xf32, #tpu.memory_space<vmem>>, vector<1x16xf32>,
        %get3A_785 = vector.shape_cast %get3A_784 : vector<1x16xf32> to vector<16xf32>
        %mul3A_786 = arith.mulf %get3A_785, %broadcast_in_dim3A_771 : vector<16xf32>
        %swap3A_787 = arith.index_cast %add3A_768 : i32 to index
        %swap3A_788 = arith.constant 16 : index
        %swap3A_789 = tpu.vector_load %arg11[%swap3A_787, %swap3A_788] {strides = array<i32>} : memref<256x96xf32, #tpu.memory_space<vmem>>, vector<1x16xf32>,
        %swap3A_790 = vector.shape_cast %swap3A_789 : vector<1x16xf32> to vector<16xf32>
        %swap3A_791 = vector.shape_cast %mul3A_786 : vector<16xf32> to vector<1x16xf32>
        tpu.vector_store %arg11[%swap3A_787, %swap3A_788], %swap3A_791 {strides = array<i32>} : memref<256x96xf32, #tpu.memory_space<vmem>>, vector<1x16xf32>,
        %get3A_792 = arith.index_cast %add3A_768 : i32 to index
        %get3A_793 = arith.constant 32 : index
        %get3A_794 = tpu.vector_load %arg10[%get3A_792, %get3A_793] {strides = array<i32>} : memref<256x128xf32, #tpu.memory_space<vmem>>, vector<1x16xf32>,
        %get3A_795 = vector.shape_cast %get3A_794 : vector<1x16xf32> to vector<16xf32>
        %mul3A_796 = arith.mulf %get3A_795, %broadcast_in_dim3A_771 : vector<16xf32>
        %swap3A_797 = arith.index_cast %add3A_768 : i32 to index
        %swap3A_798 = arith.constant 32 : index
        %swap3A_799 = tpu.vector_load %arg11[%swap3A_797, %swap3A_798] {strides = array<i32>} : memref<256x96xf32, #tpu.memory_space<vmem>>, vector<1x16xf32>,
        %swap3A_800 = vector.shape_cast %swap3A_799 : vector<1x16xf32> to vector<16xf32>
        %swap3A_801 = vector.shape_cast %mul3A_796 : vector<16xf32> to vector<1x16xf32>
        tpu.vector_store %arg11[%swap3A_797, %swap3A_798], %swap3A_801 {strides = array<i32>} : memref<256x96xf32, #tpu.memory_space<vmem>>, vector<1x16xf32>,
        %get3A_802 = arith.index_cast %add3A_768 : i32 to index
        %get3A_803 = arith.constant 48 : index
        %get3A_804 = tpu.vector_load %arg10[%get3A_802, %get3A_803] {strides = array<i32>} : memref<256x128xf32, #tpu.memory_space<vmem>>, vector<1x16xf32>,
        %get3A_805 = vector.shape_cast %get3A_804 : vector<1x16xf32> to vector<16xf32>
        %mul3A_806 = arith.mulf %get3A_805, %broadcast_in_dim3A_771 : vector<16xf32>
        %swap3A_807 = arith.index_cast %add3A_768 : i32 to index
        %swap3A_808 = arith.constant 48 : index
        %swap3A_809 = tpu.vector_load %arg11[%swap3A_807, %swap3A_808] {strides = array<i32>} : memref<256x96xf32, #tpu.memory_space<vmem>>, vector<1x16xf32>,
        %swap3A_810 = vector.shape_cast %swap3A_809 : vector<1x16xf32> to vector<16xf32>
        %swap3A_811 = vector.shape_cast %mul3A_806 : vector<16xf32> to vector<1x16xf32>
        tpu.vector_store %arg11[%swap3A_807, %swap3A_808], %swap3A_811 {strides = array<i32>} : memref<256x96xf32, #tpu.memory_space<vmem>>, vector<1x16xf32>,
        %get3A_812 = arith.index_cast %add3A_768 : i32 to index
        %get3A_813 = arith.constant 64 : index
        %get3A_814 = tpu.vector_load %arg10[%get3A_812, %get3A_813] {strides = array<i32>} : memref<256x128xf32, #tpu.memory_space<vmem>>, vector<1x16xf32>,
        %get3A_815 = vector.shape_cast %get3A_814 : vector<1x16xf32> to vector<16xf32>
        %mul3A_816 = arith.mulf %get3A_815, %broadcast_in_dim3A_771 : vector<16xf32>
        %swap3A_817 = arith.index_cast %add3A_768 : i32 to index
        %swap3A_818 = arith.constant 64 : index
        %swap3A_819 = tpu.vector_load %arg11[%swap3A_817, %swap3A_818] {strides = array<i32>} : memref<256x96xf32, #tpu.memory_space<vmem>>, vector<1x16xf32>,
        %swap3A_820 = vector.shape_cast %swap3A_819 : vector<1x16xf32> to vector<16xf32>
        %swap3A_821 = vector.shape_cast %mul3A_816 : vector<16xf32> to vector<1x16xf32>
        tpu.vector_store %arg11[%swap3A_817, %swap3A_818], %swap3A_821 {strides = array<i32>} : memref<256x96xf32, #tpu.memory_space<vmem>>, vector<1x16xf32>,
        %get3A_822 = arith.index_cast %add3A_768 : i32 to index
        %get3A_823 = arith.constant 80 : index
        %get3A_824 = tpu.vector_load %arg10[%get3A_822, %get3A_823] {strides = array<i32>} : memref<256x128xf32, #tpu.memory_space<vmem>>, vector<1x16xf32>,
        %get3A_825 = vector.shape_cast %get3A_824 : vector<1x16xf32> to vector<16xf32>
        %mul3A_826 = arith.mulf %get3A_825, %broadcast_in_dim3A_771 : vector<16xf32>
        %swap3A_827 = arith.index_cast %add3A_768 : i32 to index
        %swap3A_828 = arith.constant 80 : index
        %swap3A_829 = tpu.vector_load %arg11[%swap3A_827, %swap3A_828] {strides = array<i32>} : memref<256x96xf32, #tpu.memory_space<vmem>>, vector<1x16xf32>,
        %swap3A_830 = vector.shape_cast %swap3A_829 : vector<1x16xf32> to vector<16xf32>
        %swap3A_831 = vector.shape_cast %mul3A_826 : vector<16xf32> to vector<1x16xf32>
        tpu.vector_store %arg11[%swap3A_827, %swap3A_828], %swap3A_831 {strides = array<i32>} : memref<256x96xf32, #tpu.memory_space<vmem>>, vector<1x16xf32>,
        %mul3A_832 = arith.constant 16 : i32
        %mul3A_833 = arith.muli %scan3A_141, %mul3A_832 : i32
        %add3A_834 = arith.constant 0 : i32
        %add3A_835 = arith.addi %add3A_834, %mul3A_833 : i32
        %add3A_836 = arith.constant 10 : i32
        %add3A_837 = arith.addi %add3A_835, %add3A_836 : i32
        %slice3A_838 = vector.extract_strided_slice %get3A_145 {offsets = [10], sizes = [1], strides = [1]} : vector<16xf32> to vector<1xf32>
        %squeeze3A_839 = vector.extract %slice3A_838[0] : f32 from vector<1xf32>
        %broadcast_in_dim3A_840 = vector.broadcast %squeeze3A_839 : f32 to vector<16xf32>
        %get3A_841 = arith.index_cast %add3A_837 : i32 to index
        %get3A_842 = arith.constant 0 : index
        %get3A_843 = tpu.vector_load %arg10[%get3A_841, %get3A_842] {strides = array<i32>} : memref<256x128xf32, #tpu.memory_space<vmem>>, vector<1x16xf32>,
        %get3A_844 = vector.shape_cast %get3A_843 : vector<1x16xf32> to vector<16xf32>
        %mul3A_845 = arith.mulf %get3A_844, %broadcast_in_dim3A_840 : vector<16xf32>
        %swap3A_846 = arith.index_cast %add3A_837 : i32 to index
        %swap3A_847 = arith.constant 0 : index
        %swap3A_848 = tpu.vector_load %arg11[%swap3A_846, %swap3A_847] {strides = array<i32>} : memref<256x96xf32, #tpu.memory_space<vmem>>, vector<1x16xf32>,
        %swap3A_849 = vector.shape_cast %swap3A_848 : vector<1x16xf32> to vector<16xf32>
        %swap3A_850 = vector.shape_cast %mul3A_845 : vector<16xf32> to vector<1x16xf32>
        tpu.vector_store %arg11[%swap3A_846, %swap3A_847], %swap3A_850 {strides = array<i32>} : memref<256x96xf32, #tpu.memory_space<vmem>>, vector<1x16xf32>,
        %get3A_851 = arith.index_cast %add3A_837 : i32 to index
        %get3A_852 = arith.constant 16 : index
        %get3A_853 = tpu.vector_load %arg10[%get3A_851, %get3A_852] {strides = array<i32>} : memref<256x128xf32, #tpu.memory_space<vmem>>, vector<1x16xf32>,
        %get3A_854 = vector.shape_cast %get3A_853 : vector<1x16xf32> to vector<16xf32>
        %mul3A_855 = arith.mulf %get3A_854, %broadcast_in_dim3A_840 : vector<16xf32>
        %swap3A_856 = arith.index_cast %add3A_837 : i32 to index
        %swap3A_857 = arith.constant 16 : index
        %swap3A_858 = tpu.vector_load %arg11[%swap3A_856, %swap3A_857] {strides = array<i32>} : memref<256x96xf32, #tpu.memory_space<vmem>>, vector<1x16xf32>,
        %swap3A_859 = vector.shape_cast %swap3A_858 : vector<1x16xf32> to vector<16xf32>
        %swap3A_860 = vector.shape_cast %mul3A_855 : vector<16xf32> to vector<1x16xf32>
        tpu.vector_store %arg11[%swap3A_856, %swap3A_857], %swap3A_860 {strides = array<i32>} : memref<256x96xf32, #tpu.memory_space<vmem>>, vector<1x16xf32>,
        %get3A_861 = arith.index_cast %add3A_837 : i32 to index
        %get3A_862 = arith.constant 32 : index
        %get3A_863 = tpu.vector_load %arg10[%get3A_861, %get3A_862] {strides = array<i32>} : memref<256x128xf32, #tpu.memory_space<vmem>>, vector<1x16xf32>,
        %get3A_864 = vector.shape_cast %get3A_863 : vector<1x16xf32> to vector<16xf32>
        %mul3A_865 = arith.mulf %get3A_864, %broadcast_in_dim3A_840 : vector<16xf32>
        %swap3A_866 = arith.index_cast %add3A_837 : i32 to index
        %swap3A_867 = arith.constant 32 : index
        %swap3A_868 = tpu.vector_load %arg11[%swap3A_866, %swap3A_867] {strides = array<i32>} : memref<256x96xf32, #tpu.memory_space<vmem>>, vector<1x16xf32>,
        %swap3A_869 = vector.shape_cast %swap3A_868 : vector<1x16xf32> to vector<16xf32>
        %swap3A_870 = vector.shape_cast %mul3A_865 : vector<16xf32> to vector<1x16xf32>
        tpu.vector_store %arg11[%swap3A_866, %swap3A_867], %swap3A_870 {strides = array<i32>} : memref<256x96xf32, #tpu.memory_space<vmem>>, vector<1x16xf32>,
        %get3A_871 = arith.index_cast %add3A_837 : i32 to index
        %get3A_872 = arith.constant 48 : index
        %get3A_873 = tpu.vector_load %arg10[%get3A_871, %get3A_872] {strides = array<i32>} : memref<256x128xf32, #tpu.memory_space<vmem>>, vector<1x16xf32>,
        %get3A_874 = vector.shape_cast %get3A_873 : vector<1x16xf32> to vector<16xf32>
        %mul3A_875 = arith.mulf %get3A_874, %broadcast_in_dim3A_840 : vector<16xf32>
        %swap3A_876 = arith.index_cast %add3A_837 : i32 to index
        %swap3A_877 = arith.constant 48 : index
        %swap3A_878 = tpu.vector_load %arg11[%swap3A_876, %swap3A_877] {strides = array<i32>} : memref<256x96xf32, #tpu.memory_space<vmem>>, vector<1x16xf32>,
        %swap3A_879 = vector.shape_cast %swap3A_878 : vector<1x16xf32> to vector<16xf32>
        %swap3A_880 = vector.shape_cast %mul3A_875 : vector<16xf32> to vector<1x16xf32>
        tpu.vector_store %arg11[%swap3A_876, %swap3A_877], %swap3A_880 {strides = array<i32>} : memref<256x96xf32, #tpu.memory_space<vmem>>, vector<1x16xf32>,
        %get3A_881 = arith.index_cast %add3A_837 : i32 to index
        %get3A_882 = arith.constant 64 : index
        %get3A_883 = tpu.vector_load %arg10[%get3A_881, %get3A_882] {strides = array<i32>} : memref<256x128xf32, #tpu.memory_space<vmem>>, vector<1x16xf32>,
        %get3A_884 = vector.shape_cast %get3A_883 : vector<1x16xf32> to vector<16xf32>
        %mul3A_885 = arith.mulf %get3A_884, %broadcast_in_dim3A_840 : vector<16xf32>
        %swap3A_886 = arith.index_cast %add3A_837 : i32 to index
        %swap3A_887 = arith.constant 64 : index
        %swap3A_888 = tpu.vector_load %arg11[%swap3A_886, %swap3A_887] {strides = array<i32>} : memref<256x96xf32, #tpu.memory_space<vmem>>, vector<1x16xf32>,
        %swap3A_889 = vector.shape_cast %swap3A_888 : vector<1x16xf32> to vector<16xf32>
        %swap3A_890 = vector.shape_cast %mul3A_885 : vector<16xf32> to vector<1x16xf32>
        tpu.vector_store %arg11[%swap3A_886, %swap3A_887], %swap3A_890 {strides = array<i32>} : memref<256x96xf32, #tpu.memory_space<vmem>>, vector<1x16xf32>,
        %get3A_891 = arith.index_cast %add3A_837 : i32 to index
        %get3A_892 = arith.constant 80 : index
        %get3A_893 = tpu.vector_load %arg10[%get3A_891, %get3A_892] {strides = array<i32>} : memref<256x128xf32, #tpu.memory_space<vmem>>, vector<1x16xf32>,
        %get3A_894 = vector.shape_cast %get3A_893 : vector<1x16xf32> to vector<16xf32>
        %mul3A_895 = arith.mulf %get3A_894, %broadcast_in_dim3A_840 : vector<16xf32>
        %swap3A_896 = arith.index_cast %add3A_837 : i32 to index
        %swap3A_897 = arith.constant 80 : index
        %swap3A_898 = tpu.vector_load %arg11[%swap3A_896, %swap3A_897] {strides = array<i32>} : memref<256x96xf32, #tpu.memory_space<vmem>>, vector<1x16xf32>,
        %swap3A_899 = vector.shape_cast %swap3A_898 : vector<1x16xf32> to vector<16xf32>
        %swap3A_900 = vector.shape_cast %mul3A_895 : vector<16xf32> to vector<1x16xf32>
        tpu.vector_store %arg11[%swap3A_896, %swap3A_897], %swap3A_900 {strides = array<i32>} : memref<256x96xf32, #tpu.memory_space<vmem>>, vector<1x16xf32>,
        %mul3A_901 = arith.constant 16 : i32
        %mul3A_902 = arith.muli %scan3A_141, %mul3A_901 : i32
        %add3A_903 = arith.constant 0 : i32
        %add3A_904 = arith.addi %add3A_903, %mul3A_902 : i32
        %add3A_905 = arith.constant 11 : i32
        %add3A_906 = arith.addi %add3A_904, %add3A_905 : i32
        %slice3A_907 = vector.extract_strided_slice %get3A_145 {offsets = [11], sizes = [1], strides = [1]} : vector<16xf32> to vector<1xf32>
        %squeeze3A_908 = vector.extract %slice3A_907[0] : f32 from vector<1xf32>
        %broadcast_in_dim3A_909 = vector.broadcast %squeeze3A_908 : f32 to vector<16xf32>
        %get3A_910 = arith.index_cast %add3A_906 : i32 to index
        %get3A_911 = arith.constant 0 : index
        %get3A_912 = tpu.vector_load %arg10[%get3A_910, %get3A_911] {strides = array<i32>} : memref<256x128xf32, #tpu.memory_space<vmem>>, vector<1x16xf32>,
        %get3A_913 = vector.shape_cast %get3A_912 : vector<1x16xf32> to vector<16xf32>
        %mul3A_914 = arith.mulf %get3A_913, %broadcast_in_dim3A_909 : vector<16xf32>
        %swap3A_915 = arith.index_cast %add3A_906 : i32 to index
        %swap3A_916 = arith.constant 0 : index
        %swap3A_917 = tpu.vector_load %arg11[%swap3A_915, %swap3A_916] {strides = array<i32>} : memref<256x96xf32, #tpu.memory_space<vmem>>, vector<1x16xf32>,
        %swap3A_918 = vector.shape_cast %swap3A_917 : vector<1x16xf32> to vector<16xf32>
        %swap3A_919 = vector.shape_cast %mul3A_914 : vector<16xf32> to vector<1x16xf32>
        tpu.vector_store %arg11[%swap3A_915, %swap3A_916], %swap3A_919 {strides = array<i32>} : memref<256x96xf32, #tpu.memory_space<vmem>>, vector<1x16xf32>,
        %get3A_920 = arith.index_cast %add3A_906 : i32 to index
        %get3A_921 = arith.constant 16 : index
        %get3A_922 = tpu.vector_load %arg10[%get3A_920, %get3A_921] {strides = array<i32>} : memref<256x128xf32, #tpu.memory_space<vmem>>, vector<1x16xf32>,
        %get3A_923 = vector.shape_cast %get3A_922 : vector<1x16xf32> to vector<16xf32>
        %mul3A_924 = arith.mulf %get3A_923, %broadcast_in_dim3A_909 : vector<16xf32>
        %swap3A_925 = arith.index_cast %add3A_906 : i32 to index
        %swap3A_926 = arith.constant 16 : index
        %swap3A_927 = tpu.vector_load %arg11[%swap3A_925, %swap3A_926] {strides = array<i32>} : memref<256x96xf32, #tpu.memory_space<vmem>>, vector<1x16xf32>,
        %swap3A_928 = vector.shape_cast %swap3A_927 : vector<1x16xf32> to vector<16xf32>
        %swap3A_929 = vector.shape_cast %mul3A_924 : vector<16xf32> to vector<1x16xf32>
        tpu.vector_store %arg11[%swap3A_925, %swap3A_926], %swap3A_929 {strides = array<i32>} : memref<256x96xf32, #tpu.memory_space<vmem>>, vector<1x16xf32>,
        %get3A_930 = arith.index_cast %add3A_906 : i32 to index
        %get3A_931 = arith.constant 32 : index
        %get3A_932 = tpu.vector_load %arg10[%get3A_930, %get3A_931] {strides = array<i32>} : memref<256x128xf32, #tpu.memory_space<vmem>>, vector<1x16xf32>,
        %get3A_933 = vector.shape_cast %get3A_932 : vector<1x16xf32> to vector<16xf32>
        %mul3A_934 = arith.mulf %get3A_933, %broadcast_in_dim3A_909 : vector<16xf32>
        %swap3A_935 = arith.index_cast %add3A_906 : i32 to index
        %swap3A_936 = arith.constant 32 : index
        %swap3A_937 = tpu.vector_load %arg11[%swap3A_935, %swap3A_936] {strides = array<i32>} : memref<256x96xf32, #tpu.memory_space<vmem>>, vector<1x16xf32>,
        %swap3A_938 = vector.shape_cast %swap3A_937 : vector<1x16xf32> to vector<16xf32>
        %swap3A_939 = vector.shape_cast %mul3A_934 : vector<16xf32> to vector<1x16xf32>
        tpu.vector_store %arg11[%swap3A_935, %swap3A_936], %swap3A_939 {strides = array<i32>} : memref<256x96xf32, #tpu.memory_space<vmem>>, vector<1x16xf32>,
        %get3A_940 = arith.index_cast %add3A_906 : i32 to index
        %get3A_941 = arith.constant 48 : index
        %get3A_942 = tpu.vector_load %arg10[%get3A_940, %get3A_941] {strides = array<i32>} : memref<256x128xf32, #tpu.memory_space<vmem>>, vector<1x16xf32>,
        %get3A_943 = vector.shape_cast %get3A_942 : vector<1x16xf32> to vector<16xf32>
        %mul3A_944 = arith.mulf %get3A_943, %broadcast_in_dim3A_909 : vector<16xf32>
        %swap3A_945 = arith.index_cast %add3A_906 : i32 to index
        %swap3A_946 = arith.constant 48 : index
        %swap3A_947 = tpu.vector_load %arg11[%swap3A_945, %swap3A_946] {strides = array<i32>} : memref<256x96xf32, #tpu.memory_space<vmem>>, vector<1x16xf32>,
        %swap3A_948 = vector.shape_cast %swap3A_947 : vector<1x16xf32> to vector<16xf32>
        %swap3A_949 = vector.shape_cast %mul3A_944 : vector<16xf32> to vector<1x16xf32>
        tpu.vector_store %arg11[%swap3A_945, %swap3A_946], %swap3A_949 {strides = array<i32>} : memref<256x96xf32, #tpu.memory_space<vmem>>, vector<1x16xf32>,
        %get3A_950 = arith.index_cast %add3A_906 : i32 to index
        %get3A_951 = arith.constant 64 : index
        %get3A_952 = tpu.vector_load %arg10[%get3A_950, %get3A_951] {strides = array<i32>} : memref<256x128xf32, #tpu.memory_space<vmem>>, vector<1x16xf32>,
        %get3A_953 = vector.shape_cast %get3A_952 : vector<1x16xf32> to vector<16xf32>
        %mul3A_954 = arith.mulf %get3A_953, %broadcast_in_dim3A_909 : vector<16xf32>
        %swap3A_955 = arith.index_cast %add3A_906 : i32 to index
        %swap3A_956 = arith.constant 64 : index
        %swap3A_957 = tpu.vector_load %arg11[%swap3A_955, %swap3A_956] {strides = array<i32>} : memref<256x96xf32, #tpu.memory_space<vmem>>, vector<1x16xf32>,
        %swap3A_958 = vector.shape_cast %swap3A_957 : vector<1x16xf32> to vector<16xf32>
        %swap3A_959 = vector.shape_cast %mul3A_954 : vector<16xf32> to vector<1x16xf32>
        tpu.vector_store %arg11[%swap3A_955, %swap3A_956], %swap3A_959 {strides = array<i32>} : memref<256x96xf32, #tpu.memory_space<vmem>>, vector<1x16xf32>,
        %get3A_960 = arith.index_cast %add3A_906 : i32 to index
        %get3A_961 = arith.constant 80 : index
        %get3A_962 = tpu.vector_load %arg10[%get3A_960, %get3A_961] {strides = array<i32>} : memref<256x128xf32, #tpu.memory_space<vmem>>, vector<1x16xf32>,
        %get3A_963 = vector.shape_cast %get3A_962 : vector<1x16xf32> to vector<16xf32>
        %mul3A_964 = arith.mulf %get3A_963, %broadcast_in_dim3A_909 : vector<16xf32>
        %swap3A_965 = arith.index_cast %add3A_906 : i32 to index
        %swap3A_966 = arith.constant 80 : index
        %swap3A_967 = tpu.vector_load %arg11[%swap3A_965, %swap3A_966] {strides = array<i32>} : memref<256x96xf32, #tpu.memory_space<vmem>>, vector<1x16xf32>,
        %swap3A_968 = vector.shape_cast %swap3A_967 : vector<1x16xf32> to vector<16xf32>
        %swap3A_969 = vector.shape_cast %mul3A_964 : vector<16xf32> to vector<1x16xf32>
        tpu.vector_store %arg11[%swap3A_965, %swap3A_966], %swap3A_969 {strides = array<i32>} : memref<256x96xf32, #tpu.memory_space<vmem>>, vector<1x16xf32>,
        %mul3A_970 = arith.constant 16 : i32
        %mul3A_971 = arith.muli %scan3A_141, %mul3A_970 : i32
        %add3A_972 = arith.constant 0 : i32
        %add3A_973 = arith.addi %add3A_972, %mul3A_971 : i32
        %add3A_974 = arith.constant 12 : i32
        %add3A_975 = arith.addi %add3A_973, %add3A_974 : i32
        %slice3A_976 = vector.extract_strided_slice %get3A_145 {offsets = [12], sizes = [1], strides = [1]} : vector<16xf32> to vector<1xf32>
        %squeeze3A_977 = vector.extract %slice3A_976[0] : f32 from vector<1xf32>
        %broadcast_in_dim3A_978 = vector.broadcast %squeeze3A_977 : f32 to vector<16xf32>
        %get3A_979 = arith.index_cast %add3A_975 : i32 to index
        %get3A_980 = arith.constant 0 : index
        %get3A_981 = tpu.vector_load %arg10[%get3A_979, %get3A_980] {strides = array<i32>} : memref<256x128xf32, #tpu.memory_space<vmem>>, vector<1x16xf32>,
        %get3A_982 = vector.shape_cast %get3A_981 : vector<1x16xf32> to vector<16xf32>
        %mul3A_983 = arith.mulf %get3A_982, %broadcast_in_dim3A_978 : vector<16xf32>
        %swap3A_984 = arith.index_cast %add3A_975 : i32 to index
        %swap3A_985 = arith.constant 0 : index
        %swap3A_986 = tpu.vector_load %arg11[%swap3A_984, %swap3A_985] {strides = array<i32>} : memref<256x96xf32, #tpu.memory_space<vmem>>, vector<1x16xf32>,
        %swap3A_987 = vector.shape_cast %swap3A_986 : vector<1x16xf32> to vector<16xf32>
        %swap3A_988 = vector.shape_cast %mul3A_983 : vector<16xf32> to vector<1x16xf32>
        tpu.vector_store %arg11[%swap3A_984, %swap3A_985], %swap3A_988 {strides = array<i32>} : memref<256x96xf32, #tpu.memory_space<vmem>>, vector<1x16xf32>,
        %get3A_989 = arith.index_cast %add3A_975 : i32 to index
        %get3A_990 = arith.constant 16 : index
        %get3A_991 = tpu.vector_load %arg10[%get3A_989, %get3A_990] {strides = array<i32>} : memref<256x128xf32, #tpu.memory_space<vmem>>, vector<1x16xf32>,
        %get3A_992 = vector.shape_cast %get3A_991 : vector<1x16xf32> to vector<16xf32>
        %mul3A_993 = arith.mulf %get3A_992, %broadcast_in_dim3A_978 : vector<16xf32>
        %swap3A_994 = arith.index_cast %add3A_975 : i32 to index
        %swap3A_995 = arith.constant 16 : index
        %swap3A_996 = tpu.vector_load %arg11[%swap3A_994, %swap3A_995] {strides = array<i32>} : memref<256x96xf32, #tpu.memory_space<vmem>>, vector<1x16xf32>,
        %swap3A_997 = vector.shape_cast %swap3A_996 : vector<1x16xf32> to vector<16xf32>
        %swap3A_998 = vector.shape_cast %mul3A_993 : vector<16xf32> to vector<1x16xf32>
        tpu.vector_store %arg11[%swap3A_994, %swap3A_995], %swap3A_998 {strides = array<i32>} : memref<256x96xf32, #tpu.memory_space<vmem>>, vector<1x16xf32>,
        %get3A_999 = arith.index_cast %add3A_975 : i32 to index
        %get3A_1000 = arith.constant 32 : index
        %get3A_1001 = tpu.vector_load %arg10[%get3A_999, %get3A_1000] {strides = array<i32>} : memref<256x128xf32, #tpu.memory_space<vmem>>, vector<1x16xf32>,
        %get3A_1002 = vector.shape_cast %get3A_1001 : vector<1x16xf32> to vector<16xf32>
        %mul3A_1003 = arith.mulf %get3A_1002, %broadcast_in_dim3A_978 : vector<16xf32>
        %swap3A_1004 = arith.index_cast %add3A_975 : i32 to index
        %swap3A_1005 = arith.constant 32 : index
        %swap3A_1006 = tpu.vector_load %arg11[%swap3A_1004, %swap3A_1005] {strides = array<i32>} : memref<256x96xf32, #tpu.memory_space<vmem>>, vector<1x16xf32>,
        %swap3A_1007 = vector.shape_cast %swap3A_1006 : vector<1x16xf32> to vector<16xf32>
        %swap3A_1008 = vector.shape_cast %mul3A_1003 : vector<16xf32> to vector<1x16xf32>
        tpu.vector_store %arg11[%swap3A_1004, %swap3A_1005], %swap3A_1008 {strides = array<i32>} : memref<256x96xf32, #tpu.memory_space<vmem>>, vector<1x16xf32>,
        %get3A_1009 = arith.index_cast %add3A_975 : i32 to index
        %get3A_1010 = arith.constant 48 : index
        %get3A_1011 = tpu.vector_load %arg10[%get3A_1009, %get3A_1010] {strides = array<i32>} : memref<256x128xf32, #tpu.memory_space<vmem>>, vector<1x16xf32>,
        %get3A_1012 = vector.shape_cast %get3A_1011 : vector<1x16xf32> to vector<16xf32>
        %mul3A_1013 = arith.mulf %get3A_1012, %broadcast_in_dim3A_978 : vector<16xf32>
        %swap3A_1014 = arith.index_cast %add3A_975 : i32 to index
        %swap3A_1015 = arith.constant 48 : index
        %swap3A_1016 = tpu.vector_load %arg11[%swap3A_1014, %swap3A_1015] {strides = array<i32>} : memref<256x96xf32, #tpu.memory_space<vmem>>, vector<1x16xf32>,
        %swap3A_1017 = vector.shape_cast %swap3A_1016 : vector<1x16xf32> to vector<16xf32>
        %swap3A_1018 = vector.shape_cast %mul3A_1013 : vector<16xf32> to vector<1x16xf32>
        tpu.vector_store %arg11[%swap3A_1014, %swap3A_1015], %swap3A_1018 {strides = array<i32>} : memref<256x96xf32, #tpu.memory_space<vmem>>, vector<1x16xf32>,
        %get3A_1019 = arith.index_cast %add3A_975 : i32 to index
        %get3A_1020 = arith.constant 64 : index
        %get3A_1021 = tpu.vector_load %arg10[%get3A_1019, %get3A_1020] {strides = array<i32>} : memref<256x128xf32, #tpu.memory_space<vmem>>, vector<1x16xf32>,
        %get3A_1022 = vector.shape_cast %get3A_1021 : vector<1x16xf32> to vector<16xf32>
        %mul3A_1023 = arith.mulf %get3A_1022, %broadcast_in_dim3A_978 : vector<16xf32>
        %swap3A_1024 = arith.index_cast %add3A_975 : i32 to index
        %swap3A_1025 = arith.constant 64 : index
        %swap3A_1026 = tpu.vector_load %arg11[%swap3A_1024, %swap3A_1025] {strides = array<i32>} : memref<256x96xf32, #tpu.memory_space<vmem>>, vector<1x16xf32>,
        %swap3A_1027 = vector.shape_cast %swap3A_1026 : vector<1x16xf32> to vector<16xf32>
        %swap3A_1028 = vector.shape_cast %mul3A_1023 : vector<16xf32> to vector<1x16xf32>
        tpu.vector_store %arg11[%swap3A_1024, %swap3A_1025], %swap3A_1028 {strides = array<i32>} : memref<256x96xf32, #tpu.memory_space<vmem>>, vector<1x16xf32>,
        %get3A_1029 = arith.index_cast %add3A_975 : i32 to index
        %get3A_1030 = arith.constant 80 : index
        %get3A_1031 = tpu.vector_load %arg10[%get3A_1029, %get3A_1030] {strides = array<i32>} : memref<256x128xf32, #tpu.memory_space<vmem>>, vector<1x16xf32>,
        %get3A_1032 = vector.shape_cast %get3A_1031 : vector<1x16xf32> to vector<16xf32>
        %mul3A_1033 = arith.mulf %get3A_1032, %broadcast_in_dim3A_978 : vector<16xf32>
        %swap3A_1034 = arith.index_cast %add3A_975 : i32 to index
        %swap3A_1035 = arith.constant 80 : index
        %swap3A_1036 = tpu.vector_load %arg11[%swap3A_1034, %swap3A_1035] {strides = array<i32>} : memref<256x96xf32, #tpu.memory_space<vmem>>, vector<1x16xf32>,
        %swap3A_1037 = vector.shape_cast %swap3A_1036 : vector<1x16xf32> to vector<16xf32>
        %swap3A_1038 = vector.shape_cast %mul3A_1033 : vector<16xf32> to vector<1x16xf32>
        tpu.vector_store %arg11[%swap3A_1034, %swap3A_1035], %swap3A_1038 {strides = array<i32>} : memref<256x96xf32, #tpu.memory_space<vmem>>, vector<1x16xf32>,
        %mul3A_1039 = arith.constant 16 : i32
        %mul3A_1040 = arith.muli %scan3A_141, %mul3A_1039 : i32
        %add3A_1041 = arith.constant 0 : i32
        %add3A_1042 = arith.addi %add3A_1041, %mul3A_1040 : i32
        %add3A_1043 = arith.constant 13 : i32
        %add3A_1044 = arith.addi %add3A_1042, %add3A_1043 : i32
        %slice3A_1045 = vector.extract_strided_slice %get3A_145 {offsets = [13], sizes = [1], strides = [1]} : vector<16xf32> to vector<1xf32>
        %squeeze3A_1046 = vector.extract %slice3A_1045[0] : f32 from vector<1xf32>
        %broadcast_in_dim3A_1047 = vector.broadcast %squeeze3A_1046 : f32 to vector<16xf32>
        %get3A_1048 = arith.index_cast %add3A_1044 : i32 to index
        %get3A_1049 = arith.constant 0 : index
        %get3A_1050 = tpu.vector_load %arg10[%get3A_1048, %get3A_1049] {strides = array<i32>} : memref<256x128xf32, #tpu.memory_space<vmem>>, vector<1x16xf32>,
        %get3A_1051 = vector.shape_cast %get3A_1050 : vector<1x16xf32> to vector<16xf32>
        %mul3A_1052 = arith.mulf %get3A_1051, %broadcast_in_dim3A_1047 : vector<16xf32>
        %swap3A_1053 = arith.index_cast %add3A_1044 : i32 to index
        %swap3A_1054 = arith.constant 0 : index
        %swap3A_1055 = tpu.vector_load %arg11[%swap3A_1053, %swap3A_1054] {strides = array<i32>} : memref<256x96xf32, #tpu.memory_space<vmem>>, vector<1x16xf32>,
        %swap3A_1056 = vector.shape_cast %swap3A_1055 : vector<1x16xf32> to vector<16xf32>
        %swap3A_1057 = vector.shape_cast %mul3A_1052 : vector<16xf32> to vector<1x16xf32>
        tpu.vector_store %arg11[%swap3A_1053, %swap3A_1054], %swap3A_1057 {strides = array<i32>} : memref<256x96xf32, #tpu.memory_space<vmem>>, vector<1x16xf32>,
        %get3A_1058 = arith.index_cast %add3A_1044 : i32 to index
        %get3A_1059 = arith.constant 16 : index
        %get3A_1060 = tpu.vector_load %arg10[%get3A_1058, %get3A_1059] {strides = array<i32>} : memref<256x128xf32, #tpu.memory_space<vmem>>, vector<1x16xf32>,
        %get3A_1061 = vector.shape_cast %get3A_1060 : vector<1x16xf32> to vector<16xf32>
        %mul3A_1062 = arith.mulf %get3A_1061, %broadcast_in_dim3A_1047 : vector<16xf32>
        %swap3A_1063 = arith.index_cast %add3A_1044 : i32 to index
        %swap3A_1064 = arith.constant 16 : index
        %swap3A_1065 = tpu.vector_load %arg11[%swap3A_1063, %swap3A_1064] {strides = array<i32>} : memref<256x96xf32, #tpu.memory_space<vmem>>, vector<1x16xf32>,
        %swap3A_1066 = vector.shape_cast %swap3A_1065 : vector<1x16xf32> to vector<16xf32>
        %swap3A_1067 = vector.shape_cast %mul3A_1062 : vector<16xf32> to vector<1x16xf32>
        tpu.vector_store %arg11[%swap3A_1063, %swap3A_1064], %swap3A_1067 {strides = array<i32>} : memref<256x96xf32, #tpu.memory_space<vmem>>, vector<1x16xf32>,
        %get3A_1068 = arith.index_cast %add3A_1044 : i32 to index
        %get3A_1069 = arith.constant 32 : index
        %get3A_1070 = tpu.vector_load %arg10[%get3A_1068, %get3A_1069] {strides = array<i32>} : memref<256x128xf32, #tpu.memory_space<vmem>>, vector<1x16xf32>,
        %get3A_1071 = vector.shape_cast %get3A_1070 : vector<1x16xf32> to vector<16xf32>
        %mul3A_1072 = arith.mulf %get3A_1071, %broadcast_in_dim3A_1047 : vector<16xf32>
        %swap3A_1073 = arith.index_cast %add3A_1044 : i32 to index
        %swap3A_1074 = arith.constant 32 : index
        %swap3A_1075 = tpu.vector_load %arg11[%swap3A_1073, %swap3A_1074] {strides = array<i32>} : memref<256x96xf32, #tpu.memory_space<vmem>>, vector<1x16xf32>,
        %swap3A_1076 = vector.shape_cast %swap3A_1075 : vector<1x16xf32> to vector<16xf32>
        %swap3A_1077 = vector.shape_cast %mul3A_1072 : vector<16xf32> to vector<1x16xf32>
        tpu.vector_store %arg11[%swap3A_1073, %swap3A_1074], %swap3A_1077 {strides = array<i32>} : memref<256x96xf32, #tpu.memory_space<vmem>>, vector<1x16xf32>,
        %get3A_1078 = arith.index_cast %add3A_1044 : i32 to index
        %get3A_1079 = arith.constant 48 : index
        %get3A_1080 = tpu.vector_load %arg10[%get3A_1078, %get3A_1079] {strides = array<i32>} : memref<256x128xf32, #tpu.memory_space<vmem>>, vector<1x16xf32>,
        %get3A_1081 = vector.shape_cast %get3A_1080 : vector<1x16xf32> to vector<16xf32>
        %mul3A_1082 = arith.mulf %get3A_1081, %broadcast_in_dim3A_1047 : vector<16xf32>
        %swap3A_1083 = arith.index_cast %add3A_1044 : i32 to index
        %swap3A_1084 = arith.constant 48 : index
        %swap3A_1085 = tpu.vector_load %arg11[%swap3A_1083, %swap3A_1084] {strides = array<i32>} : memref<256x96xf32, #tpu.memory_space<vmem>>, vector<1x16xf32>,
        %swap3A_1086 = vector.shape_cast %swap3A_1085 : vector<1x16xf32> to vector<16xf32>
        %swap3A_1087 = vector.shape_cast %mul3A_1082 : vector<16xf32> to vector<1x16xf32>
        tpu.vector_store %arg11[%swap3A_1083, %swap3A_1084], %swap3A_1087 {strides = array<i32>} : memref<256x96xf32, #tpu.memory_space<vmem>>, vector<1x16xf32>,
        %get3A_1088 = arith.index_cast %add3A_1044 : i32 to index
        %get3A_1089 = arith.constant 64 : index
        %get3A_1090 = tpu.vector_load %arg10[%get3A_1088, %get3A_1089] {strides = array<i32>} : memref<256x128xf32, #tpu.memory_space<vmem>>, vector<1x16xf32>,
        %get3A_1091 = vector.shape_cast %get3A_1090 : vector<1x16xf32> to vector<16xf32>
        %mul3A_1092 = arith.mulf %get3A_1091, %broadcast_in_dim3A_1047 : vector<16xf32>
        %swap3A_1093 = arith.index_cast %add3A_1044 : i32 to index
        %swap3A_1094 = arith.constant 64 : index
        %swap3A_1095 = tpu.vector_load %arg11[%swap3A_1093, %swap3A_1094] {strides = array<i32>} : memref<256x96xf32, #tpu.memory_space<vmem>>, vector<1x16xf32>,
        %swap3A_1096 = vector.shape_cast %swap3A_1095 : vector<1x16xf32> to vector<16xf32>
        %swap3A_1097 = vector.shape_cast %mul3A_1092 : vector<16xf32> to vector<1x16xf32>
        tpu.vector_store %arg11[%swap3A_1093, %swap3A_1094], %swap3A_1097 {strides = array<i32>} : memref<256x96xf32, #tpu.memory_space<vmem>>, vector<1x16xf32>,
        %get3A_1098 = arith.index_cast %add3A_1044 : i32 to index
        %get3A_1099 = arith.constant 80 : index
        %get3A_1100 = tpu.vector_load %arg10[%get3A_1098, %get3A_1099] {strides = array<i32>} : memref<256x128xf32, #tpu.memory_space<vmem>>, vector<1x16xf32>,
        %get3A_1101 = vector.shape_cast %get3A_1100 : vector<1x16xf32> to vector<16xf32>
        %mul3A_1102 = arith.mulf %get3A_1101, %broadcast_in_dim3A_1047 : vector<16xf32>
        %swap3A_1103 = arith.index_cast %add3A_1044 : i32 to index
        %swap3A_1104 = arith.constant 80 : index
        %swap3A_1105 = tpu.vector_load %arg11[%swap3A_1103, %swap3A_1104] {strides = array<i32>} : memref<256x96xf32, #tpu.memory_space<vmem>>, vector<1x16xf32>,
        %swap3A_1106 = vector.shape_cast %swap3A_1105 : vector<1x16xf32> to vector<16xf32>
        %swap3A_1107 = vector.shape_cast %mul3A_1102 : vector<16xf32> to vector<1x16xf32>
        tpu.vector_store %arg11[%swap3A_1103, %swap3A_1104], %swap3A_1107 {strides = array<i32>} : memref<256x96xf32, #tpu.memory_space<vmem>>, vector<1x16xf32>,
        %mul3A_1108 = arith.constant 16 : i32
        %mul3A_1109 = arith.muli %scan3A_141, %mul3A_1108 : i32
        %add3A_1110 = arith.constant 0 : i32
        %add3A_1111 = arith.addi %add3A_1110, %mul3A_1109 : i32
        %add3A_1112 = arith.constant 14 : i32
        %add3A_1113 = arith.addi %add3A_1111, %add3A_1112 : i32
        %slice3A_1114 = vector.extract_strided_slice %get3A_145 {offsets = [14], sizes = [1], strides = [1]} : vector<16xf32> to vector<1xf32>
        %squeeze3A_1115 = vector.extract %slice3A_1114[0] : f32 from vector<1xf32>
        %broadcast_in_dim3A_1116 = vector.broadcast %squeeze3A_1115 : f32 to vector<16xf32>
        %get3A_1117 = arith.index_cast %add3A_1113 : i32 to index
        %get3A_1118 = arith.constant 0 : index
        %get3A_1119 = tpu.vector_load %arg10[%get3A_1117, %get3A_1118] {strides = array<i32>} : memref<256x128xf32, #tpu.memory_space<vmem>>, vector<1x16xf32>,
        %get3A_1120 = vector.shape_cast %get3A_1119 : vector<1x16xf32> to vector<16xf32>
        %mul3A_1121 = arith.mulf %get3A_1120, %broadcast_in_dim3A_1116 : vector<16xf32>
        %swap3A_1122 = arith.index_cast %add3A_1113 : i32 to index
        %swap3A_1123 = arith.constant 0 : index
        %swap3A_1124 = tpu.vector_load %arg11[%swap3A_1122, %swap3A_1123] {strides = array<i32>} : memref<256x96xf32, #tpu.memory_space<vmem>>, vector<1x16xf32>,
        %swap3A_1125 = vector.shape_cast %swap3A_1124 : vector<1x16xf32> to vector<16xf32>
        %swap3A_1126 = vector.shape_cast %mul3A_1121 : vector<16xf32> to vector<1x16xf32>
        tpu.vector_store %arg11[%swap3A_1122, %swap3A_1123], %swap3A_1126 {strides = array<i32>} : memref<256x96xf32, #tpu.memory_space<vmem>>, vector<1x16xf32>,
        %get3A_1127 = arith.index_cast %add3A_1113 : i32 to index
        %get3A_1128 = arith.constant 16 : index
        %get3A_1129 = tpu.vector_load %arg10[%get3A_1127, %get3A_1128] {strides = array<i32>} : memref<256x128xf32, #tpu.memory_space<vmem>>, vector<1x16xf32>,
        %get3A_1130 = vector.shape_cast %get3A_1129 : vector<1x16xf32> to vector<16xf32>
        %mul3A_1131 = arith.mulf %get3A_1130, %broadcast_in_dim3A_1116 : vector<16xf32>
        %swap3A_1132 = arith.index_cast %add3A_1113 : i32 to index
        %swap3A_1133 = arith.constant 16 : index
        %swap3A_1134 = tpu.vector_load %arg11[%swap3A_1132, %swap3A_1133] {strides = array<i32>} : memref<256x96xf32, #tpu.memory_space<vmem>>, vector<1x16xf32>,
        %swap3A_1135 = vector.shape_cast %swap3A_1134 : vector<1x16xf32> to vector<16xf32>
        %swap3A_1136 = vector.shape_cast %mul3A_1131 : vector<16xf32> to vector<1x16xf32>
        tpu.vector_store %arg11[%swap3A_1132, %swap3A_1133], %swap3A_1136 {strides = array<i32>} : memref<256x96xf32, #tpu.memory_space<vmem>>, vector<1x16xf32>,
        %get3A_1137 = arith.index_cast %add3A_1113 : i32 to index
        %get3A_1138 = arith.constant 32 : index
        %get3A_1139 = tpu.vector_load %arg10[%get3A_1137, %get3A_1138] {strides = array<i32>} : memref<256x128xf32, #tpu.memory_space<vmem>>, vector<1x16xf32>,
        %get3A_1140 = vector.shape_cast %get3A_1139 : vector<1x16xf32> to vector<16xf32>
        %mul3A_1141 = arith.mulf %get3A_1140, %broadcast_in_dim3A_1116 : vector<16xf32>
        %swap3A_1142 = arith.index_cast %add3A_1113 : i32 to index
        %swap3A_1143 = arith.constant 32 : index
        %swap3A_1144 = tpu.vector_load %arg11[%swap3A_1142, %swap3A_1143] {strides = array<i32>} : memref<256x96xf32, #tpu.memory_space<vmem>>, vector<1x16xf32>,
        %swap3A_1145 = vector.shape_cast %swap3A_1144 : vector<1x16xf32> to vector<16xf32>
        %swap3A_1146 = vector.shape_cast %mul3A_1141 : vector<16xf32> to vector<1x16xf32>
        tpu.vector_store %arg11[%swap3A_1142, %swap3A_1143], %swap3A_1146 {strides = array<i32>} : memref<256x96xf32, #tpu.memory_space<vmem>>, vector<1x16xf32>,
        %get3A_1147 = arith.index_cast %add3A_1113 : i32 to index
        %get3A_1148 = arith.constant 48 : index
        %get3A_1149 = tpu.vector_load %arg10[%get3A_1147, %get3A_1148] {strides = array<i32>} : memref<256x128xf32, #tpu.memory_space<vmem>>, vector<1x16xf32>,
        %get3A_1150 = vector.shape_cast %get3A_1149 : vector<1x16xf32> to vector<16xf32>
        %mul3A_1151 = arith.mulf %get3A_1150, %broadcast_in_dim3A_1116 : vector<16xf32>
        %swap3A_1152 = arith.index_cast %add3A_1113 : i32 to index
        %swap3A_1153 = arith.constant 48 : index
        %swap3A_1154 = tpu.vector_load %arg11[%swap3A_1152, %swap3A_1153] {strides = array<i32>} : memref<256x96xf32, #tpu.memory_space<vmem>>, vector<1x16xf32>,
        %swap3A_1155 = vector.shape_cast %swap3A_1154 : vector<1x16xf32> to vector<16xf32>
        %swap3A_1156 = vector.shape_cast %mul3A_1151 : vector<16xf32> to vector<1x16xf32>
        tpu.vector_store %arg11[%swap3A_1152, %swap3A_1153], %swap3A_1156 {strides = array<i32>} : memref<256x96xf32, #tpu.memory_space<vmem>>, vector<1x16xf32>,
        %get3A_1157 = arith.index_cast %add3A_1113 : i32 to index
        %get3A_1158 = arith.constant 64 : index
        %get3A_1159 = tpu.vector_load %arg10[%get3A_1157, %get3A_1158] {strides = array<i32>} : memref<256x128xf32, #tpu.memory_space<vmem>>, vector<1x16xf32>,
        %get3A_1160 = vector.shape_cast %get3A_1159 : vector<1x16xf32> to vector<16xf32>
        %mul3A_1161 = arith.mulf %get3A_1160, %broadcast_in_dim3A_1116 : vector<16xf32>
        %swap3A_1162 = arith.index_cast %add3A_1113 : i32 to index
        %swap3A_1163 = arith.constant 64 : index
        %swap3A_1164 = tpu.vector_load %arg11[%swap3A_1162, %swap3A_1163] {strides = array<i32>} : memref<256x96xf32, #tpu.memory_space<vmem>>, vector<1x16xf32>,
        %swap3A_1165 = vector.shape_cast %swap3A_1164 : vector<1x16xf32> to vector<16xf32>
        %swap3A_1166 = vector.shape_cast %mul3A_1161 : vector<16xf32> to vector<1x16xf32>
        tpu.vector_store %arg11[%swap3A_1162, %swap3A_1163], %swap3A_1166 {strides = array<i32>} : memref<256x96xf32, #tpu.memory_space<vmem>>, vector<1x16xf32>,
        %get3A_1167 = arith.index_cast %add3A_1113 : i32 to index
        %get3A_1168 = arith.constant 80 : index
        %get3A_1169 = tpu.vector_load %arg10[%get3A_1167, %get3A_1168] {strides = array<i32>} : memref<256x128xf32, #tpu.memory_space<vmem>>, vector<1x16xf32>,
        %get3A_1170 = vector.shape_cast %get3A_1169 : vector<1x16xf32> to vector<16xf32>
        %mul3A_1171 = arith.mulf %get3A_1170, %broadcast_in_dim3A_1116 : vector<16xf32>
        %swap3A_1172 = arith.index_cast %add3A_1113 : i32 to index
        %swap3A_1173 = arith.constant 80 : index
        %swap3A_1174 = tpu.vector_load %arg11[%swap3A_1172, %swap3A_1173] {strides = array<i32>} : memref<256x96xf32, #tpu.memory_space<vmem>>, vector<1x16xf32>,
        %swap3A_1175 = vector.shape_cast %swap3A_1174 : vector<1x16xf32> to vector<16xf32>
        %swap3A_1176 = vector.shape_cast %mul3A_1171 : vector<16xf32> to vector<1x16xf32>
        tpu.vector_store %arg11[%swap3A_1172, %swap3A_1173], %swap3A_1176 {strides = array<i32>} : memref<256x96xf32, #tpu.memory_space<vmem>>, vector<1x16xf32>,
        %mul3A_1177 = arith.constant 16 : i32
        %mul3A_1178 = arith.muli %scan3A_141, %mul3A_1177 : i32
        %add3A_1179 = arith.constant 0 : i32
        %add3A_1180 = arith.addi %add3A_1179, %mul3A_1178 : i32
        %add3A_1181 = arith.constant 15 : i32
        %add3A_1182 = arith.addi %add3A_1180, %add3A_1181 : i32
        %slice3A_1183 = vector.extract_strided_slice %get3A_145 {offsets = [15], sizes = [1], strides = [1]} : vector<16xf32> to vector<1xf32>
        %squeeze3A_1184 = vector.extract %slice3A_1183[0] : f32 from vector<1xf32>
        %broadcast_in_dim3A_1185 = vector.broadcast %squeeze3A_1184 : f32 to vector<16xf32>
        %get3A_1186 = arith.index_cast %add3A_1182 : i32 to index
        %get3A_1187 = arith.constant 0 : index
        %get3A_1188 = tpu.vector_load %arg10[%get3A_1186, %get3A_1187] {strides = array<i32>} : memref<256x128xf32, #tpu.memory_space<vmem>>, vector<1x16xf32>,
        %get3A_1189 = vector.shape_cast %get3A_1188 : vector<1x16xf32> to vector<16xf32>
        %mul3A_1190 = arith.mulf %get3A_1189, %broadcast_in_dim3A_1185 : vector<16xf32>
        %swap3A_1191 = arith.index_cast %add3A_1182 : i32 to index
        %swap3A_1192 = arith.constant 0 : index
        %swap3A_1193 = tpu.vector_load %arg11[%swap3A_1191, %swap3A_1192] {strides = array<i32>} : memref<256x96xf32, #tpu.memory_space<vmem>>, vector<1x16xf32>,
        %swap3A_1194 = vector.shape_cast %swap3A_1193 : vector<1x16xf32> to vector<16xf32>
        %swap3A_1195 = vector.shape_cast %mul3A_1190 : vector<16xf32> to vector<1x16xf32>
        tpu.vector_store %arg11[%swap3A_1191, %swap3A_1192], %swap3A_1195 {strides = array<i32>} : memref<256x96xf32, #tpu.memory_space<vmem>>, vector<1x16xf32>,
        %get3A_1196 = arith.index_cast %add3A_1182 : i32 to index
        %get3A_1197 = arith.constant 16 : index
        %get3A_1198 = tpu.vector_load %arg10[%get3A_1196, %get3A_1197] {strides = array<i32>} : memref<256x128xf32, #tpu.memory_space<vmem>>, vector<1x16xf32>,
        %get3A_1199 = vector.shape_cast %get3A_1198 : vector<1x16xf32> to vector<16xf32>
        %mul3A_1200 = arith.mulf %get3A_1199, %broadcast_in_dim3A_1185 : vector<16xf32>
        %swap3A_1201 = arith.index_cast %add3A_1182 : i32 to index
        %swap3A_1202 = arith.constant 16 : index
        %swap3A_1203 = tpu.vector_load %arg11[%swap3A_1201, %swap3A_1202] {strides = array<i32>} : memref<256x96xf32, #tpu.memory_space<vmem>>, vector<1x16xf32>,
        %swap3A_1204 = vector.shape_cast %swap3A_1203 : vector<1x16xf32> to vector<16xf32>
        %swap3A_1205 = vector.shape_cast %mul3A_1200 : vector<16xf32> to vector<1x16xf32>
        tpu.vector_store %arg11[%swap3A_1201, %swap3A_1202], %swap3A_1205 {strides = array<i32>} : memref<256x96xf32, #tpu.memory_space<vmem>>, vector<1x16xf32>,
        %get3A_1206 = arith.index_cast %add3A_1182 : i32 to index
        %get3A_1207 = arith.constant 32 : index
        %get3A_1208 = tpu.vector_load %arg10[%get3A_1206, %get3A_1207] {strides = array<i32>} : memref<256x128xf32, #tpu.memory_space<vmem>>, vector<1x16xf32>,
        %get3A_1209 = vector.shape_cast %get3A_1208 : vector<1x16xf32> to vector<16xf32>
        %mul3A_1210 = arith.mulf %get3A_1209, %broadcast_in_dim3A_1185 : vector<16xf32>
        %swap3A_1211 = arith.index_cast %add3A_1182 : i32 to index
        %swap3A_1212 = arith.constant 32 : index
        %swap3A_1213 = tpu.vector_load %arg11[%swap3A_1211, %swap3A_1212] {strides = array<i32>} : memref<256x96xf32, #tpu.memory_space<vmem>>, vector<1x16xf32>,
        %swap3A_1214 = vector.shape_cast %swap3A_1213 : vector<1x16xf32> to vector<16xf32>
        %swap3A_1215 = vector.shape_cast %mul3A_1210 : vector<16xf32> to vector<1x16xf32>
        tpu.vector_store %arg11[%swap3A_1211, %swap3A_1212], %swap3A_1215 {strides = array<i32>} : memref<256x96xf32, #tpu.memory_space<vmem>>, vector<1x16xf32>,
        %get3A_1216 = arith.index_cast %add3A_1182 : i32 to index
        %get3A_1217 = arith.constant 48 : index
        %get3A_1218 = tpu.vector_load %arg10[%get3A_1216, %get3A_1217] {strides = array<i32>} : memref<256x128xf32, #tpu.memory_space<vmem>>, vector<1x16xf32>,
        %get3A_1219 = vector.shape_cast %get3A_1218 : vector<1x16xf32> to vector<16xf32>
        %mul3A_1220 = arith.mulf %get3A_1219, %broadcast_in_dim3A_1185 : vector<16xf32>
        %swap3A_1221 = arith.index_cast %add3A_1182 : i32 to index
        %swap3A_1222 = arith.constant 48 : index
        %swap3A_1223 = tpu.vector_load %arg11[%swap3A_1221, %swap3A_1222] {strides = array<i32>} : memref<256x96xf32, #tpu.memory_space<vmem>>, vector<1x16xf32>,
        %swap3A_1224 = vector.shape_cast %swap3A_1223 : vector<1x16xf32> to vector<16xf32>
        %swap3A_1225 = vector.shape_cast %mul3A_1220 : vector<16xf32> to vector<1x16xf32>
        tpu.vector_store %arg11[%swap3A_1221, %swap3A_1222], %swap3A_1225 {strides = array<i32>} : memref<256x96xf32, #tpu.memory_space<vmem>>, vector<1x16xf32>,
        %get3A_1226 = arith.index_cast %add3A_1182 : i32 to index
        %get3A_1227 = arith.constant 64 : index
        %get3A_1228 = tpu.vector_load %arg10[%get3A_1226, %get3A_1227] {strides = array<i32>} : memref<256x128xf32, #tpu.memory_space<vmem>>, vector<1x16xf32>,
        %get3A_1229 = vector.shape_cast %get3A_1228 : vector<1x16xf32> to vector<16xf32>
        %mul3A_1230 = arith.mulf %get3A_1229, %broadcast_in_dim3A_1185 : vector<16xf32>
        %swap3A_1231 = arith.index_cast %add3A_1182 : i32 to index
        %swap3A_1232 = arith.constant 64 : index
        %swap3A_1233 = tpu.vector_load %arg11[%swap3A_1231, %swap3A_1232] {strides = array<i32>} : memref<256x96xf32, #tpu.memory_space<vmem>>, vector<1x16xf32>,
        %swap3A_1234 = vector.shape_cast %swap3A_1233 : vector<1x16xf32> to vector<16xf32>
        %swap3A_1235 = vector.shape_cast %mul3A_1230 : vector<16xf32> to vector<1x16xf32>
        tpu.vector_store %arg11[%swap3A_1231, %swap3A_1232], %swap3A_1235 {strides = array<i32>} : memref<256x96xf32, #tpu.memory_space<vmem>>, vector<1x16xf32>,
        %get3A_1236 = arith.index_cast %add3A_1182 : i32 to index
        %get3A_1237 = arith.constant 80 : index
        %get3A_1238 = tpu.vector_load %arg10[%get3A_1236, %get3A_1237] {strides = array<i32>} : memref<256x128xf32, #tpu.memory_space<vmem>>, vector<1x16xf32>,
        %get3A_1239 = vector.shape_cast %get3A_1238 : vector<1x16xf32> to vector<16xf32>
        %mul3A_1240 = arith.mulf %get3A_1239, %broadcast_in_dim3A_1185 : vector<16xf32>
        %swap3A_1241 = arith.index_cast %add3A_1182 : i32 to index
        %swap3A_1242 = arith.constant 80 : index
        %swap3A_1243 = tpu.vector_load %arg11[%swap3A_1241, %swap3A_1242] {strides = array<i32>} : memref<256x96xf32, #tpu.memory_space<vmem>>, vector<1x16xf32>,
        %swap3A_1244 = vector.shape_cast %swap3A_1243 : vector<1x16xf32> to vector<16xf32>
        %swap3A_1245 = vector.shape_cast %mul3A_1240 : vector<16xf32> to vector<1x16xf32>
        tpu.vector_store %arg11[%swap3A_1241, %swap3A_1242], %swap3A_1245 {strides = array<i32>} : memref<256x96xf32, #tpu.memory_space<vmem>>, vector<1x16xf32>,
      }
      %scan3A_74 = arith.constant 8 : i32
      %mul3A_75 = arith.constant 128 : i32
      %mul3A_76 = arith.muli %mul3A_58, %mul3A_75 : i32
      %add3A_77 = arith.addi %mul3A_2, %mul3A_76 : i32
      %dma_start3A_78 = arith.constant 0 : i32
      %dma_start3A_79 = arith.constant 0 : i32
      %dma_start3A_80 = tpu.memref_slice %arg11[%dma_start3A_78, %dma_start3A_79] : memref<256x96xf32, #tpu.memory_space<vmem>> -> memref<128x96xf32, #tpu.memory_space<vmem>>
      %dma_start3A_81 = arith.constant 0 : i32
      %dma_start3A_82 = tpu.memref_slice %arg5[%add3A_77, %dma_start3A_81] : memref<589824x96xf32, #tpu.memory_space<hbm>> -> memref<128x96xf32, #tpu.memory_space<hbm>>
      %dma_start3A_83 = arith.constant 0 : i32
      %dma_start3A_84 = tpu.memref_slice %arg5[%add3A_77, %dma_start3A_83] : memref<589824x96xf32, #tpu.memory_space<hbm>> -> memref<128x96xf32, #tpu.memory_space<hbm>>
      %dma_start3A_85 = arith.constant 0 : i32
      %dma_start3A_86 = arith.constant 0 : i32
      %dma_start3A_87 = tpu.memref_slice %arg11[%dma_start3A_85, %dma_start3A_86] : memref<256x96xf32, #tpu.memory_space<vmem>> -> memref<128x96xf32, #tpu.memory_space<vmem>>
      tpu.enqueue_dma source(%dma_start3A_87 : memref<128x96xf32, #tpu.memory_space<vmem>>) target(%dma_start3A_84 : memref<128x96xf32, #tpu.memory_space<hbm>>) target_semaphore(%arg15 : memref<!tpu.dma_semaphore, #tpu.memory_space<semaphore_mem>>)
      %mul3A_88 = arith.constant 128 : i32
      %mul3A_89 = arith.muli %add3A_60, %mul3A_88 : i32
      %add3A_90 = arith.addi %mul3A_2, %mul3A_89 : i32
      %dma_wait3A_91 = tpu.memref_slice %arg3[%add3A_90] : memref<589824xi32, #tpu.memory_space<hbm>> -> memref<128xi32, #tpu.memory_space<hbm>>
      %dma_wait3A_92 = tpu.memref_slice %arg3[%add3A_90] : memref<589824xi32, #tpu.memory_space<hbm>> -> memref<128xi32, #tpu.memory_space<hbm>>
      tpu.wait_dma2 semaphore(%arg13 : memref<!tpu.dma_semaphore, #tpu.memory_space<semaphore_mem>>) src(%dma_wait3A_92 : memref<128xi32, #tpu.memory_space<hbm>>) dst(%arg7 : memref<128xi32, #tpu.memory_space<vmem>>)
      %dma_wait3A_93 = tpu.memref_slice %arg4[%add3A_90] : memref<589824xf32, #tpu.memory_space<hbm>> -> memref<128xf32, #tpu.memory_space<hbm>>
      %dma_wait3A_94 = tpu.memref_slice %arg4[%add3A_90] : memref<589824xf32, #tpu.memory_space<hbm>> -> memref<128xf32, #tpu.memory_space<hbm>>
      tpu.wait_dma2 semaphore(%arg13 : memref<!tpu.dma_semaphore, #tpu.memory_space<semaphore_mem>>) src(%dma_wait3A_94 : memref<128xf32, #tpu.memory_space<hbm>>) dst(%arg9 : memref<128xf32, #tpu.memory_space<vmem>>)
      %ge3A = arith.constant 1 : i32
      %ge3A_95 = arith.cmpi sge, %scan3A_56, %ge3A : i32
      %convert_element_type3A = arith.extui %ge3A_95 : i1 to i32
      %cond3A = arith.constant 0 : i32
      %cond3A_96 = arith.cmpi ne, %convert_element_type3A, %cond3A : i32
      scf.if %cond3A_96 {
        %sub3A = arith.constant 1 : i32
        %sub3A_141 = arith.subi %mul3A_58, %sub3A : i32
        %mul3A_142 = arith.constant 128 : i32
        %mul3A_143 = arith.muli %sub3A_141, %mul3A_142 : i32
        %add3A_144 = arith.addi %mul3A_2, %mul3A_143 : i32
        %dma_wait3A_145 = arith.constant 128 : i32
        %dma_wait3A_146 = arith.constant 0 : i32
        %dma_wait3A_147 = tpu.memref_slice %arg11[%dma_wait3A_145, %dma_wait3A_146] : memref<256x96xf32, #tpu.memory_space<vmem>> -> memref<128x96xf32, #tpu.memory_space<vmem>>
        %dma_wait3A_148 = arith.constant 0 : i32
        %dma_wait3A_149 = tpu.memref_slice %arg5[%add3A_144, %dma_wait3A_148] : memref<589824x96xf32, #tpu.memory_space<hbm>> -> memref<128x96xf32, #tpu.memory_space<hbm>>
        %dma_wait3A_150 = arith.constant 0 : i32
        %dma_wait3A_151 = tpu.memref_slice %arg5[%add3A_144, %dma_wait3A_150] : memref<589824x96xf32, #tpu.memory_space<hbm>> -> memref<128x96xf32, #tpu.memory_space<hbm>>
        %dma_wait3A_152 = arith.constant 128 : i32
        %dma_wait3A_153 = arith.constant 0 : i32
        %dma_wait3A_154 = tpu.memref_slice %arg11[%dma_wait3A_152, %dma_wait3A_153] : memref<256x96xf32, #tpu.memory_space<vmem>> -> memref<128x96xf32, #tpu.memory_space<vmem>>
        tpu.wait_dma2 semaphore(%arg15 : memref<!tpu.dma_semaphore, #tpu.memory_space<semaphore_mem>>) src(%dma_wait3A_154 : memref<128x96xf32, #tpu.memory_space<vmem>>) dst(%dma_wait3A_151 : memref<128x96xf32, #tpu.memory_space<hbm>>)
      } else {
      }
      %dma_start3A_97 = arith.constant 128 : i32
      %dma_start3A_98 = arith.constant 0 : i32
      %dma_start3A_99 = tpu.memref_slice %arg10[%dma_start3A_97, %dma_start3A_98] : memref<256x128xf32, #tpu.memory_space<vmem>> -> memref<128x128xf32, #tpu.memory_space<vmem>>
      %dma_start3A_100 = arith.constant 0 : i32
      %dma_start3A_101 = tpu.memref_slice %arg7[%dma_start3A_100] : memref<128xi32, #tpu.memory_space<vmem>> -> memref<128xi32, #tpu.memory_space<vmem>>
      %dma_start3A_102 = arith.constant 0 : i32
      %dma_start3A_103 = arith.constant 0 : i32
      %dma_start3A_104 = tpu.memref_slice %arg2[%dma_start3A_102, %dma_start3A_103] : memref<589824x128xf32, #tpu.memory_space<hbm>> -> memref<589824x128xf32, #tpu.memory_space<hbm>>
      tpu.enqueue_indirect_dma source(%dma_start3A_104 : memref<589824x128xf32, #tpu.memory_space<hbm>>) target(%dma_start3A_99 : memref<128x128xf32, #tpu.memory_space<vmem>>) offsets(%dma_start3A_101 : memref<128xi32, #tpu.memory_space<vmem>>) semaphore(%arg14 : memref<!tpu.dma_semaphore, #tpu.memory_space<semaphore_mem>>)
      %lt3A = arith.constant 71 : i32
      %lt3A_105 = arith.cmpi slt, %scan3A_56, %lt3A : i32
      %convert_element_type3A_106 = arith.extui %lt3A_105 : i1 to i32
      %cond3A_107 = arith.constant 0 : i32
      %cond3A_108 = arith.cmpi ne, %convert_element_type3A_106, %cond3A_107 : i32
      scf.if %cond3A_108 {
        %add3A_141 = arith.constant 2 : i32
        %add3A_142 = arith.addi %mul3A_58, %add3A_141 : i32
        %mul3A_143 = arith.constant 128 : i32
        %mul3A_144 = arith.muli %add3A_142, %mul3A_143 : i32
        %add3A_145 = arith.addi %mul3A_2, %mul3A_144 : i32
        %dma_start3A_146 = tpu.memref_slice %arg3[%add3A_145] : memref<589824xi32, #tpu.memory_space<hbm>> -> memref<128xi32, #tpu.memory_space<hbm>>
        %dma_start3A_147 = tpu.memref_slice %arg3[%add3A_145] : memref<589824xi32, #tpu.memory_space<hbm>> -> memref<128xi32, #tpu.memory_space<hbm>>
        tpu.enqueue_dma source(%dma_start3A_147 : memref<128xi32, #tpu.memory_space<hbm>>) target(%arg6 : memref<128xi32, #tpu.memory_space<vmem>>) target_semaphore(%arg12 : memref<!tpu.dma_semaphore, #tpu.memory_space<semaphore_mem>>)
        %dma_start3A_148 = tpu.memref_slice %arg4[%add3A_145] : memref<589824xf32, #tpu.memory_space<hbm>> -> memref<128xf32, #tpu.memory_space<hbm>>
        %dma_start3A_149 = tpu.memref_slice %arg4[%add3A_145] : memref<589824xf32, #tpu.memory_space<hbm>> -> memref<128xf32, #tpu.memory_space<hbm>>
        tpu.enqueue_dma source(%dma_start3A_149 : memref<128xf32, #tpu.memory_space<hbm>>) target(%arg8 : memref<128xf32, #tpu.memory_space<vmem>>) target_semaphore(%arg12 : memref<!tpu.dma_semaphore, #tpu.memory_space<semaphore_mem>>)
      } else {
      }
      %dma_wait3A_109 = arith.constant 128 : i32
      %dma_wait3A_110 = arith.constant 0 : i32
      %dma_wait3A_111 = tpu.memref_slice %arg10[%dma_wait3A_109, %dma_wait3A_110] : memref<256x128xf32, #tpu.memory_space<vmem>> -> memref<128x128xf32, #tpu.memory_space<vmem>>
      %dma_wait3A_112 = arith.constant 0 : i32
      %dma_wait3A_113 = tpu.memref_slice %arg7[%dma_wait3A_112] : memref<128xi32, #tpu.memory_space<vmem>> -> memref<128xi32, #tpu.memory_space<vmem>>
      %dma_wait3A_114 = arith.constant 0 : i32
      %dma_wait3A_115 = arith.constant 0 : i32
      %dma_wait3A_116 = tpu.memref_slice %arg2[%dma_wait3A_114, %dma_wait3A_115] : memref<589824x128xf32, #tpu.memory_space<hbm>> -> memref<589824x128xf32, #tpu.memory_space<hbm>>
      tpu.wait_indirect_dma semaphore(%arg14 : memref<!tpu.dma_semaphore, #tpu.memory_space<semaphore_mem>>) src(%dma_wait3A_116 : memref<589824x128xf32, #tpu.memory_space<hbm>>) dst(%dma_wait3A_111 : memref<128x128xf32, #tpu.memory_space<vmem>>)
      %scan3A_117 = arith.constant 0 : i32
      %scan3A_118 = arith.constant 0 : i32
      %scan3A_119 = arith.constant 8 : i32
      %scan3A_120 = arith.addi %scan3A_118, %scan3A_119 : i32
      %scan3A_121 = arith.constant 1 : i32
      scf.for %scan3A_141 = %scan3A_118 to %scan3A_120 step %scan3A_121  : i32 {
        %mul3A_142 = arith.constant 16 : i32
        %mul3A_143 = arith.muli %scan3A_141, %mul3A_142 : i32
        %get3A = arith.index_cast %mul3A_143 : i32 to index
        %get3A_144 = tpu.vector_load %arg9[%get3A] {strides = array<i32>} : memref<128xf32, #tpu.memory_space<vmem>>, vector<16xf32>,
        %get3A_145 = vector.shape_cast %get3A_144 : vector<16xf32> to vector<16xf32>
        %mul3A_146 = arith.constant 16 : i32
        %mul3A_147 = arith.muli %scan3A_141, %mul3A_146 : i32
        %add3A_148 = arith.constant 128 : i32
        %add3A_149 = arith.addi %add3A_148, %mul3A_147 : i32
        %add3A_150 = arith.constant 0 : i32
        %add3A_151 = arith.addi %add3A_149, %add3A_150 : i32
        %slice3A = vector.extract_strided_slice %get3A_145 {offsets = [0], sizes = [1], strides = [1]} : vector<16xf32> to vector<1xf32>
        %squeeze3A = vector.extract %slice3A[0] : f32 from vector<1xf32>
        %broadcast_in_dim3A = vector.broadcast %squeeze3A : f32 to vector<16xf32>
        %get3A_152 = arith.index_cast %add3A_151 : i32 to index
        %get3A_153 = arith.constant 0 : index
        %get3A_154 = tpu.vector_load %arg10[%get3A_152, %get3A_153] {strides = array<i32>} : memref<256x128xf32, #tpu.memory_space<vmem>>, vector<1x16xf32>,
        %get3A_155 = vector.shape_cast %get3A_154 : vector<1x16xf32> to vector<16xf32>
        %mul3A_156 = arith.mulf %get3A_155, %broadcast_in_dim3A : vector<16xf32>
        %swap3A = arith.index_cast %add3A_151 : i32 to index
        %swap3A_157 = arith.constant 0 : index
        %swap3A_158 = tpu.vector_load %arg11[%swap3A, %swap3A_157] {strides = array<i32>} : memref<256x96xf32, #tpu.memory_space<vmem>>, vector<1x16xf32>,
        %swap3A_159 = vector.shape_cast %swap3A_158 : vector<1x16xf32> to vector<16xf32>
        %swap3A_160 = vector.shape_cast %mul3A_156 : vector<16xf32> to vector<1x16xf32>
        tpu.vector_store %arg11[%swap3A, %swap3A_157], %swap3A_160 {strides = array<i32>} : memref<256x96xf32, #tpu.memory_space<vmem>>, vector<1x16xf32>,
        %get3A_161 = arith.index_cast %add3A_151 : i32 to index
        %get3A_162 = arith.constant 16 : index
        %get3A_163 = tpu.vector_load %arg10[%get3A_161, %get3A_162] {strides = array<i32>} : memref<256x128xf32, #tpu.memory_space<vmem>>, vector<1x16xf32>,
        %get3A_164 = vector.shape_cast %get3A_163 : vector<1x16xf32> to vector<16xf32>
        %mul3A_165 = arith.mulf %get3A_164, %broadcast_in_dim3A : vector<16xf32>
        %swap3A_166 = arith.index_cast %add3A_151 : i32 to index
        %swap3A_167 = arith.constant 16 : index
        %swap3A_168 = tpu.vector_load %arg11[%swap3A_166, %swap3A_167] {strides = array<i32>} : memref<256x96xf32, #tpu.memory_space<vmem>>, vector<1x16xf32>,
        %swap3A_169 = vector.shape_cast %swap3A_168 : vector<1x16xf32> to vector<16xf32>
        %swap3A_170 = vector.shape_cast %mul3A_165 : vector<16xf32> to vector<1x16xf32>
        tpu.vector_store %arg11[%swap3A_166, %swap3A_167], %swap3A_170 {strides = array<i32>} : memref<256x96xf32, #tpu.memory_space<vmem>>, vector<1x16xf32>,
        %get3A_171 = arith.index_cast %add3A_151 : i32 to index
        %get3A_172 = arith.constant 32 : index
        %get3A_173 = tpu.vector_load %arg10[%get3A_171, %get3A_172] {strides = array<i32>} : memref<256x128xf32, #tpu.memory_space<vmem>>, vector<1x16xf32>,
        %get3A_174 = vector.shape_cast %get3A_173 : vector<1x16xf32> to vector<16xf32>
        %mul3A_175 = arith.mulf %get3A_174, %broadcast_in_dim3A : vector<16xf32>
        %swap3A_176 = arith.index_cast %add3A_151 : i32 to index
        %swap3A_177 = arith.constant 32 : index
        %swap3A_178 = tpu.vector_load %arg11[%swap3A_176, %swap3A_177] {strides = array<i32>} : memref<256x96xf32, #tpu.memory_space<vmem>>, vector<1x16xf32>,
        %swap3A_179 = vector.shape_cast %swap3A_178 : vector<1x16xf32> to vector<16xf32>
        %swap3A_180 = vector.shape_cast %mul3A_175 : vector<16xf32> to vector<1x16xf32>
        tpu.vector_store %arg11[%swap3A_176, %swap3A_177], %swap3A_180 {strides = array<i32>} : memref<256x96xf32, #tpu.memory_space<vmem>>, vector<1x16xf32>,
        %get3A_181 = arith.index_cast %add3A_151 : i32 to index
        %get3A_182 = arith.constant 48 : index
        %get3A_183 = tpu.vector_load %arg10[%get3A_181, %get3A_182] {strides = array<i32>} : memref<256x128xf32, #tpu.memory_space<vmem>>, vector<1x16xf32>,
        %get3A_184 = vector.shape_cast %get3A_183 : vector<1x16xf32> to vector<16xf32>
        %mul3A_185 = arith.mulf %get3A_184, %broadcast_in_dim3A : vector<16xf32>
        %swap3A_186 = arith.index_cast %add3A_151 : i32 to index
        %swap3A_187 = arith.constant 48 : index
        %swap3A_188 = tpu.vector_load %arg11[%swap3A_186, %swap3A_187] {strides = array<i32>} : memref<256x96xf32, #tpu.memory_space<vmem>>, vector<1x16xf32>,
        %swap3A_189 = vector.shape_cast %swap3A_188 : vector<1x16xf32> to vector<16xf32>
        %swap3A_190 = vector.shape_cast %mul3A_185 : vector<16xf32> to vector<1x16xf32>
        tpu.vector_store %arg11[%swap3A_186, %swap3A_187], %swap3A_190 {strides = array<i32>} : memref<256x96xf32, #tpu.memory_space<vmem>>, vector<1x16xf32>,
        %get3A_191 = arith.index_cast %add3A_151 : i32 to index
        %get3A_192 = arith.constant 64 : index
        %get3A_193 = tpu.vector_load %arg10[%get3A_191, %get3A_192] {strides = array<i32>} : memref<256x128xf32, #tpu.memory_space<vmem>>, vector<1x16xf32>,
        %get3A_194 = vector.shape_cast %get3A_193 : vector<1x16xf32> to vector<16xf32>
        %mul3A_195 = arith.mulf %get3A_194, %broadcast_in_dim3A : vector<16xf32>
        %swap3A_196 = arith.index_cast %add3A_151 : i32 to index
        %swap3A_197 = arith.constant 64 : index
        %swap3A_198 = tpu.vector_load %arg11[%swap3A_196, %swap3A_197] {strides = array<i32>} : memref<256x96xf32, #tpu.memory_space<vmem>>, vector<1x16xf32>,
        %swap3A_199 = vector.shape_cast %swap3A_198 : vector<1x16xf32> to vector<16xf32>
        %swap3A_200 = vector.shape_cast %mul3A_195 : vector<16xf32> to vector<1x16xf32>
        tpu.vector_store %arg11[%swap3A_196, %swap3A_197], %swap3A_200 {strides = array<i32>} : memref<256x96xf32, #tpu.memory_space<vmem>>, vector<1x16xf32>,
        %get3A_201 = arith.index_cast %add3A_151 : i32 to index
        %get3A_202 = arith.constant 80 : index
        %get3A_203 = tpu.vector_load %arg10[%get3A_201, %get3A_202] {strides = array<i32>} : memref<256x128xf32, #tpu.memory_space<vmem>>, vector<1x16xf32>,
        %get3A_204 = vector.shape_cast %get3A_203 : vector<1x16xf32> to vector<16xf32>
        %mul3A_205 = arith.mulf %get3A_204, %broadcast_in_dim3A : vector<16xf32>
        %swap3A_206 = arith.index_cast %add3A_151 : i32 to index
        %swap3A_207 = arith.constant 80 : index
        %swap3A_208 = tpu.vector_load %arg11[%swap3A_206, %swap3A_207] {strides = array<i32>} : memref<256x96xf32, #tpu.memory_space<vmem>>, vector<1x16xf32>,
        %swap3A_209 = vector.shape_cast %swap3A_208 : vector<1x16xf32> to vector<16xf32>
        %swap3A_210 = vector.shape_cast %mul3A_205 : vector<16xf32> to vector<1x16xf32>
        tpu.vector_store %arg11[%swap3A_206, %swap3A_207], %swap3A_210 {strides = array<i32>} : memref<256x96xf32, #tpu.memory_space<vmem>>, vector<1x16xf32>,
        %mul3A_211 = arith.constant 16 : i32
        %mul3A_212 = arith.muli %scan3A_141, %mul3A_211 : i32
        %add3A_213 = arith.constant 128 : i32
        %add3A_214 = arith.addi %add3A_213, %mul3A_212 : i32
        %add3A_215 = arith.constant 1 : i32
        %add3A_216 = arith.addi %add3A_214, %add3A_215 : i32
        %slice3A_217 = vector.extract_strided_slice %get3A_145 {offsets = [1], sizes = [1], strides = [1]} : vector<16xf32> to vector<1xf32>
        %squeeze3A_218 = vector.extract %slice3A_217[0] : f32 from vector<1xf32>
        %broadcast_in_dim3A_219 = vector.broadcast %squeeze3A_218 : f32 to vector<16xf32>
        %get3A_220 = arith.index_cast %add3A_216 : i32 to index
        %get3A_221 = arith.constant 0 : index
        %get3A_222 = tpu.vector_load %arg10[%get3A_220, %get3A_221] {strides = array<i32>} : memref<256x128xf32, #tpu.memory_space<vmem>>, vector<1x16xf32>,
        %get3A_223 = vector.shape_cast %get3A_222 : vector<1x16xf32> to vector<16xf32>
        %mul3A_224 = arith.mulf %get3A_223, %broadcast_in_dim3A_219 : vector<16xf32>
        %swap3A_225 = arith.index_cast %add3A_216 : i32 to index
        %swap3A_226 = arith.constant 0 : index
        %swap3A_227 = tpu.vector_load %arg11[%swap3A_225, %swap3A_226] {strides = array<i32>} : memref<256x96xf32, #tpu.memory_space<vmem>>, vector<1x16xf32>,
        %swap3A_228 = vector.shape_cast %swap3A_227 : vector<1x16xf32> to vector<16xf32>
        %swap3A_229 = vector.shape_cast %mul3A_224 : vector<16xf32> to vector<1x16xf32>
        tpu.vector_store %arg11[%swap3A_225, %swap3A_226], %swap3A_229 {strides = array<i32>} : memref<256x96xf32, #tpu.memory_space<vmem>>, vector<1x16xf32>,
        %get3A_230 = arith.index_cast %add3A_216 : i32 to index
        %get3A_231 = arith.constant 16 : index
        %get3A_232 = tpu.vector_load %arg10[%get3A_230, %get3A_231] {strides = array<i32>} : memref<256x128xf32, #tpu.memory_space<vmem>>, vector<1x16xf32>,
        %get3A_233 = vector.shape_cast %get3A_232 : vector<1x16xf32> to vector<16xf32>
        %mul3A_234 = arith.mulf %get3A_233, %broadcast_in_dim3A_219 : vector<16xf32>
        %swap3A_235 = arith.index_cast %add3A_216 : i32 to index
        %swap3A_236 = arith.constant 16 : index
        %swap3A_237 = tpu.vector_load %arg11[%swap3A_235, %swap3A_236] {strides = array<i32>} : memref<256x96xf32, #tpu.memory_space<vmem>>, vector<1x16xf32>,
        %swap3A_238 = vector.shape_cast %swap3A_237 : vector<1x16xf32> to vector<16xf32>
        %swap3A_239 = vector.shape_cast %mul3A_234 : vector<16xf32> to vector<1x16xf32>
        tpu.vector_store %arg11[%swap3A_235, %swap3A_236], %swap3A_239 {strides = array<i32>} : memref<256x96xf32, #tpu.memory_space<vmem>>, vector<1x16xf32>,
        %get3A_240 = arith.index_cast %add3A_216 : i32 to index
        %get3A_241 = arith.constant 32 : index
        %get3A_242 = tpu.vector_load %arg10[%get3A_240, %get3A_241] {strides = array<i32>} : memref<256x128xf32, #tpu.memory_space<vmem>>, vector<1x16xf32>,
        %get3A_243 = vector.shape_cast %get3A_242 : vector<1x16xf32> to vector<16xf32>
        %mul3A_244 = arith.mulf %get3A_243, %broadcast_in_dim3A_219 : vector<16xf32>
        %swap3A_245 = arith.index_cast %add3A_216 : i32 to index
        %swap3A_246 = arith.constant 32 : index
        %swap3A_247 = tpu.vector_load %arg11[%swap3A_245, %swap3A_246] {strides = array<i32>} : memref<256x96xf32, #tpu.memory_space<vmem>>, vector<1x16xf32>,
        %swap3A_248 = vector.shape_cast %swap3A_247 : vector<1x16xf32> to vector<16xf32>
        %swap3A_249 = vector.shape_cast %mul3A_244 : vector<16xf32> to vector<1x16xf32>
        tpu.vector_store %arg11[%swap3A_245, %swap3A_246], %swap3A_249 {strides = array<i32>} : memref<256x96xf32, #tpu.memory_space<vmem>>, vector<1x16xf32>,
        %get3A_250 = arith.index_cast %add3A_216 : i32 to index
        %get3A_251 = arith.constant 48 : index
        %get3A_252 = tpu.vector_load %arg10[%get3A_250, %get3A_251] {strides = array<i32>} : memref<256x128xf32, #tpu.memory_space<vmem>>, vector<1x16xf32>,
        %get3A_253 = vector.shape_cast %get3A_252 : vector<1x16xf32> to vector<16xf32>
        %mul3A_254 = arith.mulf %get3A_253, %broadcast_in_dim3A_219 : vector<16xf32>
        %swap3A_255 = arith.index_cast %add3A_216 : i32 to index
        %swap3A_256 = arith.constant 48 : index
        %swap3A_257 = tpu.vector_load %arg11[%swap3A_255, %swap3A_256] {strides = array<i32>} : memref<256x96xf32, #tpu.memory_space<vmem>>, vector<1x16xf32>,
        %swap3A_258 = vector.shape_cast %swap3A_257 : vector<1x16xf32> to vector<16xf32>
        %swap3A_259 = vector.shape_cast %mul3A_254 : vector<16xf32> to vector<1x16xf32>
        tpu.vector_store %arg11[%swap3A_255, %swap3A_256], %swap3A_259 {strides = array<i32>} : memref<256x96xf32, #tpu.memory_space<vmem>>, vector<1x16xf32>,
        %get3A_260 = arith.index_cast %add3A_216 : i32 to index
        %get3A_261 = arith.constant 64 : index
        %get3A_262 = tpu.vector_load %arg10[%get3A_260, %get3A_261] {strides = array<i32>} : memref<256x128xf32, #tpu.memory_space<vmem>>, vector<1x16xf32>,
        %get3A_263 = vector.shape_cast %get3A_262 : vector<1x16xf32> to vector<16xf32>
        %mul3A_264 = arith.mulf %get3A_263, %broadcast_in_dim3A_219 : vector<16xf32>
        %swap3A_265 = arith.index_cast %add3A_216 : i32 to index
        %swap3A_266 = arith.constant 64 : index
        %swap3A_267 = tpu.vector_load %arg11[%swap3A_265, %swap3A_266] {strides = array<i32>} : memref<256x96xf32, #tpu.memory_space<vmem>>, vector<1x16xf32>,
        %swap3A_268 = vector.shape_cast %swap3A_267 : vector<1x16xf32> to vector<16xf32>
        %swap3A_269 = vector.shape_cast %mul3A_264 : vector<16xf32> to vector<1x16xf32>
        tpu.vector_store %arg11[%swap3A_265, %swap3A_266], %swap3A_269 {strides = array<i32>} : memref<256x96xf32, #tpu.memory_space<vmem>>, vector<1x16xf32>,
        %get3A_270 = arith.index_cast %add3A_216 : i32 to index
        %get3A_271 = arith.constant 80 : index
        %get3A_272 = tpu.vector_load %arg10[%get3A_270, %get3A_271] {strides = array<i32>} : memref<256x128xf32, #tpu.memory_space<vmem>>, vector<1x16xf32>,
        %get3A_273 = vector.shape_cast %get3A_272 : vector<1x16xf32> to vector<16xf32>
        %mul3A_274 = arith.mulf %get3A_273, %broadcast_in_dim3A_219 : vector<16xf32>
        %swap3A_275 = arith.index_cast %add3A_216 : i32 to index
        %swap3A_276 = arith.constant 80 : index
        %swap3A_277 = tpu.vector_load %arg11[%swap3A_275, %swap3A_276] {strides = array<i32>} : memref<256x96xf32, #tpu.memory_space<vmem>>, vector<1x16xf32>,
        %swap3A_278 = vector.shape_cast %swap3A_277 : vector<1x16xf32> to vector<16xf32>
        %swap3A_279 = vector.shape_cast %mul3A_274 : vector<16xf32> to vector<1x16xf32>
        tpu.vector_store %arg11[%swap3A_275, %swap3A_276], %swap3A_279 {strides = array<i32>} : memref<256x96xf32, #tpu.memory_space<vmem>>, vector<1x16xf32>,
        %mul3A_280 = arith.constant 16 : i32
        %mul3A_281 = arith.muli %scan3A_141, %mul3A_280 : i32
        %add3A_282 = arith.constant 128 : i32
        %add3A_283 = arith.addi %add3A_282, %mul3A_281 : i32
        %add3A_284 = arith.constant 2 : i32
        %add3A_285 = arith.addi %add3A_283, %add3A_284 : i32
        %slice3A_286 = vector.extract_strided_slice %get3A_145 {offsets = [2], sizes = [1], strides = [1]} : vector<16xf32> to vector<1xf32>
        %squeeze3A_287 = vector.extract %slice3A_286[0] : f32 from vector<1xf32>
        %broadcast_in_dim3A_288 = vector.broadcast %squeeze3A_287 : f32 to vector<16xf32>
        %get3A_289 = arith.index_cast %add3A_285 : i32 to index
        %get3A_290 = arith.constant 0 : index
        %get3A_291 = tpu.vector_load %arg10[%get3A_289, %get3A_290] {strides = array<i32>} : memref<256x128xf32, #tpu.memory_space<vmem>>, vector<1x16xf32>,
        %get3A_292 = vector.shape_cast %get3A_291 : vector<1x16xf32> to vector<16xf32>
        %mul3A_293 = arith.mulf %get3A_292, %broadcast_in_dim3A_288 : vector<16xf32>
        %swap3A_294 = arith.index_cast %add3A_285 : i32 to index
        %swap3A_295 = arith.constant 0 : index
        %swap3A_296 = tpu.vector_load %arg11[%swap3A_294, %swap3A_295] {strides = array<i32>} : memref<256x96xf32, #tpu.memory_space<vmem>>, vector<1x16xf32>,
        %swap3A_297 = vector.shape_cast %swap3A_296 : vector<1x16xf32> to vector<16xf32>
        %swap3A_298 = vector.shape_cast %mul3A_293 : vector<16xf32> to vector<1x16xf32>
        tpu.vector_store %arg11[%swap3A_294, %swap3A_295], %swap3A_298 {strides = array<i32>} : memref<256x96xf32, #tpu.memory_space<vmem>>, vector<1x16xf32>,
        %get3A_299 = arith.index_cast %add3A_285 : i32 to index
        %get3A_300 = arith.constant 16 : index
        %get3A_301 = tpu.vector_load %arg10[%get3A_299, %get3A_300] {strides = array<i32>} : memref<256x128xf32, #tpu.memory_space<vmem>>, vector<1x16xf32>,
        %get3A_302 = vector.shape_cast %get3A_301 : vector<1x16xf32> to vector<16xf32>
        %mul3A_303 = arith.mulf %get3A_302, %broadcast_in_dim3A_288 : vector<16xf32>
        %swap3A_304 = arith.index_cast %add3A_285 : i32 to index
        %swap3A_305 = arith.constant 16 : index
        %swap3A_306 = tpu.vector_load %arg11[%swap3A_304, %swap3A_305] {strides = array<i32>} : memref<256x96xf32, #tpu.memory_space<vmem>>, vector<1x16xf32>,
        %swap3A_307 = vector.shape_cast %swap3A_306 : vector<1x16xf32> to vector<16xf32>
        %swap3A_308 = vector.shape_cast %mul3A_303 : vector<16xf32> to vector<1x16xf32>
        tpu.vector_store %arg11[%swap3A_304, %swap3A_305], %swap3A_308 {strides = array<i32>} : memref<256x96xf32, #tpu.memory_space<vmem>>, vector<1x16xf32>,
        %get3A_309 = arith.index_cast %add3A_285 : i32 to index
        %get3A_310 = arith.constant 32 : index
        %get3A_311 = tpu.vector_load %arg10[%get3A_309, %get3A_310] {strides = array<i32>} : memref<256x128xf32, #tpu.memory_space<vmem>>, vector<1x16xf32>,
        %get3A_312 = vector.shape_cast %get3A_311 : vector<1x16xf32> to vector<16xf32>
        %mul3A_313 = arith.mulf %get3A_312, %broadcast_in_dim3A_288 : vector<16xf32>
        %swap3A_314 = arith.index_cast %add3A_285 : i32 to index
        %swap3A_315 = arith.constant 32 : index
        %swap3A_316 = tpu.vector_load %arg11[%swap3A_314, %swap3A_315] {strides = array<i32>} : memref<256x96xf32, #tpu.memory_space<vmem>>, vector<1x16xf32>,
        %swap3A_317 = vector.shape_cast %swap3A_316 : vector<1x16xf32> to vector<16xf32>
        %swap3A_318 = vector.shape_cast %mul3A_313 : vector<16xf32> to vector<1x16xf32>
        tpu.vector_store %arg11[%swap3A_314, %swap3A_315], %swap3A_318 {strides = array<i32>} : memref<256x96xf32, #tpu.memory_space<vmem>>, vector<1x16xf32>,
        %get3A_319 = arith.index_cast %add3A_285 : i32 to index
        %get3A_320 = arith.constant 48 : index
        %get3A_321 = tpu.vector_load %arg10[%get3A_319, %get3A_320] {strides = array<i32>} : memref<256x128xf32, #tpu.memory_space<vmem>>, vector<1x16xf32>,
        %get3A_322 = vector.shape_cast %get3A_321 : vector<1x16xf32> to vector<16xf32>
        %mul3A_323 = arith.mulf %get3A_322, %broadcast_in_dim3A_288 : vector<16xf32>
        %swap3A_324 = arith.index_cast %add3A_285 : i32 to index
        %swap3A_325 = arith.constant 48 : index
        %swap3A_326 = tpu.vector_load %arg11[%swap3A_324, %swap3A_325] {strides = array<i32>} : memref<256x96xf32, #tpu.memory_space<vmem>>, vector<1x16xf32>,
        %swap3A_327 = vector.shape_cast %swap3A_326 : vector<1x16xf32> to vector<16xf32>
        %swap3A_328 = vector.shape_cast %mul3A_323 : vector<16xf32> to vector<1x16xf32>
        tpu.vector_store %arg11[%swap3A_324, %swap3A_325], %swap3A_328 {strides = array<i32>} : memref<256x96xf32, #tpu.memory_space<vmem>>, vector<1x16xf32>,
        %get3A_329 = arith.index_cast %add3A_285 : i32 to index
        %get3A_330 = arith.constant 64 : index
        %get3A_331 = tpu.vector_load %arg10[%get3A_329, %get3A_330] {strides = array<i32>} : memref<256x128xf32, #tpu.memory_space<vmem>>, vector<1x16xf32>,
        %get3A_332 = vector.shape_cast %get3A_331 : vector<1x16xf32> to vector<16xf32>
        %mul3A_333 = arith.mulf %get3A_332, %broadcast_in_dim3A_288 : vector<16xf32>
        %swap3A_334 = arith.index_cast %add3A_285 : i32 to index
        %swap3A_335 = arith.constant 64 : index
        %swap3A_336 = tpu.vector_load %arg11[%swap3A_334, %swap3A_335] {strides = array<i32>} : memref<256x96xf32, #tpu.memory_space<vmem>>, vector<1x16xf32>,
        %swap3A_337 = vector.shape_cast %swap3A_336 : vector<1x16xf32> to vector<16xf32>
        %swap3A_338 = vector.shape_cast %mul3A_333 : vector<16xf32> to vector<1x16xf32>
        tpu.vector_store %arg11[%swap3A_334, %swap3A_335], %swap3A_338 {strides = array<i32>} : memref<256x96xf32, #tpu.memory_space<vmem>>, vector<1x16xf32>,
        %get3A_339 = arith.index_cast %add3A_285 : i32 to index
        %get3A_340 = arith.constant 80 : index
        %get3A_341 = tpu.vector_load %arg10[%get3A_339, %get3A_340] {strides = array<i32>} : memref<256x128xf32, #tpu.memory_space<vmem>>, vector<1x16xf32>,
        %get3A_342 = vector.shape_cast %get3A_341 : vector<1x16xf32> to vector<16xf32>
        %mul3A_343 = arith.mulf %get3A_342, %broadcast_in_dim3A_288 : vector<16xf32>
        %swap3A_344 = arith.index_cast %add3A_285 : i32 to index
        %swap3A_345 = arith.constant 80 : index
        %swap3A_346 = tpu.vector_load %arg11[%swap3A_344, %swap3A_345] {strides = array<i32>} : memref<256x96xf32, #tpu.memory_space<vmem>>, vector<1x16xf32>,
        %swap3A_347 = vector.shape_cast %swap3A_346 : vector<1x16xf32> to vector<16xf32>
        %swap3A_348 = vector.shape_cast %mul3A_343 : vector<16xf32> to vector<1x16xf32>
        tpu.vector_store %arg11[%swap3A_344, %swap3A_345], %swap3A_348 {strides = array<i32>} : memref<256x96xf32, #tpu.memory_space<vmem>>, vector<1x16xf32>,
        %mul3A_349 = arith.constant 16 : i32
        %mul3A_350 = arith.muli %scan3A_141, %mul3A_349 : i32
        %add3A_351 = arith.constant 128 : i32
        %add3A_352 = arith.addi %add3A_351, %mul3A_350 : i32
        %add3A_353 = arith.constant 3 : i32
        %add3A_354 = arith.addi %add3A_352, %add3A_353 : i32
        %slice3A_355 = vector.extract_strided_slice %get3A_145 {offsets = [3], sizes = [1], strides = [1]} : vector<16xf32> to vector<1xf32>
        %squeeze3A_356 = vector.extract %slice3A_355[0] : f32 from vector<1xf32>
        %broadcast_in_dim3A_357 = vector.broadcast %squeeze3A_356 : f32 to vector<16xf32>
        %get3A_358 = arith.index_cast %add3A_354 : i32 to index
        %get3A_359 = arith.constant 0 : index
        %get3A_360 = tpu.vector_load %arg10[%get3A_358, %get3A_359] {strides = array<i32>} : memref<256x128xf32, #tpu.memory_space<vmem>>, vector<1x16xf32>,
        %get3A_361 = vector.shape_cast %get3A_360 : vector<1x16xf32> to vector<16xf32>
        %mul3A_362 = arith.mulf %get3A_361, %broadcast_in_dim3A_357 : vector<16xf32>
        %swap3A_363 = arith.index_cast %add3A_354 : i32 to index
        %swap3A_364 = arith.constant 0 : index
        %swap3A_365 = tpu.vector_load %arg11[%swap3A_363, %swap3A_364] {strides = array<i32>} : memref<256x96xf32, #tpu.memory_space<vmem>>, vector<1x16xf32>,
        %swap3A_366 = vector.shape_cast %swap3A_365 : vector<1x16xf32> to vector<16xf32>
        %swap3A_367 = vector.shape_cast %mul3A_362 : vector<16xf32> to vector<1x16xf32>
        tpu.vector_store %arg11[%swap3A_363, %swap3A_364], %swap3A_367 {strides = array<i32>} : memref<256x96xf32, #tpu.memory_space<vmem>>, vector<1x16xf32>,
        %get3A_368 = arith.index_cast %add3A_354 : i32 to index
        %get3A_369 = arith.constant 16 : index
        %get3A_370 = tpu.vector_load %arg10[%get3A_368, %get3A_369] {strides = array<i32>} : memref<256x128xf32, #tpu.memory_space<vmem>>, vector<1x16xf32>,
        %get3A_371 = vector.shape_cast %get3A_370 : vector<1x16xf32> to vector<16xf32>
        %mul3A_372 = arith.mulf %get3A_371, %broadcast_in_dim3A_357 : vector<16xf32>
        %swap3A_373 = arith.index_cast %add3A_354 : i32 to index
        %swap3A_374 = arith.constant 16 : index
        %swap3A_375 = tpu.vector_load %arg11[%swap3A_373, %swap3A_374] {strides = array<i32>} : memref<256x96xf32, #tpu.memory_space<vmem>>, vector<1x16xf32>,
        %swap3A_376 = vector.shape_cast %swap3A_375 : vector<1x16xf32> to vector<16xf32>
        %swap3A_377 = vector.shape_cast %mul3A_372 : vector<16xf32> to vector<1x16xf32>
        tpu.vector_store %arg11[%swap3A_373, %swap3A_374], %swap3A_377 {strides = array<i32>} : memref<256x96xf32, #tpu.memory_space<vmem>>, vector<1x16xf32>,
        %get3A_378 = arith.index_cast %add3A_354 : i32 to index
        %get3A_379 = arith.constant 32 : index
        %get3A_380 = tpu.vector_load %arg10[%get3A_378, %get3A_379] {strides = array<i32>} : memref<256x128xf32, #tpu.memory_space<vmem>>, vector<1x16xf32>,
        %get3A_381 = vector.shape_cast %get3A_380 : vector<1x16xf32> to vector<16xf32>
        %mul3A_382 = arith.mulf %get3A_381, %broadcast_in_dim3A_357 : vector<16xf32>
        %swap3A_383 = arith.index_cast %add3A_354 : i32 to index
        %swap3A_384 = arith.constant 32 : index
        %swap3A_385 = tpu.vector_load %arg11[%swap3A_383, %swap3A_384] {strides = array<i32>} : memref<256x96xf32, #tpu.memory_space<vmem>>, vector<1x16xf32>,
        %swap3A_386 = vector.shape_cast %swap3A_385 : vector<1x16xf32> to vector<16xf32>
        %swap3A_387 = vector.shape_cast %mul3A_382 : vector<16xf32> to vector<1x16xf32>
        tpu.vector_store %arg11[%swap3A_383, %swap3A_384], %swap3A_387 {strides = array<i32>} : memref<256x96xf32, #tpu.memory_space<vmem>>, vector<1x16xf32>,
        %get3A_388 = arith.index_cast %add3A_354 : i32 to index
        %get3A_389 = arith.constant 48 : index
        %get3A_390 = tpu.vector_load %arg10[%get3A_388, %get3A_389] {strides = array<i32>} : memref<256x128xf32, #tpu.memory_space<vmem>>, vector<1x16xf32>,
        %get3A_391 = vector.shape_cast %get3A_390 : vector<1x16xf32> to vector<16xf32>
        %mul3A_392 = arith.mulf %get3A_391, %broadcast_in_dim3A_357 : vector<16xf32>
        %swap3A_393 = arith.index_cast %add3A_354 : i32 to index
        %swap3A_394 = arith.constant 48 : index
        %swap3A_395 = tpu.vector_load %arg11[%swap3A_393, %swap3A_394] {strides = array<i32>} : memref<256x96xf32, #tpu.memory_space<vmem>>, vector<1x16xf32>,
        %swap3A_396 = vector.shape_cast %swap3A_395 : vector<1x16xf32> to vector<16xf32>
        %swap3A_397 = vector.shape_cast %mul3A_392 : vector<16xf32> to vector<1x16xf32>
        tpu.vector_store %arg11[%swap3A_393, %swap3A_394], %swap3A_397 {strides = array<i32>} : memref<256x96xf32, #tpu.memory_space<vmem>>, vector<1x16xf32>,
        %get3A_398 = arith.index_cast %add3A_354 : i32 to index
        %get3A_399 = arith.constant 64 : index
        %get3A_400 = tpu.vector_load %arg10[%get3A_398, %get3A_399] {strides = array<i32>} : memref<256x128xf32, #tpu.memory_space<vmem>>, vector<1x16xf32>,
        %get3A_401 = vector.shape_cast %get3A_400 : vector<1x16xf32> to vector<16xf32>
        %mul3A_402 = arith.mulf %get3A_401, %broadcast_in_dim3A_357 : vector<16xf32>
        %swap3A_403 = arith.index_cast %add3A_354 : i32 to index
        %swap3A_404 = arith.constant 64 : index
        %swap3A_405 = tpu.vector_load %arg11[%swap3A_403, %swap3A_404] {strides = array<i32>} : memref<256x96xf32, #tpu.memory_space<vmem>>, vector<1x16xf32>,
        %swap3A_406 = vector.shape_cast %swap3A_405 : vector<1x16xf32> to vector<16xf32>
        %swap3A_407 = vector.shape_cast %mul3A_402 : vector<16xf32> to vector<1x16xf32>
        tpu.vector_store %arg11[%swap3A_403, %swap3A_404], %swap3A_407 {strides = array<i32>} : memref<256x96xf32, #tpu.memory_space<vmem>>, vector<1x16xf32>,
        %get3A_408 = arith.index_cast %add3A_354 : i32 to index
        %get3A_409 = arith.constant 80 : index
        %get3A_410 = tpu.vector_load %arg10[%get3A_408, %get3A_409] {strides = array<i32>} : memref<256x128xf32, #tpu.memory_space<vmem>>, vector<1x16xf32>,
        %get3A_411 = vector.shape_cast %get3A_410 : vector<1x16xf32> to vector<16xf32>
        %mul3A_412 = arith.mulf %get3A_411, %broadcast_in_dim3A_357 : vector<16xf32>
        %swap3A_413 = arith.index_cast %add3A_354 : i32 to index
        %swap3A_414 = arith.constant 80 : index
        %swap3A_415 = tpu.vector_load %arg11[%swap3A_413, %swap3A_414] {strides = array<i32>} : memref<256x96xf32, #tpu.memory_space<vmem>>, vector<1x16xf32>,
        %swap3A_416 = vector.shape_cast %swap3A_415 : vector<1x16xf32> to vector<16xf32>
        %swap3A_417 = vector.shape_cast %mul3A_412 : vector<16xf32> to vector<1x16xf32>
        tpu.vector_store %arg11[%swap3A_413, %swap3A_414], %swap3A_417 {strides = array<i32>} : memref<256x96xf32, #tpu.memory_space<vmem>>, vector<1x16xf32>,
        %mul3A_418 = arith.constant 16 : i32
        %mul3A_419 = arith.muli %scan3A_141, %mul3A_418 : i32
        %add3A_420 = arith.constant 128 : i32
        %add3A_421 = arith.addi %add3A_420, %mul3A_419 : i32
        %add3A_422 = arith.constant 4 : i32
        %add3A_423 = arith.addi %add3A_421, %add3A_422 : i32
        %slice3A_424 = vector.extract_strided_slice %get3A_145 {offsets = [4], sizes = [1], strides = [1]} : vector<16xf32> to vector<1xf32>
        %squeeze3A_425 = vector.extract %slice3A_424[0] : f32 from vector<1xf32>
        %broadcast_in_dim3A_426 = vector.broadcast %squeeze3A_425 : f32 to vector<16xf32>
        %get3A_427 = arith.index_cast %add3A_423 : i32 to index
        %get3A_428 = arith.constant 0 : index
        %get3A_429 = tpu.vector_load %arg10[%get3A_427, %get3A_428] {strides = array<i32>} : memref<256x128xf32, #tpu.memory_space<vmem>>, vector<1x16xf32>,
        %get3A_430 = vector.shape_cast %get3A_429 : vector<1x16xf32> to vector<16xf32>
        %mul3A_431 = arith.mulf %get3A_430, %broadcast_in_dim3A_426 : vector<16xf32>
        %swap3A_432 = arith.index_cast %add3A_423 : i32 to index
        %swap3A_433 = arith.constant 0 : index
        %swap3A_434 = tpu.vector_load %arg11[%swap3A_432, %swap3A_433] {strides = array<i32>} : memref<256x96xf32, #tpu.memory_space<vmem>>, vector<1x16xf32>,
        %swap3A_435 = vector.shape_cast %swap3A_434 : vector<1x16xf32> to vector<16xf32>
        %swap3A_436 = vector.shape_cast %mul3A_431 : vector<16xf32> to vector<1x16xf32>
        tpu.vector_store %arg11[%swap3A_432, %swap3A_433], %swap3A_436 {strides = array<i32>} : memref<256x96xf32, #tpu.memory_space<vmem>>, vector<1x16xf32>,
        %get3A_437 = arith.index_cast %add3A_423 : i32 to index
        %get3A_438 = arith.constant 16 : index
        %get3A_439 = tpu.vector_load %arg10[%get3A_437, %get3A_438] {strides = array<i32>} : memref<256x128xf32, #tpu.memory_space<vmem>>, vector<1x16xf32>,
        %get3A_440 = vector.shape_cast %get3A_439 : vector<1x16xf32> to vector<16xf32>
        %mul3A_441 = arith.mulf %get3A_440, %broadcast_in_dim3A_426 : vector<16xf32>
        %swap3A_442 = arith.index_cast %add3A_423 : i32 to index
        %swap3A_443 = arith.constant 16 : index
        %swap3A_444 = tpu.vector_load %arg11[%swap3A_442, %swap3A_443] {strides = array<i32>} : memref<256x96xf32, #tpu.memory_space<vmem>>, vector<1x16xf32>,
        %swap3A_445 = vector.shape_cast %swap3A_444 : vector<1x16xf32> to vector<16xf32>
        %swap3A_446 = vector.shape_cast %mul3A_441 : vector<16xf32> to vector<1x16xf32>
        tpu.vector_store %arg11[%swap3A_442, %swap3A_443], %swap3A_446 {strides = array<i32>} : memref<256x96xf32, #tpu.memory_space<vmem>>, vector<1x16xf32>,
        %get3A_447 = arith.index_cast %add3A_423 : i32 to index
        %get3A_448 = arith.constant 32 : index
        %get3A_449 = tpu.vector_load %arg10[%get3A_447, %get3A_448] {strides = array<i32>} : memref<256x128xf32, #tpu.memory_space<vmem>>, vector<1x16xf32>,
        %get3A_450 = vector.shape_cast %get3A_449 : vector<1x16xf32> to vector<16xf32>
        %mul3A_451 = arith.mulf %get3A_450, %broadcast_in_dim3A_426 : vector<16xf32>
        %swap3A_452 = arith.index_cast %add3A_423 : i32 to index
        %swap3A_453 = arith.constant 32 : index
        %swap3A_454 = tpu.vector_load %arg11[%swap3A_452, %swap3A_453] {strides = array<i32>} : memref<256x96xf32, #tpu.memory_space<vmem>>, vector<1x16xf32>,
        %swap3A_455 = vector.shape_cast %swap3A_454 : vector<1x16xf32> to vector<16xf32>
        %swap3A_456 = vector.shape_cast %mul3A_451 : vector<16xf32> to vector<1x16xf32>
        tpu.vector_store %arg11[%swap3A_452, %swap3A_453], %swap3A_456 {strides = array<i32>} : memref<256x96xf32, #tpu.memory_space<vmem>>, vector<1x16xf32>,
        %get3A_457 = arith.index_cast %add3A_423 : i32 to index
        %get3A_458 = arith.constant 48 : index
        %get3A_459 = tpu.vector_load %arg10[%get3A_457, %get3A_458] {strides = array<i32>} : memref<256x128xf32, #tpu.memory_space<vmem>>, vector<1x16xf32>,
        %get3A_460 = vector.shape_cast %get3A_459 : vector<1x16xf32> to vector<16xf32>
        %mul3A_461 = arith.mulf %get3A_460, %broadcast_in_dim3A_426 : vector<16xf32>
        %swap3A_462 = arith.index_cast %add3A_423 : i32 to index
        %swap3A_463 = arith.constant 48 : index
        %swap3A_464 = tpu.vector_load %arg11[%swap3A_462, %swap3A_463] {strides = array<i32>} : memref<256x96xf32, #tpu.memory_space<vmem>>, vector<1x16xf32>,
        %swap3A_465 = vector.shape_cast %swap3A_464 : vector<1x16xf32> to vector<16xf32>
        %swap3A_466 = vector.shape_cast %mul3A_461 : vector<16xf32> to vector<1x16xf32>
        tpu.vector_store %arg11[%swap3A_462, %swap3A_463], %swap3A_466 {strides = array<i32>} : memref<256x96xf32, #tpu.memory_space<vmem>>, vector<1x16xf32>,
        %get3A_467 = arith.index_cast %add3A_423 : i32 to index
        %get3A_468 = arith.constant 64 : index
        %get3A_469 = tpu.vector_load %arg10[%get3A_467, %get3A_468] {strides = array<i32>} : memref<256x128xf32, #tpu.memory_space<vmem>>, vector<1x16xf32>,
        %get3A_470 = vector.shape_cast %get3A_469 : vector<1x16xf32> to vector<16xf32>
        %mul3A_471 = arith.mulf %get3A_470, %broadcast_in_dim3A_426 : vector<16xf32>
        %swap3A_472 = arith.index_cast %add3A_423 : i32 to index
        %swap3A_473 = arith.constant 64 : index
        %swap3A_474 = tpu.vector_load %arg11[%swap3A_472, %swap3A_473] {strides = array<i32>} : memref<256x96xf32, #tpu.memory_space<vmem>>, vector<1x16xf32>,
        %swap3A_475 = vector.shape_cast %swap3A_474 : vector<1x16xf32> to vector<16xf32>
        %swap3A_476 = vector.shape_cast %mul3A_471 : vector<16xf32> to vector<1x16xf32>
        tpu.vector_store %arg11[%swap3A_472, %swap3A_473], %swap3A_476 {strides = array<i32>} : memref<256x96xf32, #tpu.memory_space<vmem>>, vector<1x16xf32>,
        %get3A_477 = arith.index_cast %add3A_423 : i32 to index
        %get3A_478 = arith.constant 80 : index
        %get3A_479 = tpu.vector_load %arg10[%get3A_477, %get3A_478] {strides = array<i32>} : memref<256x128xf32, #tpu.memory_space<vmem>>, vector<1x16xf32>,
        %get3A_480 = vector.shape_cast %get3A_479 : vector<1x16xf32> to vector<16xf32>
        %mul3A_481 = arith.mulf %get3A_480, %broadcast_in_dim3A_426 : vector<16xf32>
        %swap3A_482 = arith.index_cast %add3A_423 : i32 to index
        %swap3A_483 = arith.constant 80 : index
        %swap3A_484 = tpu.vector_load %arg11[%swap3A_482, %swap3A_483] {strides = array<i32>} : memref<256x96xf32, #tpu.memory_space<vmem>>, vector<1x16xf32>,
        %swap3A_485 = vector.shape_cast %swap3A_484 : vector<1x16xf32> to vector<16xf32>
        %swap3A_486 = vector.shape_cast %mul3A_481 : vector<16xf32> to vector<1x16xf32>
        tpu.vector_store %arg11[%swap3A_482, %swap3A_483], %swap3A_486 {strides = array<i32>} : memref<256x96xf32, #tpu.memory_space<vmem>>, vector<1x16xf32>,
        %mul3A_487 = arith.constant 16 : i32
        %mul3A_488 = arith.muli %scan3A_141, %mul3A_487 : i32
        %add3A_489 = arith.constant 128 : i32
        %add3A_490 = arith.addi %add3A_489, %mul3A_488 : i32
        %add3A_491 = arith.constant 5 : i32
        %add3A_492 = arith.addi %add3A_490, %add3A_491 : i32
        %slice3A_493 = vector.extract_strided_slice %get3A_145 {offsets = [5], sizes = [1], strides = [1]} : vector<16xf32> to vector<1xf32>
        %squeeze3A_494 = vector.extract %slice3A_493[0] : f32 from vector<1xf32>
        %broadcast_in_dim3A_495 = vector.broadcast %squeeze3A_494 : f32 to vector<16xf32>
        %get3A_496 = arith.index_cast %add3A_492 : i32 to index
        %get3A_497 = arith.constant 0 : index
        %get3A_498 = tpu.vector_load %arg10[%get3A_496, %get3A_497] {strides = array<i32>} : memref<256x128xf32, #tpu.memory_space<vmem>>, vector<1x16xf32>,
        %get3A_499 = vector.shape_cast %get3A_498 : vector<1x16xf32> to vector<16xf32>
        %mul3A_500 = arith.mulf %get3A_499, %broadcast_in_dim3A_495 : vector<16xf32>
        %swap3A_501 = arith.index_cast %add3A_492 : i32 to index
        %swap3A_502 = arith.constant 0 : index
        %swap3A_503 = tpu.vector_load %arg11[%swap3A_501, %swap3A_502] {strides = array<i32>} : memref<256x96xf32, #tpu.memory_space<vmem>>, vector<1x16xf32>,
        %swap3A_504 = vector.shape_cast %swap3A_503 : vector<1x16xf32> to vector<16xf32>
        %swap3A_505 = vector.shape_cast %mul3A_500 : vector<16xf32> to vector<1x16xf32>
        tpu.vector_store %arg11[%swap3A_501, %swap3A_502], %swap3A_505 {strides = array<i32>} : memref<256x96xf32, #tpu.memory_space<vmem>>, vector<1x16xf32>,
        %get3A_506 = arith.index_cast %add3A_492 : i32 to index
        %get3A_507 = arith.constant 16 : index
        %get3A_508 = tpu.vector_load %arg10[%get3A_506, %get3A_507] {strides = array<i32>} : memref<256x128xf32, #tpu.memory_space<vmem>>, vector<1x16xf32>,
        %get3A_509 = vector.shape_cast %get3A_508 : vector<1x16xf32> to vector<16xf32>
        %mul3A_510 = arith.mulf %get3A_509, %broadcast_in_dim3A_495 : vector<16xf32>
        %swap3A_511 = arith.index_cast %add3A_492 : i32 to index
        %swap3A_512 = arith.constant 16 : index
        %swap3A_513 = tpu.vector_load %arg11[%swap3A_511, %swap3A_512] {strides = array<i32>} : memref<256x96xf32, #tpu.memory_space<vmem>>, vector<1x16xf32>,
        %swap3A_514 = vector.shape_cast %swap3A_513 : vector<1x16xf32> to vector<16xf32>
        %swap3A_515 = vector.shape_cast %mul3A_510 : vector<16xf32> to vector<1x16xf32>
        tpu.vector_store %arg11[%swap3A_511, %swap3A_512], %swap3A_515 {strides = array<i32>} : memref<256x96xf32, #tpu.memory_space<vmem>>, vector<1x16xf32>,
        %get3A_516 = arith.index_cast %add3A_492 : i32 to index
        %get3A_517 = arith.constant 32 : index
        %get3A_518 = tpu.vector_load %arg10[%get3A_516, %get3A_517] {strides = array<i32>} : memref<256x128xf32, #tpu.memory_space<vmem>>, vector<1x16xf32>,
        %get3A_519 = vector.shape_cast %get3A_518 : vector<1x16xf32> to vector<16xf32>
        %mul3A_520 = arith.mulf %get3A_519, %broadcast_in_dim3A_495 : vector<16xf32>
        %swap3A_521 = arith.index_cast %add3A_492 : i32 to index
        %swap3A_522 = arith.constant 32 : index
        %swap3A_523 = tpu.vector_load %arg11[%swap3A_521, %swap3A_522] {strides = array<i32>} : memref<256x96xf32, #tpu.memory_space<vmem>>, vector<1x16xf32>,
        %swap3A_524 = vector.shape_cast %swap3A_523 : vector<1x16xf32> to vector<16xf32>
        %swap3A_525 = vector.shape_cast %mul3A_520 : vector<16xf32> to vector<1x16xf32>
        tpu.vector_store %arg11[%swap3A_521, %swap3A_522], %swap3A_525 {strides = array<i32>} : memref<256x96xf32, #tpu.memory_space<vmem>>, vector<1x16xf32>,
        %get3A_526 = arith.index_cast %add3A_492 : i32 to index
        %get3A_527 = arith.constant 48 : index
        %get3A_528 = tpu.vector_load %arg10[%get3A_526, %get3A_527] {strides = array<i32>} : memref<256x128xf32, #tpu.memory_space<vmem>>, vector<1x16xf32>,
        %get3A_529 = vector.shape_cast %get3A_528 : vector<1x16xf32> to vector<16xf32>
        %mul3A_530 = arith.mulf %get3A_529, %broadcast_in_dim3A_495 : vector<16xf32>
        %swap3A_531 = arith.index_cast %add3A_492 : i32 to index
        %swap3A_532 = arith.constant 48 : index
        %swap3A_533 = tpu.vector_load %arg11[%swap3A_531, %swap3A_532] {strides = array<i32>} : memref<256x96xf32, #tpu.memory_space<vmem>>, vector<1x16xf32>,
        %swap3A_534 = vector.shape_cast %swap3A_533 : vector<1x16xf32> to vector<16xf32>
        %swap3A_535 = vector.shape_cast %mul3A_530 : vector<16xf32> to vector<1x16xf32>
        tpu.vector_store %arg11[%swap3A_531, %swap3A_532], %swap3A_535 {strides = array<i32>} : memref<256x96xf32, #tpu.memory_space<vmem>>, vector<1x16xf32>,
        %get3A_536 = arith.index_cast %add3A_492 : i32 to index
        %get3A_537 = arith.constant 64 : index
        %get3A_538 = tpu.vector_load %arg10[%get3A_536, %get3A_537] {strides = array<i32>} : memref<256x128xf32, #tpu.memory_space<vmem>>, vector<1x16xf32>,
        %get3A_539 = vector.shape_cast %get3A_538 : vector<1x16xf32> to vector<16xf32>
        %mul3A_540 = arith.mulf %get3A_539, %broadcast_in_dim3A_495 : vector<16xf32>
        %swap3A_541 = arith.index_cast %add3A_492 : i32 to index
        %swap3A_542 = arith.constant 64 : index
        %swap3A_543 = tpu.vector_load %arg11[%swap3A_541, %swap3A_542] {strides = array<i32>} : memref<256x96xf32, #tpu.memory_space<vmem>>, vector<1x16xf32>,
        %swap3A_544 = vector.shape_cast %swap3A_543 : vector<1x16xf32> to vector<16xf32>
        %swap3A_545 = vector.shape_cast %mul3A_540 : vector<16xf32> to vector<1x16xf32>
        tpu.vector_store %arg11[%swap3A_541, %swap3A_542], %swap3A_545 {strides = array<i32>} : memref<256x96xf32, #tpu.memory_space<vmem>>, vector<1x16xf32>,
        %get3A_546 = arith.index_cast %add3A_492 : i32 to index
        %get3A_547 = arith.constant 80 : index
        %get3A_548 = tpu.vector_load %arg10[%get3A_546, %get3A_547] {strides = array<i32>} : memref<256x128xf32, #tpu.memory_space<vmem>>, vector<1x16xf32>,
        %get3A_549 = vector.shape_cast %get3A_548 : vector<1x16xf32> to vector<16xf32>
        %mul3A_550 = arith.mulf %get3A_549, %broadcast_in_dim3A_495 : vector<16xf32>
        %swap3A_551 = arith.index_cast %add3A_492 : i32 to index
        %swap3A_552 = arith.constant 80 : index
        %swap3A_553 = tpu.vector_load %arg11[%swap3A_551, %swap3A_552] {strides = array<i32>} : memref<256x96xf32, #tpu.memory_space<vmem>>, vector<1x16xf32>,
        %swap3A_554 = vector.shape_cast %swap3A_553 : vector<1x16xf32> to vector<16xf32>
        %swap3A_555 = vector.shape_cast %mul3A_550 : vector<16xf32> to vector<1x16xf32>
        tpu.vector_store %arg11[%swap3A_551, %swap3A_552], %swap3A_555 {strides = array<i32>} : memref<256x96xf32, #tpu.memory_space<vmem>>, vector<1x16xf32>,
        %mul3A_556 = arith.constant 16 : i32
        %mul3A_557 = arith.muli %scan3A_141, %mul3A_556 : i32
        %add3A_558 = arith.constant 128 : i32
        %add3A_559 = arith.addi %add3A_558, %mul3A_557 : i32
        %add3A_560 = arith.constant 6 : i32
        %add3A_561 = arith.addi %add3A_559, %add3A_560 : i32
        %slice3A_562 = vector.extract_strided_slice %get3A_145 {offsets = [6], sizes = [1], strides = [1]} : vector<16xf32> to vector<1xf32>
        %squeeze3A_563 = vector.extract %slice3A_562[0] : f32 from vector<1xf32>
        %broadcast_in_dim3A_564 = vector.broadcast %squeeze3A_563 : f32 to vector<16xf32>
        %get3A_565 = arith.index_cast %add3A_561 : i32 to index
        %get3A_566 = arith.constant 0 : index
        %get3A_567 = tpu.vector_load %arg10[%get3A_565, %get3A_566] {strides = array<i32>} : memref<256x128xf32, #tpu.memory_space<vmem>>, vector<1x16xf32>,
        %get3A_568 = vector.shape_cast %get3A_567 : vector<1x16xf32> to vector<16xf32>
        %mul3A_569 = arith.mulf %get3A_568, %broadcast_in_dim3A_564 : vector<16xf32>
        %swap3A_570 = arith.index_cast %add3A_561 : i32 to index
        %swap3A_571 = arith.constant 0 : index
        %swap3A_572 = tpu.vector_load %arg11[%swap3A_570, %swap3A_571] {strides = array<i32>} : memref<256x96xf32, #tpu.memory_space<vmem>>, vector<1x16xf32>,
        %swap3A_573 = vector.shape_cast %swap3A_572 : vector<1x16xf32> to vector<16xf32>
        %swap3A_574 = vector.shape_cast %mul3A_569 : vector<16xf32> to vector<1x16xf32>
        tpu.vector_store %arg11[%swap3A_570, %swap3A_571], %swap3A_574 {strides = array<i32>} : memref<256x96xf32, #tpu.memory_space<vmem>>, vector<1x16xf32>,
        %get3A_575 = arith.index_cast %add3A_561 : i32 to index
        %get3A_576 = arith.constant 16 : index
        %get3A_577 = tpu.vector_load %arg10[%get3A_575, %get3A_576] {strides = array<i32>} : memref<256x128xf32, #tpu.memory_space<vmem>>, vector<1x16xf32>,
        %get3A_578 = vector.shape_cast %get3A_577 : vector<1x16xf32> to vector<16xf32>
        %mul3A_579 = arith.mulf %get3A_578, %broadcast_in_dim3A_564 : vector<16xf32>
        %swap3A_580 = arith.index_cast %add3A_561 : i32 to index
        %swap3A_581 = arith.constant 16 : index
        %swap3A_582 = tpu.vector_load %arg11[%swap3A_580, %swap3A_581] {strides = array<i32>} : memref<256x96xf32, #tpu.memory_space<vmem>>, vector<1x16xf32>,
        %swap3A_583 = vector.shape_cast %swap3A_582 : vector<1x16xf32> to vector<16xf32>
        %swap3A_584 = vector.shape_cast %mul3A_579 : vector<16xf32> to vector<1x16xf32>
        tpu.vector_store %arg11[%swap3A_580, %swap3A_581], %swap3A_584 {strides = array<i32>} : memref<256x96xf32, #tpu.memory_space<vmem>>, vector<1x16xf32>,
        %get3A_585 = arith.index_cast %add3A_561 : i32 to index
        %get3A_586 = arith.constant 32 : index
        %get3A_587 = tpu.vector_load %arg10[%get3A_585, %get3A_586] {strides = array<i32>} : memref<256x128xf32, #tpu.memory_space<vmem>>, vector<1x16xf32>,
        %get3A_588 = vector.shape_cast %get3A_587 : vector<1x16xf32> to vector<16xf32>
        %mul3A_589 = arith.mulf %get3A_588, %broadcast_in_dim3A_564 : vector<16xf32>
        %swap3A_590 = arith.index_cast %add3A_561 : i32 to index
        %swap3A_591 = arith.constant 32 : index
        %swap3A_592 = tpu.vector_load %arg11[%swap3A_590, %swap3A_591] {strides = array<i32>} : memref<256x96xf32, #tpu.memory_space<vmem>>, vector<1x16xf32>,
        %swap3A_593 = vector.shape_cast %swap3A_592 : vector<1x16xf32> to vector<16xf32>
        %swap3A_594 = vector.shape_cast %mul3A_589 : vector<16xf32> to vector<1x16xf32>
        tpu.vector_store %arg11[%swap3A_590, %swap3A_591], %swap3A_594 {strides = array<i32>} : memref<256x96xf32, #tpu.memory_space<vmem>>, vector<1x16xf32>,
        %get3A_595 = arith.index_cast %add3A_561 : i32 to index
        %get3A_596 = arith.constant 48 : index
        %get3A_597 = tpu.vector_load %arg10[%get3A_595, %get3A_596] {strides = array<i32>} : memref<256x128xf32, #tpu.memory_space<vmem>>, vector<1x16xf32>,
        %get3A_598 = vector.shape_cast %get3A_597 : vector<1x16xf32> to vector<16xf32>
        %mul3A_599 = arith.mulf %get3A_598, %broadcast_in_dim3A_564 : vector<16xf32>
        %swap3A_600 = arith.index_cast %add3A_561 : i32 to index
        %swap3A_601 = arith.constant 48 : index
        %swap3A_602 = tpu.vector_load %arg11[%swap3A_600, %swap3A_601] {strides = array<i32>} : memref<256x96xf32, #tpu.memory_space<vmem>>, vector<1x16xf32>,
        %swap3A_603 = vector.shape_cast %swap3A_602 : vector<1x16xf32> to vector<16xf32>
        %swap3A_604 = vector.shape_cast %mul3A_599 : vector<16xf32> to vector<1x16xf32>
        tpu.vector_store %arg11[%swap3A_600, %swap3A_601], %swap3A_604 {strides = array<i32>} : memref<256x96xf32, #tpu.memory_space<vmem>>, vector<1x16xf32>,
        %get3A_605 = arith.index_cast %add3A_561 : i32 to index
        %get3A_606 = arith.constant 64 : index
        %get3A_607 = tpu.vector_load %arg10[%get3A_605, %get3A_606] {strides = array<i32>} : memref<256x128xf32, #tpu.memory_space<vmem>>, vector<1x16xf32>,
        %get3A_608 = vector.shape_cast %get3A_607 : vector<1x16xf32> to vector<16xf32>
        %mul3A_609 = arith.mulf %get3A_608, %broadcast_in_dim3A_564 : vector<16xf32>
        %swap3A_610 = arith.index_cast %add3A_561 : i32 to index
        %swap3A_611 = arith.constant 64 : index
        %swap3A_612 = tpu.vector_load %arg11[%swap3A_610, %swap3A_611] {strides = array<i32>} : memref<256x96xf32, #tpu.memory_space<vmem>>, vector<1x16xf32>,
        %swap3A_613 = vector.shape_cast %swap3A_612 : vector<1x16xf32> to vector<16xf32>
        %swap3A_614 = vector.shape_cast %mul3A_609 : vector<16xf32> to vector<1x16xf32>
        tpu.vector_store %arg11[%swap3A_610, %swap3A_611], %swap3A_614 {strides = array<i32>} : memref<256x96xf32, #tpu.memory_space<vmem>>, vector<1x16xf32>,
        %get3A_615 = arith.index_cast %add3A_561 : i32 to index
        %get3A_616 = arith.constant 80 : index
        %get3A_617 = tpu.vector_load %arg10[%get3A_615, %get3A_616] {strides = array<i32>} : memref<256x128xf32, #tpu.memory_space<vmem>>, vector<1x16xf32>,
        %get3A_618 = vector.shape_cast %get3A_617 : vector<1x16xf32> to vector<16xf32>
        %mul3A_619 = arith.mulf %get3A_618, %broadcast_in_dim3A_564 : vector<16xf32>
        %swap3A_620 = arith.index_cast %add3A_561 : i32 to index
        %swap3A_621 = arith.constant 80 : index
        %swap3A_622 = tpu.vector_load %arg11[%swap3A_620, %swap3A_621] {strides = array<i32>} : memref<256x96xf32, #tpu.memory_space<vmem>>, vector<1x16xf32>,
        %swap3A_623 = vector.shape_cast %swap3A_622 : vector<1x16xf32> to vector<16xf32>
        %swap3A_624 = vector.shape_cast %mul3A_619 : vector<16xf32> to vector<1x16xf32>
        tpu.vector_store %arg11[%swap3A_620, %swap3A_621], %swap3A_624 {strides = array<i32>} : memref<256x96xf32, #tpu.memory_space<vmem>>, vector<1x16xf32>,
        %mul3A_625 = arith.constant 16 : i32
        %mul3A_626 = arith.muli %scan3A_141, %mul3A_625 : i32
        %add3A_627 = arith.constant 128 : i32
        %add3A_628 = arith.addi %add3A_627, %mul3A_626 : i32
        %add3A_629 = arith.constant 7 : i32
        %add3A_630 = arith.addi %add3A_628, %add3A_629 : i32
        %slice3A_631 = vector.extract_strided_slice %get3A_145 {offsets = [7], sizes = [1], strides = [1]} : vector<16xf32> to vector<1xf32>
        %squeeze3A_632 = vector.extract %slice3A_631[0] : f32 from vector<1xf32>
        %broadcast_in_dim3A_633 = vector.broadcast %squeeze3A_632 : f32 to vector<16xf32>
        %get3A_634 = arith.index_cast %add3A_630 : i32 to index
        %get3A_635 = arith.constant 0 : index
        %get3A_636 = tpu.vector_load %arg10[%get3A_634, %get3A_635] {strides = array<i32>} : memref<256x128xf32, #tpu.memory_space<vmem>>, vector<1x16xf32>,
        %get3A_637 = vector.shape_cast %get3A_636 : vector<1x16xf32> to vector<16xf32>
        %mul3A_638 = arith.mulf %get3A_637, %broadcast_in_dim3A_633 : vector<16xf32>
        %swap3A_639 = arith.index_cast %add3A_630 : i32 to index
        %swap3A_640 = arith.constant 0 : index
        %swap3A_641 = tpu.vector_load %arg11[%swap3A_639, %swap3A_640] {strides = array<i32>} : memref<256x96xf32, #tpu.memory_space<vmem>>, vector<1x16xf32>,
        %swap3A_642 = vector.shape_cast %swap3A_641 : vector<1x16xf32> to vector<16xf32>
        %swap3A_643 = vector.shape_cast %mul3A_638 : vector<16xf32> to vector<1x16xf32>
        tpu.vector_store %arg11[%swap3A_639, %swap3A_640], %swap3A_643 {strides = array<i32>} : memref<256x96xf32, #tpu.memory_space<vmem>>, vector<1x16xf32>,
        %get3A_644 = arith.index_cast %add3A_630 : i32 to index
        %get3A_645 = arith.constant 16 : index
        %get3A_646 = tpu.vector_load %arg10[%get3A_644, %get3A_645] {strides = array<i32>} : memref<256x128xf32, #tpu.memory_space<vmem>>, vector<1x16xf32>,
        %get3A_647 = vector.shape_cast %get3A_646 : vector<1x16xf32> to vector<16xf32>
        %mul3A_648 = arith.mulf %get3A_647, %broadcast_in_dim3A_633 : vector<16xf32>
        %swap3A_649 = arith.index_cast %add3A_630 : i32 to index
        %swap3A_650 = arith.constant 16 : index
        %swap3A_651 = tpu.vector_load %arg11[%swap3A_649, %swap3A_650] {strides = array<i32>} : memref<256x96xf32, #tpu.memory_space<vmem>>, vector<1x16xf32>,
        %swap3A_652 = vector.shape_cast %swap3A_651 : vector<1x16xf32> to vector<16xf32>
        %swap3A_653 = vector.shape_cast %mul3A_648 : vector<16xf32> to vector<1x16xf32>
        tpu.vector_store %arg11[%swap3A_649, %swap3A_650], %swap3A_653 {strides = array<i32>} : memref<256x96xf32, #tpu.memory_space<vmem>>, vector<1x16xf32>,
        %get3A_654 = arith.index_cast %add3A_630 : i32 to index
        %get3A_655 = arith.constant 32 : index
        %get3A_656 = tpu.vector_load %arg10[%get3A_654, %get3A_655] {strides = array<i32>} : memref<256x128xf32, #tpu.memory_space<vmem>>, vector<1x16xf32>,
        %get3A_657 = vector.shape_cast %get3A_656 : vector<1x16xf32> to vector<16xf32>
        %mul3A_658 = arith.mulf %get3A_657, %broadcast_in_dim3A_633 : vector<16xf32>
        %swap3A_659 = arith.index_cast %add3A_630 : i32 to index
        %swap3A_660 = arith.constant 32 : index
        %swap3A_661 = tpu.vector_load %arg11[%swap3A_659, %swap3A_660] {strides = array<i32>} : memref<256x96xf32, #tpu.memory_space<vmem>>, vector<1x16xf32>,
        %swap3A_662 = vector.shape_cast %swap3A_661 : vector<1x16xf32> to vector<16xf32>
        %swap3A_663 = vector.shape_cast %mul3A_658 : vector<16xf32> to vector<1x16xf32>
        tpu.vector_store %arg11[%swap3A_659, %swap3A_660], %swap3A_663 {strides = array<i32>} : memref<256x96xf32, #tpu.memory_space<vmem>>, vector<1x16xf32>,
        %get3A_664 = arith.index_cast %add3A_630 : i32 to index
        %get3A_665 = arith.constant 48 : index
        %get3A_666 = tpu.vector_load %arg10[%get3A_664, %get3A_665] {strides = array<i32>} : memref<256x128xf32, #tpu.memory_space<vmem>>, vector<1x16xf32>,
        %get3A_667 = vector.shape_cast %get3A_666 : vector<1x16xf32> to vector<16xf32>
        %mul3A_668 = arith.mulf %get3A_667, %broadcast_in_dim3A_633 : vector<16xf32>
        %swap3A_669 = arith.index_cast %add3A_630 : i32 to index
        %swap3A_670 = arith.constant 48 : index
        %swap3A_671 = tpu.vector_load %arg11[%swap3A_669, %swap3A_670] {strides = array<i32>} : memref<256x96xf32, #tpu.memory_space<vmem>>, vector<1x16xf32>,
        %swap3A_672 = vector.shape_cast %swap3A_671 : vector<1x16xf32> to vector<16xf32>
        %swap3A_673 = vector.shape_cast %mul3A_668 : vector<16xf32> to vector<1x16xf32>
        tpu.vector_store %arg11[%swap3A_669, %swap3A_670], %swap3A_673 {strides = array<i32>} : memref<256x96xf32, #tpu.memory_space<vmem>>, vector<1x16xf32>,
        %get3A_674 = arith.index_cast %add3A_630 : i32 to index
        %get3A_675 = arith.constant 64 : index
        %get3A_676 = tpu.vector_load %arg10[%get3A_674, %get3A_675] {strides = array<i32>} : memref<256x128xf32, #tpu.memory_space<vmem>>, vector<1x16xf32>,
        %get3A_677 = vector.shape_cast %get3A_676 : vector<1x16xf32> to vector<16xf32>
        %mul3A_678 = arith.mulf %get3A_677, %broadcast_in_dim3A_633 : vector<16xf32>
        %swap3A_679 = arith.index_cast %add3A_630 : i32 to index
        %swap3A_680 = arith.constant 64 : index
        %swap3A_681 = tpu.vector_load %arg11[%swap3A_679, %swap3A_680] {strides = array<i32>} : memref<256x96xf32, #tpu.memory_space<vmem>>, vector<1x16xf32>,
        %swap3A_682 = vector.shape_cast %swap3A_681 : vector<1x16xf32> to vector<16xf32>
        %swap3A_683 = vector.shape_cast %mul3A_678 : vector<16xf32> to vector<1x16xf32>
        tpu.vector_store %arg11[%swap3A_679, %swap3A_680], %swap3A_683 {strides = array<i32>} : memref<256x96xf32, #tpu.memory_space<vmem>>, vector<1x16xf32>,
        %get3A_684 = arith.index_cast %add3A_630 : i32 to index
        %get3A_685 = arith.constant 80 : index
        %get3A_686 = tpu.vector_load %arg10[%get3A_684, %get3A_685] {strides = array<i32>} : memref<256x128xf32, #tpu.memory_space<vmem>>, vector<1x16xf32>,
        %get3A_687 = vector.shape_cast %get3A_686 : vector<1x16xf32> to vector<16xf32>
        %mul3A_688 = arith.mulf %get3A_687, %broadcast_in_dim3A_633 : vector<16xf32>
        %swap3A_689 = arith.index_cast %add3A_630 : i32 to index
        %swap3A_690 = arith.constant 80 : index
        %swap3A_691 = tpu.vector_load %arg11[%swap3A_689, %swap3A_690] {strides = array<i32>} : memref<256x96xf32, #tpu.memory_space<vmem>>, vector<1x16xf32>,
        %swap3A_692 = vector.shape_cast %swap3A_691 : vector<1x16xf32> to vector<16xf32>
        %swap3A_693 = vector.shape_cast %mul3A_688 : vector<16xf32> to vector<1x16xf32>
        tpu.vector_store %arg11[%swap3A_689, %swap3A_690], %swap3A_693 {strides = array<i32>} : memref<256x96xf32, #tpu.memory_space<vmem>>, vector<1x16xf32>,
        %mul3A_694 = arith.constant 16 : i32
        %mul3A_695 = arith.muli %scan3A_141, %mul3A_694 : i32
        %add3A_696 = arith.constant 128 : i32
        %add3A_697 = arith.addi %add3A_696, %mul3A_695 : i32
        %add3A_698 = arith.constant 8 : i32
        %add3A_699 = arith.addi %add3A_697, %add3A_698 : i32
        %slice3A_700 = vector.extract_strided_slice %get3A_145 {offsets = [8], sizes = [1], strides = [1]} : vector<16xf32> to vector<1xf32>
        %squeeze3A_701 = vector.extract %slice3A_700[0] : f32 from vector<1xf32>
        %broadcast_in_dim3A_702 = vector.broadcast %squeeze3A_701 : f32 to vector<16xf32>
        %get3A_703 = arith.index_cast %add3A_699 : i32 to index
        %get3A_704 = arith.constant 0 : index
        %get3A_705 = tpu.vector_load %arg10[%get3A_703, %get3A_704] {strides = array<i32>} : memref<256x128xf32, #tpu.memory_space<vmem>>, vector<1x16xf32>,
        %get3A_706 = vector.shape_cast %get3A_705 : vector<1x16xf32> to vector<16xf32>
        %mul3A_707 = arith.mulf %get3A_706, %broadcast_in_dim3A_702 : vector<16xf32>
        %swap3A_708 = arith.index_cast %add3A_699 : i32 to index
        %swap3A_709 = arith.constant 0 : index
        %swap3A_710 = tpu.vector_load %arg11[%swap3A_708, %swap3A_709] {strides = array<i32>} : memref<256x96xf32, #tpu.memory_space<vmem>>, vector<1x16xf32>,
        %swap3A_711 = vector.shape_cast %swap3A_710 : vector<1x16xf32> to vector<16xf32>
        %swap3A_712 = vector.shape_cast %mul3A_707 : vector<16xf32> to vector<1x16xf32>
        tpu.vector_store %arg11[%swap3A_708, %swap3A_709], %swap3A_712 {strides = array<i32>} : memref<256x96xf32, #tpu.memory_space<vmem>>, vector<1x16xf32>,
        %get3A_713 = arith.index_cast %add3A_699 : i32 to index
        %get3A_714 = arith.constant 16 : index
        %get3A_715 = tpu.vector_load %arg10[%get3A_713, %get3A_714] {strides = array<i32>} : memref<256x128xf32, #tpu.memory_space<vmem>>, vector<1x16xf32>,
        %get3A_716 = vector.shape_cast %get3A_715 : vector<1x16xf32> to vector<16xf32>
        %mul3A_717 = arith.mulf %get3A_716, %broadcast_in_dim3A_702 : vector<16xf32>
        %swap3A_718 = arith.index_cast %add3A_699 : i32 to index
        %swap3A_719 = arith.constant 16 : index
        %swap3A_720 = tpu.vector_load %arg11[%swap3A_718, %swap3A_719] {strides = array<i32>} : memref<256x96xf32, #tpu.memory_space<vmem>>, vector<1x16xf32>,
        %swap3A_721 = vector.shape_cast %swap3A_720 : vector<1x16xf32> to vector<16xf32>
        %swap3A_722 = vector.shape_cast %mul3A_717 : vector<16xf32> to vector<1x16xf32>
        tpu.vector_store %arg11[%swap3A_718, %swap3A_719], %swap3A_722 {strides = array<i32>} : memref<256x96xf32, #tpu.memory_space<vmem>>, vector<1x16xf32>,
        %get3A_723 = arith.index_cast %add3A_699 : i32 to index
        %get3A_724 = arith.constant 32 : index
        %get3A_725 = tpu.vector_load %arg10[%get3A_723, %get3A_724] {strides = array<i32>} : memref<256x128xf32, #tpu.memory_space<vmem>>, vector<1x16xf32>,
        %get3A_726 = vector.shape_cast %get3A_725 : vector<1x16xf32> to vector<16xf32>
        %mul3A_727 = arith.mulf %get3A_726, %broadcast_in_dim3A_702 : vector<16xf32>
        %swap3A_728 = arith.index_cast %add3A_699 : i32 to index
        %swap3A_729 = arith.constant 32 : index
        %swap3A_730 = tpu.vector_load %arg11[%swap3A_728, %swap3A_729] {strides = array<i32>} : memref<256x96xf32, #tpu.memory_space<vmem>>, vector<1x16xf32>,
        %swap3A_731 = vector.shape_cast %swap3A_730 : vector<1x16xf32> to vector<16xf32>
        %swap3A_732 = vector.shape_cast %mul3A_727 : vector<16xf32> to vector<1x16xf32>
        tpu.vector_store %arg11[%swap3A_728, %swap3A_729], %swap3A_732 {strides = array<i32>} : memref<256x96xf32, #tpu.memory_space<vmem>>, vector<1x16xf32>,
        %get3A_733 = arith.index_cast %add3A_699 : i32 to index
        %get3A_734 = arith.constant 48 : index
        %get3A_735 = tpu.vector_load %arg10[%get3A_733, %get3A_734] {strides = array<i32>} : memref<256x128xf32, #tpu.memory_space<vmem>>, vector<1x16xf32>,
        %get3A_736 = vector.shape_cast %get3A_735 : vector<1x16xf32> to vector<16xf32>
        %mul3A_737 = arith.mulf %get3A_736, %broadcast_in_dim3A_702 : vector<16xf32>
        %swap3A_738 = arith.index_cast %add3A_699 : i32 to index
        %swap3A_739 = arith.constant 48 : index
        %swap3A_740 = tpu.vector_load %arg11[%swap3A_738, %swap3A_739] {strides = array<i32>} : memref<256x96xf32, #tpu.memory_space<vmem>>, vector<1x16xf32>,
        %swap3A_741 = vector.shape_cast %swap3A_740 : vector<1x16xf32> to vector<16xf32>
        %swap3A_742 = vector.shape_cast %mul3A_737 : vector<16xf32> to vector<1x16xf32>
        tpu.vector_store %arg11[%swap3A_738, %swap3A_739], %swap3A_742 {strides = array<i32>} : memref<256x96xf32, #tpu.memory_space<vmem>>, vector<1x16xf32>,
        %get3A_743 = arith.index_cast %add3A_699 : i32 to index
        %get3A_744 = arith.constant 64 : index
        %get3A_745 = tpu.vector_load %arg10[%get3A_743, %get3A_744] {strides = array<i32>} : memref<256x128xf32, #tpu.memory_space<vmem>>, vector<1x16xf32>,
        %get3A_746 = vector.shape_cast %get3A_745 : vector<1x16xf32> to vector<16xf32>
        %mul3A_747 = arith.mulf %get3A_746, %broadcast_in_dim3A_702 : vector<16xf32>
        %swap3A_748 = arith.index_cast %add3A_699 : i32 to index
        %swap3A_749 = arith.constant 64 : index
        %swap3A_750 = tpu.vector_load %arg11[%swap3A_748, %swap3A_749] {strides = array<i32>} : memref<256x96xf32, #tpu.memory_space<vmem>>, vector<1x16xf32>,
        %swap3A_751 = vector.shape_cast %swap3A_750 : vector<1x16xf32> to vector<16xf32>
        %swap3A_752 = vector.shape_cast %mul3A_747 : vector<16xf32> to vector<1x16xf32>
        tpu.vector_store %arg11[%swap3A_748, %swap3A_749], %swap3A_752 {strides = array<i32>} : memref<256x96xf32, #tpu.memory_space<vmem>>, vector<1x16xf32>,
        %get3A_753 = arith.index_cast %add3A_699 : i32 to index
        %get3A_754 = arith.constant 80 : index
        %get3A_755 = tpu.vector_load %arg10[%get3A_753, %get3A_754] {strides = array<i32>} : memref<256x128xf32, #tpu.memory_space<vmem>>, vector<1x16xf32>,
        %get3A_756 = vector.shape_cast %get3A_755 : vector<1x16xf32> to vector<16xf32>
        %mul3A_757 = arith.mulf %get3A_756, %broadcast_in_dim3A_702 : vector<16xf32>
        %swap3A_758 = arith.index_cast %add3A_699 : i32 to index
        %swap3A_759 = arith.constant 80 : index
        %swap3A_760 = tpu.vector_load %arg11[%swap3A_758, %swap3A_759] {strides = array<i32>} : memref<256x96xf32, #tpu.memory_space<vmem>>, vector<1x16xf32>,
        %swap3A_761 = vector.shape_cast %swap3A_760 : vector<1x16xf32> to vector<16xf32>
        %swap3A_762 = vector.shape_cast %mul3A_757 : vector<16xf32> to vector<1x16xf32>
        tpu.vector_store %arg11[%swap3A_758, %swap3A_759], %swap3A_762 {strides = array<i32>} : memref<256x96xf32, #tpu.memory_space<vmem>>, vector<1x16xf32>,
        %mul3A_763 = arith.constant 16 : i32
        %mul3A_764 = arith.muli %scan3A_141, %mul3A_763 : i32
        %add3A_765 = arith.constant 128 : i32
        %add3A_766 = arith.addi %add3A_765, %mul3A_764 : i32
        %add3A_767 = arith.constant 9 : i32
        %add3A_768 = arith.addi %add3A_766, %add3A_767 : i32
        %slice3A_769 = vector.extract_strided_slice %get3A_145 {offsets = [9], sizes = [1], strides = [1]} : vector<16xf32> to vector<1xf32>
        %squeeze3A_770 = vector.extract %slice3A_769[0] : f32 from vector<1xf32>
        %broadcast_in_dim3A_771 = vector.broadcast %squeeze3A_770 : f32 to vector<16xf32>
        %get3A_772 = arith.index_cast %add3A_768 : i32 to index
        %get3A_773 = arith.constant 0 : index
        %get3A_774 = tpu.vector_load %arg10[%get3A_772, %get3A_773] {strides = array<i32>} : memref<256x128xf32, #tpu.memory_space<vmem>>, vector<1x16xf32>,
        %get3A_775 = vector.shape_cast %get3A_774 : vector<1x16xf32> to vector<16xf32>
        %mul3A_776 = arith.mulf %get3A_775, %broadcast_in_dim3A_771 : vector<16xf32>
        %swap3A_777 = arith.index_cast %add3A_768 : i32 to index
        %swap3A_778 = arith.constant 0 : index
        %swap3A_779 = tpu.vector_load %arg11[%swap3A_777, %swap3A_778] {strides = array<i32>} : memref<256x96xf32, #tpu.memory_space<vmem>>, vector<1x16xf32>,
        %swap3A_780 = vector.shape_cast %swap3A_779 : vector<1x16xf32> to vector<16xf32>
        %swap3A_781 = vector.shape_cast %mul3A_776 : vector<16xf32> to vector<1x16xf32>
        tpu.vector_store %arg11[%swap3A_777, %swap3A_778], %swap3A_781 {strides = array<i32>} : memref<256x96xf32, #tpu.memory_space<vmem>>, vector<1x16xf32>,
        %get3A_782 = arith.index_cast %add3A_768 : i32 to index
        %get3A_783 = arith.constant 16 : index
        %get3A_784 = tpu.vector_load %arg10[%get3A_782, %get3A_783] {strides = array<i32>} : memref<256x128xf32, #tpu.memory_space<vmem>>, vector<1x16xf32>,
        %get3A_785 = vector.shape_cast %get3A_784 : vector<1x16xf32> to vector<16xf32>
        %mul3A_786 = arith.mulf %get3A_785, %broadcast_in_dim3A_771 : vector<16xf32>
        %swap3A_787 = arith.index_cast %add3A_768 : i32 to index
        %swap3A_788 = arith.constant 16 : index
        %swap3A_789 = tpu.vector_load %arg11[%swap3A_787, %swap3A_788] {strides = array<i32>} : memref<256x96xf32, #tpu.memory_space<vmem>>, vector<1x16xf32>,
        %swap3A_790 = vector.shape_cast %swap3A_789 : vector<1x16xf32> to vector<16xf32>
        %swap3A_791 = vector.shape_cast %mul3A_786 : vector<16xf32> to vector<1x16xf32>
        tpu.vector_store %arg11[%swap3A_787, %swap3A_788], %swap3A_791 {strides = array<i32>} : memref<256x96xf32, #tpu.memory_space<vmem>>, vector<1x16xf32>,
        %get3A_792 = arith.index_cast %add3A_768 : i32 to index
        %get3A_793 = arith.constant 32 : index
        %get3A_794 = tpu.vector_load %arg10[%get3A_792, %get3A_793] {strides = array<i32>} : memref<256x128xf32, #tpu.memory_space<vmem>>, vector<1x16xf32>,
        %get3A_795 = vector.shape_cast %get3A_794 : vector<1x16xf32> to vector<16xf32>
        %mul3A_796 = arith.mulf %get3A_795, %broadcast_in_dim3A_771 : vector<16xf32>
        %swap3A_797 = arith.index_cast %add3A_768 : i32 to index
        %swap3A_798 = arith.constant 32 : index
        %swap3A_799 = tpu.vector_load %arg11[%swap3A_797, %swap3A_798] {strides = array<i32>} : memref<256x96xf32, #tpu.memory_space<vmem>>, vector<1x16xf32>,
        %swap3A_800 = vector.shape_cast %swap3A_799 : vector<1x16xf32> to vector<16xf32>
        %swap3A_801 = vector.shape_cast %mul3A_796 : vector<16xf32> to vector<1x16xf32>
        tpu.vector_store %arg11[%swap3A_797, %swap3A_798], %swap3A_801 {strides = array<i32>} : memref<256x96xf32, #tpu.memory_space<vmem>>, vector<1x16xf32>,
        %get3A_802 = arith.index_cast %add3A_768 : i32 to index
        %get3A_803 = arith.constant 48 : index
        %get3A_804 = tpu.vector_load %arg10[%get3A_802, %get3A_803] {strides = array<i32>} : memref<256x128xf32, #tpu.memory_space<vmem>>, vector<1x16xf32>,
        %get3A_805 = vector.shape_cast %get3A_804 : vector<1x16xf32> to vector<16xf32>
        %mul3A_806 = arith.mulf %get3A_805, %broadcast_in_dim3A_771 : vector<16xf32>
        %swap3A_807 = arith.index_cast %add3A_768 : i32 to index
        %swap3A_808 = arith.constant 48 : index
        %swap3A_809 = tpu.vector_load %arg11[%swap3A_807, %swap3A_808] {strides = array<i32>} : memref<256x96xf32, #tpu.memory_space<vmem>>, vector<1x16xf32>,
        %swap3A_810 = vector.shape_cast %swap3A_809 : vector<1x16xf32> to vector<16xf32>
        %swap3A_811 = vector.shape_cast %mul3A_806 : vector<16xf32> to vector<1x16xf32>
        tpu.vector_store %arg11[%swap3A_807, %swap3A_808], %swap3A_811 {strides = array<i32>} : memref<256x96xf32, #tpu.memory_space<vmem>>, vector<1x16xf32>,
        %get3A_812 = arith.index_cast %add3A_768 : i32 to index
        %get3A_813 = arith.constant 64 : index
        %get3A_814 = tpu.vector_load %arg10[%get3A_812, %get3A_813] {strides = array<i32>} : memref<256x128xf32, #tpu.memory_space<vmem>>, vector<1x16xf32>,
        %get3A_815 = vector.shape_cast %get3A_814 : vector<1x16xf32> to vector<16xf32>
        %mul3A_816 = arith.mulf %get3A_815, %broadcast_in_dim3A_771 : vector<16xf32>
        %swap3A_817 = arith.index_cast %add3A_768 : i32 to index
        %swap3A_818 = arith.constant 64 : index
        %swap3A_819 = tpu.vector_load %arg11[%swap3A_817, %swap3A_818] {strides = array<i32>} : memref<256x96xf32, #tpu.memory_space<vmem>>, vector<1x16xf32>,
        %swap3A_820 = vector.shape_cast %swap3A_819 : vector<1x16xf32> to vector<16xf32>
        %swap3A_821 = vector.shape_cast %mul3A_816 : vector<16xf32> to vector<1x16xf32>
        tpu.vector_store %arg11[%swap3A_817, %swap3A_818], %swap3A_821 {strides = array<i32>} : memref<256x96xf32, #tpu.memory_space<vmem>>, vector<1x16xf32>,
        %get3A_822 = arith.index_cast %add3A_768 : i32 to index
        %get3A_823 = arith.constant 80 : index
        %get3A_824 = tpu.vector_load %arg10[%get3A_822, %get3A_823] {strides = array<i32>} : memref<256x128xf32, #tpu.memory_space<vmem>>, vector<1x16xf32>,
        %get3A_825 = vector.shape_cast %get3A_824 : vector<1x16xf32> to vector<16xf32>
        %mul3A_826 = arith.mulf %get3A_825, %broadcast_in_dim3A_771 : vector<16xf32>
        %swap3A_827 = arith.index_cast %add3A_768 : i32 to index
        %swap3A_828 = arith.constant 80 : index
        %swap3A_829 = tpu.vector_load %arg11[%swap3A_827, %swap3A_828] {strides = array<i32>} : memref<256x96xf32, #tpu.memory_space<vmem>>, vector<1x16xf32>,
        %swap3A_830 = vector.shape_cast %swap3A_829 : vector<1x16xf32> to vector<16xf32>
        %swap3A_831 = vector.shape_cast %mul3A_826 : vector<16xf32> to vector<1x16xf32>
        tpu.vector_store %arg11[%swap3A_827, %swap3A_828], %swap3A_831 {strides = array<i32>} : memref<256x96xf32, #tpu.memory_space<vmem>>, vector<1x16xf32>,
        %mul3A_832 = arith.constant 16 : i32
        %mul3A_833 = arith.muli %scan3A_141, %mul3A_832 : i32
        %add3A_834 = arith.constant 128 : i32
        %add3A_835 = arith.addi %add3A_834, %mul3A_833 : i32
        %add3A_836 = arith.constant 10 : i32
        %add3A_837 = arith.addi %add3A_835, %add3A_836 : i32
        %slice3A_838 = vector.extract_strided_slice %get3A_145 {offsets = [10], sizes = [1], strides = [1]} : vector<16xf32> to vector<1xf32>
        %squeeze3A_839 = vector.extract %slice3A_838[0] : f32 from vector<1xf32>
        %broadcast_in_dim3A_840 = vector.broadcast %squeeze3A_839 : f32 to vector<16xf32>
        %get3A_841 = arith.index_cast %add3A_837 : i32 to index
        %get3A_842 = arith.constant 0 : index
        %get3A_843 = tpu.vector_load %arg10[%get3A_841, %get3A_842] {strides = array<i32>} : memref<256x128xf32, #tpu.memory_space<vmem>>, vector<1x16xf32>,
        %get3A_844 = vector.shape_cast %get3A_843 : vector<1x16xf32> to vector<16xf32>
        %mul3A_845 = arith.mulf %get3A_844, %broadcast_in_dim3A_840 : vector<16xf32>
        %swap3A_846 = arith.index_cast %add3A_837 : i32 to index
        %swap3A_847 = arith.constant 0 : index
        %swap3A_848 = tpu.vector_load %arg11[%swap3A_846, %swap3A_847] {strides = array<i32>} : memref<256x96xf32, #tpu.memory_space<vmem>>, vector<1x16xf32>,
        %swap3A_849 = vector.shape_cast %swap3A_848 : vector<1x16xf32> to vector<16xf32>
        %swap3A_850 = vector.shape_cast %mul3A_845 : vector<16xf32> to vector<1x16xf32>
        tpu.vector_store %arg11[%swap3A_846, %swap3A_847], %swap3A_850 {strides = array<i32>} : memref<256x96xf32, #tpu.memory_space<vmem>>, vector<1x16xf32>,
        %get3A_851 = arith.index_cast %add3A_837 : i32 to index
        %get3A_852 = arith.constant 16 : index
        %get3A_853 = tpu.vector_load %arg10[%get3A_851, %get3A_852] {strides = array<i32>} : memref<256x128xf32, #tpu.memory_space<vmem>>, vector<1x16xf32>,
        %get3A_854 = vector.shape_cast %get3A_853 : vector<1x16xf32> to vector<16xf32>
        %mul3A_855 = arith.mulf %get3A_854, %broadcast_in_dim3A_840 : vector<16xf32>
        %swap3A_856 = arith.index_cast %add3A_837 : i32 to index
        %swap3A_857 = arith.constant 16 : index
        %swap3A_858 = tpu.vector_load %arg11[%swap3A_856, %swap3A_857] {strides = array<i32>} : memref<256x96xf32, #tpu.memory_space<vmem>>, vector<1x16xf32>,
        %swap3A_859 = vector.shape_cast %swap3A_858 : vector<1x16xf32> to vector<16xf32>
        %swap3A_860 = vector.shape_cast %mul3A_855 : vector<16xf32> to vector<1x16xf32>
        tpu.vector_store %arg11[%swap3A_856, %swap3A_857], %swap3A_860 {strides = array<i32>} : memref<256x96xf32, #tpu.memory_space<vmem>>, vector<1x16xf32>,
        %get3A_861 = arith.index_cast %add3A_837 : i32 to index
        %get3A_862 = arith.constant 32 : index
        %get3A_863 = tpu.vector_load %arg10[%get3A_861, %get3A_862] {strides = array<i32>} : memref<256x128xf32, #tpu.memory_space<vmem>>, vector<1x16xf32>,
        %get3A_864 = vector.shape_cast %get3A_863 : vector<1x16xf32> to vector<16xf32>
        %mul3A_865 = arith.mulf %get3A_864, %broadcast_in_dim3A_840 : vector<16xf32>
        %swap3A_866 = arith.index_cast %add3A_837 : i32 to index
        %swap3A_867 = arith.constant 32 : index
        %swap3A_868 = tpu.vector_load %arg11[%swap3A_866, %swap3A_867] {strides = array<i32>} : memref<256x96xf32, #tpu.memory_space<vmem>>, vector<1x16xf32>,
        %swap3A_869 = vector.shape_cast %swap3A_868 : vector<1x16xf32> to vector<16xf32>
        %swap3A_870 = vector.shape_cast %mul3A_865 : vector<16xf32> to vector<1x16xf32>
        tpu.vector_store %arg11[%swap3A_866, %swap3A_867], %swap3A_870 {strides = array<i32>} : memref<256x96xf32, #tpu.memory_space<vmem>>, vector<1x16xf32>,
        %get3A_871 = arith.index_cast %add3A_837 : i32 to index
        %get3A_872 = arith.constant 48 : index
        %get3A_873 = tpu.vector_load %arg10[%get3A_871, %get3A_872] {strides = array<i32>} : memref<256x128xf32, #tpu.memory_space<vmem>>, vector<1x16xf32>,
        %get3A_874 = vector.shape_cast %get3A_873 : vector<1x16xf32> to vector<16xf32>
        %mul3A_875 = arith.mulf %get3A_874, %broadcast_in_dim3A_840 : vector<16xf32>
        %swap3A_876 = arith.index_cast %add3A_837 : i32 to index
        %swap3A_877 = arith.constant 48 : index
        %swap3A_878 = tpu.vector_load %arg11[%swap3A_876, %swap3A_877] {strides = array<i32>} : memref<256x96xf32, #tpu.memory_space<vmem>>, vector<1x16xf32>,
        %swap3A_879 = vector.shape_cast %swap3A_878 : vector<1x16xf32> to vector<16xf32>
        %swap3A_880 = vector.shape_cast %mul3A_875 : vector<16xf32> to vector<1x16xf32>
        tpu.vector_store %arg11[%swap3A_876, %swap3A_877], %swap3A_880 {strides = array<i32>} : memref<256x96xf32, #tpu.memory_space<vmem>>, vector<1x16xf32>,
        %get3A_881 = arith.index_cast %add3A_837 : i32 to index
        %get3A_882 = arith.constant 64 : index
        %get3A_883 = tpu.vector_load %arg10[%get3A_881, %get3A_882] {strides = array<i32>} : memref<256x128xf32, #tpu.memory_space<vmem>>, vector<1x16xf32>,
        %get3A_884 = vector.shape_cast %get3A_883 : vector<1x16xf32> to vector<16xf32>
        %mul3A_885 = arith.mulf %get3A_884, %broadcast_in_dim3A_840 : vector<16xf32>
        %swap3A_886 = arith.index_cast %add3A_837 : i32 to index
        %swap3A_887 = arith.constant 64 : index
        %swap3A_888 = tpu.vector_load %arg11[%swap3A_886, %swap3A_887] {strides = array<i32>} : memref<256x96xf32, #tpu.memory_space<vmem>>, vector<1x16xf32>,
        %swap3A_889 = vector.shape_cast %swap3A_888 : vector<1x16xf32> to vector<16xf32>
        %swap3A_890 = vector.shape_cast %mul3A_885 : vector<16xf32> to vector<1x16xf32>
        tpu.vector_store %arg11[%swap3A_886, %swap3A_887], %swap3A_890 {strides = array<i32>} : memref<256x96xf32, #tpu.memory_space<vmem>>, vector<1x16xf32>,
        %get3A_891 = arith.index_cast %add3A_837 : i32 to index
        %get3A_892 = arith.constant 80 : index
        %get3A_893 = tpu.vector_load %arg10[%get3A_891, %get3A_892] {strides = array<i32>} : memref<256x128xf32, #tpu.memory_space<vmem>>, vector<1x16xf32>,
        %get3A_894 = vector.shape_cast %get3A_893 : vector<1x16xf32> to vector<16xf32>
        %mul3A_895 = arith.mulf %get3A_894, %broadcast_in_dim3A_840 : vector<16xf32>
        %swap3A_896 = arith.index_cast %add3A_837 : i32 to index
        %swap3A_897 = arith.constant 80 : index
        %swap3A_898 = tpu.vector_load %arg11[%swap3A_896, %swap3A_897] {strides = array<i32>} : memref<256x96xf32, #tpu.memory_space<vmem>>, vector<1x16xf32>,
        %swap3A_899 = vector.shape_cast %swap3A_898 : vector<1x16xf32> to vector<16xf32>
        %swap3A_900 = vector.shape_cast %mul3A_895 : vector<16xf32> to vector<1x16xf32>
        tpu.vector_store %arg11[%swap3A_896, %swap3A_897], %swap3A_900 {strides = array<i32>} : memref<256x96xf32, #tpu.memory_space<vmem>>, vector<1x16xf32>,
        %mul3A_901 = arith.constant 16 : i32
        %mul3A_902 = arith.muli %scan3A_141, %mul3A_901 : i32
        %add3A_903 = arith.constant 128 : i32
        %add3A_904 = arith.addi %add3A_903, %mul3A_902 : i32
        %add3A_905 = arith.constant 11 : i32
        %add3A_906 = arith.addi %add3A_904, %add3A_905 : i32
        %slice3A_907 = vector.extract_strided_slice %get3A_145 {offsets = [11], sizes = [1], strides = [1]} : vector<16xf32> to vector<1xf32>
        %squeeze3A_908 = vector.extract %slice3A_907[0] : f32 from vector<1xf32>
        %broadcast_in_dim3A_909 = vector.broadcast %squeeze3A_908 : f32 to vector<16xf32>
        %get3A_910 = arith.index_cast %add3A_906 : i32 to index
        %get3A_911 = arith.constant 0 : index
        %get3A_912 = tpu.vector_load %arg10[%get3A_910, %get3A_911] {strides = array<i32>} : memref<256x128xf32, #tpu.memory_space<vmem>>, vector<1x16xf32>,
        %get3A_913 = vector.shape_cast %get3A_912 : vector<1x16xf32> to vector<16xf32>
        %mul3A_914 = arith.mulf %get3A_913, %broadcast_in_dim3A_909 : vector<16xf32>
        %swap3A_915 = arith.index_cast %add3A_906 : i32 to index
        %swap3A_916 = arith.constant 0 : index
        %swap3A_917 = tpu.vector_load %arg11[%swap3A_915, %swap3A_916] {strides = array<i32>} : memref<256x96xf32, #tpu.memory_space<vmem>>, vector<1x16xf32>,
        %swap3A_918 = vector.shape_cast %swap3A_917 : vector<1x16xf32> to vector<16xf32>
        %swap3A_919 = vector.shape_cast %mul3A_914 : vector<16xf32> to vector<1x16xf32>
        tpu.vector_store %arg11[%swap3A_915, %swap3A_916], %swap3A_919 {strides = array<i32>} : memref<256x96xf32, #tpu.memory_space<vmem>>, vector<1x16xf32>,
        %get3A_920 = arith.index_cast %add3A_906 : i32 to index
        %get3A_921 = arith.constant 16 : index
        %get3A_922 = tpu.vector_load %arg10[%get3A_920, %get3A_921] {strides = array<i32>} : memref<256x128xf32, #tpu.memory_space<vmem>>, vector<1x16xf32>,
        %get3A_923 = vector.shape_cast %get3A_922 : vector<1x16xf32> to vector<16xf32>
        %mul3A_924 = arith.mulf %get3A_923, %broadcast_in_dim3A_909 : vector<16xf32>
        %swap3A_925 = arith.index_cast %add3A_906 : i32 to index
        %swap3A_926 = arith.constant 16 : index
        %swap3A_927 = tpu.vector_load %arg11[%swap3A_925, %swap3A_926] {strides = array<i32>} : memref<256x96xf32, #tpu.memory_space<vmem>>, vector<1x16xf32>,
        %swap3A_928 = vector.shape_cast %swap3A_927 : vector<1x16xf32> to vector<16xf32>
        %swap3A_929 = vector.shape_cast %mul3A_924 : vector<16xf32> to vector<1x16xf32>
        tpu.vector_store %arg11[%swap3A_925, %swap3A_926], %swap3A_929 {strides = array<i32>} : memref<256x96xf32, #tpu.memory_space<vmem>>, vector<1x16xf32>,
        %get3A_930 = arith.index_cast %add3A_906 : i32 to index
        %get3A_931 = arith.constant 32 : index
        %get3A_932 = tpu.vector_load %arg10[%get3A_930, %get3A_931] {strides = array<i32>} : memref<256x128xf32, #tpu.memory_space<vmem>>, vector<1x16xf32>,
        %get3A_933 = vector.shape_cast %get3A_932 : vector<1x16xf32> to vector<16xf32>
        %mul3A_934 = arith.mulf %get3A_933, %broadcast_in_dim3A_909 : vector<16xf32>
        %swap3A_935 = arith.index_cast %add3A_906 : i32 to index
        %swap3A_936 = arith.constant 32 : index
        %swap3A_937 = tpu.vector_load %arg11[%swap3A_935, %swap3A_936] {strides = array<i32>} : memref<256x96xf32, #tpu.memory_space<vmem>>, vector<1x16xf32>,
        %swap3A_938 = vector.shape_cast %swap3A_937 : vector<1x16xf32> to vector<16xf32>
        %swap3A_939 = vector.shape_cast %mul3A_934 : vector<16xf32> to vector<1x16xf32>
        tpu.vector_store %arg11[%swap3A_935, %swap3A_936], %swap3A_939 {strides = array<i32>} : memref<256x96xf32, #tpu.memory_space<vmem>>, vector<1x16xf32>,
        %get3A_940 = arith.index_cast %add3A_906 : i32 to index
        %get3A_941 = arith.constant 48 : index
        %get3A_942 = tpu.vector_load %arg10[%get3A_940, %get3A_941] {strides = array<i32>} : memref<256x128xf32, #tpu.memory_space<vmem>>, vector<1x16xf32>,
        %get3A_943 = vector.shape_cast %get3A_942 : vector<1x16xf32> to vector<16xf32>
        %mul3A_944 = arith.mulf %get3A_943, %broadcast_in_dim3A_909 : vector<16xf32>
        %swap3A_945 = arith.index_cast %add3A_906 : i32 to index
        %swap3A_946 = arith.constant 48 : index
        %swap3A_947 = tpu.vector_load %arg11[%swap3A_945, %swap3A_946] {strides = array<i32>} : memref<256x96xf32, #tpu.memory_space<vmem>>, vector<1x16xf32>,
        %swap3A_948 = vector.shape_cast %swap3A_947 : vector<1x16xf32> to vector<16xf32>
        %swap3A_949 = vector.shape_cast %mul3A_944 : vector<16xf32> to vector<1x16xf32>
        tpu.vector_store %arg11[%swap3A_945, %swap3A_946], %swap3A_949 {strides = array<i32>} : memref<256x96xf32, #tpu.memory_space<vmem>>, vector<1x16xf32>,
        %get3A_950 = arith.index_cast %add3A_906 : i32 to index
        %get3A_951 = arith.constant 64 : index
        %get3A_952 = tpu.vector_load %arg10[%get3A_950, %get3A_951] {strides = array<i32>} : memref<256x128xf32, #tpu.memory_space<vmem>>, vector<1x16xf32>,
        %get3A_953 = vector.shape_cast %get3A_952 : vector<1x16xf32> to vector<16xf32>
        %mul3A_954 = arith.mulf %get3A_953, %broadcast_in_dim3A_909 : vector<16xf32>
        %swap3A_955 = arith.index_cast %add3A_906 : i32 to index
        %swap3A_956 = arith.constant 64 : index
        %swap3A_957 = tpu.vector_load %arg11[%swap3A_955, %swap3A_956] {strides = array<i32>} : memref<256x96xf32, #tpu.memory_space<vmem>>, vector<1x16xf32>,
        %swap3A_958 = vector.shape_cast %swap3A_957 : vector<1x16xf32> to vector<16xf32>
        %swap3A_959 = vector.shape_cast %mul3A_954 : vector<16xf32> to vector<1x16xf32>
        tpu.vector_store %arg11[%swap3A_955, %swap3A_956], %swap3A_959 {strides = array<i32>} : memref<256x96xf32, #tpu.memory_space<vmem>>, vector<1x16xf32>,
        %get3A_960 = arith.index_cast %add3A_906 : i32 to index
        %get3A_961 = arith.constant 80 : index
        %get3A_962 = tpu.vector_load %arg10[%get3A_960, %get3A_961] {strides = array<i32>} : memref<256x128xf32, #tpu.memory_space<vmem>>, vector<1x16xf32>,
        %get3A_963 = vector.shape_cast %get3A_962 : vector<1x16xf32> to vector<16xf32>
        %mul3A_964 = arith.mulf %get3A_963, %broadcast_in_dim3A_909 : vector<16xf32>
        %swap3A_965 = arith.index_cast %add3A_906 : i32 to index
        %swap3A_966 = arith.constant 80 : index
        %swap3A_967 = tpu.vector_load %arg11[%swap3A_965, %swap3A_966] {strides = array<i32>} : memref<256x96xf32, #tpu.memory_space<vmem>>, vector<1x16xf32>,
        %swap3A_968 = vector.shape_cast %swap3A_967 : vector<1x16xf32> to vector<16xf32>
        %swap3A_969 = vector.shape_cast %mul3A_964 : vector<16xf32> to vector<1x16xf32>
        tpu.vector_store %arg11[%swap3A_965, %swap3A_966], %swap3A_969 {strides = array<i32>} : memref<256x96xf32, #tpu.memory_space<vmem>>, vector<1x16xf32>,
        %mul3A_970 = arith.constant 16 : i32
        %mul3A_971 = arith.muli %scan3A_141, %mul3A_970 : i32
        %add3A_972 = arith.constant 128 : i32
        %add3A_973 = arith.addi %add3A_972, %mul3A_971 : i32
        %add3A_974 = arith.constant 12 : i32
        %add3A_975 = arith.addi %add3A_973, %add3A_974 : i32
        %slice3A_976 = vector.extract_strided_slice %get3A_145 {offsets = [12], sizes = [1], strides = [1]} : vector<16xf32> to vector<1xf32>
        %squeeze3A_977 = vector.extract %slice3A_976[0] : f32 from vector<1xf32>
        %broadcast_in_dim3A_978 = vector.broadcast %squeeze3A_977 : f32 to vector<16xf32>
        %get3A_979 = arith.index_cast %add3A_975 : i32 to index
        %get3A_980 = arith.constant 0 : index
        %get3A_981 = tpu.vector_load %arg10[%get3A_979, %get3A_980] {strides = array<i32>} : memref<256x128xf32, #tpu.memory_space<vmem>>, vector<1x16xf32>,
        %get3A_982 = vector.shape_cast %get3A_981 : vector<1x16xf32> to vector<16xf32>
        %mul3A_983 = arith.mulf %get3A_982, %broadcast_in_dim3A_978 : vector<16xf32>
        %swap3A_984 = arith.index_cast %add3A_975 : i32 to index
        %swap3A_985 = arith.constant 0 : index
        %swap3A_986 = tpu.vector_load %arg11[%swap3A_984, %swap3A_985] {strides = array<i32>} : memref<256x96xf32, #tpu.memory_space<vmem>>, vector<1x16xf32>,
        %swap3A_987 = vector.shape_cast %swap3A_986 : vector<1x16xf32> to vector<16xf32>
        %swap3A_988 = vector.shape_cast %mul3A_983 : vector<16xf32> to vector<1x16xf32>
        tpu.vector_store %arg11[%swap3A_984, %swap3A_985], %swap3A_988 {strides = array<i32>} : memref<256x96xf32, #tpu.memory_space<vmem>>, vector<1x16xf32>,
        %get3A_989 = arith.index_cast %add3A_975 : i32 to index
        %get3A_990 = arith.constant 16 : index
        %get3A_991 = tpu.vector_load %arg10[%get3A_989, %get3A_990] {strides = array<i32>} : memref<256x128xf32, #tpu.memory_space<vmem>>, vector<1x16xf32>,
        %get3A_992 = vector.shape_cast %get3A_991 : vector<1x16xf32> to vector<16xf32>
        %mul3A_993 = arith.mulf %get3A_992, %broadcast_in_dim3A_978 : vector<16xf32>
        %swap3A_994 = arith.index_cast %add3A_975 : i32 to index
        %swap3A_995 = arith.constant 16 : index
        %swap3A_996 = tpu.vector_load %arg11[%swap3A_994, %swap3A_995] {strides = array<i32>} : memref<256x96xf32, #tpu.memory_space<vmem>>, vector<1x16xf32>,
        %swap3A_997 = vector.shape_cast %swap3A_996 : vector<1x16xf32> to vector<16xf32>
        %swap3A_998 = vector.shape_cast %mul3A_993 : vector<16xf32> to vector<1x16xf32>
        tpu.vector_store %arg11[%swap3A_994, %swap3A_995], %swap3A_998 {strides = array<i32>} : memref<256x96xf32, #tpu.memory_space<vmem>>, vector<1x16xf32>,
        %get3A_999 = arith.index_cast %add3A_975 : i32 to index
        %get3A_1000 = arith.constant 32 : index
        %get3A_1001 = tpu.vector_load %arg10[%get3A_999, %get3A_1000] {strides = array<i32>} : memref<256x128xf32, #tpu.memory_space<vmem>>, vector<1x16xf32>,
        %get3A_1002 = vector.shape_cast %get3A_1001 : vector<1x16xf32> to vector<16xf32>
        %mul3A_1003 = arith.mulf %get3A_1002, %broadcast_in_dim3A_978 : vector<16xf32>
        %swap3A_1004 = arith.index_cast %add3A_975 : i32 to index
        %swap3A_1005 = arith.constant 32 : index
        %swap3A_1006 = tpu.vector_load %arg11[%swap3A_1004, %swap3A_1005] {strides = array<i32>} : memref<256x96xf32, #tpu.memory_space<vmem>>, vector<1x16xf32>,
        %swap3A_1007 = vector.shape_cast %swap3A_1006 : vector<1x16xf32> to vector<16xf32>
        %swap3A_1008 = vector.shape_cast %mul3A_1003 : vector<16xf32> to vector<1x16xf32>
        tpu.vector_store %arg11[%swap3A_1004, %swap3A_1005], %swap3A_1008 {strides = array<i32>} : memref<256x96xf32, #tpu.memory_space<vmem>>, vector<1x16xf32>,
        %get3A_1009 = arith.index_cast %add3A_975 : i32 to index
        %get3A_1010 = arith.constant 48 : index
        %get3A_1011 = tpu.vector_load %arg10[%get3A_1009, %get3A_1010] {strides = array<i32>} : memref<256x128xf32, #tpu.memory_space<vmem>>, vector<1x16xf32>,
        %get3A_1012 = vector.shape_cast %get3A_1011 : vector<1x16xf32> to vector<16xf32>
        %mul3A_1013 = arith.mulf %get3A_1012, %broadcast_in_dim3A_978 : vector<16xf32>
        %swap3A_1014 = arith.index_cast %add3A_975 : i32 to index
        %swap3A_1015 = arith.constant 48 : index
        %swap3A_1016 = tpu.vector_load %arg11[%swap3A_1014, %swap3A_1015] {strides = array<i32>} : memref<256x96xf32, #tpu.memory_space<vmem>>, vector<1x16xf32>,
        %swap3A_1017 = vector.shape_cast %swap3A_1016 : vector<1x16xf32> to vector<16xf32>
        %swap3A_1018 = vector.shape_cast %mul3A_1013 : vector<16xf32> to vector<1x16xf32>
        tpu.vector_store %arg11[%swap3A_1014, %swap3A_1015], %swap3A_1018 {strides = array<i32>} : memref<256x96xf32, #tpu.memory_space<vmem>>, vector<1x16xf32>,
        %get3A_1019 = arith.index_cast %add3A_975 : i32 to index
        %get3A_1020 = arith.constant 64 : index
        %get3A_1021 = tpu.vector_load %arg10[%get3A_1019, %get3A_1020] {strides = array<i32>} : memref<256x128xf32, #tpu.memory_space<vmem>>, vector<1x16xf32>,
        %get3A_1022 = vector.shape_cast %get3A_1021 : vector<1x16xf32> to vector<16xf32>
        %mul3A_1023 = arith.mulf %get3A_1022, %broadcast_in_dim3A_978 : vector<16xf32>
        %swap3A_1024 = arith.index_cast %add3A_975 : i32 to index
        %swap3A_1025 = arith.constant 64 : index
        %swap3A_1026 = tpu.vector_load %arg11[%swap3A_1024, %swap3A_1025] {strides = array<i32>} : memref<256x96xf32, #tpu.memory_space<vmem>>, vector<1x16xf32>,
        %swap3A_1027 = vector.shape_cast %swap3A_1026 : vector<1x16xf32> to vector<16xf32>
        %swap3A_1028 = vector.shape_cast %mul3A_1023 : vector<16xf32> to vector<1x16xf32>
        tpu.vector_store %arg11[%swap3A_1024, %swap3A_1025], %swap3A_1028 {strides = array<i32>} : memref<256x96xf32, #tpu.memory_space<vmem>>, vector<1x16xf32>,
        %get3A_1029 = arith.index_cast %add3A_975 : i32 to index
        %get3A_1030 = arith.constant 80 : index
        %get3A_1031 = tpu.vector_load %arg10[%get3A_1029, %get3A_1030] {strides = array<i32>} : memref<256x128xf32, #tpu.memory_space<vmem>>, vector<1x16xf32>,
        %get3A_1032 = vector.shape_cast %get3A_1031 : vector<1x16xf32> to vector<16xf32>
        %mul3A_1033 = arith.mulf %get3A_1032, %broadcast_in_dim3A_978 : vector<16xf32>
        %swap3A_1034 = arith.index_cast %add3A_975 : i32 to index
        %swap3A_1035 = arith.constant 80 : index
        %swap3A_1036 = tpu.vector_load %arg11[%swap3A_1034, %swap3A_1035] {strides = array<i32>} : memref<256x96xf32, #tpu.memory_space<vmem>>, vector<1x16xf32>,
        %swap3A_1037 = vector.shape_cast %swap3A_1036 : vector<1x16xf32> to vector<16xf32>
        %swap3A_1038 = vector.shape_cast %mul3A_1033 : vector<16xf32> to vector<1x16xf32>
        tpu.vector_store %arg11[%swap3A_1034, %swap3A_1035], %swap3A_1038 {strides = array<i32>} : memref<256x96xf32, #tpu.memory_space<vmem>>, vector<1x16xf32>,
        %mul3A_1039 = arith.constant 16 : i32
        %mul3A_1040 = arith.muli %scan3A_141, %mul3A_1039 : i32
        %add3A_1041 = arith.constant 128 : i32
        %add3A_1042 = arith.addi %add3A_1041, %mul3A_1040 : i32
        %add3A_1043 = arith.constant 13 : i32
        %add3A_1044 = arith.addi %add3A_1042, %add3A_1043 : i32
        %slice3A_1045 = vector.extract_strided_slice %get3A_145 {offsets = [13], sizes = [1], strides = [1]} : vector<16xf32> to vector<1xf32>
        %squeeze3A_1046 = vector.extract %slice3A_1045[0] : f32 from vector<1xf32>
        %broadcast_in_dim3A_1047 = vector.broadcast %squeeze3A_1046 : f32 to vector<16xf32>
        %get3A_1048 = arith.index_cast %add3A_1044 : i32 to index
        %get3A_1049 = arith.constant 0 : index
        %get3A_1050 = tpu.vector_load %arg10[%get3A_1048, %get3A_1049] {strides = array<i32>} : memref<256x128xf32, #tpu.memory_space<vmem>>, vector<1x16xf32>,
        %get3A_1051 = vector.shape_cast %get3A_1050 : vector<1x16xf32> to vector<16xf32>
        %mul3A_1052 = arith.mulf %get3A_1051, %broadcast_in_dim3A_1047 : vector<16xf32>
        %swap3A_1053 = arith.index_cast %add3A_1044 : i32 to index
        %swap3A_1054 = arith.constant 0 : index
        %swap3A_1055 = tpu.vector_load %arg11[%swap3A_1053, %swap3A_1054] {strides = array<i32>} : memref<256x96xf32, #tpu.memory_space<vmem>>, vector<1x16xf32>,
        %swap3A_1056 = vector.shape_cast %swap3A_1055 : vector<1x16xf32> to vector<16xf32>
        %swap3A_1057 = vector.shape_cast %mul3A_1052 : vector<16xf32> to vector<1x16xf32>
        tpu.vector_store %arg11[%swap3A_1053, %swap3A_1054], %swap3A_1057 {strides = array<i32>} : memref<256x96xf32, #tpu.memory_space<vmem>>, vector<1x16xf32>,
        %get3A_1058 = arith.index_cast %add3A_1044 : i32 to index
        %get3A_1059 = arith.constant 16 : index
        %get3A_1060 = tpu.vector_load %arg10[%get3A_1058, %get3A_1059] {strides = array<i32>} : memref<256x128xf32, #tpu.memory_space<vmem>>, vector<1x16xf32>,
        %get3A_1061 = vector.shape_cast %get3A_1060 : vector<1x16xf32> to vector<16xf32>
        %mul3A_1062 = arith.mulf %get3A_1061, %broadcast_in_dim3A_1047 : vector<16xf32>
        %swap3A_1063 = arith.index_cast %add3A_1044 : i32 to index
        %swap3A_1064 = arith.constant 16 : index
        %swap3A_1065 = tpu.vector_load %arg11[%swap3A_1063, %swap3A_1064] {strides = array<i32>} : memref<256x96xf32, #tpu.memory_space<vmem>>, vector<1x16xf32>,
        %swap3A_1066 = vector.shape_cast %swap3A_1065 : vector<1x16xf32> to vector<16xf32>
        %swap3A_1067 = vector.shape_cast %mul3A_1062 : vector<16xf32> to vector<1x16xf32>
        tpu.vector_store %arg11[%swap3A_1063, %swap3A_1064], %swap3A_1067 {strides = array<i32>} : memref<256x96xf32, #tpu.memory_space<vmem>>, vector<1x16xf32>,
        %get3A_1068 = arith.index_cast %add3A_1044 : i32 to index
        %get3A_1069 = arith.constant 32 : index
        %get3A_1070 = tpu.vector_load %arg10[%get3A_1068, %get3A_1069] {strides = array<i32>} : memref<256x128xf32, #tpu.memory_space<vmem>>, vector<1x16xf32>,
        %get3A_1071 = vector.shape_cast %get3A_1070 : vector<1x16xf32> to vector<16xf32>
        %mul3A_1072 = arith.mulf %get3A_1071, %broadcast_in_dim3A_1047 : vector<16xf32>
        %swap3A_1073 = arith.index_cast %add3A_1044 : i32 to index
        %swap3A_1074 = arith.constant 32 : index
        %swap3A_1075 = tpu.vector_load %arg11[%swap3A_1073, %swap3A_1074] {strides = array<i32>} : memref<256x96xf32, #tpu.memory_space<vmem>>, vector<1x16xf32>,
        %swap3A_1076 = vector.shape_cast %swap3A_1075 : vector<1x16xf32> to vector<16xf32>
        %swap3A_1077 = vector.shape_cast %mul3A_1072 : vector<16xf32> to vector<1x16xf32>
        tpu.vector_store %arg11[%swap3A_1073, %swap3A_1074], %swap3A_1077 {strides = array<i32>} : memref<256x96xf32, #tpu.memory_space<vmem>>, vector<1x16xf32>,
        %get3A_1078 = arith.index_cast %add3A_1044 : i32 to index
        %get3A_1079 = arith.constant 48 : index
        %get3A_1080 = tpu.vector_load %arg10[%get3A_1078, %get3A_1079] {strides = array<i32>} : memref<256x128xf32, #tpu.memory_space<vmem>>, vector<1x16xf32>,
        %get3A_1081 = vector.shape_cast %get3A_1080 : vector<1x16xf32> to vector<16xf32>
        %mul3A_1082 = arith.mulf %get3A_1081, %broadcast_in_dim3A_1047 : vector<16xf32>
        %swap3A_1083 = arith.index_cast %add3A_1044 : i32 to index
        %swap3A_1084 = arith.constant 48 : index
        %swap3A_1085 = tpu.vector_load %arg11[%swap3A_1083, %swap3A_1084] {strides = array<i32>} : memref<256x96xf32, #tpu.memory_space<vmem>>, vector<1x16xf32>,
        %swap3A_1086 = vector.shape_cast %swap3A_1085 : vector<1x16xf32> to vector<16xf32>
        %swap3A_1087 = vector.shape_cast %mul3A_1082 : vector<16xf32> to vector<1x16xf32>
        tpu.vector_store %arg11[%swap3A_1083, %swap3A_1084], %swap3A_1087 {strides = array<i32>} : memref<256x96xf32, #tpu.memory_space<vmem>>, vector<1x16xf32>,
        %get3A_1088 = arith.index_cast %add3A_1044 : i32 to index
        %get3A_1089 = arith.constant 64 : index
        %get3A_1090 = tpu.vector_load %arg10[%get3A_1088, %get3A_1089] {strides = array<i32>} : memref<256x128xf32, #tpu.memory_space<vmem>>, vector<1x16xf32>,
        %get3A_1091 = vector.shape_cast %get3A_1090 : vector<1x16xf32> to vector<16xf32>
        %mul3A_1092 = arith.mulf %get3A_1091, %broadcast_in_dim3A_1047 : vector<16xf32>
        %swap3A_1093 = arith.index_cast %add3A_1044 : i32 to index
        %swap3A_1094 = arith.constant 64 : index
        %swap3A_1095 = tpu.vector_load %arg11[%swap3A_1093, %swap3A_1094] {strides = array<i32>} : memref<256x96xf32, #tpu.memory_space<vmem>>, vector<1x16xf32>,
        %swap3A_1096 = vector.shape_cast %swap3A_1095 : vector<1x16xf32> to vector<16xf32>
        %swap3A_1097 = vector.shape_cast %mul3A_1092 : vector<16xf32> to vector<1x16xf32>
        tpu.vector_store %arg11[%swap3A_1093, %swap3A_1094], %swap3A_1097 {strides = array<i32>} : memref<256x96xf32, #tpu.memory_space<vmem>>, vector<1x16xf32>,
        %get3A_1098 = arith.index_cast %add3A_1044 : i32 to index
        %get3A_1099 = arith.constant 80 : index
        %get3A_1100 = tpu.vector_load %arg10[%get3A_1098, %get3A_1099] {strides = array<i32>} : memref<256x128xf32, #tpu.memory_space<vmem>>, vector<1x16xf32>,
        %get3A_1101 = vector.shape_cast %get3A_1100 : vector<1x16xf32> to vector<16xf32>
        %mul3A_1102 = arith.mulf %get3A_1101, %broadcast_in_dim3A_1047 : vector<16xf32>
        %swap3A_1103 = arith.index_cast %add3A_1044 : i32 to index
        %swap3A_1104 = arith.constant 80 : index
        %swap3A_1105 = tpu.vector_load %arg11[%swap3A_1103, %swap3A_1104] {strides = array<i32>} : memref<256x96xf32, #tpu.memory_space<vmem>>, vector<1x16xf32>,
        %swap3A_1106 = vector.shape_cast %swap3A_1105 : vector<1x16xf32> to vector<16xf32>
        %swap3A_1107 = vector.shape_cast %mul3A_1102 : vector<16xf32> to vector<1x16xf32>
        tpu.vector_store %arg11[%swap3A_1103, %swap3A_1104], %swap3A_1107 {strides = array<i32>} : memref<256x96xf32, #tpu.memory_space<vmem>>, vector<1x16xf32>,
        %mul3A_1108 = arith.constant 16 : i32
        %mul3A_1109 = arith.muli %scan3A_141, %mul3A_1108 : i32
        %add3A_1110 = arith.constant 128 : i32
        %add3A_1111 = arith.addi %add3A_1110, %mul3A_1109 : i32
        %add3A_1112 = arith.constant 14 : i32
        %add3A_1113 = arith.addi %add3A_1111, %add3A_1112 : i32
        %slice3A_1114 = vector.extract_strided_slice %get3A_145 {offsets = [14], sizes = [1], strides = [1]} : vector<16xf32> to vector<1xf32>
        %squeeze3A_1115 = vector.extract %slice3A_1114[0] : f32 from vector<1xf32>
        %broadcast_in_dim3A_1116 = vector.broadcast %squeeze3A_1115 : f32 to vector<16xf32>
        %get3A_1117 = arith.index_cast %add3A_1113 : i32 to index
        %get3A_1118 = arith.constant 0 : index
        %get3A_1119 = tpu.vector_load %arg10[%get3A_1117, %get3A_1118] {strides = array<i32>} : memref<256x128xf32, #tpu.memory_space<vmem>>, vector<1x16xf32>,
        %get3A_1120 = vector.shape_cast %get3A_1119 : vector<1x16xf32> to vector<16xf32>
        %mul3A_1121 = arith.mulf %get3A_1120, %broadcast_in_dim3A_1116 : vector<16xf32>
        %swap3A_1122 = arith.index_cast %add3A_1113 : i32 to index
        %swap3A_1123 = arith.constant 0 : index
        %swap3A_1124 = tpu.vector_load %arg11[%swap3A_1122, %swap3A_1123] {strides = array<i32>} : memref<256x96xf32, #tpu.memory_space<vmem>>, vector<1x16xf32>,
        %swap3A_1125 = vector.shape_cast %swap3A_1124 : vector<1x16xf32> to vector<16xf32>
        %swap3A_1126 = vector.shape_cast %mul3A_1121 : vector<16xf32> to vector<1x16xf32>
        tpu.vector_store %arg11[%swap3A_1122, %swap3A_1123], %swap3A_1126 {strides = array<i32>} : memref<256x96xf32, #tpu.memory_space<vmem>>, vector<1x16xf32>,
        %get3A_1127 = arith.index_cast %add3A_1113 : i32 to index
        %get3A_1128 = arith.constant 16 : index
        %get3A_1129 = tpu.vector_load %arg10[%get3A_1127, %get3A_1128] {strides = array<i32>} : memref<256x128xf32, #tpu.memory_space<vmem>>, vector<1x16xf32>,
        %get3A_1130 = vector.shape_cast %get3A_1129 : vector<1x16xf32> to vector<16xf32>
        %mul3A_1131 = arith.mulf %get3A_1130, %broadcast_in_dim3A_1116 : vector<16xf32>
        %swap3A_1132 = arith.index_cast %add3A_1113 : i32 to index
        %swap3A_1133 = arith.constant 16 : index
        %swap3A_1134 = tpu.vector_load %arg11[%swap3A_1132, %swap3A_1133] {strides = array<i32>} : memref<256x96xf32, #tpu.memory_space<vmem>>, vector<1x16xf32>,
        %swap3A_1135 = vector.shape_cast %swap3A_1134 : vector<1x16xf32> to vector<16xf32>
        %swap3A_1136 = vector.shape_cast %mul3A_1131 : vector<16xf32> to vector<1x16xf32>
        tpu.vector_store %arg11[%swap3A_1132, %swap3A_1133], %swap3A_1136 {strides = array<i32>} : memref<256x96xf32, #tpu.memory_space<vmem>>, vector<1x16xf32>,
        %get3A_1137 = arith.index_cast %add3A_1113 : i32 to index
        %get3A_1138 = arith.constant 32 : index
        %get3A_1139 = tpu.vector_load %arg10[%get3A_1137, %get3A_1138] {strides = array<i32>} : memref<256x128xf32, #tpu.memory_space<vmem>>, vector<1x16xf32>,
        %get3A_1140 = vector.shape_cast %get3A_1139 : vector<1x16xf32> to vector<16xf32>
        %mul3A_1141 = arith.mulf %get3A_1140, %broadcast_in_dim3A_1116 : vector<16xf32>
        %swap3A_1142 = arith.index_cast %add3A_1113 : i32 to index
        %swap3A_1143 = arith.constant 32 : index
        %swap3A_1144 = tpu.vector_load %arg11[%swap3A_1142, %swap3A_1143] {strides = array<i32>} : memref<256x96xf32, #tpu.memory_space<vmem>>, vector<1x16xf32>,
        %swap3A_1145 = vector.shape_cast %swap3A_1144 : vector<1x16xf32> to vector<16xf32>
        %swap3A_1146 = vector.shape_cast %mul3A_1141 : vector<16xf32> to vector<1x16xf32>
        tpu.vector_store %arg11[%swap3A_1142, %swap3A_1143], %swap3A_1146 {strides = array<i32>} : memref<256x96xf32, #tpu.memory_space<vmem>>, vector<1x16xf32>,
        %get3A_1147 = arith.index_cast %add3A_1113 : i32 to index
        %get3A_1148 = arith.constant 48 : index
        %get3A_1149 = tpu.vector_load %arg10[%get3A_1147, %get3A_1148] {strides = array<i32>} : memref<256x128xf32, #tpu.memory_space<vmem>>, vector<1x16xf32>,
        %get3A_1150 = vector.shape_cast %get3A_1149 : vector<1x16xf32> to vector<16xf32>
        %mul3A_1151 = arith.mulf %get3A_1150, %broadcast_in_dim3A_1116 : vector<16xf32>
        %swap3A_1152 = arith.index_cast %add3A_1113 : i32 to index
        %swap3A_1153 = arith.constant 48 : index
        %swap3A_1154 = tpu.vector_load %arg11[%swap3A_1152, %swap3A_1153] {strides = array<i32>} : memref<256x96xf32, #tpu.memory_space<vmem>>, vector<1x16xf32>,
        %swap3A_1155 = vector.shape_cast %swap3A_1154 : vector<1x16xf32> to vector<16xf32>
        %swap3A_1156 = vector.shape_cast %mul3A_1151 : vector<16xf32> to vector<1x16xf32>
        tpu.vector_store %arg11[%swap3A_1152, %swap3A_1153], %swap3A_1156 {strides = array<i32>} : memref<256x96xf32, #tpu.memory_space<vmem>>, vector<1x16xf32>,
        %get3A_1157 = arith.index_cast %add3A_1113 : i32 to index
        %get3A_1158 = arith.constant 64 : index
        %get3A_1159 = tpu.vector_load %arg10[%get3A_1157, %get3A_1158] {strides = array<i32>} : memref<256x128xf32, #tpu.memory_space<vmem>>, vector<1x16xf32>,
        %get3A_1160 = vector.shape_cast %get3A_1159 : vector<1x16xf32> to vector<16xf32>
        %mul3A_1161 = arith.mulf %get3A_1160, %broadcast_in_dim3A_1116 : vector<16xf32>
        %swap3A_1162 = arith.index_cast %add3A_1113 : i32 to index
        %swap3A_1163 = arith.constant 64 : index
        %swap3A_1164 = tpu.vector_load %arg11[%swap3A_1162, %swap3A_1163] {strides = array<i32>} : memref<256x96xf32, #tpu.memory_space<vmem>>, vector<1x16xf32>,
        %swap3A_1165 = vector.shape_cast %swap3A_1164 : vector<1x16xf32> to vector<16xf32>
        %swap3A_1166 = vector.shape_cast %mul3A_1161 : vector<16xf32> to vector<1x16xf32>
        tpu.vector_store %arg11[%swap3A_1162, %swap3A_1163], %swap3A_1166 {strides = array<i32>} : memref<256x96xf32, #tpu.memory_space<vmem>>, vector<1x16xf32>,
        %get3A_1167 = arith.index_cast %add3A_1113 : i32 to index
        %get3A_1168 = arith.constant 80 : index
        %get3A_1169 = tpu.vector_load %arg10[%get3A_1167, %get3A_1168] {strides = array<i32>} : memref<256x128xf32, #tpu.memory_space<vmem>>, vector<1x16xf32>,
        %get3A_1170 = vector.shape_cast %get3A_1169 : vector<1x16xf32> to vector<16xf32>
        %mul3A_1171 = arith.mulf %get3A_1170, %broadcast_in_dim3A_1116 : vector<16xf32>
        %swap3A_1172 = arith.index_cast %add3A_1113 : i32 to index
        %swap3A_1173 = arith.constant 80 : index
        %swap3A_1174 = tpu.vector_load %arg11[%swap3A_1172, %swap3A_1173] {strides = array<i32>} : memref<256x96xf32, #tpu.memory_space<vmem>>, vector<1x16xf32>,
        %swap3A_1175 = vector.shape_cast %swap3A_1174 : vector<1x16xf32> to vector<16xf32>
        %swap3A_1176 = vector.shape_cast %mul3A_1171 : vector<16xf32> to vector<1x16xf32>
        tpu.vector_store %arg11[%swap3A_1172, %swap3A_1173], %swap3A_1176 {strides = array<i32>} : memref<256x96xf32, #tpu.memory_space<vmem>>, vector<1x16xf32>,
        %mul3A_1177 = arith.constant 16 : i32
        %mul3A_1178 = arith.muli %scan3A_141, %mul3A_1177 : i32
        %add3A_1179 = arith.constant 128 : i32
        %add3A_1180 = arith.addi %add3A_1179, %mul3A_1178 : i32
        %add3A_1181 = arith.constant 15 : i32
        %add3A_1182 = arith.addi %add3A_1180, %add3A_1181 : i32
        %slice3A_1183 = vector.extract_strided_slice %get3A_145 {offsets = [15], sizes = [1], strides = [1]} : vector<16xf32> to vector<1xf32>
        %squeeze3A_1184 = vector.extract %slice3A_1183[0] : f32 from vector<1xf32>
        %broadcast_in_dim3A_1185 = vector.broadcast %squeeze3A_1184 : f32 to vector<16xf32>
        %get3A_1186 = arith.index_cast %add3A_1182 : i32 to index
        %get3A_1187 = arith.constant 0 : index
        %get3A_1188 = tpu.vector_load %arg10[%get3A_1186, %get3A_1187] {strides = array<i32>} : memref<256x128xf32, #tpu.memory_space<vmem>>, vector<1x16xf32>,
        %get3A_1189 = vector.shape_cast %get3A_1188 : vector<1x16xf32> to vector<16xf32>
        %mul3A_1190 = arith.mulf %get3A_1189, %broadcast_in_dim3A_1185 : vector<16xf32>
        %swap3A_1191 = arith.index_cast %add3A_1182 : i32 to index
        %swap3A_1192 = arith.constant 0 : index
        %swap3A_1193 = tpu.vector_load %arg11[%swap3A_1191, %swap3A_1192] {strides = array<i32>} : memref<256x96xf32, #tpu.memory_space<vmem>>, vector<1x16xf32>,
        %swap3A_1194 = vector.shape_cast %swap3A_1193 : vector<1x16xf32> to vector<16xf32>
        %swap3A_1195 = vector.shape_cast %mul3A_1190 : vector<16xf32> to vector<1x16xf32>
        tpu.vector_store %arg11[%swap3A_1191, %swap3A_1192], %swap3A_1195 {strides = array<i32>} : memref<256x96xf32, #tpu.memory_space<vmem>>, vector<1x16xf32>,
        %get3A_1196 = arith.index_cast %add3A_1182 : i32 to index
        %get3A_1197 = arith.constant 16 : index
        %get3A_1198 = tpu.vector_load %arg10[%get3A_1196, %get3A_1197] {strides = array<i32>} : memref<256x128xf32, #tpu.memory_space<vmem>>, vector<1x16xf32>,
        %get3A_1199 = vector.shape_cast %get3A_1198 : vector<1x16xf32> to vector<16xf32>
        %mul3A_1200 = arith.mulf %get3A_1199, %broadcast_in_dim3A_1185 : vector<16xf32>
        %swap3A_1201 = arith.index_cast %add3A_1182 : i32 to index
        %swap3A_1202 = arith.constant 16 : index
        %swap3A_1203 = tpu.vector_load %arg11[%swap3A_1201, %swap3A_1202] {strides = array<i32>} : memref<256x96xf32, #tpu.memory_space<vmem>>, vector<1x16xf32>,
        %swap3A_1204 = vector.shape_cast %swap3A_1203 : vector<1x16xf32> to vector<16xf32>
        %swap3A_1205 = vector.shape_cast %mul3A_1200 : vector<16xf32> to vector<1x16xf32>
        tpu.vector_store %arg11[%swap3A_1201, %swap3A_1202], %swap3A_1205 {strides = array<i32>} : memref<256x96xf32, #tpu.memory_space<vmem>>, vector<1x16xf32>,
        %get3A_1206 = arith.index_cast %add3A_1182 : i32 to index
        %get3A_1207 = arith.constant 32 : index
        %get3A_1208 = tpu.vector_load %arg10[%get3A_1206, %get3A_1207] {strides = array<i32>} : memref<256x128xf32, #tpu.memory_space<vmem>>, vector<1x16xf32>,
        %get3A_1209 = vector.shape_cast %get3A_1208 : vector<1x16xf32> to vector<16xf32>
        %mul3A_1210 = arith.mulf %get3A_1209, %broadcast_in_dim3A_1185 : vector<16xf32>
        %swap3A_1211 = arith.index_cast %add3A_1182 : i32 to index
        %swap3A_1212 = arith.constant 32 : index
        %swap3A_1213 = tpu.vector_load %arg11[%swap3A_1211, %swap3A_1212] {strides = array<i32>} : memref<256x96xf32, #tpu.memory_space<vmem>>, vector<1x16xf32>,
        %swap3A_1214 = vector.shape_cast %swap3A_1213 : vector<1x16xf32> to vector<16xf32>
        %swap3A_1215 = vector.shape_cast %mul3A_1210 : vector<16xf32> to vector<1x16xf32>
        tpu.vector_store %arg11[%swap3A_1211, %swap3A_1212], %swap3A_1215 {strides = array<i32>} : memref<256x96xf32, #tpu.memory_space<vmem>>, vector<1x16xf32>,
        %get3A_1216 = arith.index_cast %add3A_1182 : i32 to index
        %get3A_1217 = arith.constant 48 : index
        %get3A_1218 = tpu.vector_load %arg10[%get3A_1216, %get3A_1217] {strides = array<i32>} : memref<256x128xf32, #tpu.memory_space<vmem>>, vector<1x16xf32>,
        %get3A_1219 = vector.shape_cast %get3A_1218 : vector<1x16xf32> to vector<16xf32>
        %mul3A_1220 = arith.mulf %get3A_1219, %broadcast_in_dim3A_1185 : vector<16xf32>
        %swap3A_1221 = arith.index_cast %add3A_1182 : i32 to index
        %swap3A_1222 = arith.constant 48 : index
        %swap3A_1223 = tpu.vector_load %arg11[%swap3A_1221, %swap3A_1222] {strides = array<i32>} : memref<256x96xf32, #tpu.memory_space<vmem>>, vector<1x16xf32>,
        %swap3A_1224 = vector.shape_cast %swap3A_1223 : vector<1x16xf32> to vector<16xf32>
        %swap3A_1225 = vector.shape_cast %mul3A_1220 : vector<16xf32> to vector<1x16xf32>
        tpu.vector_store %arg11[%swap3A_1221, %swap3A_1222], %swap3A_1225 {strides = array<i32>} : memref<256x96xf32, #tpu.memory_space<vmem>>, vector<1x16xf32>,
        %get3A_1226 = arith.index_cast %add3A_1182 : i32 to index
        %get3A_1227 = arith.constant 64 : index
        %get3A_1228 = tpu.vector_load %arg10[%get3A_1226, %get3A_1227] {strides = array<i32>} : memref<256x128xf32, #tpu.memory_space<vmem>>, vector<1x16xf32>,
        %get3A_1229 = vector.shape_cast %get3A_1228 : vector<1x16xf32> to vector<16xf32>
        %mul3A_1230 = arith.mulf %get3A_1229, %broadcast_in_dim3A_1185 : vector<16xf32>
        %swap3A_1231 = arith.index_cast %add3A_1182 : i32 to index
        %swap3A_1232 = arith.constant 64 : index
        %swap3A_1233 = tpu.vector_load %arg11[%swap3A_1231, %swap3A_1232] {strides = array<i32>} : memref<256x96xf32, #tpu.memory_space<vmem>>, vector<1x16xf32>,
        %swap3A_1234 = vector.shape_cast %swap3A_1233 : vector<1x16xf32> to vector<16xf32>
        %swap3A_1235 = vector.shape_cast %mul3A_1230 : vector<16xf32> to vector<1x16xf32>
        tpu.vector_store %arg11[%swap3A_1231, %swap3A_1232], %swap3A_1235 {strides = array<i32>} : memref<256x96xf32, #tpu.memory_space<vmem>>, vector<1x16xf32>,
        %get3A_1236 = arith.index_cast %add3A_1182 : i32 to index
        %get3A_1237 = arith.constant 80 : index
        %get3A_1238 = tpu.vector_load %arg10[%get3A_1236, %get3A_1237] {strides = array<i32>} : memref<256x128xf32, #tpu.memory_space<vmem>>, vector<1x16xf32>,
        %get3A_1239 = vector.shape_cast %get3A_1238 : vector<1x16xf32> to vector<16xf32>
        %mul3A_1240 = arith.mulf %get3A_1239, %broadcast_in_dim3A_1185 : vector<16xf32>
        %swap3A_1241 = arith.index_cast %add3A_1182 : i32 to index
        %swap3A_1242 = arith.constant 80 : index
        %swap3A_1243 = tpu.vector_load %arg11[%swap3A_1241, %swap3A_1242] {strides = array<i32>} : memref<256x96xf32, #tpu.memory_space<vmem>>, vector<1x16xf32>,
        %swap3A_1244 = vector.shape_cast %swap3A_1243 : vector<1x16xf32> to vector<16xf32>
        %swap3A_1245 = vector.shape_cast %mul3A_1240 : vector<16xf32> to vector<1x16xf32>
        tpu.vector_store %arg11[%swap3A_1241, %swap3A_1242], %swap3A_1245 {strides = array<i32>} : memref<256x96xf32, #tpu.memory_space<vmem>>, vector<1x16xf32>,
      }
      %scan3A_122 = arith.constant 8 : i32
      %mul3A_123 = arith.constant 128 : i32
      %mul3A_124 = arith.muli %add3A_60, %mul3A_123 : i32
      %add3A_125 = arith.addi %mul3A_2, %mul3A_124 : i32
      %dma_start3A_126 = arith.constant 128 : i32
      %dma_start3A_127 = arith.constant 0 : i32
      %dma_start3A_128 = tpu.memref_slice %arg11[%dma_start3A_126, %dma_start3A_127] : memref<256x96xf32, #tpu.memory_space<vmem>> -> memref<128x96xf32, #tpu.memory_space<vmem>>
      %dma_start3A_129 = arith.constant 0 : i32
      %dma_start3A_130 = tpu.memref_slice %arg5[%add3A_125, %dma_start3A_129] : memref<589824x96xf32, #tpu.memory_space<hbm>> -> memref<128x96xf32, #tpu.memory_space<hbm>>
      %dma_start3A_131 = arith.constant 0 : i32
      %dma_start3A_132 = tpu.memref_slice %arg5[%add3A_125, %dma_start3A_131] : memref<589824x96xf32, #tpu.memory_space<hbm>> -> memref<128x96xf32, #tpu.memory_space<hbm>>
      %dma_start3A_133 = arith.constant 128 : i32
      %dma_start3A_134 = arith.constant 0 : i32
      %dma_start3A_135 = tpu.memref_slice %arg11[%dma_start3A_133, %dma_start3A_134] : memref<256x96xf32, #tpu.memory_space<vmem>> -> memref<128x96xf32, #tpu.memory_space<vmem>>
      tpu.enqueue_dma source(%dma_start3A_135 : memref<128x96xf32, #tpu.memory_space<vmem>>) target(%dma_start3A_132 : memref<128x96xf32, #tpu.memory_space<hbm>>) target_semaphore(%arg15 : memref<!tpu.dma_semaphore, #tpu.memory_space<semaphore_mem>>)
      %lt3A_136 = arith.constant 71 : i32
      %lt3A_137 = arith.cmpi slt, %scan3A_56, %lt3A_136 : i32
      %convert_element_type3A_138 = arith.extui %lt3A_137 : i1 to i32
      %cond3A_139 = arith.constant 0 : i32
      %cond3A_140 = arith.cmpi ne, %convert_element_type3A_138, %cond3A_139 : i32
      scf.if %cond3A_140 {
        %add3A_141 = arith.constant 2 : i32
        %add3A_142 = arith.addi %mul3A_58, %add3A_141 : i32
        %mul3A_143 = arith.constant 128 : i32
        %mul3A_144 = arith.muli %add3A_142, %mul3A_143 : i32
        %add3A_145 = arith.addi %mul3A_2, %mul3A_144 : i32
        %dma_wait3A_146 = tpu.memref_slice %arg3[%add3A_145] : memref<589824xi32, #tpu.memory_space<hbm>> -> memref<128xi32, #tpu.memory_space<hbm>>
        %dma_wait3A_147 = tpu.memref_slice %arg3[%add3A_145] : memref<589824xi32, #tpu.memory_space<hbm>> -> memref<128xi32, #tpu.memory_space<hbm>>
        tpu.wait_dma2 semaphore(%arg12 : memref<!tpu.dma_semaphore, #tpu.memory_space<semaphore_mem>>) src(%dma_wait3A_147 : memref<128xi32, #tpu.memory_space<hbm>>) dst(%arg6 : memref<128xi32, #tpu.memory_space<vmem>>)
        %dma_wait3A_148 = tpu.memref_slice %arg4[%add3A_145] : memref<589824xf32, #tpu.memory_space<hbm>> -> memref<128xf32, #tpu.memory_space<hbm>>
        %dma_wait3A_149 = tpu.memref_slice %arg4[%add3A_145] : memref<589824xf32, #tpu.memory_space<hbm>> -> memref<128xf32, #tpu.memory_space<hbm>>
        tpu.wait_dma2 semaphore(%arg12 : memref<!tpu.dma_semaphore, #tpu.memory_space<semaphore_mem>>) src(%dma_wait3A_149 : memref<128xf32, #tpu.memory_space<hbm>>) dst(%arg8 : memref<128xf32, #tpu.memory_space<vmem>>)
        %mul3A_150 = arith.constant 128 : i32
        %mul3A_151 = arith.muli %mul3A_58, %mul3A_150 : i32
        %add3A_152 = arith.addi %mul3A_2, %mul3A_151 : i32
        %dma_wait3A_153 = arith.constant 0 : i32
        %dma_wait3A_154 = arith.constant 0 : i32
        %dma_wait3A_155 = tpu.memref_slice %arg11[%dma_wait3A_153, %dma_wait3A_154] : memref<256x96xf32, #tpu.memory_space<vmem>> -> memref<128x96xf32, #tpu.memory_space<vmem>>
        %dma_wait3A_156 = arith.constant 0 : i32
        %dma_wait3A_157 = tpu.memref_slice %arg5[%add3A_152, %dma_wait3A_156] : memref<589824x96xf32, #tpu.memory_space<hbm>> -> memref<128x96xf32, #tpu.memory_space<hbm>>
        %dma_wait3A_158 = arith.constant 0 : i32
        %dma_wait3A_159 = tpu.memref_slice %arg5[%add3A_152, %dma_wait3A_158] : memref<589824x96xf32, #tpu.memory_space<hbm>> -> memref<128x96xf32, #tpu.memory_space<hbm>>
        %dma_wait3A_160 = arith.constant 0 : i32
        %dma_wait3A_161 = arith.constant 0 : i32
        %dma_wait3A_162 = tpu.memref_slice %arg11[%dma_wait3A_160, %dma_wait3A_161] : memref<256x96xf32, #tpu.memory_space<vmem>> -> memref<128x96xf32, #tpu.memory_space<vmem>>
        tpu.wait_dma2 semaphore(%arg15 : memref<!tpu.dma_semaphore, #tpu.memory_space<semaphore_mem>>) src(%dma_wait3A_162 : memref<128x96xf32, #tpu.memory_space<vmem>>) dst(%dma_wait3A_159 : memref<128x96xf32, #tpu.memory_space<hbm>>)
        %add3A_163 = arith.constant 2 : i32
        %add3A_164 = arith.addi %mul3A_58, %add3A_163 : i32
        %dma_start3A_165 = arith.constant 0 : i32
        %dma_start3A_166 = arith.constant 0 : i32
        %dma_start3A_167 = tpu.memref_slice %arg10[%dma_start3A_165, %dma_start3A_166] : memref<256x128xf32, #tpu.memory_space<vmem>> -> memref<128x128xf32, #tpu.memory_space<vmem>>
        %dma_start3A_168 = arith.constant 0 : i32
        %dma_start3A_169 = tpu.memref_slice %arg6[%dma_start3A_168] : memref<128xi32, #tpu.memory_space<vmem>> -> memref<128xi32, #tpu.memory_space<vmem>>
        %dma_start3A_170 = arith.constant 0 : i32
        %dma_start3A_171 = arith.constant 0 : i32
        %dma_start3A_172 = tpu.memref_slice %arg2[%dma_start3A_170, %dma_start3A_171] : memref<589824x128xf32, #tpu.memory_space<hbm>> -> memref<589824x128xf32, #tpu.memory_space<hbm>>
        tpu.enqueue_indirect_dma source(%dma_start3A_172 : memref<589824x128xf32, #tpu.memory_space<hbm>>) target(%dma_start3A_167 : memref<128x128xf32, #tpu.memory_space<vmem>>) offsets(%dma_start3A_169 : memref<128xi32, #tpu.memory_space<vmem>>) semaphore(%arg14 : memref<!tpu.dma_semaphore, #tpu.memory_space<semaphore_mem>>)
        %add3A_173 = arith.constant 3 : i32
        %add3A_174 = arith.addi %mul3A_58, %add3A_173 : i32
        %mul3A_175 = arith.constant 128 : i32
        %mul3A_176 = arith.muli %add3A_174, %mul3A_175 : i32
        %add3A_177 = arith.addi %mul3A_2, %mul3A_176 : i32
        %dma_start3A_178 = tpu.memref_slice %arg3[%add3A_177] : memref<589824xi32, #tpu.memory_space<hbm>> -> memref<128xi32, #tpu.memory_space<hbm>>
        %dma_start3A_179 = tpu.memref_slice %arg3[%add3A_177] : memref<589824xi32, #tpu.memory_space<hbm>> -> memref<128xi32, #tpu.memory_space<hbm>>
        tpu.enqueue_dma source(%dma_start3A_179 : memref<128xi32, #tpu.memory_space<hbm>>) target(%arg7 : memref<128xi32, #tpu.memory_space<vmem>>) target_semaphore(%arg13 : memref<!tpu.dma_semaphore, #tpu.memory_space<semaphore_mem>>)
        %dma_start3A_180 = tpu.memref_slice %arg4[%add3A_177] : memref<589824xf32, #tpu.memory_space<hbm>> -> memref<128xf32, #tpu.memory_space<hbm>>
        %dma_start3A_181 = tpu.memref_slice %arg4[%add3A_177] : memref<589824xf32, #tpu.memory_space<hbm>> -> memref<128xf32, #tpu.memory_space<hbm>>
        tpu.enqueue_dma source(%dma_start3A_181 : memref<128xf32, #tpu.memory_space<hbm>>) target(%arg9 : memref<128xf32, #tpu.memory_space<vmem>>) target_semaphore(%arg13 : memref<!tpu.dma_semaphore, #tpu.memory_space<semaphore_mem>>)
      } else {
      }
    }
    %scan3A_31 = arith.constant 72 : i32
    %add3A_32 = arith.constant 18176 : i32
    %add3A_33 = arith.addi %mul3A_2, %add3A_32 : i32
    %dma_wait3A_34 = arith.constant 0 : i32
    %dma_wait3A_35 = arith.constant 0 : i32
    %dma_wait3A_36 = tpu.memref_slice %arg11[%dma_wait3A_34, %dma_wait3A_35] : memref<256x96xf32, #tpu.memory_space<vmem>> -> memref<128x96xf32, #tpu.memory_space<vmem>>
    %dma_wait3A_37 = arith.constant 0 : i32
    %dma_wait3A_38 = tpu.memref_slice %arg5[%add3A_33, %dma_wait3A_37] : memref<589824x96xf32, #tpu.memory_space<hbm>> -> memref<128x96xf32, #tpu.memory_space<hbm>>
    %dma_wait3A_39 = arith.constant 0 : i32
    %dma_wait3A_40 = tpu.memref_slice %arg5[%add3A_33, %dma_wait3A_39] : memref<589824x96xf32, #tpu.memory_space<hbm>> -> memref<128x96xf32, #tpu.memory_space<hbm>>
    %dma_wait3A_41 = arith.constant 0 : i32
    %dma_wait3A_42 = arith.constant 0 : i32
    %dma_wait3A_43 = tpu.memref_slice %arg11[%dma_wait3A_41, %dma_wait3A_42] : memref<256x96xf32, #tpu.memory_space<vmem>> -> memref<128x96xf32, #tpu.memory_space<vmem>>
    tpu.wait_dma2 semaphore(%arg15 : memref<!tpu.dma_semaphore, #tpu.memory_space<semaphore_mem>>) src(%dma_wait3A_43 : memref<128x96xf32, #tpu.memory_space<vmem>>) dst(%dma_wait3A_40 : memref<128x96xf32, #tpu.memory_space<hbm>>)
    %add3A_44 = arith.constant 18304 : i32
    %add3A_45 = arith.addi %mul3A_2, %add3A_44 : i32
    %dma_wait3A_46 = arith.constant 128 : i32
    %dma_wait3A_47 = arith.constant 0 : i32
    %dma_wait3A_48 = tpu.memref_slice %arg11[%dma_wait3A_46, %dma_wait3A_47] : memref<256x96xf32, #tpu.memory_space<vmem>> -> memref<128x96xf32, #tpu.memory_space<vmem>>
    %dma_wait3A_49 = arith.constant 0 : i32
    %dma_wait3A_50 = tpu.memref_slice %arg5[%add3A_45, %dma_wait3A_49] : memref<589824x96xf32, #tpu.memory_space<hbm>> -> memref<128x96xf32, #tpu.memory_space<hbm>>
    %dma_wait3A_51 = arith.constant 0 : i32
    %dma_wait3A_52 = tpu.memref_slice %arg5[%add3A_45, %dma_wait3A_51] : memref<589824x96xf32, #tpu.memory_space<hbm>> -> memref<128x96xf32, #tpu.memory_space<hbm>>
    %dma_wait3A_53 = arith.constant 128 : i32
    %dma_wait3A_54 = arith.constant 0 : i32
    %dma_wait3A_55 = tpu.memref_slice %arg11[%dma_wait3A_53, %dma_wait3A_54] : memref<256x96xf32, #tpu.memory_space<vmem>> -> memref<128x96xf32, #tpu.memory_space<vmem>>
    tpu.wait_dma2 semaphore(%arg15 : memref<!tpu.dma_semaphore, #tpu.memory_space<semaphore_mem>>) src(%dma_wait3A_55 : memref<128x96xf32, #tpu.memory_space<vmem>>) dst(%dma_wait3A_52 : memref<128x96xf32, #tpu.memory_space<hbm>>)
    return
  }
}

module attributes {stable_mosaic.version = 14 : i64} {
  func.func @_index_kernel(%arg0: i32, %arg1: memref<4xf32, #tpu.memory_space<smem>>, %arg2: memref<4xf32, #tpu.memory_space<smem>>, %arg3: memref<1x384x384xi32, #tpu.memory_space<vmem>>, %arg4: memref<1x384x384xf32, #tpu.memory_space<vmem>>) attributes {dimension_semantics = [#tpu.dimension_semantics<arbitrary>], iteration_bounds = array<i64: 4>, scalar_prefetch = 0 : i64, scratch_operands = 0 : i64, tpu.core_type = #tpu.core_type<tc>, window_params = [{transform_indices = @transform_0, window_bounds = array<i64: 4>}, {transform_indices = @transform_1, window_bounds = array<i64: 4>}, {transform_indices = @transform_2, window_bounds = array<i64: 1, 384, 384>}, {transform_indices = @transform_3, window_bounds = array<i64: 1, 384, 384>}]} {
    %get3A = arith.index_cast %arg0 : i32 to index
    %get3A_0 = memref.load %arg1[%get3A] : memref<4xf32, #tpu.memory_space<smem>>
    %broadcast_in_dim3A = vector.broadcast %get3A_0 : f32 to vector<384x384xf32>
    %convert_element_type3A = arith.truncf %broadcast_in_dim3A : vector<384x384xf32> to vector<384x384xbf16>
    %convert_element_type3A_1 = arith.extf %convert_element_type3A : vector<384x384xbf16> to vector<384x384xf32>
    %get3A_2 = arith.index_cast %arg0 : i32 to index
    %get3A_3 = memref.load %arg2[%get3A_2] : memref<4xf32, #tpu.memory_space<smem>>
    %broadcast_in_dim3A_4 = vector.broadcast %get3A_3 : f32 to vector<384x384xf32>
    %convert_element_type3A_5 = arith.truncf %broadcast_in_dim3A_4 : vector<384x384xf32> to vector<384x384xbf16>
    %convert_element_type3A_6 = arith.extf %convert_element_type3A_5 : vector<384x384xbf16> to vector<384x384xf32>
    %iota3A = tpu.iota {dimensions = array<i32: 0>} : vector<384x384xi32>
    %convert_element_type3A_7 = arith.sitofp %iota3A : vector<384x384xi32> to vector<384x384xf32>
    %sub3A = arith.constant 1.915000e+02 : f32
    %sub3A_8 = vector.broadcast %sub3A : f32 to vector<384x384xf32>
    %sub3A_9 = arith.subf %convert_element_type3A_7, %sub3A_8 : vector<384x384xf32>
    %convert_element_type3A_10 = arith.truncf %sub3A_9 : vector<384x384xf32> to vector<384x384xbf16>
    %convert_element_type3A_11 = arith.extf %convert_element_type3A_10 : vector<384x384xbf16> to vector<384x384xf32>
    %iota3A_12 = tpu.iota {dimensions = array<i32: 1>} : vector<384x384xi32>
    %convert_element_type3A_13 = arith.sitofp %iota3A_12 : vector<384x384xi32> to vector<384x384xf32>
    %sub3A_14 = arith.constant 1.915000e+02 : f32
    %sub3A_15 = vector.broadcast %sub3A_14 : f32 to vector<384x384xf32>
    %sub3A_16 = arith.subf %convert_element_type3A_13, %sub3A_15 : vector<384x384xf32>
    %convert_element_type3A_17 = arith.truncf %sub3A_16 : vector<384x384xf32> to vector<384x384xbf16>
    %convert_element_type3A_18 = arith.extf %convert_element_type3A_17 : vector<384x384xbf16> to vector<384x384xf32>
    %mul3A = arith.mulf %convert_element_type3A_1, %convert_element_type3A_11 : vector<384x384xf32>
    %mul3A_19 = arith.mulf %convert_element_type3A_6, %convert_element_type3A_18 : vector<384x384xf32>
    %sub3A_20 = arith.subf %mul3A, %mul3A_19 : vector<384x384xf32>
    %add3A = arith.constant 1.915000e+02 : f32
    %add3A_21 = vector.broadcast %add3A : f32 to vector<384x384xf32>
    %add3A_22 = arith.addf %sub3A_20, %add3A_21 : vector<384x384xf32>
    %round3A = math.roundeven %add3A_22 : vector<384x384xf32>
    %mul3A_23 = arith.mulf %convert_element_type3A_6, %convert_element_type3A_11 : vector<384x384xf32>
    %mul3A_24 = arith.mulf %convert_element_type3A_1, %convert_element_type3A_18 : vector<384x384xf32>
    %add3A_25 = arith.addf %mul3A_23, %mul3A_24 : vector<384x384xf32>
    %add3A_26 = arith.constant 1.915000e+02 : f32
    %add3A_27 = vector.broadcast %add3A_26 : f32 to vector<384x384xf32>
    %add3A_28 = arith.addf %add3A_25, %add3A_27 : vector<384x384xf32>
    %round3A_29 = math.roundeven %add3A_28 : vector<384x384xf32>
    %lt3A = arith.constant 0.000000e+00 : f32
    %lt3A_30 = vector.broadcast %lt3A : f32 to vector<384x384xf32>
    %lt3A_31 = arith.cmpf olt, %round3A, %lt3A_30 : vector<384x384xf32>
    %ge3A = arith.constant 3.840000e+02 : f32
    %ge3A_32 = vector.broadcast %ge3A : f32 to vector<384x384xf32>
    %ge3A_33 = arith.cmpf oge, %round3A, %ge3A_32 : vector<384x384xf32>
    %or3A = arith.ori %lt3A_31, %ge3A_33 : vector<384x384xi1>
    %lt3A_34 = arith.constant 0.000000e+00 : f32
    %lt3A_35 = vector.broadcast %lt3A_34 : f32 to vector<384x384xf32>
    %lt3A_36 = arith.cmpf olt, %round3A_29, %lt3A_35 : vector<384x384xf32>
    %or3A_37 = arith.ori %or3A, %lt3A_36 : vector<384x384xi1>
    %ge3A_38 = arith.constant 3.840000e+02 : f32
    %ge3A_39 = vector.broadcast %ge3A_38 : f32 to vector<384x384xf32>
    %ge3A_40 = arith.cmpf oge, %round3A_29, %ge3A_39 : vector<384x384xf32>
    %or3A_41 = arith.ori %or3A_37, %ge3A_40 : vector<384x384xi1>
    %jit3A = arith.constant 0.000000e+00 : f32
    %jit3A_42 = arith.constant 3.830000e+02 : f32
    %max3A = vector.broadcast %jit3A : f32 to vector<384x384xf32>
    %max3A_43 = arith.maximumf %max3A, %round3A : vector<384x384xf32>
    %min3A = vector.broadcast %jit3A_42 : f32 to vector<384x384xf32>
    %min3A_44 = arith.minimumf %min3A, %max3A_43 : vector<384x384xf32>
    %convert_element_type3A_45 = arith.fptosi %min3A_44 : vector<384x384xf32> to vector<384x384xi32>
    %jit3A_46 = arith.constant 0.000000e+00 : f32
    %jit3A_47 = arith.constant 3.830000e+02 : f32
    %max3A_48 = vector.broadcast %jit3A_46 : f32 to vector<384x384xf32>
    %max3A_49 = arith.maximumf %max3A_48, %round3A_29 : vector<384x384xf32>
    %min3A_50 = vector.broadcast %jit3A_47 : f32 to vector<384x384xf32>
    %min3A_51 = arith.minimumf %min3A_50, %max3A_49 : vector<384x384xf32>
    %convert_element_type3A_52 = arith.fptosi %min3A_51 : vector<384x384xf32> to vector<384x384xi32>
    %mul3A_53 = arith.constant 147456 : i32
    %mul3A_54 = arith.muli %arg0, %mul3A_53 : i32
    %mul3A_55 = arith.constant 384 : i32
    %mul3A_56 = vector.broadcast %mul3A_55 : i32 to vector<384x384xi32>
    %mul3A_57 = arith.muli %convert_element_type3A_45, %mul3A_56 : vector<384x384xi32>
    %add3A_58 = vector.broadcast %mul3A_54 : i32 to vector<384x384xi32>
    %add3A_59 = arith.addi %add3A_58, %mul3A_57 : vector<384x384xi32>
    %add3A_60 = arith.addi %add3A_59, %convert_element_type3A_52 : vector<384x384xi32>
    %swap3A = arith.constant 0 : index
    %swap3A_61 = arith.constant 0 : index
    %swap3A_62 = arith.constant 0 : index
    %swap3A_63 = vector.load %arg3[%swap3A, %swap3A_61, %swap3A_62] : memref<1x384x384xi32, #tpu.memory_space<vmem>>, vector<1x384x384xi32>
    %swap3A_64 = vector.shape_cast %swap3A_63 : vector<1x384x384xi32> to vector<384x384xi32>
    %swap3A_65 = vector.shape_cast %add3A_60 : vector<384x384xi32> to vector<1x384x384xi32>
    tpu.vector_store %arg3[%swap3A, %swap3A_61, %swap3A_62], %swap3A_65 {strides = array<i32>} : memref<1x384x384xi32, #tpu.memory_space<vmem>>, vector<1x384x384xi32>,
    %jit3A_66 = arith.constant 0.000000e+00 : f32
    %jit3A_67 = arith.constant 1.000000e+00 : f32
    %broadcast_in_dim3A_68 = vector.broadcast %jit3A_66 : f32 to vector<384x384xf32>
    %broadcast_in_dim3A_69 = vector.broadcast %jit3A_67 : f32 to vector<384x384xf32>
    %select_n3A = arith.select %or3A_41, %broadcast_in_dim3A_68, %broadcast_in_dim3A_69 : vector<384x384xi1>, vector<384x384xf32>
    %swap3A_70 = arith.constant 0 : index
    %swap3A_71 = arith.constant 0 : index
    %swap3A_72 = arith.constant 0 : index
    %swap3A_73 = vector.load %arg4[%swap3A_70, %swap3A_71, %swap3A_72] : memref<1x384x384xf32, #tpu.memory_space<vmem>>, vector<1x384x384xf32>
    %swap3A_74 = vector.shape_cast %swap3A_73 : vector<1x384x384xf32> to vector<384x384xf32>
    %swap3A_75 = vector.shape_cast %select_n3A : vector<384x384xf32> to vector<1x384x384xf32>
    tpu.vector_store %arg4[%swap3A_70, %swap3A_71, %swap3A_72], %swap3A_75 {strides = array<i32>} : memref<1x384x384xf32, #tpu.memory_space<vmem>>, vector<1x384x384xf32>,
    return
  }
  func.func @transform_0(%arg0: i32) -> i32 {
    %c0_i32 = arith.constant 0 : i32
    %c0_i32_0 = arith.constant 0 : i32
    return %c0_i32 : i32
  }
  func.func @transform_1(%arg0: i32) -> i32 {
    %c0_i32 = arith.constant 0 : i32
    %c0_i32_0 = arith.constant 0 : i32
    return %c0_i32 : i32
  }
  func.func @transform_2(%arg0: i32) -> (i32, i32, i32) {
    %c0_i32 = arith.constant 0 : i32
    %c0_i32_0 = arith.constant 0 : i32
    %c0_i32_1 = arith.constant 0 : i32
    return %arg0, %c0_i32, %c0_i32_0 : i32, i32, i32
  }
  func.func @transform_3(%arg0: i32) -> (i32, i32, i32) {
    %c0_i32 = arith.constant 0 : i32
    %c0_i32_0 = arith.constant 0 : i32
    %c0_i32_1 = arith.constant 0 : i32
    return %arg0, %c0_i32, %c0_i32_0 : i32, i32, i32
  }
}

</mosaic_0001>

<sc_bundles>
// kernel: kernel.4.cloned.1.call-start
scs
__scs_entry_jumppad:
0x0: {  	(pc) =	sbr.rel $0x88, $3  }
0x1: {  	(tag) =	ssettag $0x0;
	lr =	simm.s32 $0x1  }
0x2: {  	[smem:$0x3F9F] =	sst lr;
	_ =	strace $0xD0000000  }
0x3: {  	_ = 	snop  }
0x4: {  	_ = 	snop  }
0x5: {  	_ = 	snop  }
0x6: {  	_ = 	snop  }
0x7: {  	_ = 	snop  }
__scs_overlays_trampoline_lowered:
0x8: {  	[smem:$0x3FAE] =	sst s0  }
0x9: {  	[smem:$0x3FAF] =	sst s1  }
0xa: {  	[smem:$0x3FB0] =	sst s2  }
0xb: {  	[smem:$0x3FB1] =	sst s3  }
0xc: {  	[smem:$0x3FB2] =	sst s4  }
0xd: {  	[smem:$0x3FB3] =	sst s5  }
0xe: {  	[smem:$0x3FB4] =	sst s6  }
0xf: {  	[smem:$0x3FB5] =	sst s7  }
0x10: {  	[smem:$0x3FB6] =	sst s8  }
0x11: {  	[smem:$0x3FB7] =	sst s9;
	s0 =	simm.s32 @!p0 $0x0  }
0x12: {  	s1 =	sld [smem:$0x3F9D];
	s0 =	simm.s32 @p0 $0x1  }
0x13: {  	[smem:$0x3FB8] =	sst s0;
	s0 =	simm.s32 @!p1 $0x0  }
0x14: {  	s2 =	sld [smem:$0x3F9C];
	s0 =	simm.s32 @p1 $0x1  }
0x15: {  	[smem:$0x3FB9] =	sst s0;
	s0 =	simm.s32 @!p2 $0x0  }
0x16: {  	s3 =	sld [smem:$0x3FDB];
	s0 =	simm.s32 @p2 $0x1  }
0x17: {  	s4 =	simm.s32 $0x1BF5;
	[smem:$0x3FBB] =	sst s0  }
0x18: {  	s0 =	sld [smem:$0x3F9E];
	_ =	swait.ge [sflag:s4], $0x0  }
0x19: {  	s7 =	sld [smem:$0x3F9F]  }
0x1a: {  	s8 =	sadd.s32 $0xFFFFE003, lr  }
0x1b: {  	s9 =	sadd.s32 $0xFFFFFEF7, lr;
	s5 =	simm.s32 $0xFFFFFFFF;
	p2 =	slt.u32 s8, $0xFFFFF086  }
0x1c: {  	p1 =	slt.u32 s9, $0xF7A;
	s5 =	simm.s32 @!p2 $0x0  }
0x1d: {  	s5 =	simm.s32 @p1 $0x1;
	p0 =	seq.s32 s7, s2  }
0x1e: {  	s7 =	smul.u32 @!p0 $0xF7A, s2;
	p2 =	seq.s32 @!p0 s5, $0x0  }
0x1f: {  	s9 =	smul.u32 $0xF7A, s1;
	s8 =	simm.s32 @!p0 $0x1BF5;
	p2 =	por !p2, p0  }
0x20: {  	[sflag:s8] =	ssyncset.s32 @!p0 $0xFFFFF086;
	s6 =	sadd.s32 @!p0 s3, s7;
	s7 =	simm.s32 @!p0 $0x108  }
0x21: {  	s3 =	sadd.s32 s3, s9;
	s6 =	sadd.s32 @!p0 $0x88, s6;
	s7 =	simm.s32 @p2 $0x1082  }
0x22: {  	[simem:s7], [sflag:s8] =	dma.local @!p0 [hbm:s6], $0xF7A  }
0x23: {  	s9 =	sor.u32 $0xD0000000, s2;
	s6 =	simm.s32 $0x108;
	_ =	swait.ge @!p0 [sflag:s8], $0x0  }
0x24: {  	s3 =	sadd.s32 $0x88, s3;
	s6 =	simm.s32 @!p1 $0x1082;
	[sflag:s4] =	ssyncset.s32 $0xFFFFF086  }
0x25: {  	[simem:s6], [sflag:s4] =	dma.local [hbm:s3], $0xF7A  }
0x26: {  	[smem:$0x3F9F] =	sst s1;
	(tag) =	ssettag s2;
	_ =	strace s9  }
0x27: {  	s1 =	sld [smem:$0x3FAF]  }
0x28: {  	s2 =	sld [smem:$0x3FB0]  }
0x29: {  	s4 =	sld [smem:$0x3FB2]  }
0x2a: {  	p0 =	seq.s32 s5, $0x0;
	s5 =	sld [smem:$0x3FB3]  }
0x2b: {  	s6 =	sld [smem:$0x3FB4]  }
0x2c: {  	s7 =	sld [smem:$0x3FB5]  }
0x2d: {  	s3 =	simm.s32 $0x108;
	s8 =	sld [smem:$0x3FB6]  }
0x2e: {  	s3 =	simm.s32 @!p0 $0x1082;
	s9 =	sld [smem:$0x3FB7]  }
0x2f: {  	lr =	sadd.s32 s0, s3;
	s0 =	sld [smem:$0x3FAE]  }
0x30: {  	s3 =	sld [smem:$0x3FB1]  }
0x31: {  	[smem:$0x3FBA] =	sst s10  }
0x32: {  	s10 =	sld [smem:$0x3FB8];
	_ =	sdelay $0x3  }
0x33: {  	p0 =	seq.s32 s10, $0x1;
	s10 =	sld [smem:$0x3FBA];
	_ =	sdelay $0x3  }
0x34: {  	[smem:$0x3FBA] =	sst s10  }
0x35: {  	s10 =	sld [smem:$0x3FB9];
	_ =	sdelay $0x3  }
0x36: {  	p1 =	seq.s32 s10, $0x1;
	s10 =	sld [smem:$0x3FBA];
	_ =	sdelay $0x3  }
0x37: {  	[smem:$0x3FBA] =	sst s10  }
0x38: {  	s10 =	sld [smem:$0x3FBB]  }
0x39: {  	_ = 	snop;
	(pc) =	sbr.ind lr, $3  }
0x3a: {  	_ = 	snop  }
0x3b: {  	_ = 	snop  }
0x3c: {  	p2 =	seq.s32 s10, $0x1;
	s10 =	sld [smem:$0x3FBA]  }
0x3d: {  	_ =	shalt  }
0x3e: {  	_ =	shalt  }
0x3f: {  	_ =	shalt  }
0x40: {  	_ =	shalt  }
0x41: {  	_ =	shalt  }
0x42: {  	_ =	shalt  }
0x43: {  	_ =	shalt  }
0x44: {  	_ =	shalt  }
0x45: {  	_ =	shalt  }
0x46: {  	_ =	shalt  }
0x47: {  	_ =	shalt  }
0x48: {  	_ =	shalt  }
0x49: {  	_ =	shalt  }
0x4a: {  	_ =	shalt  }
0x4b: {  	_ =	shalt  }
0x4c: {  	_ =	shalt  }
0x4d: {  	_ =	shalt  }
0x4e: {  	_ =	shalt  }
0x4f: {  	_ =	shalt  }
0x50: {  	_ =	shalt  }
0x51: {  	_ =	shalt  }
0x52: {  	_ =	shalt  }
0x53: {  	_ =	shalt  }
0x54: {  	_ =	shalt  }
0x55: {  	_ =	shalt  }
0x56: {  	_ =	shalt  }
0x57: {  	_ =	shalt  }
0x58: {  	_ =	shalt  }
0x59: {  	_ =	shalt  }
0x5a: {  	_ =	shalt  }
0x5b: {  	_ =	shalt  }
0x5c: {  	_ =	shalt  }
0x5d: {  	_ =	shalt  }
0x5e: {  	_ =	shalt  }
0x5f: {  	_ =	shalt  }
0x60: {  	_ =	shalt  }
0x61: {  	_ =	shalt  }
0x62: {  	_ =	shalt  }
0x63: {  	_ =	shalt  }
0x64: {  	_ =	shalt  }
0x65: {  	_ =	shalt  }
0x66: {  	_ =	shalt  }
0x67: {  	_ =	shalt  }
0x68: {  	_ =	shalt  }
0x69: {  	_ =	shalt  }
0x6a: {  	_ =	shalt  }
0x6b: {  	_ =	shalt  }
0x6c: {  	_ =	shalt  }
0x6d: {  	_ =	shalt  }
0x6e: {  	_ =	shalt  }
0x6f: {  	_ =	shalt  }
0x70: {  	_ =	shalt  }
0x71: {  	_ =	shalt  }
0x72: {  	_ =	shalt  }
0x73: {  	_ =	shalt  }
0x74: {  	_ =	shalt  }
0x75: {  	_ =	shalt  }
0x76: {  	_ =	shalt  }
0x77: {  	_ =	shalt  }
0x78: {  	_ =	shalt  }
0x79: {  	_ =	shalt  }
0x7a: {  	_ =	shalt  }
0x7b: {  	_ =	shalt  }
0x7c: {  	_ =	shalt  }
0x7d: {  	_ =	shalt  }
0x7e: {  	_ =	shalt  }
0x7f: {  	_ =	shalt  }
0x80: {  	_ =	shalt  }
0x81: {  	_ =	shalt  }
0x82: {  	_ =	shalt  }
0x83: {  	_ =	shalt  }
0x84: {  	_ =	shalt  }
0x85: {  	_ =	shalt  }
0x86: {  	_ =	shalt  }
0x87: {  	_ =	shalt  }
.Lfunc_end0:
.L_simem_size_0:
called_computation.1_lowered:
.L_overlay_start_0:
0x88: {  	s2 =	sld [smem:$0x3FD9]  }
0x89: {  	s3 =	sld [smem:$0x3FFE];
	_ =	sdelay $0x1  }
0x8a: {  	s1 =	srdreg.scid  }
0x8b: {  	s0 =	sand.u32 $0x1, s1  }
0x8c: {  	s17 =	sshll.u32 s0, $0xA;
	s2 =	sadd.s32 s3, s2  }
0x8d: {  	s2 =	sadd.s32 s2, s17  }
0x8e: {  	[smem:$0x3FC6] =	sst s2  }
0x8f: {  	_ = 	snop  }
0x90: {  	s2 =	sld [smem:$0x3FD0];
	(tm) =	ssettm $0x1  }
0x91: {  	s18 =	sld [smem:$0x3FFB];
	_ =	sdelay $0x3  }
0x92: {  	_ =	strace s18  }
0x93: {  	s3 =	sld [smem:$0x3FFC];
	_ =	sdelay $0x3  }
0x94: {  	_ =	strace s3  }
0x95: {  	s3 =	sld [smem:$0x3FFD];
	_ =	sdelay $0x3  }
0x96: {  	_ =	strace s3  }
0x97: {  	_ =	strace $0x8FFFFFFF  }
0x98: {  	s19 =	sld [smem:$0x3FDB];
	_ =	sdelay $0x1  }
0x99: {  	s4 =	simm.s32 $_scs_section_size  }
0x9a: {  	s5 =	simm.s32 $_size__tile_overlayer_lowered;
	s6 =	simm.s32 $_tile_overlayer_lowered  }
0x9b: {  	s22 =	simm.s32 $0x1BFF;
	s21 =	sshll.u32 s6, $0x1;
	s3 =	sadd.s32 s4, s19  }
0x9c: {  	s7 =	simm.s32 $0x0;
	s20 =	sshll.u32 s5, $0x1;
	s5 =	sadd.s32 s21, s3  }
0x9d: {  	[timem:s7], [sflag:s22] =	dma.local [hbm:s5], s20  }
0x9e: {  	_ =	swait.ge [sflag:s22], s20  }
0x9f: {  	s4 =	ssub.s32 $0x0, s20;
	[sflag:s22] =	ssyncset.done $0x0  }
0xa0: {  	[sflag:s22] =	ssyncadd.s32 s4;
	_ =	sdelay $0x1  }
0xa1: {  	s23 =	simm.s32 $0x1B8B  }
0xa2: {  	_ =	swait.ge [sflag:s23], $0x1  }
0xa3: {  	[sflag:s23] =	ssyncset.done $0x0  }
0xa4: {  	s25 =	simm.s32 $0x1B8E;
	s24 =	sld [smem:$0x3FFE];
	[sflag:s23] =	ssyncadd.s32 $0xFFFFFFFF  }
0xa5: {  	s26 =	simm.s32 $execute0_lowered;
	[smem:$0x3FD2] =	sst s25  }
0xa6: {  	s5 =	sshll.u32 s26, $0x1;
	_ =	strace $0x80000046;
	[dreg:$0x1] =	wrdreg $0xFFFFFFFF  }
0xa7: {  	s28 =	simm.s32 $_size_execute0_lowered;
	s3 =	sadd.s32 s3, s5;
	[dreg:$0x0] =	wrdreg $0x0  }
0xa8: {  	s5 =	sshll.u32 s28, $0x1;
	[dreg:$0x2] =	wrdreg s3  }
0xa9: {  	[dreg:$0x3] =	wrdreg s5  }
0xaa: {  	[dreg:$0x4] =	wrdreg $0xC0  }
0xab: {  	_ =	task [dreg:s7], $0x5FFFF  }
0xac: {  	[dreg:$0x1] =	wrdreg $0xFFFFFFFF  }
0xad: {  	[dreg:$0x0] =	wrdreg $0x60  }
0xae: {  	[dreg:$0x2] =	wrdreg s24  }
0xaf: {  	[dreg:$0x3] =	wrdreg s2  }
0xb0: {  	[dreg:$0x4] =	wrdreg $0x9  }
0xb1: {  	_ =	task.clear_ibuf [dreg:s7], $0x5FFFF;
	_ =	strace $0x90000046  }
0xb2: {  	s29 =	simm.s32 $0x9;
	_ =	strace $0x80000048  }
0xb3: {  	_ =	swait.ge [sflag:s29], $0x1  }
0xb4: {  	[sflag:s29] =	ssyncadd.s32 $0xFFFFFFFF  }
0xb5: {  	_ =	strace $0x90000048  }
0xb6: {  	_ =	sfence  }
0xb7: {  	s30 =	sld [smem:$0x0];
	_ =	sdelay $0x2  }
0xb8: {  	s31 =	sshll.u32 s1, $0xD;
	s1 =	sshrl.u32 s1, $0x2  }
0xb9: {  	s3 =	sand.u32 $0x4000, s31;
	s1 =	sadd.s32 s1, s30  }
0xba: {  	s0 =	sor.u32 s3, s0;
	s1 =	sshll.u32 s1, $0x11  }
0xbb: {  	s0 =	sor.u32 s1, s0  }
0xbc: {  	s0 =	sadd.s32 $0x8F2B, s0  }
0xbd: {  	[sflag:s0] =	ssyncadd.remote.s32 $0x1  }
0xbe: {  	_ =	sfence.sel $0xFFFF  }
0xbf: {  	[dreg:$0x0] =	wrdreg $0xFFFFFFFF;
	(pc) =	sbr.abs _section_cstart, $3  }
0xc0: {  	[dreg:$0x1] =	wrdreg $0xFFFFFFFF  }
0xc1: {  	_ =	task.clear_ibuf [dreg:s7], $0x2FFFF;
	_ =	strace $0x9FFFFFFF  }
0xc2: {  	(tm) =	ssettm $0x7FFFFFFF  }
0xc3: {  	_ =	shalt  }
tec
execute0_lowered:
.L_overlay_start_1:
0x0: {  	(tag) =	ssettag $0x1  }
0x1: {  	s0 =	rddreg [dreg:$0x0];
	s1 =	srdreg.scid  }
0x2: {  	s3 =	stileid.u32;
	s2 =	rddreg [dreg:$0x1];
	s16 =	simm.s32 $0x100  }
0x3: {  	s17 =	simm.s32 $0x1;
	s18 =	simm.s32 $0x80;
	s21 =	simm.s32 $0x3  }
0x4: {  	s22 =	simm.s32 $0x8200;
	s23 =	simm.s32 $0x2;
	s24 =	simm.s32 $0x4200  }
0x5: {  	s25 =	simm.s32 $0xC200;
	s26 =	simm.s32 $0x4;
	s28 =	simm.s32 $0x0  }
0x6: {  	s1 =	sand.u32 $0x1, s1;
	s4 =	sshll.u32 s3, $0x1;
	s3 =	simm.s32 $0x0  }
0x7: {  	s5 =	sadd.s32 $0xC00, s0;
	s6 =	sadd.s32 $0x12C00, s0;
	s11 =	sor.u32 s1, s4  }
0x8: {  	[smem:$0x7FF] =	sst s3;
	s1 =	ssub.s32 $0x2, s1;
	s14 =	smul.u32 $0x4800, s11  }
0x9: {  	s4 =	sadd.s32 $0x912C00, s0;
	_ =	strace $0x80000047;
	s7 =	sshrl.u32 s1, $0x1  }
0xa: {  	s11 =	smul.u32 $0x240000, s11;
	s30 =	ssub.s32 s1, s7;
	s8 =	sshrl.u32 s14, $0x3  }
0xb: {  	s12 =	sor.u32 $0x80, s14;
	s13 =	sor.u32 $0x100, s14;
	s14 =	sor.u32 $0x180, s14  }
0xc: {  	s15 =	smax.u32 s30, $0x1;
	s31 =	sor.u32 $0x10, s8;
	s7 =	sadd.s32 s2, s8  }
0xd: {  	s8 =	sadd.s32 s5, s8;
	s9 =	sadd.s32 s2, s31;
	s10 =	sadd.s32 s5, s31  }
.LBB2_1:
0xe: {  	[tilespmem:s3], [sflag:$0x1] =	stream.linear.gather [hbm4b:s7+s3], $0x80, $0x38;
	[tilespmem:$0x10200] =	vst v63  }
0xf: {  	_ = 	snop  }
0x10: {  	[tilespmem:s16], [sflag:$0x1] =	stream.linear.gather [hbm4b:s8+s3], $0x80, $0x38;
	[tilespmem:$0x10200] =	vst v63  }
0x11: {  	_ =	swait.ge [sflag:s17], $0x80  }
0x12: {  	[sflag:s17] =	ssyncset.done $0x0  }
0x13: {  	[sflag:s17] =	ssyncadd.s32 $0xFFFFFF80  }
0x14: {  	_ =	swait.ge [sflag:s17], $0x80  }
0x15: {  	[sflag:s17] =	ssyncset.done $0x0  }
0x16: {  	s0 =	simm.s32 $0x200;
	[sflag:s17] =	ssyncadd.s32 $0xFFFFFF80  }
0x17: {  	[tilespmem:s0], [sflag:$0x3] =	stream.indirect.gather [hbm4b:s4+s18], $0x80, s3, s18, $0xb8;
	[tilespmem:$0x10200] =	vst v63  }
0x18: {  	_ = 	snop  }
0x19: {  	[tilespmem:s18], [sflag:$0x2] =	stream.linear.gather [hbm4b:s9+s3], $0x80, $0x38;
	[tilespmem:$0x10200] =	vst v63  }
0x1a: {  	s31 =	simm.s32 $0x180;
	s29 =	simm.s32 $0x0  }
0x1b: {  	[tilespmem:s31], [sflag:$0x2] =	stream.linear.gather [hbm4b:s10+s3], $0x80, $0x38;
	[tilespmem:$0x10200] =	vst v63  }
.LBB2_2:
0x1c: {  	_ =	swait.ge [sflag:s21], $0x4000  }
0x1d: {  	[sflag:s21] =	ssyncset.done $0x0  }
0x1e: {  	s30 =	simm.s32 $0x0;
	[sflag:s21] =	ssyncadd.s32 $0xFFFFC000  }
0x1f: {  	v40 =	vld [tilespmem:s30+$0x200]  }
0x20: {  	v41 =	vld [tilespmem:s30+$0x210]  }
0x21: {  	v38 =	vld [tilespmem:s30+$0x220]  }
0x22: {  	v39 =	vld [tilespmem:s30+$0x230]  }
0x23: {  	v37 =	vld [tilespmem:s30+$0x240]  }
0x24: {  	v36 =	vld [tilespmem:s30+$0x250]  }
0x25: {  	v34 =	vld [tilespmem:s30+$0x280]  }
0x26: {  	v35 =	vld [tilespmem:s30+$0x290]  }
0x27: {  	v32 =	vld [tilespmem:s30+$0x2A0]  }
0x28: {  	v33 =	vld [tilespmem:s30+$0x2B0]  }
0x29: {  	v31 =	vld [tilespmem:s30+$0x2C0]  }
0x2a: {  	v30 =	vld [tilespmem:s30+$0x2D0]  }
0x2b: {  	v28 =	vld [tilespmem:s30+$0x300]  }
0x2c: {  	v29 =	vld [tilespmem:s30+$0x310]  }
0x2d: {  	v26 =	vld [tilespmem:s30+$0x320]  }
0x2e: {  	v27 =	vld [tilespmem:s30+$0x330]  }
0x2f: {  	v25 =	vld [tilespmem:s30+$0x340]  }
0x30: {  	v24 =	vld [tilespmem:s30+$0x350]  }
0x31: {  	v22 =	vld [tilespmem:s30+$0x380]  }
0x32: {  	v23 =	vld [tilespmem:s30+$0x390]  }
0x33: {  	v20 =	vld [tilespmem:s30+$0x3A0]  }
0x34: {  	v21 =	vld [tilespmem:s30+$0x3B0]  }
0x35: {  	v18 =	vld [tilespmem:s30+$0x3C0]  }
0x36: {  	v19 =	vld [tilespmem:s30+$0x3D0]  }
0x37: {  	v16 =	vld [tilespmem:s30+$0x400]  }
0x38: {  	v17 =	vld [tilespmem:s30+$0x410]  }
0x39: {  	v14 =	vld [tilespmem:s30+$0x420]  }
0x3a: {  	v15 =	vld [tilespmem:s30+$0x430]  }
0x3b: {  	v13 =	vld [tilespmem:s30+$0x440]  }
0x3c: {  	v12 =	vld [tilespmem:s30+$0x450]  }
0x3d: {  	v10 =	vld [tilespmem:s30+$0x480]  }
0x3e: {  	v11 =	vld [tilespmem:s30+$0x490]  }
0x3f: {  	v8 =	vld [tilespmem:s30+$0x4A0]  }
0x40: {  	v9 =	vld [tilespmem:s30+$0x4B0]  }
0x41: {  	v7 =	vld [tilespmem:s30+$0x4C0]  }
0x42: {  	v6 =	vld [tilespmem:s30+$0x4D0]  }
0x43: {  	v4 =	vld [tilespmem:s30+$0x500]  }
0x44: {  	v5 =	vld [tilespmem:s30+$0x510]  }
0x45: {  	v2 =	vld [tilespmem:s30+$0x520]  }
0x46: {  	v3 =	vld [tilespmem:s30+$0x530]  }
0x47: {  	s0 =	simm.s32 $0x100;
	v1 =	vld [tilespmem:s30+$0x540]  }
0x48: {  	s1 =	simm.s32 $0x2000;
	v0 =	vld [tilespmem:s0+$0x0]  }
.LBB2_3:
0x49: {  	p0 =	sne.s32 s1, $0xE000;
	v43 =	vld [tilespmem:s30+$0x550]  }
0x4a: {  	v44 =	vld [tilespmem:s30+$0x580]  }
0x4b: {  	v45 =	vld [tilespmem:s30+$0x590]  }
0x4c: {  	v42 =	vld [tilespmem:s30+$0x5A0]  }
0x4d: {  	v46 =	vbroadcast v0, $0x0;
	v47 =	vbroadcast v0, $0x1;
	v48 =	vld [tilespmem:s30+$0x5B0]  }
0x4e: {  	v49 =	vbroadcast v0, $0x2;
	v50 =	vbroadcast v0, $0x3;
	v51 =	vld [tilespmem:s30+$0x5C0]  }
0x4f: {  	v40 =	vmul.f32 v46, v40;
	v41 =	vmul.f32 v41, v46;
	v52 =	vld [tilespmem:s30+$0x5D0]  }
0x50: {  	v53 =	vmul.f32 v38, v46;
	v39 =	vmul.f32 v39, v46;
	v38 =	vld [tilespmem:s30+$0x600]  }
0x51: {  	v37 =	vmul.f32 v37, v46;
	[tilespmem:s30+$0x8200] =	vst v40;
	v40 =	vmul.f32 v36, v46;
	v36 =	vld [tilespmem:s30+$0x610]  }
0x52: {  	v34 =	vmul.f32 v34, v47;
	v35 =	vmul.f32 v35, v47;
	[tilespmem:s30+$0x8210] =	vst v41;
	v41 =	vld [tilespmem:s30+$0x620]  }
0x53: {  	v32 =	vmul.f32 v32, v47;
	v33 =	vmul.f32 v33, v47;
	[tilespmem:s30+$0x8220] =	vst v53;
	v46 =	vld [tilespmem:s30+$0x630]  }
0x54: {  	v31 =	vmul.f32 v31, v47;
	v30 =	vmul.f32 v30, v47;
	[tilespmem:s30+$0x8230] =	vst v39;
	v39 =	vld [tilespmem:s30+$0x640]  }
0x55: {  	v28 =	vmul.f32 v28, v49;
	v29 =	vmul.f32 v29, v49;
	[tilespmem:s30+$0x8240] =	vst v37;
	v37 =	vld [tilespmem:s30+$0x650]  }
0x56: {  	v26 =	vmul.f32 v26, v49;
	v27 =	vmul.f32 v27, v49;
	[tilespmem:s30+$0x8250] =	vst v40;
	v40 =	vld [tilespmem:s30+$0x680]  }
0x57: {  	v25 =	vmul.f32 v25, v49;
	v24 =	vmul.f32 v24, v49;
	[tilespmem:s30+$0x8280] =	vst v34;
	v34 =	vld [tilespmem:s30+$0x690]  }
0x58: {  	v22 =	vmul.f32 v22, v50;
	v23 =	vmul.f32 v23, v50;
	[tilespmem:s30+$0x8290] =	vst v35;
	v35 =	vld [tilespmem:s30+$0x6A0]  }
0x59: {  	v20 =	vmul.f32 v20, v50;
	v21 =	vmul.f32 v21, v50;
	[tilespmem:s30+$0x82A0] =	vst v32;
	v32 =	vld [tilespmem:s30+$0x6B0]  }
0x5a: {  	v18 =	vmul.f32 v18, v50;
	v19 =	vmul.f32 v19, v50;
	[tilespmem:s30+$0x82B0] =	vst v33;
	v33 =	vld [tilespmem:s30+$0x6C0]  }
0x5b: {  	v47 =	vbroadcast v0, $0x5;
	[tilespmem:s30+$0x82C0] =	vst v31;
	v31 =	vbroadcast v0, $0x4;
	v49 =	vld [tilespmem:s30+$0x6D0]  }
0x5c: {  	v50 =	vbroadcast v0, $0x7;
	[tilespmem:s30+$0x82D0] =	vst v30;
	v30 =	vbroadcast v0, $0x6;
	v53 =	vld [tilespmem:s30+$0x700]  }
0x5d: {  	[tilespmem:s30+$0x8300] =	vst v28;
	v16 =	vmul.f32 v16, v31;
	v17 =	vmul.f32 v17, v31;
	v28 =	vld [tilespmem:s30+$0x710]  }
0x5e: {  	v14 =	vmul.f32 v14, v31;
	v15 =	vmul.f32 v15, v31;
	[tilespmem:s30+$0x8310] =	vst v29;
	v29 =	vld [tilespmem:s30+$0x720]  }
0x5f: {  	v13 =	vmul.f32 v13, v31;
	v12 =	vmul.f32 v12, v31;
	[tilespmem:s30+$0x8320] =	vst v26;
	v26 =	vld [tilespmem:s30+$0x730]  }
0x60: {  	v10 =	vmul.f32 v10, v47;
	v11 =	vmul.f32 v11, v47;
	[tilespmem:s30+$0x8330] =	vst v27;
	v27 =	vld [tilespmem:s30+$0x740]  }
0x61: {  	v8 =	vmul.f32 v8, v47;
	v9 =	vmul.f32 v9, v47;
	[tilespmem:s30+$0x8340] =	vst v25;
	v25 =	vld [tilespmem:s30+$0x750]  }
0x62: {  	v7 =	vmul.f32 v7, v47;
	v6 =	vmul.f32 v6, v47;
	[tilespmem:s30+$0x8350] =	vst v24;
	v24 =	vld [tilespmem:s30+$0x780]  }
0x63: {  	v4 =	vmul.f32 v4, v30;
	v5 =	vmul.f32 v5, v30;
	[tilespmem:s30+$0x8380] =	vst v22;
	v22 =	vld [tilespmem:s30+$0x790]  }
0x64: {  	v2 =	vmul.f32 v2, v30;
	v3 =	vmul.f32 v3, v30;
	[tilespmem:s30+$0x8390] =	vst v23;
	v23 =	vld [tilespmem:s30+$0x7A0]  }
0x65: {  	v1 =	vmul.f32 v1, v30;
	[tilespmem:s30+$0x83A0] =	vst v20;
	v20 =	vmul.f32 v43, v30;
	v30 =	vld [tilespmem:s30+$0x7B0]  }
0x66: {  	v31 =	vmul.f32 v45, v50;
	[tilespmem:s30+$0x83B0] =	vst v21;
	v21 =	vmul.f32 v44, v50;
	v43 =	vld [tilespmem:s30+$0x7C0]  }
0x67: {  	[tilespmem:s30+$0x83C0] =	vst v18;
	v18 =	vmul.f32 v42, v50;
	v42 =	vmul.f32 v48, v50;
	v44 =	vld [tilespmem:s30+$0x7D0]  }
0x68: {  	v45 =	vmul.f32 v52, v50;
	[tilespmem:s30+$0x83D0] =	vst v19;
	v19 =	vmul.f32 v51, v50;
	v47 =	vld [tilespmem:s30+$0x800]  }
0x69: {  	v48 =	vbroadcast v0, $0x9;
	[tilespmem:s30+$0x8400] =	vst v16;
	v16 =	vbroadcast v0, $0x8;
	v50 =	vld [tilespmem:s30+$0x810]  }
0x6a: {  	v51 =	vbroadcast v0, $0xB;
	[tilespmem:s30+$0x8410] =	vst v17;
	v17 =	vbroadcast v0, $0xA;
	v52 =	vld [tilespmem:s30+$0x820]  }
0x6b: {  	[tilespmem:s30+$0x8420] =	vst v14;
	v14 =	vmul.f32 v38, v16;
	v36 =	vmul.f32 v36, v16;
	v38 =	vld [tilespmem:s30+$0x830]  }
0x6c: {  	[tilespmem:s30+$0x8430] =	vst v15;
	v15 =	vmul.f32 v41, v16;
	v41 =	vmul.f32 v46, v16;
	v46 =	vld [tilespmem:s30+$0x840]  }
0x6d: {  	[tilespmem:s30+$0x8440] =	vst v13;
	v13 =	vmul.f32 v39, v16;
	v16 =	vmul.f32 v37, v16;
	v37 =	vld [tilespmem:s30+$0x850]  }
0x6e: {  	v34 =	vmul.f32 v34, v48;
	[tilespmem:s30+$0x8450] =	vst v12;
	v12 =	vmul.f32 v40, v48;
	v39 =	vld [tilespmem:s30+$0x880]  }
0x6f: {  	v32 =	vmul.f32 v32, v48;
	[tilespmem:s30+$0x8480] =	vst v10;
	v10 =	vmul.f32 v35, v48;
	v35 =	vld [tilespmem:s30+$0x890]  }
0x70: {  	[tilespmem:s30+$0x8490] =	vst v11;
	v11 =	vmul.f32 v33, v48;
	v33 =	vmul.f32 v49, v48;
	v40 =	vld [tilespmem:s30+$0x8A0]  }
0x71: {  	v28 =	vmul.f32 v28, v17;
	[tilespmem:s30+$0x84A0] =	vst v8;
	v8 =	vmul.f32 v53, v17;
	v48 =	vld [tilespmem:s30+$0x8B0]  }
0x72: {  	v26 =	vmul.f32 v26, v17;
	[tilespmem:s30+$0x84B0] =	vst v9;
	v9 =	vmul.f32 v29, v17;
	v29 =	vld [tilespmem:s30+$0x8C0]  }
0x73: {  	[tilespmem:s30+$0x84C0] =	vst v7;
	v7 =	vmul.f32 v27, v17;
	v17 =	vmul.f32 v25, v17;
	v25 =	vld [tilespmem:s30+$0x8D0]  }
0x74: {  	v22 =	vmul.f32 v22, v51;
	[tilespmem:s30+$0x84D0] =	vst v6;
	v6 =	vmul.f32 v24, v51;
	v24 =	vld [tilespmem:s30+$0x900]  }
0x75: {  	[tilespmem:s30+$0x8500] =	vst v4;
	v4 =	vmul.f32 v23, v51;
	v23 =	vmul.f32 v30, v51;
	v27 =	vld [tilespmem:s30+$0x910]  }
0x76: {  	[tilespmem:s30+$0x8510] =	vst v5;
	v5 =	vmul.f32 v43, v51;
	v43 =	vmul.f32 v44, v51;
	v30 =	vld [tilespmem:s30+$0x920]  }
0x77: {  	v44 =	vbroadcast v0, $0xD;
	[tilespmem:s30+$0x8520] =	vst v2;
	v2 =	vbroadcast v0, $0xC;
	v49 =	vld [tilespmem:s30+$0x930]  }
0x78: {  	[tilespmem:s30+$0x8530] =	vst v3;
	v3 =	vbroadcast v0, $0xE;
	v51 =	vld [tilespmem:s30+$0x940];
	v0 =	vbroadcast v0, $0xF  }
0x79: {  	[tilespmem:s30+$0x8540] =	vst v1;
	v1 =	vmul.f32 v47, v2;
	v47 =	vmul.f32 v50, v2;
	v50 =	vld [tilespmem:s30+$0x950]  }
0x7a: {  	[tilespmem:s30+$0x8550] =	vst v20;
	v20 =	vmul.f32 v52, v2;
	v52 =	vmul.f32 v38, v2;
	v38 =	vld [tilespmem:s30+$0x980]  }
0x7b: {  	v46 =	vmul.f32 v46, v2;
	v2 =	vmul.f32 v37, v2;
	[tilespmem:s30+$0x8580] =	vst v21;
	v21 =	vld [tilespmem:s30+$0x990]  }
0x7c: {  	v53 =	vmul.f32 v39, v44;
	v54 =	vmul.f32 v35, v44;
	[tilespmem:s30+$0x8590] =	vst v31;
	v31 =	vld [tilespmem:s30+$0x9A0]  }
0x7d: {  	v55 =	vmul.f32 v40, v44;
	v48 =	vmul.f32 v48, v44;
	[tilespmem:s30+$0x85A0] =	vst v18;
	v18 =	vld [tilespmem:s30+$0x9B0]  }
0x7e: {  	[tilespmem:s30+$0x85B0] =	vst v42;
	v42 =	vmul.f32 v29, v44;
	v44 =	vmul.f32 v25, v44;
	v25 =	vld [tilespmem:s30+$0x9C0]  }
0x7f: {  	v56 =	vmul.f32 v24, v3;
	v57 =	vmul.f32 v27, v3;
	[tilespmem:s30+$0x85C0] =	vst v19;
	v19 =	vld [tilespmem:s30+$0x9D0]  }
0x80: {  	v49 =	vmul.f32 v49, v3;
	[tilespmem:s30+$0x85D0] =	vst v45;
	v45 =	vmul.f32 v30, v3  }
0x81: {  	v51 =	vmul.f32 v51, v3;
	v3 =	vmul.f32 v50, v3;
	[tilespmem:s30+$0x8600] =	vst v14  }
0x82: {  	v50 =	vmul.f32 v38, v0;
	v58 =	vmul.f32 v21, v0;
	[tilespmem:s30+$0x8610] =	vst v36  }
0x83: {  	v59 =	vmul.f32 v31, v0;
	v60 =	vmul.f32 v18, v0;
	[tilespmem:s30+$0x8620] =	vst v15  }
0x84: {  	v61 =	vmul.f32 v25, v0;
	[tilespmem:s30+$0x8630] =	vst v41;
	v0 =	vmul.f32 v19, v0  }
0x85: {  	[tilespmem:s30+$0x8640] =	vst v13  }
0x86: {  	[tilespmem:s30+$0x8650] =	vst v16  }
0x87: {  	s19 =	sshra.s32 s1, $0x2;
	[tilespmem:s30+$0x8680] =	vst v12  }
0x88: {  	v40 =	vld [tilespmem:s19+$0x200];
	[tilespmem:s30+$0x8690] =	vst v34  }
0x89: {  	v41 =	vld [tilespmem:s19+$0x210];
	[tilespmem:s30+$0x86A0] =	vst v10  }
0x8a: {  	v38 =	vld [tilespmem:s19+$0x220];
	[tilespmem:s30+$0x86B0] =	vst v32  }
0x8b: {  	v39 =	vld [tilespmem:s19+$0x230];
	[tilespmem:s30+$0x86C0] =	vst v11  }
0x8c: {  	v37 =	vld [tilespmem:s19+$0x240];
	[tilespmem:s30+$0x86D0] =	vst v33  }
0x8d: {  	v36 =	vld [tilespmem:s19+$0x250];
	[tilespmem:s30+$0x8700] =	vst v8  }
0x8e: {  	v34 =	vld [tilespmem:s19+$0x280];
	[tilespmem:s30+$0x8710] =	vst v28  }
0x8f: {  	v35 =	vld [tilespmem:s19+$0x290];
	[tilespmem:s30+$0x8720] =	vst v9  }
0x90: {  	v32 =	vld [tilespmem:s19+$0x2A0];
	[tilespmem:s30+$0x8730] =	vst v26  }
0x91: {  	v33 =	vld [tilespmem:s19+$0x2B0];
	[tilespmem:s30+$0x8740] =	vst v7  }
0x92: {  	v31 =	vld [tilespmem:s19+$0x2C0];
	[tilespmem:s30+$0x8750] =	vst v17  }
0x93: {  	v30 =	vld [tilespmem:s19+$0x2D0];
	[tilespmem:s30+$0x8780] =	vst v6  }
0x94: {  	v28 =	vld [tilespmem:s19+$0x300];
	[tilespmem:s30+$0x8790] =	vst v22  }
0x95: {  	v29 =	vld [tilespmem:s19+$0x310];
	[tilespmem:s30+$0x87A0] =	vst v4  }
0x96: {  	v26 =	vld [tilespmem:s19+$0x320];
	[tilespmem:s30+$0x87B0] =	vst v23  }
0x97: {  	v27 =	vld [tilespmem:s19+$0x330];
	[tilespmem:s30+$0x87C0] =	vst v5  }
0x98: {  	v25 =	vld [tilespmem:s19+$0x340];
	[tilespmem:s30+$0x87D0] =	vst v43  }
0x99: {  	v24 =	vld [tilespmem:s19+$0x350];
	[tilespmem:s30+$0x8800] =	vst v1  }
0x9a: {  	v22 =	vld [tilespmem:s19+$0x380];
	[tilespmem:s30+$0x8810] =	vst v47  }
0x9b: {  	v23 =	vld [tilespmem:s19+$0x390];
	[tilespmem:s30+$0x8820] =	vst v20  }
0x9c: {  	v20 =	vld [tilespmem:s19+$0x3A0];
	[tilespmem:s30+$0x8830] =	vst v52  }
0x9d: {  	v21 =	vld [tilespmem:s19+$0x3B0];
	[tilespmem:s30+$0x8840] =	vst v46  }
0x9e: {  	v18 =	vld [tilespmem:s19+$0x3C0];
	[tilespmem:s30+$0x8850] =	vst v2  }
0x9f: {  	v19 =	vld [tilespmem:s19+$0x3D0];
	[tilespmem:s30+$0x8880] =	vst v53  }
0xa0: {  	v16 =	vld [tilespmem:s19+$0x400];
	[tilespmem:s30+$0x8890] =	vst v54  }
0xa1: {  	v17 =	vld [tilespmem:s19+$0x410];
	[tilespmem:s30+$0x88A0] =	vst v55  }
0xa2: {  	v14 =	vld [tilespmem:s19+$0x420];
	[tilespmem:s30+$0x88B0] =	vst v48  }
0xa3: {  	v15 =	vld [tilespmem:s19+$0x430];
	[tilespmem:s30+$0x88C0] =	vst v42  }
0xa4: {  	v13 =	vld [tilespmem:s19+$0x440];
	[tilespmem:s30+$0x88D0] =	vst v44  }
0xa5: {  	v12 =	vld [tilespmem:s19+$0x450];
	[tilespmem:s30+$0x8900] =	vst v56  }
0xa6: {  	v10 =	vld [tilespmem:s19+$0x480];
	[tilespmem:s30+$0x8910] =	vst v57  }
0xa7: {  	v11 =	vld [tilespmem:s19+$0x490];
	[tilespmem:s30+$0x8920] =	vst v45  }
0xa8: {  	v8 =	vld [tilespmem:s19+$0x4A0];
	[tilespmem:s30+$0x8930] =	vst v49  }
0xa9: {  	v9 =	vld [tilespmem:s19+$0x4B0];
	[tilespmem:s30+$0x8940] =	vst v51  }
0xaa: {  	v7 =	vld [tilespmem:s19+$0x4C0];
	[tilespmem:s30+$0x8950] =	vst v3  }
0xab: {  	v6 =	vld [tilespmem:s19+$0x4D0];
	[tilespmem:s30+$0x8980] =	vst v50  }
0xac: {  	v4 =	vld [tilespmem:s19+$0x500];
	[tilespmem:s30+$0x8990] =	vst v58  }
.Ltmp0:
0xad: {  	v5 =	vld [tilespmem:s19+$0x510];
	[tilespmem:s30+$0x89A0] =	vst v59;
	(pc) =	sbr.rel @p0 .LBB2_3-.Ltmp0, $4  }
0xae: {  	v2 =	vld [tilespmem:s19+$0x520];
	[tilespmem:s30+$0x89B0] =	vst v60  }
0xaf: {  	v3 =	vld [tilespmem:s19+$0x530];
	[tilespmem:s30+$0x89C0] =	vst v61  }
0xb0: {  	s0 =	sadd.s32 $0x10, s0;
	v1 =	vld [tilespmem:s19+$0x540];
	[tilespmem:s30+$0x89D0] =	vst v0;
	s30 =	smov.u32 s19  }
0xb1: {  	s1 =	sadd.s32 $0x2000, s1;
	v0 =	vld [tilespmem:s0+$0x0]  }
0xb2: {  	_ =	sdelay $0x3  }
0xb3: {  	v49 =	vbroadcast v0, $0x0;
	_ =	sdelay $0x1  }
0xb4: {  	v50 =	vmul.f32 v49, v40  }
0xb5: {  	v51 =	vmul.f32 v41, v49  }
0xb6: {  	v59 =	vmul.f32 v38, v49;
	[tilespmem:s30+$0x8200] =	vst v50  }
0xb7: {  	v60 =	vmul.f32 v39, v49;
	[tilespmem:s30+$0x8210] =	vst v51  }
0xb8: {  	v62 =	vbroadcast v0, $0x1;
	v61 =	vmul.f32 v37, v49;
	[tilespmem:s30+$0x8220] =	vst v59  }
0xb9: {  	v49 =	vmul.f32 v36, v49;
	[tilespmem:s30+$0x8230] =	vst v60  }
0xba: {  	v63 =	vmul.f32 v34, v62;
	[tilespmem:s30+$0x8240] =	vst v61  }
0xbb: {  	v52 =	vmul.f32 v35, v62;
	[tilespmem:s30+$0x8250] =	vst v49  }
0xbc: {  	v53 =	vmul.f32 v32, v62;
	[tilespmem:s30+$0x8280] =	vst v63  }
0xbd: {  	v56 =	vbroadcast v0, $0x2;
	v54 =	vmul.f32 v33, v62;
	[tilespmem:s30+$0x8290] =	vst v52  }
0xbe: {  	v55 =	vmul.f32 v31, v62;
	[tilespmem:s30+$0x82A0] =	vst v53  }
0xbf: {  	v57 =	vmul.f32 v28, v56;
	[tilespmem:s30+$0x82B0] =	vst v54  }
0xc0: {  	v58 =	vmul.f32 v29, v56;
	[tilespmem:s30+$0x82C0] =	vst v55  }
0xc1: {  	v51 =	vmul.f32 v30, v62;
	[tilespmem:s30+$0x8300] =	vst v57  }
0xc2: {  	v59 =	vmul.f32 v26, v56;
	[tilespmem:s30+$0x8310] =	vst v58  }
0xc3: {  	v60 =	vmul.f32 v27, v56;
	[tilespmem:s30+$0x82D0] =	vst v51  }
0xc4: {  	v61 =	vmul.f32 v25, v56;
	v62 =	vbroadcast v0, $0x3;
	[tilespmem:s30+$0x8320] =	vst v59  }
0xc5: {  	v49 =	vmul.f32 v24, v56;
	[tilespmem:s30+$0x8330] =	vst v60  }
0xc6: {  	[tilespmem:s30+$0x8340] =	vst v61;
	v63 =	vmul.f32 v22, v62  }
0xc7: {  	[tilespmem:s30+$0x8350] =	vst v49;
	v52 =	vmul.f32 v23, v62  }
0xc8: {  	v53 =	vmul.f32 v20, v62;
	[tilespmem:s30+$0x8380] =	vst v63  }
0xc9: {  	v21 =	vmul.f32 v21, v62;
	[tilespmem:s30+$0x8390] =	vst v52  }
0xca: {  	v55 =	vbroadcast v0, $0x4;
	v18 =	vmul.f32 v18, v62;
	[tilespmem:s30+$0x83A0] =	vst v53  }
0xcb: {  	v19 =	vmul.f32 v19, v62;
	[tilespmem:s30+$0x83B0] =	vst v21  }
0xcc: {  	v16 =	vmul.f32 v16, v55;
	[tilespmem:s30+$0x83C0] =	vst v18  }
0xcd: {  	v17 =	vmul.f32 v17, v55;
	[tilespmem:s30+$0x83D0] =	vst v19  }
0xce: {  	v14 =	vmul.f32 v14, v55;
	[tilespmem:s30+$0x8400] =	vst v16  }
0xcf: {  	v15 =	vmul.f32 v15, v55;
	[tilespmem:s30+$0x8410] =	vst v17  }
0xd0: {  	v56 =	vbroadcast v0, $0x5;
	v13 =	vmul.f32 v13, v55;
	[tilespmem:s30+$0x8420] =	vst v14  }
0xd1: {  	v12 =	vmul.f32 v12, v55;
	[tilespmem:s30+$0x8430] =	vst v15  }
0xd2: {  	v10 =	vmul.f32 v10, v56;
	[tilespmem:s30+$0x8440] =	vst v13  }
0xd3: {  	v11 =	vmul.f32 v11, v56;
	[tilespmem:s30+$0x8450] =	vst v12  }
0xd4: {  	v8 =	vmul.f32 v8, v56;
	[tilespmem:s30+$0x8480] =	vst v10  }
0xd5: {  	v9 =	vmul.f32 v9, v56;
	[tilespmem:s30+$0x8490] =	vst v11  }
0xd6: {  	v57 =	vbroadcast v0, $0x6;
	v7 =	vmul.f32 v7, v56;
	[tilespmem:s30+$0x84A0] =	vst v8  }
0xd7: {  	v6 =	vmul.f32 v6, v56;
	[tilespmem:s30+$0x84B0] =	vst v9  }
0xd8: {  	v48 =	vld [tilespmem:s30+$0x550];
	v4 =	vmul.f32 v4, v57;
	[tilespmem:s30+$0x84C0] =	vst v7  }
0xd9: {  	v47 =	vld [tilespmem:s30+$0x580];
	v5 =	vmul.f32 v5, v57;
	[tilespmem:s30+$0x84D0] =	vst v6  }
0xda: {  	v46 =	vld [tilespmem:s30+$0x590];
	v2 =	vmul.f32 v2, v57;
	[tilespmem:s30+$0x8500] =	vst v4  }
0xdb: {  	v45 =	vld [tilespmem:s30+$0x5A0];
	v3 =	vmul.f32 v3, v57;
	[tilespmem:s30+$0x8510] =	vst v5  }
0xdc: {  	v44 =	vld [tilespmem:s30+$0x5B0];
	v58 =	vbroadcast v0, $0x7;
	v1 =	vmul.f32 v1, v57;
	[tilespmem:s30+$0x8520] =	vst v2  }
0xdd: {  	v43 =	vld [tilespmem:s30+$0x5C0];
	v48 =	vmul.f32 v48, v57;
	[tilespmem:s30+$0x8530] =	vst v3  }
0xde: {  	v42 =	vld [tilespmem:s30+$0x5D0];
	v47 =	vmul.f32 v47, v58;
	[tilespmem:s30+$0x8540] =	vst v1  }
0xdf: {  	v40 =	vld [tilespmem:s30+$0x600];
	v46 =	vmul.f32 v46, v58;
	[tilespmem:s30+$0x8550] =	vst v48  }
0xe0: {  	v41 =	vld [tilespmem:s30+$0x610];
	v45 =	vmul.f32 v45, v58;
	[tilespmem:s30+$0x8580] =	vst v47  }
0xe1: {  	v38 =	vld [tilespmem:s30+$0x620];
	v44 =	vmul.f32 v44, v58;
	[tilespmem:s30+$0x8590] =	vst v46  }
0xe2: {  	v39 =	vld [tilespmem:s30+$0x630];
	v43 =	vmul.f32 v43, v58;
	v62 =	vbroadcast v0, $0x8;
	[tilespmem:s30+$0x85A0] =	vst v45  }
0xe3: {  	v37 =	vld [tilespmem:s30+$0x640];
	v42 =	vmul.f32 v42, v58;
	[tilespmem:s30+$0x85B0] =	vst v44  }
0xe4: {  	v36 =	vld [tilespmem:s30+$0x650];
	[tilespmem:s30+$0x85C0] =	vst v43;
	v40 =	vmul.f32 v40, v62  }
0xe5: {  	v34 =	vld [tilespmem:s30+$0x680];
	v41 =	vmul.f32 v41, v62;
	[tilespmem:s30+$0x85D0] =	vst v42  }
0xe6: {  	v35 =	vld [tilespmem:s30+$0x690];
	v38 =	vmul.f32 v38, v62;
	[tilespmem:s30+$0x8600] =	vst v40  }
0xe7: {  	v32 =	vld [tilespmem:s30+$0x6A0];
	v39 =	vmul.f32 v39, v62;
	[tilespmem:s30+$0x8610] =	vst v41  }
0xe8: {  	v33 =	vld [tilespmem:s30+$0x6B0];
	v51 =	vbroadcast v0, $0x9;
	v37 =	vmul.f32 v37, v62;
	[tilespmem:s30+$0x8620] =	vst v38  }
0xe9: {  	v31 =	vld [tilespmem:s30+$0x6C0];
	v36 =	vmul.f32 v36, v62;
	[tilespmem:s30+$0x8630] =	vst v39  }
0xea: {  	v30 =	vld [tilespmem:s30+$0x6D0];
	v34 =	vmul.f32 v34, v51;
	[tilespmem:s30+$0x8640] =	vst v37  }
0xeb: {  	v28 =	vld [tilespmem:s30+$0x700];
	v35 =	vmul.f32 v35, v51;
	[tilespmem:s30+$0x8650] =	vst v36  }
0xec: {  	v29 =	vld [tilespmem:s30+$0x710];
	v32 =	vmul.f32 v32, v51;
	[tilespmem:s30+$0x8680] =	vst v34  }
0xed: {  	v26 =	vld [tilespmem:s30+$0x720];
	v33 =	vmul.f32 v33, v51;
	[tilespmem:s30+$0x8690] =	vst v35  }
0xee: {  	v27 =	vld [tilespmem:s30+$0x730];
	v52 =	vbroadcast v0, $0xA;
	v31 =	vmul.f32 v31, v51;
	[tilespmem:s30+$0x86A0] =	vst v32  }
0xef: {  	v25 =	vld [tilespmem:s30+$0x740];
	v30 =	vmul.f32 v30, v51;
	[tilespmem:s30+$0x86B0] =	vst v33  }
0xf0: {  	v24 =	vld [tilespmem:s30+$0x750];
	v28 =	vmul.f32 v28, v52;
	[tilespmem:s30+$0x86C0] =	vst v31  }
0xf1: {  	v54 =	vld [tilespmem:s30+$0x7B0];
	v29 =	vmul.f32 v29, v52;
	[tilespmem:s30+$0x86D0] =	vst v30  }
0xf2: {  	v22 =	vld [tilespmem:s30+$0x780];
	v26 =	vmul.f32 v26, v52;
	[tilespmem:s30+$0x8700] =	vst v28  }
0xf3: {  	v23 =	vld [tilespmem:s30+$0x790];
	v27 =	vmul.f32 v27, v52;
	[tilespmem:s30+$0x8710] =	vst v29  }
0xf4: {  	v20 =	vld [tilespmem:s30+$0x7A0];
	v53 =	vbroadcast v0, $0xB;
	v25 =	vmul.f32 v25, v52;
	[tilespmem:s30+$0x8720] =	vst v26  }
0xf5: {  	v59 =	vld [tilespmem:s30+$0x980];
	v24 =	vmul.f32 v24, v52;
	[tilespmem:s30+$0x8730] =	vst v27  }
0xf6: {  	v60 =	vld [tilespmem:s30+$0x990];
	v54 =	vmul.f32 v54, v53;
	[tilespmem:s30+$0x8740] =	vst v25  }
0xf7: {  	v61 =	vld [tilespmem:s30+$0x9A0];
	v22 =	vmul.f32 v22, v53;
	[tilespmem:s30+$0x8750] =	vst v24  }
0xf8: {  	v58 =	vbroadcast v0, $0xF;
	v21 =	vld [tilespmem:s30+$0x7C0];
	v23 =	vmul.f32 v23, v53;
	[tilespmem:s30+$0x87B0] =	vst v54  }
0xf9: {  	v18 =	vld [tilespmem:s30+$0x7D0];
	v20 =	vmul.f32 v20, v53;
	[tilespmem:s30+$0x8780] =	vst v22  }
0xfa: {  	v19 =	vld [tilespmem:s30+$0x800];
	v59 =	vmul.f32 v59, v58;
	[tilespmem:s30+$0x8790] =	vst v23  }
0xfb: {  	v16 =	vld [tilespmem:s30+$0x810];
	v60 =	vmul.f32 v60, v58;
	[tilespmem:s30+$0x87A0] =	vst v20  }
0xfc: {  	v17 =	vld [tilespmem:s30+$0x820];
	v61 =	vmul.f32 v61, v58;
	[tilespmem:s30+$0x8980] =	vst v59  }
0xfd: {  	v55 =	vbroadcast v0, $0xC;
	v14 =	vld [tilespmem:s30+$0x830];
	v21 =	vmul.f32 v21, v53;
	[tilespmem:s30+$0x8990] =	vst v60  }
0xfe: {  	v15 =	vld [tilespmem:s30+$0x840];
	v18 =	vmul.f32 v18, v53;
	[tilespmem:s30+$0x89A0] =	vst v61  }
0xff: {  	v13 =	vld [tilespmem:s30+$0x850];
	v19 =	vmul.f32 v19, v55;
	[tilespmem:s30+$0x87C0] =	vst v21  }
0x100: {  	v12 =	vld [tilespmem:s30+$0x880];
	v16 =	vmul.f32 v16, v55;
	[tilespmem:s30+$0x87D0] =	vst v18  }
0x101: {  	v10 =	vld [tilespmem:s30+$0x890];
	v17 =	vmul.f32 v17, v55;
	[tilespmem:s30+$0x8800] =	vst v19  }
0x102: {  	v11 =	vld [tilespmem:s30+$0x8A0];
	v14 =	vmul.f32 v14, v55;
	[tilespmem:s30+$0x8810] =	vst v16  }
0x103: {  	v56 =	vbroadcast v0, $0xD;
	v8 =	vld [tilespmem:s30+$0x8B0];
	v15 =	vmul.f32 v15, v55;
	[tilespmem:s30+$0x8820] =	vst v17  }
0x104: {  	v9 =	vld [tilespmem:s30+$0x8C0];
	v13 =	vmul.f32 v13, v55;
	[tilespmem:s30+$0x8830] =	vst v14  }
0x105: {  	v7 =	vld [tilespmem:s30+$0x8D0];
	v12 =	vmul.f32 v12, v56;
	[tilespmem:s30+$0x8840] =	vst v15  }
0x106: {  	v6 =	vld [tilespmem:s30+$0x900];
	v10 =	vmul.f32 v10, v56;
	[tilespmem:s30+$0x8850] =	vst v13  }
0x107: {  	v4 =	vld [tilespmem:s30+$0x910];
	v11 =	vmul.f32 v11, v56;
	[tilespmem:s30+$0x8880] =	vst v12  }
0x108: {  	v5 =	vld [tilespmem:s30+$0x920];
	v8 =	vmul.f32 v8, v56;
	[tilespmem:s30+$0x8890] =	vst v10  }
0x109: {  	v57 =	vbroadcast v0, $0xE;
	v2 =	vld [tilespmem:s30+$0x930];
	v9 =	vmul.f32 v9, v56;
	[tilespmem:s30+$0x88A0] =	vst v11  }
0x10a: {  	v3 =	vld [tilespmem:s30+$0x940];
	v7 =	vmul.f32 v7, v56;
	[tilespmem:s30+$0x88B0] =	vst v8  }
0x10b: {  	v1 =	vld [tilespmem:s30+$0x950];
	v6 =	vmul.f32 v6, v57;
	[tilespmem:s30+$0x88C0] =	vst v9  }
0x10c: {  	v45 =	vld [tilespmem:s30+$0x9B0];
	v4 =	vmul.f32 v4, v57;
	[tilespmem:s30+$0x88D0] =	vst v7  }
0x10d: {  	v63 =	vld [tilespmem:s30+$0x9C0];
	v5 =	vmul.f32 v5, v57;
	[tilespmem:s30+$0x8900] =	vst v6  }
0x10e: {  	v43 =	vld [tilespmem:s30+$0x9D0];
	v2 =	vmul.f32 v2, v57;
	[tilespmem:s30+$0x8910] =	vst v4  }
0x10f: {  	v3 =	vmul.f32 v3, v57;
	[tilespmem:s30+$0x8920] =	vst v5  }
0x110: {  	v1 =	vmul.f32 v1, v57;
	[tilespmem:s30+$0x8930] =	vst v2  }
0x111: {  	v62 =	vmul.f32 v45, v58;
	[tilespmem:s30+$0x8940] =	vst v3  }
0x112: {  	s0 =	sshll.u32 s29, $0xF;
	v63 =	vmul.f32 v63, v58;
	[tilespmem:s30+$0x8950] =	vst v1  }
0x113: {  	s0 =	sadd.s32 s11, s0;
	v0 =	vmul.f32 v43, v58;
	[tilespmem:s30+$0x89B0] =	vst v62  }
0x114: {  	s0 =	sshrl.u32 s0, $0x3;
	[tilespmem:s30+$0x89C0] =	vst v63  }
0x115: {  	s0 =	sadd.s32 s6, s0;
	[tilespmem:s30+$0x89D0] =	vst v0  }
0x116: {  	[hbm4b:s0+s3] =	stream.linear.scatter [tilespmem:s22], [sflag:$0x4], $0x4000, $0x38;
	[tilespmem:$0x10200] =	vst v63  }
0x117: {  	p0 =	sne.s32 s29, $0x0;
	_ =	swait.ge [sflag:s23], $0x80  }
.Ltmp1:
0x118: {  	[sflag:s23] =	ssyncset.done $0x0;
	(pc) =	sbr.rel @!p0 .LBB2_5-.Ltmp1, $4  }
0x119: {  	[sflag:s23] =	ssyncadd.s32 $0xFFFFFF80  }
0x11a: {  	_ =	swait.ge [sflag:s23], $0x80  }
0x11b: {  	[sflag:s23] =	ssyncset.done $0x0  }
0x11c: {  	s30 =	sshll.u32 s29, $0x8;
	[sflag:s23] =	ssyncadd.s32 $0xFFFFFF80  }
0x11d: {  	p1 =	seq.s32 s29, $0x47  }
.Ltmp2:
0x11e: {  	_ = 	snop;
	(pc) =	sbr.rel @p1 .LBB2_8-.Ltmp2, $4  }
.Ltmp3:
0x11f: {  	_ =	swait.ge [sflag:s26], $0x4000;
	(pc) =	sbr.rel @!p1 .LBB2_7-.Ltmp3, $4  }
0x120: {  	[sflag:s26] =	ssyncset.done $0x0  }
0x121: {  	p0 =	por $0x1, $0x1;
	[sflag:s26] =	ssyncadd.s32 $0xFFFFC000  }
0x122: {  	[tilespmem:s24], [sflag:$0x3] =	stream.indirect.gather [hbm4b:s4+s18], $0x80, s18, s18, $0xb8;
	[tilespmem:$0x10200] =	vst v63  }
0x123: {  	_ = 	snop  }
.LBB2_5:
0x124: {  	[tilespmem:s24], [sflag:$0x3] =	stream.indirect.gather [hbm4b:s4+s18], $0x80, s18, s18, $0xb8;
	[tilespmem:$0x10200] =	vst v63  }
.LBB2_7:
0x125: {  	s0 =	sadd.s32 s30, s13  }
0x126: {  	s0 =	sshrl.u32 s0, $0x3  }
0x127: {  	s1 =	sadd.s32 s2, s0  }
0x128: {  	[tilespmem:s3], [sflag:$0x1] =	stream.linear.gather [hbm4b:s1+s3], $0x80, $0x38;
	[tilespmem:$0x10200] =	vst v63  }
0x129: {  	p0 =	por $0x0, $0x0;
	s0 =	sadd.s32 s5, s0  }
0x12a: {  	[tilespmem:s16], [sflag:$0x1] =	stream.linear.gather [hbm4b:s0+s3], $0x80, $0x38;
	[tilespmem:$0x10200] =	vst v63  }
.LBB2_8:
0x12b: {  	_ =	swait.ge [sflag:s21], $0x4000  }
0x12c: {  	[sflag:s21] =	ssyncset.done $0x0  }
0x12d: {  	s31 =	simm.s32 $0x0;
	[sflag:s21] =	ssyncadd.s32 $0xFFFFC000  }
0x12e: {  	v40 =	vld [tilespmem:s31+$0x4200]  }
0x12f: {  	v41 =	vld [tilespmem:s31+$0x4210]  }
0x130: {  	v38 =	vld [tilespmem:s31+$0x4220]  }
0x131: {  	v39 =	vld [tilespmem:s31+$0x4230]  }
0x132: {  	v37 =	vld [tilespmem:s31+$0x4240]  }
0x133: {  	v36 =	vld [tilespmem:s31+$0x4250]  }
0x134: {  	v34 =	vld [tilespmem:s31+$0x4280]  }
0x135: {  	v35 =	vld [tilespmem:s31+$0x4290]  }
0x136: {  	v32 =	vld [tilespmem:s31+$0x42A0]  }
0x137: {  	v33 =	vld [tilespmem:s31+$0x42B0]  }
0x138: {  	v31 =	vld [tilespmem:s31+$0x42C0]  }
0x139: {  	v30 =	vld [tilespmem:s31+$0x42D0]  }
0x13a: {  	v28 =	vld [tilespmem:s31+$0x4300]  }
0x13b: {  	v29 =	vld [tilespmem:s31+$0x4310]  }
0x13c: {  	v26 =	vld [tilespmem:s31+$0x4320]  }
0x13d: {  	v27 =	vld [tilespmem:s31+$0x4330]  }
0x13e: {  	v25 =	vld [tilespmem:s31+$0x4340]  }
0x13f: {  	v24 =	vld [tilespmem:s31+$0x4350]  }
0x140: {  	v22 =	vld [tilespmem:s31+$0x4380]  }
0x141: {  	v23 =	vld [tilespmem:s31+$0x4390]  }
0x142: {  	v20 =	vld [tilespmem:s31+$0x43A0]  }
0x143: {  	v21 =	vld [tilespmem:s31+$0x43B0]  }
0x144: {  	v18 =	vld [tilespmem:s31+$0x43C0]  }
0x145: {  	v19 =	vld [tilespmem:s31+$0x43D0]  }
0x146: {  	v16 =	vld [tilespmem:s31+$0x4400]  }
0x147: {  	v17 =	vld [tilespmem:s31+$0x4410]  }
0x148: {  	v14 =	vld [tilespmem:s31+$0x4420]  }
0x149: {  	v15 =	vld [tilespmem:s31+$0x4430]  }
0x14a: {  	v13 =	vld [tilespmem:s31+$0x4440]  }
0x14b: {  	v12 =	vld [tilespmem:s31+$0x4450]  }
0x14c: {  	v10 =	vld [tilespmem:s31+$0x4480]  }
0x14d: {  	v11 =	vld [tilespmem:s31+$0x4490]  }
0x14e: {  	v8 =	vld [tilespmem:s31+$0x44A0]  }
0x14f: {  	v9 =	vld [tilespmem:s31+$0x44B0]  }
0x150: {  	v7 =	vld [tilespmem:s31+$0x44C0]  }
0x151: {  	v6 =	vld [tilespmem:s31+$0x44D0]  }
0x152: {  	v4 =	vld [tilespmem:s31+$0x4500]  }
0x153: {  	v5 =	vld [tilespmem:s31+$0x4510]  }
0x154: {  	v2 =	vld [tilespmem:s31+$0x4520]  }
0x155: {  	v3 =	vld [tilespmem:s31+$0x4530]  }
0x156: {  	s0 =	simm.s32 $0x180;
	v1 =	vld [tilespmem:s31+$0x4540]  }
0x157: {  	s1 =	sadd.s32 s30, s12;
	s19 =	simm.s32 $0x2000;
	v0 =	vld [tilespmem:s0+$0x0]  }
.LBB2_9:
0x158: {  	p1 =	sne.s32 s19, $0xE000;
	v43 =	vld [tilespmem:s31+$0x4550]  }
0x159: {  	v44 =	vld [tilespmem:s31+$0x4580]  }
0x15a: {  	v45 =	vld [tilespmem:s31+$0x4590]  }
0x15b: {  	v42 =	vld [tilespmem:s31+$0x45A0]  }
0x15c: {  	v46 =	vbroadcast v0, $0x0;
	v47 =	vbroadcast v0, $0x1;
	v48 =	vld [tilespmem:s31+$0x45B0]  }
0x15d: {  	v49 =	vbroadcast v0, $0x2;
	v50 =	vbroadcast v0, $0x3;
	v51 =	vld [tilespmem:s31+$0x45C0]  }
0x15e: {  	v40 =	vmul.f32 v46, v40;
	v41 =	vmul.f32 v41, v46;
	v52 =	vld [tilespmem:s31+$0x45D0]  }
0x15f: {  	v53 =	vmul.f32 v38, v46;
	v39 =	vmul.f32 v39, v46;
	v38 =	vld [tilespmem:s31+$0x4600]  }
0x160: {  	v37 =	vmul.f32 v37, v46;
	[tilespmem:s31+$0xC200] =	vst v40;
	v40 =	vmul.f32 v36, v46;
	v36 =	vld [tilespmem:s31+$0x4610]  }
0x161: {  	v34 =	vmul.f32 v34, v47;
	v35 =	vmul.f32 v35, v47;
	[tilespmem:s31+$0xC210] =	vst v41;
	v41 =	vld [tilespmem:s31+$0x4620]  }
0x162: {  	v32 =	vmul.f32 v32, v47;
	v33 =	vmul.f32 v33, v47;
	[tilespmem:s31+$0xC220] =	vst v53;
	v46 =	vld [tilespmem:s31+$0x4630]  }
0x163: {  	v31 =	vmul.f32 v31, v47;
	v30 =	vmul.f32 v30, v47;
	[tilespmem:s31+$0xC230] =	vst v39;
	v39 =	vld [tilespmem:s31+$0x4640]  }
0x164: {  	v28 =	vmul.f32 v28, v49;
	v29 =	vmul.f32 v29, v49;
	[tilespmem:s31+$0xC240] =	vst v37;
	v37 =	vld [tilespmem:s31+$0x4650]  }
0x165: {  	v26 =	vmul.f32 v26, v49;
	v27 =	vmul.f32 v27, v49;
	[tilespmem:s31+$0xC250] =	vst v40;
	v40 =	vld [tilespmem:s31+$0x4680]  }
0x166: {  	v25 =	vmul.f32 v25, v49;
	v24 =	vmul.f32 v24, v49;
	[tilespmem:s31+$0xC280] =	vst v34;
	v34 =	vld [tilespmem:s31+$0x4690]  }
0x167: {  	v22 =	vmul.f32 v22, v50;
	v23 =	vmul.f32 v23, v50;
	[tilespmem:s31+$0xC290] =	vst v35;
	v35 =	vld [tilespmem:s31+$0x46A0]  }
0x168: {  	v20 =	vmul.f32 v20, v50;
	v21 =	vmul.f32 v21, v50;
	[tilespmem:s31+$0xC2A0] =	vst v32;
	v32 =	vld [tilespmem:s31+$0x46B0]  }
0x169: {  	v18 =	vmul.f32 v18, v50;
	v19 =	vmul.f32 v19, v50;
	[tilespmem:s31+$0xC2B0] =	vst v33;
	v33 =	vld [tilespmem:s31+$0x46C0]  }
0x16a: {  	v47 =	vbroadcast v0, $0x5;
	[tilespmem:s31+$0xC2C0] =	vst v31;
	v31 =	vbroadcast v0, $0x4;
	v49 =	vld [tilespmem:s31+$0x46D0]  }
0x16b: {  	v50 =	vbroadcast v0, $0x7;
	[tilespmem:s31+$0xC2D0] =	vst v30;
	v30 =	vbroadcast v0, $0x6;
	v53 =	vld [tilespmem:s31+$0x4700]  }
0x16c: {  	[tilespmem:s31+$0xC300] =	vst v28;
	v16 =	vmul.f32 v16, v31;
	v17 =	vmul.f32 v17, v31;
	v28 =	vld [tilespmem:s31+$0x4710]  }
0x16d: {  	v14 =	vmul.f32 v14, v31;
	v15 =	vmul.f32 v15, v31;
	[tilespmem:s31+$0xC310] =	vst v29;
	v29 =	vld [tilespmem:s31+$0x4720]  }
0x16e: {  	v13 =	vmul.f32 v13, v31;
	v12 =	vmul.f32 v12, v31;
	[tilespmem:s31+$0xC320] =	vst v26;
	v26 =	vld [tilespmem:s31+$0x4730]  }
0x16f: {  	v10 =	vmul.f32 v10, v47;
	v11 =	vmul.f32 v11, v47;
	[tilespmem:s31+$0xC330] =	vst v27;
	v27 =	vld [tilespmem:s31+$0x4740]  }
0x170: {  	v8 =	vmul.f32 v8, v47;
	v9 =	vmul.f32 v9, v47;
	[tilespmem:s31+$0xC340] =	vst v25;
	v25 =	vld [tilespmem:s31+$0x4750]  }
0x171: {  	v7 =	vmul.f32 v7, v47;
	v6 =	vmul.f32 v6, v47;
	[tilespmem:s31+$0xC350] =	vst v24;
	v24 =	vld [tilespmem:s31+$0x4780]  }
0x172: {  	v4 =	vmul.f32 v4, v30;
	v5 =	vmul.f32 v5, v30;
	[tilespmem:s31+$0xC380] =	vst v22;
	v22 =	vld [tilespmem:s31+$0x4790]  }
0x173: {  	v2 =	vmul.f32 v2, v30;
	v3 =	vmul.f32 v3, v30;
	[tilespmem:s31+$0xC390] =	vst v23;
	v23 =	vld [tilespmem:s31+$0x47A0]  }
0x174: {  	v1 =	vmul.f32 v1, v30;
	[tilespmem:s31+$0xC3A0] =	vst v20;
	v20 =	vmul.f32 v43, v30;
	v30 =	vld [tilespmem:s31+$0x47B0]  }
0x175: {  	v31 =	vmul.f32 v45, v50;
	[tilespmem:s31+$0xC3B0] =	vst v21;
	v21 =	vmul.f32 v44, v50;
	v43 =	vld [tilespmem:s31+$0x47C0]  }
0x176: {  	[tilespmem:s31+$0xC3C0] =	vst v18;
	v18 =	vmul.f32 v42, v50;
	v42 =	vmul.f32 v48, v50;
	v44 =	vld [tilespmem:s31+$0x47D0]  }
0x177: {  	v45 =	vmul.f32 v52, v50;
	[tilespmem:s31+$0xC3D0] =	vst v19;
	v19 =	vmul.f32 v51, v50;
	v47 =	vld [tilespmem:s31+$0x4800]  }
0x178: {  	v48 =	vbroadcast v0, $0x9;
	[tilespmem:s31+$0xC400] =	vst v16;
	v16 =	vbroadcast v0, $0x8;
	v50 =	vld [tilespmem:s31+$0x4810]  }
0x179: {  	v51 =	vbroadcast v0, $0xB;
	[tilespmem:s31+$0xC410] =	vst v17;
	v17 =	vbroadcast v0, $0xA;
	v52 =	vld [tilespmem:s31+$0x4820]  }
0x17a: {  	[tilespmem:s31+$0xC420] =	vst v14;
	v14 =	vmul.f32 v38, v16;
	v36 =	vmul.f32 v36, v16;
	v38 =	vld [tilespmem:s31+$0x4830]  }
0x17b: {  	[tilespmem:s31+$0xC430] =	vst v15;
	v15 =	vmul.f32 v41, v16;
	v41 =	vmul.f32 v46, v16;
	v46 =	vld [tilespmem:s31+$0x4840]  }
0x17c: {  	[tilespmem:s31+$0xC440] =	vst v13;
	v13 =	vmul.f32 v39, v16;
	v16 =	vmul.f32 v37, v16;
	v37 =	vld [tilespmem:s31+$0x4850]  }
0x17d: {  	v34 =	vmul.f32 v34, v48;
	[tilespmem:s31+$0xC450] =	vst v12;
	v12 =	vmul.f32 v40, v48;
	v39 =	vld [tilespmem:s31+$0x4880]  }
0x17e: {  	v32 =	vmul.f32 v32, v48;
	[tilespmem:s31+$0xC480] =	vst v10;
	v10 =	vmul.f32 v35, v48;
	v35 =	vld [tilespmem:s31+$0x4890]  }
0x17f: {  	[tilespmem:s31+$0xC490] =	vst v11;
	v11 =	vmul.f32 v33, v48;
	v33 =	vmul.f32 v49, v48;
	v40 =	vld [tilespmem:s31+$0x48A0]  }
0x180: {  	v28 =	vmul.f32 v28, v17;
	[tilespmem:s31+$0xC4A0] =	vst v8;
	v8 =	vmul.f32 v53, v17;
	v48 =	vld [tilespmem:s31+$0x48B0]  }
0x181: {  	v26 =	vmul.f32 v26, v17;
	[tilespmem:s31+$0xC4B0] =	vst v9;
	v9 =	vmul.f32 v29, v17;
	v29 =	vld [tilespmem:s31+$0x48C0]  }
0x182: {  	[tilespmem:s31+$0xC4C0] =	vst v7;
	v7 =	vmul.f32 v27, v17;
	v17 =	vmul.f32 v25, v17;
	v25 =	vld [tilespmem:s31+$0x48D0]  }
0x183: {  	v22 =	vmul.f32 v22, v51;
	[tilespmem:s31+$0xC4D0] =	vst v6;
	v6 =	vmul.f32 v24, v51;
	v24 =	vld [tilespmem:s31+$0x4900]  }
0x184: {  	[tilespmem:s31+$0xC500] =	vst v4;
	v4 =	vmul.f32 v23, v51;
	v23 =	vmul.f32 v30, v51;
	v27 =	vld [tilespmem:s31+$0x4910]  }
0x185: {  	[tilespmem:s31+$0xC510] =	vst v5;
	v5 =	vmul.f32 v43, v51;
	v43 =	vmul.f32 v44, v51;
	v30 =	vld [tilespmem:s31+$0x4920]  }
0x186: {  	v44 =	vbroadcast v0, $0xD;
	[tilespmem:s31+$0xC520] =	vst v2;
	v2 =	vbroadcast v0, $0xC;
	v49 =	vld [tilespmem:s31+$0x4930]  }
0x187: {  	[tilespmem:s31+$0xC530] =	vst v3;
	v3 =	vbroadcast v0, $0xE;
	v51 =	vld [tilespmem:s31+$0x4940];
	v0 =	vbroadcast v0, $0xF  }
0x188: {  	[tilespmem:s31+$0xC540] =	vst v1;
	v1 =	vmul.f32 v47, v2;
	v47 =	vmul.f32 v50, v2;
	v50 =	vld [tilespmem:s31+$0x4950]  }
0x189: {  	[tilespmem:s31+$0xC550] =	vst v20;
	v20 =	vmul.f32 v52, v2;
	v52 =	vmul.f32 v38, v2;
	v38 =	vld [tilespmem:s31+$0x4980]  }
0x18a: {  	v46 =	vmul.f32 v46, v2;
	v2 =	vmul.f32 v37, v2;
	[tilespmem:s31+$0xC580] =	vst v21;
	v21 =	vld [tilespmem:s31+$0x4990]  }
0x18b: {  	v53 =	vmul.f32 v39, v44;
	v54 =	vmul.f32 v35, v44;
	[tilespmem:s31+$0xC590] =	vst v31;
	v31 =	vld [tilespmem:s31+$0x49A0]  }
0x18c: {  	v55 =	vmul.f32 v40, v44;
	v48 =	vmul.f32 v48, v44;
	[tilespmem:s31+$0xC5A0] =	vst v18;
	v18 =	vld [tilespmem:s31+$0x49B0]  }
0x18d: {  	[tilespmem:s31+$0xC5B0] =	vst v42;
	v42 =	vmul.f32 v29, v44;
	v44 =	vmul.f32 v25, v44;
	v25 =	vld [tilespmem:s31+$0x49C0]  }
0x18e: {  	v56 =	vmul.f32 v24, v3;
	v57 =	vmul.f32 v27, v3;
	[tilespmem:s31+$0xC5C0] =	vst v19;
	v19 =	vld [tilespmem:s31+$0x49D0]  }
0x18f: {  	v49 =	vmul.f32 v49, v3;
	[tilespmem:s31+$0xC5D0] =	vst v45;
	v45 =	vmul.f32 v30, v3  }
0x190: {  	v51 =	vmul.f32 v51, v3;
	v3 =	vmul.f32 v50, v3;
	[tilespmem:s31+$0xC600] =	vst v14  }
0x191: {  	v50 =	vmul.f32 v38, v0;
	v58 =	vmul.f32 v21, v0;
	[tilespmem:s31+$0xC610] =	vst v36  }
0x192: {  	v59 =	vmul.f32 v31, v0;
	v60 =	vmul.f32 v18, v0;
	[tilespmem:s31+$0xC620] =	vst v15  }
0x193: {  	v61 =	vmul.f32 v25, v0;
	[tilespmem:s31+$0xC630] =	vst v41;
	v0 =	vmul.f32 v19, v0  }
0x194: {  	[tilespmem:s31+$0xC640] =	vst v13  }
0x195: {  	[tilespmem:s31+$0xC650] =	vst v16  }
0x196: {  	s20 =	sshra.s32 s19, $0x2;
	[tilespmem:s31+$0xC680] =	vst v12  }
0x197: {  	v40 =	vld [tilespmem:s20+$0x4200];
	[tilespmem:s31+$0xC690] =	vst v34  }
0x198: {  	v41 =	vld [tilespmem:s20+$0x4210];
	[tilespmem:s31+$0xC6A0] =	vst v10  }
0x199: {  	v38 =	vld [tilespmem:s20+$0x4220];
	[tilespmem:s31+$0xC6B0] =	vst v32  }
0x19a: {  	v39 =	vld [tilespmem:s20+$0x4230];
	[tilespmem:s31+$0xC6C0] =	vst v11  }
0x19b: {  	v37 =	vld [tilespmem:s20+$0x4240];
	[tilespmem:s31+$0xC6D0] =	vst v33  }
0x19c: {  	v36 =	vld [tilespmem:s20+$0x4250];
	[tilespmem:s31+$0xC700] =	vst v8  }
0x19d: {  	v34 =	vld [tilespmem:s20+$0x4280];
	[tilespmem:s31+$0xC710] =	vst v28  }
0x19e: {  	v35 =	vld [tilespmem:s20+$0x4290];
	[tilespmem:s31+$0xC720] =	vst v9  }
0x19f: {  	v32 =	vld [tilespmem:s20+$0x42A0];
	[tilespmem:s31+$0xC730] =	vst v26  }
0x1a0: {  	v33 =	vld [tilespmem:s20+$0x42B0];
	[tilespmem:s31+$0xC740] =	vst v7  }
0x1a1: {  	v31 =	vld [tilespmem:s20+$0x42C0];
	[tilespmem:s31+$0xC750] =	vst v17  }
0x1a2: {  	v30 =	vld [tilespmem:s20+$0x42D0];
	[tilespmem:s31+$0xC780] =	vst v6  }
0x1a3: {  	v28 =	vld [tilespmem:s20+$0x4300];
	[tilespmem:s31+$0xC790] =	vst v22  }
0x1a4: {  	v29 =	vld [tilespmem:s20+$0x4310];
	[tilespmem:s31+$0xC7A0] =	vst v4  }
0x1a5: {  	v26 =	vld [tilespmem:s20+$0x4320];
	[tilespmem:s31+$0xC7B0] =	vst v23  }
0x1a6: {  	v27 =	vld [tilespmem:s20+$0x4330];
	[tilespmem:s31+$0xC7C0] =	vst v5  }
0x1a7: {  	v25 =	vld [tilespmem:s20+$0x4340];
	[tilespmem:s31+$0xC7D0] =	vst v43  }
0x1a8: {  	v24 =	vld [tilespmem:s20+$0x4350];
	[tilespmem:s31+$0xC800] =	vst v1  }
0x1a9: {  	v22 =	vld [tilespmem:s20+$0x4380];
	[tilespmem:s31+$0xC810] =	vst v47  }
0x1aa: {  	v23 =	vld [tilespmem:s20+$0x4390];
	[tilespmem:s31+$0xC820] =	vst v20  }
0x1ab: {  	v20 =	vld [tilespmem:s20+$0x43A0];
	[tilespmem:s31+$0xC830] =	vst v52  }
0x1ac: {  	v21 =	vld [tilespmem:s20+$0x43B0];
	[tilespmem:s31+$0xC840] =	vst v46  }
0x1ad: {  	v18 =	vld [tilespmem:s20+$0x43C0];
	[tilespmem:s31+$0xC850] =	vst v2  }
0x1ae: {  	v19 =	vld [tilespmem:s20+$0x43D0];
	[tilespmem:s31+$0xC880] =	vst v53  }
0x1af: {  	v16 =	vld [tilespmem:s20+$0x4400];
	[tilespmem:s31+$0xC890] =	vst v54  }
0x1b0: {  	v17 =	vld [tilespmem:s20+$0x4410];
	[tilespmem:s31+$0xC8A0] =	vst v55  }
0x1b1: {  	v14 =	vld [tilespmem:s20+$0x4420];
	[tilespmem:s31+$0xC8B0] =	vst v48  }
0x1b2: {  	v15 =	vld [tilespmem:s20+$0x4430];
	[tilespmem:s31+$0xC8C0] =	vst v42  }
0x1b3: {  	v13 =	vld [tilespmem:s20+$0x4440];
	[tilespmem:s31+$0xC8D0] =	vst v44  }
0x1b4: {  	v12 =	vld [tilespmem:s20+$0x4450];
	[tilespmem:s31+$0xC900] =	vst v56  }
0x1b5: {  	v10 =	vld [tilespmem:s20+$0x4480];
	[tilespmem:s31+$0xC910] =	vst v57  }
0x1b6: {  	v11 =	vld [tilespmem:s20+$0x4490];
	[tilespmem:s31+$0xC920] =	vst v45  }
0x1b7: {  	v8 =	vld [tilespmem:s20+$0x44A0];
	[tilespmem:s31+$0xC930] =	vst v49  }
0x1b8: {  	v9 =	vld [tilespmem:s20+$0x44B0];
	[tilespmem:s31+$0xC940] =	vst v51  }
0x1b9: {  	v7 =	vld [tilespmem:s20+$0x44C0];
	[tilespmem:s31+$0xC950] =	vst v3  }
0x1ba: {  	v6 =	vld [tilespmem:s20+$0x44D0];
	[tilespmem:s31+$0xC980] =	vst v50  }
0x1bb: {  	v4 =	vld [tilespmem:s20+$0x4500];
	[tilespmem:s31+$0xC990] =	vst v58  }
.Ltmp4:
0x1bc: {  	v5 =	vld [tilespmem:s20+$0x4510];
	[tilespmem:s31+$0xC9A0] =	vst v59;
	(pc) =	sbr.rel @p1 .LBB2_9-.Ltmp4, $4  }
0x1bd: {  	v2 =	vld [tilespmem:s20+$0x4520];
	[tilespmem:s31+$0xC9B0] =	vst v60  }
0x1be: {  	v3 =	vld [tilespmem:s20+$0x4530];
	[tilespmem:s31+$0xC9C0] =	vst v61  }
0x1bf: {  	s0 =	sadd.s32 $0x10, s0;
	v1 =	vld [tilespmem:s20+$0x4540];
	[tilespmem:s31+$0xC9D0] =	vst v0;
	s31 =	smov.u32 s20  }
0x1c0: {  	s19 =	sadd.s32 $0x2000, s19;
	v0 =	vld [tilespmem:s0+$0x0]  }
0x1c1: {  	_ =	sdelay $0x3  }
0x1c2: {  	v49 =	vbroadcast v0, $0x0;
	_ =	sdelay $0x1  }
0x1c3: {  	v50 =	vmul.f32 v49, v40  }
0x1c4: {  	v51 =	vmul.f32 v41, v49  }
0x1c5: {  	v59 =	vmul.f32 v38, v49;
	[tilespmem:s31+$0xC200] =	vst v50  }
0x1c6: {  	v60 =	vmul.f32 v39, v49;
	[tilespmem:s31+$0xC210] =	vst v51  }
0x1c7: {  	v62 =	vbroadcast v0, $0x1;
	v61 =	vmul.f32 v37, v49;
	[tilespmem:s31+$0xC220] =	vst v59  }
0x1c8: {  	v49 =	vmul.f32 v36, v49;
	[tilespmem:s31+$0xC230] =	vst v60  }
0x1c9: {  	v63 =	vmul.f32 v34, v62;
	[tilespmem:s31+$0xC240] =	vst v61  }
0x1ca: {  	v52 =	vmul.f32 v35, v62;
	[tilespmem:s31+$0xC250] =	vst v49  }
0x1cb: {  	v53 =	vmul.f32 v32, v62;
	[tilespmem:s31+$0xC280] =	vst v63  }
0x1cc: {  	v56 =	vbroadcast v0, $0x2;
	v54 =	vmul.f32 v33, v62;
	[tilespmem:s31+$0xC290] =	vst v52  }
0x1cd: {  	v55 =	vmul.f32 v31, v62;
	[tilespmem:s31+$0xC2A0] =	vst v53  }
0x1ce: {  	v57 =	vmul.f32 v28, v56;
	[tilespmem:s31+$0xC2B0] =	vst v54  }
0x1cf: {  	v58 =	vmul.f32 v29, v56;
	[tilespmem:s31+$0xC2C0] =	vst v55  }
0x1d0: {  	v51 =	vmul.f32 v30, v62;
	[tilespmem:s31+$0xC300] =	vst v57  }
0x1d1: {  	v59 =	vmul.f32 v26, v56;
	[tilespmem:s31+$0xC310] =	vst v58  }
0x1d2: {  	v60 =	vmul.f32 v27, v56;
	[tilespmem:s31+$0xC2D0] =	vst v51  }
0x1d3: {  	v61 =	vmul.f32 v25, v56;
	v62 =	vbroadcast v0, $0x3;
	[tilespmem:s31+$0xC320] =	vst v59  }
0x1d4: {  	v49 =	vmul.f32 v24, v56;
	[tilespmem:s31+$0xC330] =	vst v60  }
0x1d5: {  	[tilespmem:s31+$0xC340] =	vst v61;
	v63 =	vmul.f32 v22, v62  }
0x1d6: {  	[tilespmem:s31+$0xC350] =	vst v49;
	v52 =	vmul.f32 v23, v62  }
0x1d7: {  	v53 =	vmul.f32 v20, v62;
	[tilespmem:s31+$0xC380] =	vst v63  }
0x1d8: {  	v21 =	vmul.f32 v21, v62;
	[tilespmem:s31+$0xC390] =	vst v52  }
0x1d9: {  	v55 =	vbroadcast v0, $0x4;
	v18 =	vmul.f32 v18, v62;
	[tilespmem:s31+$0xC3A0] =	vst v53  }
0x1da: {  	v19 =	vmul.f32 v19, v62;
	[tilespmem:s31+$0xC3B0] =	vst v21  }
0x1db: {  	v16 =	vmul.f32 v16, v55;
	[tilespmem:s31+$0xC3C0] =	vst v18  }
0x1dc: {  	v17 =	vmul.f32 v17, v55;
	[tilespmem:s31+$0xC3D0] =	vst v19  }
0x1dd: {  	v14 =	vmul.f32 v14, v55;
	[tilespmem:s31+$0xC400] =	vst v16  }
0x1de: {  	v15 =	vmul.f32 v15, v55;
	[tilespmem:s31+$0xC410] =	vst v17  }
0x1df: {  	v56 =	vbroadcast v0, $0x5;
	v13 =	vmul.f32 v13, v55;
	[tilespmem:s31+$0xC420] =	vst v14  }
0x1e0: {  	v12 =	vmul.f32 v12, v55;
	[tilespmem:s31+$0xC430] =	vst v15  }
0x1e1: {  	v10 =	vmul.f32 v10, v56;
	[tilespmem:s31+$0xC440] =	vst v13  }
0x1e2: {  	v11 =	vmul.f32 v11, v56;
	[tilespmem:s31+$0xC450] =	vst v12  }
0x1e3: {  	v8 =	vmul.f32 v8, v56;
	[tilespmem:s31+$0xC480] =	vst v10  }
0x1e4: {  	v9 =	vmul.f32 v9, v56;
	[tilespmem:s31+$0xC490] =	vst v11  }
0x1e5: {  	v57 =	vbroadcast v0, $0x6;
	v7 =	vmul.f32 v7, v56;
	[tilespmem:s31+$0xC4A0] =	vst v8  }
0x1e6: {  	v6 =	vmul.f32 v6, v56;
	[tilespmem:s31+$0xC4B0] =	vst v9  }
0x1e7: {  	v48 =	vld [tilespmem:s31+$0x4550];
	v4 =	vmul.f32 v4, v57;
	[tilespmem:s31+$0xC4C0] =	vst v7  }
0x1e8: {  	v47 =	vld [tilespmem:s31+$0x4580];
	v5 =	vmul.f32 v5, v57;
	[tilespmem:s31+$0xC4D0] =	vst v6  }
0x1e9: {  	v46 =	vld [tilespmem:s31+$0x4590];
	v2 =	vmul.f32 v2, v57;
	[tilespmem:s31+$0xC500] =	vst v4  }
0x1ea: {  	v45 =	vld [tilespmem:s31+$0x45A0];
	v3 =	vmul.f32 v3, v57;
	[tilespmem:s31+$0xC510] =	vst v5  }
0x1eb: {  	v44 =	vld [tilespmem:s31+$0x45B0];
	v58 =	vbroadcast v0, $0x7;
	v1 =	vmul.f32 v1, v57;
	[tilespmem:s31+$0xC520] =	vst v2  }
0x1ec: {  	v43 =	vld [tilespmem:s31+$0x45C0];
	v48 =	vmul.f32 v48, v57;
	[tilespmem:s31+$0xC530] =	vst v3  }
0x1ed: {  	v42 =	vld [tilespmem:s31+$0x45D0];
	v47 =	vmul.f32 v47, v58;
	[tilespmem:s31+$0xC540] =	vst v1  }
0x1ee: {  	v40 =	vld [tilespmem:s31+$0x4600];
	v46 =	vmul.f32 v46, v58;
	[tilespmem:s31+$0xC550] =	vst v48  }
0x1ef: {  	v41 =	vld [tilespmem:s31+$0x4610];
	v45 =	vmul.f32 v45, v58;
	[tilespmem:s31+$0xC580] =	vst v47  }
0x1f0: {  	v38 =	vld [tilespmem:s31+$0x4620];
	v44 =	vmul.f32 v44, v58;
	[tilespmem:s31+$0xC590] =	vst v46  }
0x1f1: {  	v39 =	vld [tilespmem:s31+$0x4630];
	v43 =	vmul.f32 v43, v58;
	v62 =	vbroadcast v0, $0x8;
	[tilespmem:s31+$0xC5A0] =	vst v45  }
0x1f2: {  	v37 =	vld [tilespmem:s31+$0x4640];
	v42 =	vmul.f32 v42, v58;
	[tilespmem:s31+$0xC5B0] =	vst v44  }
0x1f3: {  	v36 =	vld [tilespmem:s31+$0x4650];
	[tilespmem:s31+$0xC5C0] =	vst v43;
	v40 =	vmul.f32 v40, v62  }
0x1f4: {  	v34 =	vld [tilespmem:s31+$0x4680];
	v41 =	vmul.f32 v41, v62;
	[tilespmem:s31+$0xC5D0] =	vst v42  }
0x1f5: {  	v35 =	vld [tilespmem:s31+$0x4690];
	v38 =	vmul.f32 v38, v62;
	[tilespmem:s31+$0xC600] =	vst v40  }
0x1f6: {  	v32 =	vld [tilespmem:s31+$0x46A0];
	v39 =	vmul.f32 v39, v62;
	[tilespmem:s31+$0xC610] =	vst v41  }
0x1f7: {  	v33 =	vld [tilespmem:s31+$0x46B0];
	v51 =	vbroadcast v0, $0x9;
	v37 =	vmul.f32 v37, v62;
	[tilespmem:s31+$0xC620] =	vst v38  }
0x1f8: {  	v31 =	vld [tilespmem:s31+$0x46C0];
	v36 =	vmul.f32 v36, v62;
	[tilespmem:s31+$0xC630] =	vst v39  }
0x1f9: {  	v30 =	vld [tilespmem:s31+$0x46D0];
	v34 =	vmul.f32 v34, v51;
	[tilespmem:s31+$0xC640] =	vst v37  }
0x1fa: {  	v28 =	vld [tilespmem:s31+$0x4700];
	v35 =	vmul.f32 v35, v51;
	[tilespmem:s31+$0xC650] =	vst v36  }
0x1fb: {  	v29 =	vld [tilespmem:s31+$0x4710];
	v32 =	vmul.f32 v32, v51;
	[tilespmem:s31+$0xC680] =	vst v34  }
0x1fc: {  	v26 =	vld [tilespmem:s31+$0x4720];
	v33 =	vmul.f32 v33, v51;
	[tilespmem:s31+$0xC690] =	vst v35  }
0x1fd: {  	v27 =	vld [tilespmem:s31+$0x4730];
	v52 =	vbroadcast v0, $0xA;
	v31 =	vmul.f32 v31, v51;
	[tilespmem:s31+$0xC6A0] =	vst v32  }
0x1fe: {  	v25 =	vld [tilespmem:s31+$0x4740];
	v30 =	vmul.f32 v30, v51;
	[tilespmem:s31+$0xC6B0] =	vst v33  }
0x1ff: {  	v24 =	vld [tilespmem:s31+$0x4750];
	v28 =	vmul.f32 v28, v52;
	[tilespmem:s31+$0xC6C0] =	vst v31  }
0x200: {  	v54 =	vld [tilespmem:s31+$0x47B0];
	v29 =	vmul.f32 v29, v52;
	[tilespmem:s31+$0xC6D0] =	vst v30  }
0x201: {  	v22 =	vld [tilespmem:s31+$0x4780];
	v26 =	vmul.f32 v26, v52;
	[tilespmem:s31+$0xC700] =	vst v28  }
0x202: {  	v23 =	vld [tilespmem:s31+$0x4790];
	v27 =	vmul.f32 v27, v52;
	[tilespmem:s31+$0xC710] =	vst v29  }
0x203: {  	v20 =	vld [tilespmem:s31+$0x47A0];
	v53 =	vbroadcast v0, $0xB;
	v25 =	vmul.f32 v25, v52;
	[tilespmem:s31+$0xC720] =	vst v26  }
0x204: {  	v59 =	vld [tilespmem:s31+$0x4980];
	v24 =	vmul.f32 v24, v52;
	[tilespmem:s31+$0xC730] =	vst v27  }
0x205: {  	v60 =	vld [tilespmem:s31+$0x4990];
	v54 =	vmul.f32 v54, v53;
	[tilespmem:s31+$0xC740] =	vst v25  }
0x206: {  	v61 =	vld [tilespmem:s31+$0x49A0];
	v22 =	vmul.f32 v22, v53;
	[tilespmem:s31+$0xC750] =	vst v24  }
0x207: {  	v58 =	vbroadcast v0, $0xF;
	v21 =	vld [tilespmem:s31+$0x47C0];
	v23 =	vmul.f32 v23, v53;
	[tilespmem:s31+$0xC7B0] =	vst v54  }
0x208: {  	v18 =	vld [tilespmem:s31+$0x47D0];
	v20 =	vmul.f32 v20, v53;
	[tilespmem:s31+$0xC780] =	vst v22  }
0x209: {  	v19 =	vld [tilespmem:s31+$0x4800];
	v59 =	vmul.f32 v59, v58;
	[tilespmem:s31+$0xC790] =	vst v23  }
0x20a: {  	v16 =	vld [tilespmem:s31+$0x4810];
	v60 =	vmul.f32 v60, v58;
	[tilespmem:s31+$0xC7A0] =	vst v20  }
0x20b: {  	v17 =	vld [tilespmem:s31+$0x4820];
	v61 =	vmul.f32 v61, v58;
	[tilespmem:s31+$0xC980] =	vst v59  }
0x20c: {  	v55 =	vbroadcast v0, $0xC;
	v14 =	vld [tilespmem:s31+$0x4830];
	v21 =	vmul.f32 v21, v53;
	[tilespmem:s31+$0xC990] =	vst v60  }
0x20d: {  	v15 =	vld [tilespmem:s31+$0x4840];
	v18 =	vmul.f32 v18, v53;
	[tilespmem:s31+$0xC9A0] =	vst v61  }
0x20e: {  	v13 =	vld [tilespmem:s31+$0x4850];
	v19 =	vmul.f32 v19, v55;
	[tilespmem:s31+$0xC7C0] =	vst v21  }
0x20f: {  	v12 =	vld [tilespmem:s31+$0x4880];
	v16 =	vmul.f32 v16, v55;
	[tilespmem:s31+$0xC7D0] =	vst v18  }
0x210: {  	v10 =	vld [tilespmem:s31+$0x4890];
	v17 =	vmul.f32 v17, v55;
	[tilespmem:s31+$0xC800] =	vst v19  }
0x211: {  	v11 =	vld [tilespmem:s31+$0x48A0];
	v14 =	vmul.f32 v14, v55;
	[tilespmem:s31+$0xC810] =	vst v16  }
0x212: {  	v56 =	vbroadcast v0, $0xD;
	v8 =	vld [tilespmem:s31+$0x48B0];
	v15 =	vmul.f32 v15, v55;
	[tilespmem:s31+$0xC820] =	vst v17  }
0x213: {  	v9 =	vld [tilespmem:s31+$0x48C0];
	v13 =	vmul.f32 v13, v55;
	[tilespmem:s31+$0xC830] =	vst v14  }
0x214: {  	v7 =	vld [tilespmem:s31+$0x48D0];
	v12 =	vmul.f32 v12, v56;
	[tilespmem:s31+$0xC840] =	vst v15  }
0x215: {  	v6 =	vld [tilespmem:s31+$0x4900];
	v10 =	vmul.f32 v10, v56;
	[tilespmem:s31+$0xC850] =	vst v13  }
0x216: {  	v4 =	vld [tilespmem:s31+$0x4910];
	v11 =	vmul.f32 v11, v56;
	[tilespmem:s31+$0xC880] =	vst v12  }
0x217: {  	v5 =	vld [tilespmem:s31+$0x4920];
	v8 =	vmul.f32 v8, v56;
	[tilespmem:s31+$0xC890] =	vst v10  }
0x218: {  	v57 =	vbroadcast v0, $0xE;
	v2 =	vld [tilespmem:s31+$0x4930];
	v9 =	vmul.f32 v9, v56;
	[tilespmem:s31+$0xC8A0] =	vst v11  }
0x219: {  	v3 =	vld [tilespmem:s31+$0x4940];
	v7 =	vmul.f32 v7, v56;
	[tilespmem:s31+$0xC8B0] =	vst v8  }
0x21a: {  	v1 =	vld [tilespmem:s31+$0x4950];
	v6 =	vmul.f32 v6, v57;
	[tilespmem:s31+$0xC8C0] =	vst v9  }
0x21b: {  	v45 =	vld [tilespmem:s31+$0x49B0];
	v4 =	vmul.f32 v4, v57;
	[tilespmem:s31+$0xC8D0] =	vst v7  }
0x21c: {  	v63 =	vld [tilespmem:s31+$0x49C0];
	v5 =	vmul.f32 v5, v57;
	[tilespmem:s31+$0xC900] =	vst v6  }
0x21d: {  	v43 =	vld [tilespmem:s31+$0x49D0];
	v2 =	vmul.f32 v2, v57;
	[tilespmem:s31+$0xC910] =	vst v4  }
0x21e: {  	v3 =	vmul.f32 v3, v57;
	[tilespmem:s31+$0xC920] =	vst v5  }
0x21f: {  	v1 =	vmul.f32 v1, v57;
	[tilespmem:s31+$0xC930] =	vst v2  }
0x220: {  	v62 =	vmul.f32 v45, v58;
	[tilespmem:s31+$0xC940] =	vst v3  }
0x221: {  	v63 =	vmul.f32 v63, v58;
	[tilespmem:s31+$0xC950] =	vst v1  }
0x222: {  	v0 =	vmul.f32 v43, v58;
	[tilespmem:s31+$0xC9B0] =	vst v62  }
0x223: {  	s0 =	sshll.u32 s1, $0x4;
	[tilespmem:s31+$0xC9C0] =	vst v63  }
0x224: {  	s0 =	sadd.s32 s6, s0;
	[tilespmem:s31+$0xC9D0] =	vst v0  }
0x225: {  	[hbm4b:s0+s3] =	stream.linear.scatter [tilespmem:s25], [sflag:$0x4], $0x4000, $0x38;
	[tilespmem:$0x10200] =	vst v63  }
0x226: {  	s0 =	simm.s32 @!p0 $0x1  }
0x227: {  	_ =	swait.ge @!p0 [sflag:s0], $0x80  }
0x228: {  	[sflag:s0] =	ssyncset.done @!p0 $0x0  }
0x229: {  	[sflag:s0] =	ssyncadd.s32 @!p0 $0xFFFFFF80  }
0x22a: {  	_ =	swait.ge @!p0 [sflag:s0], $0x80  }
0x22b: {  	[sflag:s0] =	ssyncset.done @!p0 $0x0  }
0x22c: {  	[sflag:s0] =	ssyncadd.s32 @!p0 $0xFFFFFF80;
	s0 =	simm.s32 @!p0 $0x4  }
0x22d: {  	_ =	swait.ge @!p0 [sflag:s0], $0x4000  }
0x22e: {  	s1 =	simm.s32 @!p0 $0x0;
	[sflag:s0] =	ssyncset.done @!p0 $0x0  }
0x22f: {  	s19 =	simm.s32 @!p0 $0x200;
	[sflag:s0] =	ssyncadd.s32 @!p0 $0xFFFFC000;
	s0 =	simm.s32 @!p0 $0x80  }
0x230: {  	[tilespmem:s19], [sflag:$0x3] =	stream.indirect.gather @!p0 [hbm4b:s4+s0], $0x80, s1, s0, $0xb8;
	[tilespmem:$0x10200] =	vst v63  }
0x231: {  	s19 =	sadd.s32 @!p0 s30, s14  }
0x232: {  	s19 =	sshrl.u32 @!p0 s19, $0x3  }
0x233: {  	s20 =	sadd.s32 @!p0 s2, s19  }
0x234: {  	[tilespmem:s0], [sflag:$0x2] =	stream.linear.gather @!p0 [hbm4b:s20+s1], $0x80, $0x38;
	[tilespmem:$0x10200] =	vst v63  }
0x235: {  	s29 =	sadd.s32 $0x1, s29;
	s0 =	sadd.s32 @!p0 s5, s19;
	s19 =	simm.s32 @!p0 $0x180  }
0x236: {  	[tilespmem:s19], [sflag:$0x2] =	stream.linear.gather @!p0 [hbm4b:s0+s1], $0x80, $0x38;
	[tilespmem:$0x10200] =	vst v63  }
0x237: {  	p0 =	sne.s32 s29, $0x48  }
.Ltmp5:
0x238: {  	_ = 	snop;
	(pc) =	sbr.rel @p0 .LBB2_2-.Ltmp5, $1  }
0x239: {  	_ =	sdelay $0x3  }
0x23a: {  	s28 =	sadd.s32 $0x1, s28  }
0x23b: {  	_ =	swait.ge [sflag:s26], $0x4000;
	p0 =	sne.s32 s28, s15  }
.Ltmp6:
0x23c: {  	[sflag:s26] =	ssyncset.done $0x0;
	(pc) =	sbr.rel @p0 .LBB2_1-.Ltmp6, $4  }
0x23d: {  	[sflag:s26] =	ssyncadd.s32 $0xFFFFC000  }
0x23e: {  	_ =	swait.ge [sflag:s26], $0x4000  }
0x23f: {  	[sflag:s26] =	ssyncset.done $0x0  }
0x240: {  	[sflag:s26] =	ssyncadd.s32 $0xFFFFC000  }
0x241: {  	_ =	sfence.sel $0x180000  }
0x242: {  	[bflag:$0x0] =	sbarrier.arrive $0xFFFF  }
0x243: {  	_ =	strace $0x90000047  }
0x244: {  	s0 =	stileid.u32;
	[bflag:$0x2] =	sbarrier.arrive $0xFFFF  }
0x245: {  	p0 =	sne.s32 s0, $0x0;
	s0 =	rddreg [dreg:$0x2]  }
0x246: {  	s0 =	sadd.s32 @!p0 $0x100000, s0  }
0x247: {  	[sflag:s0] =	ssyncadd.tile.s32 @!p0 $0x1;
	_ =	shalt  }
.Lfunc_end2:
_tile_overlayer_lowered:
.L_overlay_start_2:
0x248: {  	(tag) =	ssettag $0x2  }
0x249: {  	s0 =	rddreg [dreg:$0x0];
	s2 =	stileid.u32  }
0x24a: {  	s1 =	rddreg [dreg:$0x1];
	p0 =	sne.s32 s2, $0x0  }
0x24b: {  	s3 =	rddreg [dreg:$0x2];
	[bflag:$0x3] =	sbarrier.arrive $0xFFFF;
	s2 =	simm.s32 @!p0 $0x1C05  }
0x24c: {  	[timem:s3], [sflag:s2] =	dma.local @!p0 [hbm:s0], s1  }
0x24d: {  	s0 =	simm.s32 @!p0 $0x5  }
0x24e: {  	_ =	swait.ge @!p0 [sflag:s0], s1  }
0x24f: {  	s1 =	ssub.s32 @!p0 $0x0, s1;
	[sflag:s0] =	ssyncset.done @!p0 $0x0  }
0x250: {  	[sflag:s0] =	ssyncadd.s32 @!p0 s1  }
0x251: {  	[bflag:$0x3] =	sbarrier.arrive $0xFFFF  }
0x252: {  	_ =	shalt  }

// kernel: sparse-core-data-format-call.cloned.1.call-start
scs
called_computation_lowered:
.L_overlay_start_0:
0x0: {  	s2 =	sld [smem:$0x3FD9]  }
0x1: {  	s3 =	sld [smem:$0x3FFE];
	_ =	sdelay $0x1  }
0x2: {  	s1 =	srdreg.scid  }
0x3: {  	s0 =	sand.u32 $0x1, s1  }
0x4: {  	s18 =	sshll.u32 s0, $0xA;
	s2 =	sadd.s32 s3, s2  }
0x5: {  	s2 =	sadd.s32 s2, s18  }
0x6: {  	[smem:$0x3FC6] =	sst s2  }
0x7: {  	_ = 	snop  }
0x8: {  	s2 =	sld [smem:$0x3FD0];
	(tm) =	ssettm $0x1  }
0x9: {  	s19 =	sld [smem:$0x3FFB];
	_ =	sdelay $0x3  }
0xa: {  	_ =	strace s19  }
0xb: {  	s3 =	sld [smem:$0x3FFC];
	_ =	sdelay $0x3  }
0xc: {  	_ =	strace s3  }
0xd: {  	s3 =	sld [smem:$0x3FFD];
	_ =	sdelay $0x3  }
0xe: {  	_ =	strace s3  }
0xf: {  	_ =	strace $0x8FFFFFFF  }
0x10: {  	s20 =	sld [smem:$0x3FDB];
	_ =	sdelay $0x1  }
0x11: {  	s4 =	simm.s32 $_scs_section_size  }
0x12: {  	s5 =	simm.s32 $_size__tile_overlayer_lowered;
	s6 =	simm.s32 $_tile_overlayer_lowered  }
0x13: {  	s23 =	simm.s32 $0x1BFF;
	s22 =	sshll.u32 s6, $0x1;
	s3 =	sadd.s32 s4, s20  }
0x14: {  	s7 =	simm.s32 $0x0;
	s21 =	sshll.u32 s5, $0x1;
	s5 =	sadd.s32 s22, s3  }
0x15: {  	[timem:s7], [sflag:s23] =	dma.local [hbm:s5], s21  }
0x16: {  	_ =	swait.ge [sflag:s23], s21  }
0x17: {  	s4 =	ssub.s32 $0x0, s21;
	[sflag:s23] =	ssyncset.done $0x0  }
0x18: {  	[sflag:s23] =	ssyncadd.s32 s4;
	_ =	sdelay $0x1  }
0x19: {  	s24 =	simm.s32 $0x1B8B  }
0x1a: {  	_ =	swait.ge [sflag:s24], $0x1  }
0x1b: {  	[sflag:s24] =	ssyncset.done $0x0  }
0x1c: {  	s26 =	simm.s32 $0x1B8E;
	s25 =	sld [smem:$0x3FFE];
	[sflag:s24] =	ssyncadd.s32 $0xFFFFFFFF  }
0x1d: {  	s27 =	simm.s32 $execute0_lowered;
	[smem:$0x3FD2] =	sst s26  }
0x1e: {  	s5 =	sshll.u32 s27, $0x1;
	_ =	strace $0x80000049;
	[dreg:$0x1] =	wrdreg $0xFFFFFFFF  }
0x1f: {  	s28 =	simm.s32 $_size_execute0_lowered;
	s3 =	sadd.s32 s3, s5;
	[dreg:$0x0] =	wrdreg $0x0  }
0x20: {  	s5 =	sshll.u32 s28, $0x1;
	[dreg:$0x2] =	wrdreg s3  }
0x21: {  	[dreg:$0x3] =	wrdreg s5  }
0x22: {  	[dreg:$0x4] =	wrdreg $0xC0  }
0x23: {  	_ =	task [dreg:s7], $0x5FFFF  }
0x24: {  	[dreg:$0x1] =	wrdreg $0xFFFFFFFF  }
0x25: {  	[dreg:$0x0] =	wrdreg $0x60  }
0x26: {  	[dreg:$0x2] =	wrdreg s25  }
0x27: {  	[dreg:$0x3] =	wrdreg s2  }
0x28: {  	[dreg:$0x4] =	wrdreg $0x9  }
0x29: {  	_ =	task.clear_ibuf [dreg:s7], $0x5FFFF;
	_ =	strace $0x90000049  }
0x2a: {  	s29 =	simm.s32 $0x9;
	_ =	strace $0x8000004B  }
0x2b: {  	_ =	swait.ge [sflag:s29], $0x1  }
0x2c: {  	[sflag:s29] =	ssyncadd.s32 $0xFFFFFFFF  }
0x2d: {  	_ =	strace $0x9000004B  }
0x2e: {  	_ =	sfence  }
0x2f: {  	s30 =	sld [smem:$0x0];
	_ =	sdelay $0x2  }
0x30: {  	s31 =	sshll.u32 s1, $0xD;
	s1 =	sshrl.u32 s1, $0x2  }
0x31: {  	s3 =	sand.u32 $0x4000, s31;
	s1 =	sadd.s32 s1, s30  }
0x32: {  	s0 =	sor.u32 s3, s0;
	s1 =	sshll.u32 s1, $0x11  }
0x33: {  	s0 =	sor.u32 s1, s0  }
0x34: {  	s0 =	sadd.s32 $0x8F2B, s0  }
0x35: {  	[sflag:s0] =	ssyncadd.remote.s32 $0x1  }
0x36: {  	_ =	sfence.sel $0xFFFF  }
0x37: {  	[dreg:$0x0] =	wrdreg $0xFFFFFFFF;
	(pc) =	sbr.abs _section_cstart, $3  }
0x38: {  	[dreg:$0x1] =	wrdreg $0xFFFFFFFF  }
0x39: {  	_ =	task.clear_ibuf [dreg:s7], $0x2FFFF;
	_ =	strace $0x9FFFFFFF  }
0x3a: {  	(tm) =	ssettm $0x7FFFFFFF  }
0x3b: {  	_ =	shalt  }
tec
execute0_lowered:
.L_overlay_start_1:
0x0: {  	(tag) =	ssettag $0x1  }
0x1: {  	s3 =	rddreg [dreg:$0x0]  }
0x2: {  	s2 =	rddreg [dreg:$0x1]  }
0x3: {  	s1 =	srdreg.scid;
	s0 =	rddreg [dreg:$0x2];
	_ =	strace $0x8000004A  }
0x4: {  	s7 =	simm.s32 $0x2;
	s15 =	simm.s32 $0x0;
	p0 =	por $0x0, $0x0  }
0x5: {  	s16 =	simm.s32 $0x0;
	s17 =	simm.s32 $0x0;
	s8 =	simm.s32 $0x0  }
0x6: {  	s10 =	simm.s32 $0x0;
	s11 =	simm.s32 $0x0;
	s12 =	simm.s32 $0x0  }
.Ltmp0:
0x7: {  	s9 =	simm.s32 $0x0;
	s4 =	sshll.u32 s1, $0x4;
	(pc) =	sbr.rel .LBB1_1-.Ltmp0, $4  }
0x8: {  	s1 =	stileid.u32;
	s3 =	sadd.s32 $0x12C00, s3;
	s4 =	sand.u32 $0x10, s4  }
0x9: {  	s5 =	sand.u32 $0x3, s1;
	s6 =	sor.u32 s1, s4;
	s4 =	simm.s32 $0x1  }
0xa: {  	s14 =	smov.u32 s5;
	[sflag:s4] =	ssyncpa.u1 $0x0;
	s6 =	sshrl.u32 s6, $0x2  }
0xb: {  	[sflag:s7] =	ssyncpa.u1 $0x0;
	s7 =	simm.s32 $0xC00;
	s13 =	smov.u32 s6  }
.LBB1_5:
0xc: {  	p1 =	slt.u32 s9, $0x2;
	s18 =	smov.u32 s17  }
0xd: {  	p2 =	sgt.s32 @!p1 s17, $0x3;
	s19 =	sshra.s32 @!p1 s17, $0x1F;
	s20 =	sshra.s32 @!p1 s16, $0x1F  }
0xe: {  	p2 =	por !p2, p1;
	s17 =	sand.u32 @!p1 s19, s17;
	s19 =	smov.u32 s16  }
0xf: {  	s18 =	simm.s32 @p2 $0x3;
	p2 =	sgt.s32 @!p1 s16, $0x17F;
	s16 =	sand.u32 @!p1 s20, s16  }
0x10: {  	s20 =	sshra.s32 @!p1 s15, $0x1F;
	s17 =	ssub.s32 @!p1 s18, s17;
	p3 =	por !p2, p1  }
0x11: {  	s18 =	sadd.s32 @!p1 $0xFFFFFFFD, s17;
	s19 =	simm.s32 @p3 $0x17F;
	s17 =	ssub.s32 @!p1 $0x4, s17  }
0x12: {  	p3 =	sgt.s32 @!p1 s15, $0x100;
	p2 =	sgt.s32 @!p1 s18, $0x0;
	s16 =	ssub.s32 @!p1 s19, s16  }
0x13: {  	p3 =	por !p3, p1;
	s19 =	smov.u32 s15;
	s15 =	sand.u32 @!p1 s20, s15  }
0x14: {  	s17 =	smul.u32 @!p1 $0x60, s17;
	s18 =	sadd.s32 @!p1 $0xFFFFFE81, s16;
	s19 =	simm.s32 @p3 $0x100  }
0x15: {  	s16 =	ssub.s32 @!p1 $0x180, s16;
	p3 =	sgt.s32 @!p1 s18, $0x0;
	s15 =	ssub.s32 @!p1 s19, s15  }
0x16: {  	p2 =	por !p2, p1;
	p3 =	por !p3, p1;
	s18 =	sadd.s32 @!p1 $0xFFFFFF00, s15  }
0x17: {  	s17 =	simm.s32 @!p2 $0x0;
	s16 =	simm.s32 @!p3 $0x0;
	p3 =	sgt.s32 @!p1 s18, $0x7F  }
0x18: {  	s15 =	ssub.s32 @!p1 $0x180, s15;
	p2 =	por !p3, p1;
	s16 =	smul.u32 @!p1 s16, s17  }
0x19: {  	s19 =	smov.u32 s13;
	s18 =	sadd.s32 $0x80, s12;
	s15 =	simm.s32 @!p2 $0x0  }
0x1a: {  	p2 =	sgt.s32 s18, $0x17F;
	s15 =	smul.u32 @!p1 s15, s16;
	s16 =	sadd.s32 $0x8, s13  }
0x1b: {  	s19 =	smov.u32 @p2 s16  }
0x1c: {  	s21 =	smov.u32 s14;
	s16 =	sadd.s32 $0x4, s14;
	p3 =	sgt.s32 s19, $0x17F  }
0x1d: {  	s9 =	sadd.s32 $0x1, s9;
	p0 =	por !p0, !p0;
	s21 =	smov.u32 @p3 s16  }
0x1e: {  	s20 =	simm.s32 @!p1 $0x2;
	s18 =	simm.s32 @p2 $0x0;
	p2 =	sgt.s32 s21, $0x3  }
0x1f: {  	s17 =	smov.u32 s11;
	s21 =	smov.u32 @p2 s5;
	p2 =	sne.s32 s9, $0x92  }
.Ltmp1:
0x20: {  	s11 =	smov.u32 s14;
	s15 =	sand.u32 @!p1 $0x3FFFFFE0, s15;
	(pc) =	sbr.rel @!p2 .LBB1_6-.Ltmp1, $4  }
0x21: {  	_ =	swait.ge @!p1 [sflag:s20], s15;
	s22 =	ssub.s32 @!p1 $0x0, s15;
	s15 =	smov.u32 s8  }
0x22: {  	s16 =	smov.u32 s10;
	s19 =	smov.u32 @p3 s6;
	s8 =	smov.u32 s12  }
0x23: {  	s10 =	smov.u32 s13;
	s12 =	smov.u32 s18;
	[sflag:s20] =	ssyncset.done @!p1 $0x0  }
0x24: {  	s13 =	smov.u32 s19;
	[sflag:s20] =	ssyncadd.s32 @!p1 s22;
	s14 =	smov.u32 s21  }
.LBB1_1:
0x25: {  	p1 =	sgt.u32 s9, $0x8F  }
0x26: {  	s18 =	sand.u32 @!p1 $0x1FFFFFF, s12  }
0x27: {  	s19 =	smulhi.u32 @!p1 $0xAAAAAB, s18  }
0x28: {  	s20 =	smul.u32 @!p1 $0x240000, s14  }
0x29: {  	s19 =	smul.u32 @!p1 $0x180, s19  }
0x2a: {  	s21 =	smul.u32 @!p1 $0x1800, s13  }
0x2b: {  	s20 =	sadd.s32 @!p1 s3, s20;
	s18 =	ssub.s32 @!p1 s18, s19;
	s19 =	sxor.u32 @!p1 $0xFFFFFFFF, s9  }
0x2c: {  	s20 =	sadd.s32 @!p1 s21, s20;
	s19 =	sshll.u32 @!p1 s19, $0xE;
	s18 =	sshll.u32 @!p1 s18, $0x4  }
0x2d: {  	s19 =	sand.u32 @!p1 $0x4000, s19;
	s18 =	sadd.s32 @!p1 s18, s20;
	s20 =	simm.s32 @!p1 $0x0  }
0x2e: {  	[tilespmem:s19], [sflag:$0x1] =	stream.linear.gather @!p1 [hbm4b:s18+s20], $0x4000, $0x38;
	[tilespmem:$0x10100] =	vst v63  }
0x2f: {  	p1 =	seq.s32 s9, $0x0  }
0x30: {  	p2 =	seq.s32 @!p1 s9, $0x91  }
0x31: {  	p1 =	por p1, p2  }
.Ltmp2:
0x32: {  	_ = 	snop;
	(pc) =	sbr.rel @p1 .LBB1_5-.Ltmp2, $1  }
0x33: {  	_ =	sdelay $0x3  }
0x34: {  	s18 =	simm.s32 $0x1  }
0x35: {  	_ =	swait.ge [sflag:s4], $0x4000;
	s18 =	simm.s32 @!p0 $0x0  }
0x36: {  	[sflag:s4] =	ssyncset.done $0x0;
	s19 =	sshll.u32 s18, $0xE  }
0x37: {  	[sflag:s4] =	ssyncadd.s32 $0xFFFFC000;
	s19 =	sor.u32 $0x40, s19  }
0x38: {  	s18 =	smul.u32 $0x10200, s18;
	v0 =	vld [tilespmem:s19+$0x30]  }
0x39: {  	v1 =	vld [tilespmem:s19+$0xFFFFFFD0]  }
0x3a: {  	s18 =	sshrl.u32 s18, $0x2;
	v5 =	vld [tilespmem:s19+$0xFFFFFFE0]  }
0x3b: {  	v6 =	vld [tilespmem:s19+$0xFFFFFFF0];
	s21 =	sor.u32 $0x8000, s18  }
0x3c: {  	s31 =	sand.u32 $0x1, s9;
	v4 =	vld [tilespmem:s19+$0x0];
	s20 =	sadd.s32 $0x0, s21  }
0x3d: {  	v3 =	vld [tilespmem:s19+$0x10];
	s18 =	smul.u32 $0x10200, s31;
	[tilespmem:s20+$0x3870 ss:$0x81] =	vst.msk $0xffff, v0  }
0x3e: {  	v2 =	vld [tilespmem:s19+$0x20];
	[tilespmem:s20+$0x810 ss:$0x81] =	vst.msk $0xffff, v1  }
0x3f: {  	s18 =	sshrl.u32 s18, $0x2;
	v1 =	vld [tilespmem:s19+$0xFFFFFFC0];
	[tilespmem:s20+$0x1020 ss:$0x81] =	vst.msk $0xffff, v5;
	s19 =	sadd.s32 $0x80, s19  }
0x40: {  	s22 =	simm.s32 $0x4;
	s23 =	simm.s32 $0x8;
	s18 =	sor.u32 $0x8000, s18;
	[tilespmem:s20+$0x1830 ss:$0x81] =	vst.msk $0xffff, v6;
	v0 =	vld [tilespmem:s19+$0x30]  }
.LBB1_3:
0x41: {  	p1 =	sne.s32 s23, $0x1FC;
	v5 =	vld [tilespmem:s19+$0xFFFFFFD0];
	[tilespmem:s20+$0x2040 ss:$0x81] =	vst.msk $0xffff, v4  }
0x42: {  	v6 =	vld [tilespmem:s19+$0xFFFFFFE0];
	[tilespmem:s20+$0x2850 ss:$0x81] =	vst.msk $0xffff, v3  }
0x43: {  	s24 =	sshra.s32 s22, $0x2;
	s22 =	smov.u32 s23;
	v7 =	vld [tilespmem:s19+$0xFFFFFFF0];
	[tilespmem:s20+$0x3060 ss:$0x81] =	vst.msk $0xffff, v2  }
.Ltmp3:
0x44: {  	v4 =	vld [tilespmem:s19+$0x0];
	[tilespmem:s20+$0x0 ss:$0x81] =	vst.msk $0xffff, v1;
	s20 =	sadd.s32 s24, s21;
	(pc) =	sbr.rel @p1 .LBB1_3-.Ltmp3, $4  }
0x45: {  	v3 =	vld [tilespmem:s19+$0x10];
	[tilespmem:s20+$0x3870 ss:$0x81] =	vst.msk $0xffff, v0  }
0x46: {  	[tilespmem:s20+$0x810 ss:$0x81] =	vst.msk $0xffff, v5;
	v2 =	vld [tilespmem:s19+$0x20]  }
0x47: {  	v1 =	vld [tilespmem:s19+$0xFFFFFFC0];
	[tilespmem:s20+$0x1020 ss:$0x81] =	vst.msk $0xffff, v6;
	s19 =	sadd.s32 $0x80, s19  }
0x48: {  	s23 =	sadd.s32 $0x4, s23;
	v0 =	vld [tilespmem:s19+$0x30];
	[tilespmem:s20+$0x1830 ss:$0x81] =	vst.msk $0xffff, v7  }
0x49: {  	s23 =	sshll.u32 s8, $0x3  }
0x4a: {  	s24 =	sand.u32 $0x7F, s8;
	s22 =	sshra.s32 s22, $0x2;
	s23 =	sand.u32 $0xFFFFFC00, s23  }
0x4b: {  	p1 =	sgt.s32 s11, $0x3;
	s24 =	sor.u32 s24, s23;
	s23 =	smulhi.u32 $0xAAAAAAAB, s23  }
0x4c: {  	s26 =	sshra.s32 s11, $0x1F;
	s28 =	sshra.s32 s10, $0x1F;
	s25 =	smulhi.u32 $0xAAAAAAAB, s24  }
0x4d: {  	s21 =	sadd.s32 s22, s21;
	s26 =	sand.u32 s26, s11;
	s28 =	sand.u32 s28, s10  }
0x4e: {  	[tilespmem:s20+$0x2040 ss:$0x81] =	vst.msk $0xffff, v4;
	s23 =	sshrl.u32 s23, $0x8;
	s30 =	sshrl.u32 s25, $0x8;
	s25 =	smov.u32 s11  }
0x4f: {  	[tilespmem:s20+$0x2850 ss:$0x81] =	vst.msk $0xffff, v3;
	s27 =	smulhi.u32 $0x2AAAAAB, s23;
	s25 =	simm.s32 @!p1 $0x3;
	p1 =	sgt.s32 s10, $0x17F  }
0x50: {  	[tilespmem:s20+$0x3060 ss:$0x81] =	vst.msk $0xffff, v2;
	s22 =	smul.u32 $0x180, s30;
	s25 =	ssub.s32 s25, s26;
	s26 =	smov.u32 s10  }
0x51: {  	[tilespmem:s20+$0x0 ss:$0x81] =	vst.msk $0xffff, v1;
	s20 =	smov.u32 s8;
	s27 =	smul.u32 $0x60, s27;
	s26 =	simm.s32 @!p1 $0x17F  }
0x52: {  	v5 =	vld [tilespmem:s19+$0xFFFFFFD0];
	s31 =	sadd.s32 $0xFFFFFFFD, s25;
	s25 =	ssub.s32 $0x4, s25;
	s26 =	ssub.s32 s26, s28  }
0x53: {  	v58 =	vld [tilespmem:s19+$0xFFFFFFE0];
	s30 =	sshra.s32 s8, $0x1F;
	s25 =	smul.u32 $0x60, s25;
	s29 =	sadd.s32 $0xFFFFFE81, s26  }
0x54: {  	v59 =	vld [tilespmem:s19+$0xFFFFFFF0];
	p1 =	sgt.s32 s31, $0x0;
	s26 =	ssub.s32 $0x180, s26;
	p2 =	sgt.s32 s29, $0x0  }
0x55: {  	v60 =	vld [tilespmem:s19+$0x0];
	s25 =	simm.s32 @p1 $0x0;
	s26 =	simm.s32 @p2 $0x0;
	p2 =	sgt.s32 s8, $0x100  }
0x56: {  	v61 =	vld [tilespmem:s19+$0x10];
	[tilespmem:s21+$0x3870 ss:$0x81] =	vst.msk $0xffff, v0;
	s28 =	sand.u32 s30, s8;
	s20 =	simm.s32 @!p2 $0x100;
	s31 =	smul.u32 s26, s25  }
0x57: {  	v62 =	vld [tilespmem:s19+$0x20];
	[tilespmem:s21+$0x810 ss:$0x81] =	vst.msk $0xffff, v5;
	s25 =	ssub.s32 s23, s27;
	s27 =	smul.u32 $0x1B0000, s11;
	s20 =	ssub.s32 s20, s28  }
0x58: {  	v63 =	vld [tilespmem:s19+$0xFFFFFFC0];
	[tilespmem:s21+$0x1020 ss:$0x81] =	vst.msk $0xffff, v58;
	s22 =	ssub.s32 s24, s22;
	s28 =	smul.u32 $0x1200, s10;
	s26 =	sadd.s32 $0xFFFFFF00, s20  }
0x59: {  	[tilespmem:s21+$0x1830 ss:$0x81] =	vst.msk $0xffff, v59;
	s19 =	smul.u32 $0x30, s25;
	s20 =	ssub.s32 $0x180, s20;
	p1 =	sgt.s32 s26, $0x7F  }
.Ltmp4:
0x5a: {  	[tilespmem:s21+$0x2040 ss:$0x81] =	vst.msk $0xffff, v60;
	s25 =	sadd.s32 s2, s27;
	s20 =	simm.s32 @p1 $0x0;
	(pc) =	sbr.rel .LBB1_5-.Ltmp4, $4  }
0x5b: {  	[tilespmem:s21+$0x2850 ss:$0x81] =	vst.msk $0xffff, v61;
	s29 =	sand.u32 $0x7, s22;
	s23 =	sadd.s32 s28, s25;
	s20 =	smul.u32 s20, s31  }
0x5c: {  	[tilespmem:s21+$0x3060 ss:$0x81] =	vst.msk $0xffff, v62;
	s22 =	sshrl.u32 s22, $0x3;
	s30 =	sshll.u32 s29, $0x12;
	s19 =	sadd.s32 s19, s23  }
0x5d: {  	[tilespmem:s21+$0x0 ss:$0x81] =	vst.msk $0xffff, v63;
	s19 =	sadd.s32 s22, s19;
	s31 =	sor.u32 $0x400, s30;
	s20 =	sand.u32 $0x3FFFFFE0, s20  }
0x5e: {  	[hbm4b:s19+s31] =	stream.strided.scatter [tilespmem:s18], [sflag:$0x2], s20, s7, s31, $0x20;
	[tilespmem:$0x10100] =	vst v63  }
.LBB1_6:
0x5f: {  	_ =	sfence.sel $0x180000  }
0x60: {  	s2 =	simm.s32 $0x1;
	[bflag:$0x0] =	sbarrier.arrive $0xFFFF  }
0x61: {  	s31 =	simm.s32 $0x2;
	[sflag:s2] =	ssyncpa.u1 $0x1  }
0x62: {  	[sflag:s31] =	ssyncpa.u1 $0x1  }
0x63: {  	p0 =	sne.s32 s1, $0x0;
	_ =	strace $0x9000004A  }
0x64: {  	s0 =	sadd.s32 @!p0 $0x100000, s0;
	[bflag:$0x2] =	sbarrier.arrive $0xFFFF  }
0x65: {  	[sflag:s0] =	ssyncadd.tile.s32 @!p0 $0x1;
	_ =	shalt  }
.Lfunc_end1:
_tile_overlayer_lowered:
.L_overlay_start_2:
0x66: {  	(tag) =	ssettag $0x2  }
0x67: {  	s0 =	rddreg [dreg:$0x0];
	s2 =	stileid.u32  }
0x68: {  	s1 =	rddreg [dreg:$0x1];
	p0 =	sne.s32 s2, $0x0  }
0x69: {  	s3 =	rddreg [dreg:$0x2];
	[bflag:$0x3] =	sbarrier.arrive $0xFFFF;
	s2 =	simm.s32 @!p0 $0x1C01  }
0x6a: {  	[timem:s3], [sflag:s2] =	dma.local @!p0 [hbm:s0], s1  }
0x6b: {  	s0 =	simm.s32 @!p0 $0x1  }
0x6c: {  	_ =	swait.ge @!p0 [sflag:s0], s1  }
0x6d: {  	s1 =	ssub.s32 @!p0 $0x0, s1;
	[sflag:s0] =	ssyncset.done @!p0 $0x0  }
0x6e: {  	[sflag:s0] =	ssyncadd.s32 @!p0 s1  }
0x6f: {  	[bflag:$0x3] =	sbarrier.arrive $0xFFFF  }
0x70: {  	_ =	shalt  }

</sc_bundles>
